<compile_context>
chip_gen: v7x
topology: tpu7x:2x2x1
jax: 0.10.2.dev20260603
libtpu: 0.0.44.dev20260713+nightly
codegen_flags: <defaults>
</compile_context>

<pallas_src>
import functools

import jax
import jax.numpy as jnp
from jax import lax
from jax.experimental import pallas as pl
from jax.experimental.pallas import tpu as pltpu
from jax.experimental.pallas import tpu_sc as plsc

N = 10000
E = 320000
D_IN = 128
D_HID = 16
D_OUT = 128

NC = 2
NS = 16
NW = NC * NS
EW = E // NW
C = 2000
NBUF = 3
N_PAD = 10240
RPT = N_PAD // NS


def _matmul_body(x_ref, w_ref, o_ref):
    o_ref[...] = jnp.dot(x_ref[...], w_ref[...], preferred_element_type=jnp.float32)


def _project(features, W1):
    return pl.pallas_call(
        _matmul_body,
        out_shape=jax.ShapeDtypeStruct((N, D_HID), jnp.float32),
    )(features, W1)


def _edge_body(f1, edges, zrows, zdeg, h1_out, deg_out,
               s_idx, d_idx, rows, hist,
               sem0, sem1, sem2, semh0, semh1, semh2, h1_sh):
    sems = [sem0, sem1, sem2]
    sem_sh = [semh0, semh1, semh2]
    cid = lax.axis_index("c")
    sid = lax.axis_index("s")
    wid = sid * NC + cid

    pltpu.sync_copy(zrows, rows.at[0, pl.ds(0, RPT)])
    pltpu.sync_copy(zdeg.at[pl.ds(0, N_PAD)], hist)
    pltpu.sync_copy(rows.at[0, pl.ds(0, RPT)], h1_sh.at[pl.ds(sid * RPT, RPT)])
    plsc.subcore_barrier()

    base = wid * EW
    n_chunks = EW // C
    ones16 = jnp.ones((16,), jnp.float32)

    gathers = [None] * NBUF
    scat_h = [None] * NBUF

    def load(i):
        b = i % NBUF
        off = base + i * C
        pltpu.sync_copy(edges.at[0, pl.ds(off, C)], s_idx.at[b])
        pltpu.sync_copy(edges.at[1, pl.ds(off, C)], d_idx.at[b])
        gathers[b] = pltpu.async_copy(f1.at[s_idx.at[b]], rows.at[b], sems[b])

    for i in range(min(2, n_chunks)):
        load(i)
    for i in range(n_chunks):
        b = i % NBUF
        if i + 2 < n_chunks:
            if i >= 1:
                scat_h[(i - 1) % NBUF].wait()
            load(i + 2)
        gathers[b].wait()
        scat_h[b] = pltpu.async_copy(rows.at[b], h1_sh.at[d_idx.at[b]],
                                     sem_sh[b], add=True)

        def hist_body(k, carry):
            off = pl.multiple_of(k * 16, 16)
            idx = s_idx[b, pl.ds(off, 16)]
            plsc.addupdate_scatter(hist, [idx], ones16)
            return carry

        lax.fori_loop(0, C // 16, hist_body, 0, unroll=4)
    for k in range(max(0, n_chunks - 3), n_chunks):
        scat_h[k % NBUF].wait()
    plsc.subcore_barrier()

    pltpu.sync_copy(hist, deg_out.at[cid, sid])
    pltpu.sync_copy(h1_sh.at[pl.ds(sid * RPT, RPT)],
                    h1_out.at[cid, pl.ds(sid * RPT, RPT)])


def _edge_pass(f1, edges):
    mesh = plsc.VectorSubcoreMesh(
        core_axis_name="c", subcore_axis_name="s",
        num_cores=NC, num_subcores=NS)
    run = functools.partial(
        pl.kernel,
        out_type=(
            jax.ShapeDtypeStruct((NC, N_PAD, D_HID), jnp.float32),
            jax.ShapeDtypeStruct((NC, NS, N_PAD), jnp.float32),
        ),
        mesh=mesh,
        scratch_types=[
            pltpu.VMEM((NBUF, C), jnp.int32),
            pltpu.VMEM((NBUF, C), jnp.int32),
            pltpu.VMEM((NBUF, C, D_HID), jnp.float32),
            pltpu.VMEM((N_PAD,), jnp.float32),
            pltpu.SemaphoreType.DMA,
            pltpu.SemaphoreType.DMA,
            pltpu.SemaphoreType.DMA,
            pltpu.SemaphoreType.DMA,
            pltpu.SemaphoreType.DMA,
            pltpu.SemaphoreType.DMA,
            pltpu.MemorySpace.VMEM_SHARED((N_PAD, D_HID), jnp.float32),
        ],
        compiler_params=pltpu.CompilerParams(
            use_tc_tiling_on_sc=False, needs_layout_passes=False),
    )(_edge_body)
    zrows = jnp.zeros((RPT, D_HID), jnp.float32)
    zdeg = jnp.zeros((N_PAD + 16,), jnp.float32)
    return run(f1, edges, zrows, zdeg)


RPR = N_PAD // (NC * NS)


def _reduce_body(h1p, degp, b1, s_out,
                 a_v, b_v, d_v, b1_v, acc_v, sem, s_sh):
    cid = lax.axis_index("c")
    sid = lax.axis_index("s")
    base = cid * (N_PAD // NC) + sid * RPR

    cps = [
        pltpu.async_copy(b1, b1_v, sem),
        pltpu.async_copy(h1p.at[0, pl.ds(base, RPR)], a_v, sem),
        pltpu.async_copy(h1p.at[1, pl.ds(base, RPR)], b_v, sem),
    ]
    cps += [
        pltpu.async_copy(degp.at[w // NS, w % NS, pl.ds(base, RPR)],
                         d_v.at[w], sem)
        for w in range(NW)
    ]
    for cp in cps:
        cp.wait()

    b1v = b1_v[...]

    def body(g, acc):
        off = pl.multiple_of(g * 16, 16)
        dv = d_v[0, pl.ds(off, 16)]
        for w in range(1, NW):
            dv = dv + d_v[w, pl.ds(off, 16)]
        for j in range(16):
            r = g * 16 + j
            x = jnp.maximum(a_v[r, :] + b_v[r, :] + b1v, 0.0)
            acc = acc + x * dv[j]
        return acc
    acc = lax.fori_loop(0, RPR // 16, body, jnp.zeros((16,), jnp.float32))
    acc_v[...] = acc

    pltpu.sync_copy(acc_v, s_sh.at[sid])
    plsc.subcore_barrier()

    @pl.when(sid == 0)
    def _():
        def comb(t, tot):
            pltpu.sync_copy(s_sh.at[t], acc_v)
            return tot + acc_v[...]
        tot = lax.fori_loop(0, NS, comb, jnp.zeros((16,), jnp.float32))
        acc_v[...] = tot
        pltpu.sync_copy(acc_v, s_out.at[cid])


def _reduce(h1p, degp, b1):
    mesh = plsc.VectorSubcoreMesh(
        core_axis_name="c", subcore_axis_name="s",
        num_cores=NC, num_subcores=NS)
    run = functools.partial(
        pl.kernel,
        out_type=jax.ShapeDtypeStruct((NC, 16), jnp.float32),
        mesh=mesh,
        scratch_types=[
            pltpu.VMEM((RPR, D_HID), jnp.float32),
            pltpu.VMEM((RPR, D_HID), jnp.float32),
            pltpu.VMEM((NW, RPR), jnp.float32),
            pltpu.VMEM((16,), jnp.float32),
            pltpu.VMEM((16,), jnp.float32),
            pltpu.SemaphoreType.DMA,
            pltpu.MemorySpace.VMEM_SHARED((NS, 16), jnp.float32),
        ],
        compiler_params=pltpu.CompilerParams(use_tc_tiling_on_sc=False),
    )(_reduce_body)
    return run(h1p, degp, b1)


def _head_body(sp_ref, w2_ref, b2_ref, w3_ref, b3_ref, o_ref):
    s = sp_ref[0] + sp_ref[1]
    t = jnp.dot(s[None, :], w2_ref[...], preferred_element_type=jnp.float32)
    t = t + jnp.float32(N) * b2_ref[...]
    o = jnp.dot(t, w3_ref[...], preferred_element_type=jnp.float32) + b3_ref[...]
    o_ref[...] = jnp.maximum(o, 0.0)


def _head(sp, W2, b2, W3, b3):
    return pl.pallas_call(
        _head_body,
        out_shape=jax.ShapeDtypeStruct((1, D_OUT), jnp.float32),
    )(sp, W2, b2, W3, b3)


def kernel(features, edge_index, W1, b1, W2, b2, W3, b3):
    f1 = _project(features, W1)
    h1p, degp = _edge_pass(f1, edge_index)
    sp = _reduce(h1p, degp, b1)
    return _head(sp, W2, b2, W3, b3)

# --- scband reference (transcript-rebuilt; emitter-appended) ---
"""Pipeline reference for scband-net-70815420777088 (READ-ONLY COPY).

The authoritative reference and input builder live on the scoring server;
editing this copy changes nothing except your own understanding.
"""

import jax, jax.numpy as jnp
import numpy as np

N = 10000
E = 320000
D_IN = 128
D_HID = 16
D_OUT = 128


def setup_inputs(seed: int = 0) -> dict:
    key = jax.random.key(seed)
    ks = jax.random.split(key, 9)
    features = jax.random.normal(ks[0], (N, D_IN), dtype=jnp.float32)
    edge_index = jax.random.randint(ks[1], (2, E), 0, N, dtype=jnp.int32)
    W1 = jax.random.normal(ks[2], (D_IN, D_HID), dtype=jnp.float32) * (1.0 / np.sqrt(D_IN))
    b1 = jnp.zeros((D_HID,), dtype=jnp.float32)
    W2 = jax.random.normal(ks[3], (D_HID, D_OUT), dtype=jnp.float32) * (1.0 / np.sqrt(D_HID))
    b2 = jnp.zeros((D_OUT,), dtype=jnp.float32)
    W3 = jax.random.normal(ks[4], (D_OUT, D_OUT), dtype=jnp.float32) * (1.0 / np.sqrt(D_OUT))
    b3 = jnp.zeros((D_OUT,), dtype=jnp.float32)
    return {"features": features, "edge_index": edge_index, "W1": W1, "b1": b1, "W2": W2, "b2": b2, "W3": W3, "b3": b3}


def _gcn_agg(x, src, dst):
    # DGL copy_src + fn.sum: out[dst] = sum over incoming edges of x[src]
    msgs = jnp.take(x, src, axis=0)
    return jax.ops.segment_sum(msgs, dst, num_segments=N)


def reference(features, edge_index, W1, b1, W2, b2, W3, b3):
    src = edge_index[0]
    dst = edge_index[1]
    # layer1: aggregate then linear, then relu
    h = _gcn_agg(features, src, dst)
    x = jax.nn.relu(h @ W1 + b1)
    # layer2: aggregate then linear
    h2 = _gcn_agg(x, src, dst)
    x = h2 @ W2 + b2
    # agg = torch.sum(dim=0, keepdims=True)
    x = jnp.sum(x, axis=0, keepdims=True)
    # final linear + relu
    x = jax.nn.relu(x @ W3 + b3)
    return x

if __name__ == "__main__":
    import jax
    _d = setup_inputs()
    print(jax.jit(kernel)(*tuple(_d.values())))

</pallas_src>

<mosaic_0001>
#map = affine_map<(d0, d1) -> (0, 0)>
#map1 = affine_map<(d0, d1) -> (0)>
#map2 = affine_map<(d0, d1) -> (0, 0, 0)>
module attributes {stable_mosaic.version = 14 : i64} {
  func.func @_edge_body(%arg0: i32, %arg1: i32, %arg2: memref<10000x16xf32, #tpu.memory_space<hbm>>, %arg3: memref<2x320000xi32, #tpu.memory_space<hbm>>, %arg4: memref<640x16xf32, #tpu.memory_space<hbm>>, %arg5: memref<10256xf32, #tpu.memory_space<hbm>>, %arg6: memref<2x10240x16xf32, #tpu.memory_space<hbm>>, %arg7: memref<2x16x10240xf32, #tpu.memory_space<hbm>>, %arg8: memref<3x2000xi32, #tpu.memory_space<vmem>>, %arg9: memref<3x2000xi32, #tpu.memory_space<vmem>>, %arg10: memref<3x2000x16xf32, #tpu.memory_space<vmem>>, %arg11: memref<10240xf32, #tpu.memory_space<vmem>>, %arg12: memref<!tpu.dma_semaphore, #tpu.memory_space<semaphore_mem>>, %arg13: memref<!tpu.dma_semaphore, #tpu.memory_space<semaphore_mem>>, %arg14: memref<!tpu.dma_semaphore, #tpu.memory_space<semaphore_mem>>, %arg15: memref<!tpu.dma_semaphore, #tpu.memory_space<semaphore_mem>>, %arg16: memref<!tpu.dma_semaphore, #tpu.memory_space<semaphore_mem>>, %arg17: memref<!tpu.dma_semaphore, #tpu.memory_space<semaphore_mem>>, %arg18: memref<10240x16xf32, #tpu.memory_space<vmem_shared>>) attributes {dimension_semantics = [#tpu.dimension_semantics<core_parallel>, #tpu.dimension_semantics<subcore_parallel>], iteration_bounds = array<i64: 2, 16>, scalar_prefetch = 0 : i64, scratch_operands = 11 : i64, tpu.core_type = #tpu.core_type<sc_vector_subcore>, window_params = [{transform_indices = #map}, {transform_indices = #map}, {transform_indices = #map}, {transform_indices = #map1}, {transform_indices = #map2}, {transform_indices = #map2}]} {
    %mul3A = arith.constant 2 : i32
    %mul3A_0 = arith.muli %arg1, %mul3A : i32
    %add3A = arith.addi %mul3A_0, %arg0 : i32
    %run_scoped3A = arith.constant 0 : i32
    "tpu.region"() ({
      %run_scoped3A_352 = tpu.sem_alloc : memref<!tpu.dma_semaphore, #tpu.memory_space<semaphore_mem>>
      %dma_start3A_353 = arith.constant 0 : i32
      %dma_start3A_354 = arith.constant 0 : i32
      %dma_start3A_355 = tpu.memref_slice %arg10[%run_scoped3A, %dma_start3A_353, %dma_start3A_354] : memref<3x2000x16xf32, #tpu.memory_space<vmem>> -> memref<1x640x16xf32, #tpu.memory_space<vmem>>
      %dma_start3A_356 = tpu.memref_squeeze %dma_start3A_355 : memref<1x640x16xf32, #tpu.memory_space<vmem>> -> memref<640x16xf32, #tpu.memory_space<vmem>>
      %dma_start3A_357 = arith.constant 0 : i32
      %dma_start3A_358 = arith.constant 0 : i32
      %dma_start3A_359 = tpu.memref_slice %arg10[%run_scoped3A, %dma_start3A_357, %dma_start3A_358] : memref<3x2000x16xf32, #tpu.memory_space<vmem>> -> memref<1x640x16xf32, #tpu.memory_space<vmem>>
      %dma_start3A_360 = tpu.memref_squeeze %dma_start3A_359 : memref<1x640x16xf32, #tpu.memory_space<vmem>> -> memref<640x16xf32, #tpu.memory_space<vmem>>
      tpu.enqueue_dma source(%arg4 : memref<640x16xf32, #tpu.memory_space<hbm>>) target(%dma_start3A_360 : memref<640x16xf32, #tpu.memory_space<vmem>>) target_semaphore(%run_scoped3A_352 : memref<!tpu.dma_semaphore, #tpu.memory_space<semaphore_mem>>)
      %dma_wait3A_361 = arith.constant 0 : i32
      %dma_wait3A_362 = arith.constant 0 : i32
      %dma_wait3A_363 = tpu.memref_slice %arg10[%run_scoped3A, %dma_wait3A_361, %dma_wait3A_362] : memref<3x2000x16xf32, #tpu.memory_space<vmem>> -> memref<1x640x16xf32, #tpu.memory_space<vmem>>
      %dma_wait3A_364 = tpu.memref_squeeze %dma_wait3A_363 : memref<1x640x16xf32, #tpu.memory_space<vmem>> -> memref<640x16xf32, #tpu.memory_space<vmem>>
      %dma_wait3A_365 = arith.constant 0 : i32
      %dma_wait3A_366 = arith.constant 0 : i32
      %dma_wait3A_367 = tpu.memref_slice %arg10[%run_scoped3A, %dma_wait3A_365, %dma_wait3A_366] : memref<3x2000x16xf32, #tpu.memory_space<vmem>> -> memref<1x640x16xf32, #tpu.memory_space<vmem>>
      %dma_wait3A_368 = tpu.memref_squeeze %dma_wait3A_367 : memref<1x640x16xf32, #tpu.memory_space<vmem>> -> memref<640x16xf32, #tpu.memory_space<vmem>>
      tpu.wait_dma2 semaphore(%run_scoped3A_352 : memref<!tpu.dma_semaphore, #tpu.memory_space<semaphore_mem>>) src(%arg4 : memref<640x16xf32, #tpu.memory_space<hbm>>) dst(%dma_wait3A_368 : memref<640x16xf32, #tpu.memory_space<vmem>>)
      tpu.yield
    }) : () -> ()
    "tpu.region"() ({
      %run_scoped3A_352 = tpu.sem_alloc : memref<!tpu.dma_semaphore, #tpu.memory_space<semaphore_mem>>
      %dma_start3A_353 = arith.constant 0 : i32
      %dma_start3A_354 = tpu.memref_slice %arg5[%dma_start3A_353] : memref<10256xf32, #tpu.memory_space<hbm>> -> memref<10240xf32, #tpu.memory_space<hbm>>
      %dma_start3A_355 = arith.constant 0 : i32
      %dma_start3A_356 = tpu.memref_slice %arg5[%dma_start3A_355] : memref<10256xf32, #tpu.memory_space<hbm>> -> memref<10240xf32, #tpu.memory_space<hbm>>
      tpu.enqueue_dma source(%dma_start3A_356 : memref<10240xf32, #tpu.memory_space<hbm>>) target(%arg11 : memref<10240xf32, #tpu.memory_space<vmem>>) target_semaphore(%run_scoped3A_352 : memref<!tpu.dma_semaphore, #tpu.memory_space<semaphore_mem>>)
      %dma_wait3A_357 = arith.constant 0 : i32
      %dma_wait3A_358 = tpu.memref_slice %arg5[%dma_wait3A_357] : memref<10256xf32, #tpu.memory_space<hbm>> -> memref<10240xf32, #tpu.memory_space<hbm>>
      %dma_wait3A_359 = arith.constant 0 : i32
      %dma_wait3A_360 = tpu.memref_slice %arg5[%dma_wait3A_359] : memref<10256xf32, #tpu.memory_space<hbm>> -> memref<10240xf32, #tpu.memory_space<hbm>>
      tpu.wait_dma2 semaphore(%run_scoped3A_352 : memref<!tpu.dma_semaphore, #tpu.memory_space<semaphore_mem>>) src(%dma_wait3A_360 : memref<10240xf32, #tpu.memory_space<hbm>>) dst(%arg11 : memref<10240xf32, #tpu.memory_space<vmem>>)
      tpu.yield
    }) : () -> ()
    %mul3A_1 = arith.constant 640 : i32
    %mul3A_2 = arith.muli %arg1, %mul3A_1 : i32
    %run_scoped3A_3 = arith.constant 0 : i32
    "tpu.region"() ({
      %run_scoped3A_352 = tpu.sem_alloc : memref<!tpu.dma_semaphore, #tpu.memory_space<semaphore_mem>>
      %dma_start3A_353 = arith.constant 0 : i32
      %dma_start3A_354 = arith.constant 0 : i32
      %dma_start3A_355 = tpu.memref_slice %arg10[%run_scoped3A_3, %dma_start3A_353, %dma_start3A_354] : memref<3x2000x16xf32, #tpu.memory_space<vmem>> -> memref<1x640x16xf32, #tpu.memory_space<vmem>>
      %dma_start3A_356 = tpu.memref_squeeze %dma_start3A_355 : memref<1x640x16xf32, #tpu.memory_space<vmem>> -> memref<640x16xf32, #tpu.memory_space<vmem>>
      %dma_start3A_357 = arith.constant 0 : i32
      %dma_start3A_358 = tpu.memref_slice %arg18[%mul3A_2, %dma_start3A_357] : memref<10240x16xf32, #tpu.memory_space<vmem_shared>> -> memref<640x16xf32, #tpu.memory_space<vmem_shared>>
      %dma_start3A_359 = arith.constant 0 : i32
      %dma_start3A_360 = tpu.memref_slice %arg18[%mul3A_2, %dma_start3A_359] : memref<10240x16xf32, #tpu.memory_space<vmem_shared>> -> memref<640x16xf32, #tpu.memory_space<vmem_shared>>
      %dma_start3A_361 = arith.constant 0 : i32
      %dma_start3A_362 = arith.constant 0 : i32
      %dma_start3A_363 = tpu.memref_slice %arg10[%run_scoped3A_3, %dma_start3A_361, %dma_start3A_362] : memref<3x2000x16xf32, #tpu.memory_space<vmem>> -> memref<1x640x16xf32, #tpu.memory_space<vmem>>
      %dma_start3A_364 = tpu.memref_squeeze %dma_start3A_363 : memref<1x640x16xf32, #tpu.memory_space<vmem>> -> memref<640x16xf32, #tpu.memory_space<vmem>>
      tpu.enqueue_dma source(%dma_start3A_364 : memref<640x16xf32, #tpu.memory_space<vmem>>) target(%dma_start3A_360 : memref<640x16xf32, #tpu.memory_space<vmem_shared>>) target_semaphore(%run_scoped3A_352 : memref<!tpu.dma_semaphore, #tpu.memory_space<semaphore_mem>>)
      %dma_wait3A_365 = arith.constant 0 : i32
      %dma_wait3A_366 = arith.constant 0 : i32
      %dma_wait3A_367 = tpu.memref_slice %arg10[%run_scoped3A_3, %dma_wait3A_365, %dma_wait3A_366] : memref<3x2000x16xf32, #tpu.memory_space<vmem>> -> memref<1x640x16xf32, #tpu.memory_space<vmem>>
      %dma_wait3A_368 = tpu.memref_squeeze %dma_wait3A_367 : memref<1x640x16xf32, #tpu.memory_space<vmem>> -> memref<640x16xf32, #tpu.memory_space<vmem>>
      %dma_wait3A_369 = arith.constant 0 : i32
      %dma_wait3A_370 = tpu.memref_slice %arg18[%mul3A_2, %dma_wait3A_369] : memref<10240x16xf32, #tpu.memory_space<vmem_shared>> -> memref<640x16xf32, #tpu.memory_space<vmem_shared>>
      %dma_wait3A_371 = arith.constant 0 : i32
      %dma_wait3A_372 = tpu.memref_slice %arg18[%mul3A_2, %dma_wait3A_371] : memref<10240x16xf32, #tpu.memory_space<vmem_shared>> -> memref<640x16xf32, #tpu.memory_space<vmem_shared>>
      %dma_wait3A_373 = arith.constant 0 : i32
      %dma_wait3A_374 = arith.constant 0 : i32
      %dma_wait3A_375 = tpu.memref_slice %arg10[%run_scoped3A_3, %dma_wait3A_373, %dma_wait3A_374] : memref<3x2000x16xf32, #tpu.memory_space<vmem>> -> memref<1x640x16xf32, #tpu.memory_space<vmem>>
      %dma_wait3A_376 = tpu.memref_squeeze %dma_wait3A_375 : memref<1x640x16xf32, #tpu.memory_space<vmem>> -> memref<640x16xf32, #tpu.memory_space<vmem>>
      tpu.wait_dma2 semaphore(%run_scoped3A_352 : memref<!tpu.dma_semaphore, #tpu.memory_space<semaphore_mem>>) src(%dma_wait3A_376 : memref<640x16xf32, #tpu.memory_space<vmem>>) dst(%dma_wait3A_372 : memref<640x16xf32, #tpu.memory_space<vmem_shared>>)
      tpu.yield
    }) : () -> ()
    %barrier3A = arith.constant 0 : index
    tpu.barrier barrier_id(%barrier3A)
    %mul3A_4 = arith.constant 10000 : i32
    %mul3A_5 = arith.muli %add3A, %mul3A_4 : i32
    %broadcast_in_dim3A = arith.constant 1.000000e+00 : f32
    %broadcast_in_dim3A_6 = vector.broadcast %broadcast_in_dim3A : f32 to vector<16xf32>
    %add3A_7 = arith.constant 0 : i32
    %add3A_8 = arith.addi %mul3A_5, %add3A_7 : i32
    %run_scoped3A_9 = arith.constant 0 : i32
    %run_scoped3A_10 = arith.constant 0 : i32
    "tpu.region"() ({
      %run_scoped3A_352 = tpu.sem_alloc : memref<!tpu.dma_semaphore, #tpu.memory_space<semaphore_mem>>
      %dma_start3A_353 = arith.constant 0 : i32
      %dma_start3A_354 = tpu.memref_slice %arg8[%run_scoped3A_10, %dma_start3A_353] : memref<3x2000xi32, #tpu.memory_space<vmem>> -> memref<1x2000xi32, #tpu.memory_space<vmem>>
      %dma_start3A_355 = tpu.memref_squeeze %dma_start3A_354 : memref<1x2000xi32, #tpu.memory_space<vmem>> -> memref<2000xi32, #tpu.memory_space<vmem>>
      %dma_start3A_356 = tpu.memref_slice %arg3[%run_scoped3A_9, %add3A_8] : memref<2x320000xi32, #tpu.memory_space<hbm>> -> memref<1x2000xi32, #tpu.memory_space<hbm>>
      %dma_start3A_357 = tpu.memref_squeeze %dma_start3A_356 : memref<1x2000xi32, #tpu.memory_space<hbm>> -> memref<2000xi32, #tpu.memory_space<hbm>>
      %dma_start3A_358 = arith.constant 0 : i32
      %dma_start3A_359 = tpu.memref_slice %arg8[%run_scoped3A_10, %dma_start3A_358] : memref<3x2000xi32, #tpu.memory_space<vmem>> -> memref<1x2000xi32, #tpu.memory_space<vmem>>
      %dma_start3A_360 = tpu.memref_squeeze %dma_start3A_359 : memref<1x2000xi32, #tpu.memory_space<vmem>> -> memref<2000xi32, #tpu.memory_space<vmem>>
      %dma_start3A_361 = tpu.memref_slice %arg3[%run_scoped3A_9, %add3A_8] : memref<2x320000xi32, #tpu.memory_space<hbm>> -> memref<1x2000xi32, #tpu.memory_space<hbm>>
      %dma_start3A_362 = tpu.memref_squeeze %dma_start3A_361 : memref<1x2000xi32, #tpu.memory_space<hbm>> -> memref<2000xi32, #tpu.memory_space<hbm>>
      tpu.enqueue_dma source(%dma_start3A_362 : memref<2000xi32, #tpu.memory_space<hbm>>) target(%dma_start3A_360 : memref<2000xi32, #tpu.memory_space<vmem>>) target_semaphore(%run_scoped3A_352 : memref<!tpu.dma_semaphore, #tpu.memory_space<semaphore_mem>>)
      %dma_wait3A_363 = arith.constant 0 : i32
      %dma_wait3A_364 = tpu.memref_slice %arg8[%run_scoped3A_10, %dma_wait3A_363] : memref<3x2000xi32, #tpu.memory_space<vmem>> -> memref<1x2000xi32, #tpu.memory_space<vmem>>
      %dma_wait3A_365 = tpu.memref_squeeze %dma_wait3A_364 : memref<1x2000xi32, #tpu.memory_space<vmem>> -> memref<2000xi32, #tpu.memory_space<vmem>>
      %dma_wait3A_366 = tpu.memref_slice %arg3[%run_scoped3A_9, %add3A_8] : memref<2x320000xi32, #tpu.memory_space<hbm>> -> memref<1x2000xi32, #tpu.memory_space<hbm>>
      %dma_wait3A_367 = tpu.memref_squeeze %dma_wait3A_366 : memref<1x2000xi32, #tpu.memory_space<hbm>> -> memref<2000xi32, #tpu.memory_space<hbm>>
      %dma_wait3A_368 = arith.constant 0 : i32
      %dma_wait3A_369 = tpu.memref_slice %arg8[%run_scoped3A_10, %dma_wait3A_368] : memref<3x2000xi32, #tpu.memory_space<vmem>> -> memref<1x2000xi32, #tpu.memory_space<vmem>>
      %dma_wait3A_370 = tpu.memref_squeeze %dma_wait3A_369 : memref<1x2000xi32, #tpu.memory_space<vmem>> -> memref<2000xi32, #tpu.memory_space<vmem>>
      %dma_wait3A_371 = tpu.memref_slice %arg3[%run_scoped3A_9, %add3A_8] : memref<2x320000xi32, #tpu.memory_space<hbm>> -> memref<1x2000xi32, #tpu.memory_space<hbm>>
      %dma_wait3A_372 = tpu.memref_squeeze %dma_wait3A_371 : memref<1x2000xi32, #tpu.memory_space<hbm>> -> memref<2000xi32, #tpu.memory_space<hbm>>
      tpu.wait_dma2 semaphore(%run_scoped3A_352 : memref<!tpu.dma_semaphore, #tpu.memory_space<semaphore_mem>>) src(%dma_wait3A_372 : memref<2000xi32, #tpu.memory_space<hbm>>) dst(%dma_wait3A_370 : memref<2000xi32, #tpu.memory_space<vmem>>)
      tpu.yield
    }) : () -> ()
    %run_scoped3A_11 = arith.constant 1 : i32
    %run_scoped3A_12 = arith.constant 0 : i32
    "tpu.region"() ({
      %run_scoped3A_352 = tpu.sem_alloc : memref<!tpu.dma_semaphore, #tpu.memory_space<semaphore_mem>>
      %dma_start3A_353 = arith.constant 0 : i32
      %dma_start3A_354 = tpu.memref_slice %arg9[%run_scoped3A_12, %dma_start3A_353] : memref<3x2000xi32, #tpu.memory_space<vmem>> -> memref<1x2000xi32, #tpu.memory_space<vmem>>
      %dma_start3A_355 = tpu.memref_squeeze %dma_start3A_354 : memref<1x2000xi32, #tpu.memory_space<vmem>> -> memref<2000xi32, #tpu.memory_space<vmem>>
      %dma_start3A_356 = tpu.memref_slice %arg3[%run_scoped3A_11, %add3A_8] : memref<2x320000xi32, #tpu.memory_space<hbm>> -> memref<1x2000xi32, #tpu.memory_space<hbm>>
      %dma_start3A_357 = tpu.memref_squeeze %dma_start3A_356 : memref<1x2000xi32, #tpu.memory_space<hbm>> -> memref<2000xi32, #tpu.memory_space<hbm>>
      %dma_start3A_358 = arith.constant 0 : i32
      %dma_start3A_359 = tpu.memref_slice %arg9[%run_scoped3A_12, %dma_start3A_358] : memref<3x2000xi32, #tpu.memory_space<vmem>> -> memref<1x2000xi32, #tpu.memory_space<vmem>>
      %dma_start3A_360 = tpu.memref_squeeze %dma_start3A_359 : memref<1x2000xi32, #tpu.memory_space<vmem>> -> memref<2000xi32, #tpu.memory_space<vmem>>
      %dma_start3A_361 = tpu.memref_slice %arg3[%run_scoped3A_11, %add3A_8] : memref<2x320000xi32, #tpu.memory_space<hbm>> -> memref<1x2000xi32, #tpu.memory_space<hbm>>
      %dma_start3A_362 = tpu.memref_squeeze %dma_start3A_361 : memref<1x2000xi32, #tpu.memory_space<hbm>> -> memref<2000xi32, #tpu.memory_space<hbm>>
      tpu.enqueue_dma source(%dma_start3A_362 : memref<2000xi32, #tpu.memory_space<hbm>>) target(%dma_start3A_360 : memref<2000xi32, #tpu.memory_space<vmem>>) target_semaphore(%run_scoped3A_352 : memref<!tpu.dma_semaphore, #tpu.memory_space<semaphore_mem>>)
      %dma_wait3A_363 = arith.constant 0 : i32
      %dma_wait3A_364 = tpu.memref_slice %arg9[%run_scoped3A_12, %dma_wait3A_363] : memref<3x2000xi32, #tpu.memory_space<vmem>> -> memref<1x2000xi32, #tpu.memory_space<vmem>>
      %dma_wait3A_365 = tpu.memref_squeeze %dma_wait3A_364 : memref<1x2000xi32, #tpu.memory_space<vmem>> -> memref<2000xi32, #tpu.memory_space<vmem>>
      %dma_wait3A_366 = tpu.memref_slice %arg3[%run_scoped3A_11, %add3A_8] : memref<2x320000xi32, #tpu.memory_space<hbm>> -> memref<1x2000xi32, #tpu.memory_space<hbm>>
      %dma_wait3A_367 = tpu.memref_squeeze %dma_wait3A_366 : memref<1x2000xi32, #tpu.memory_space<hbm>> -> memref<2000xi32, #tpu.memory_space<hbm>>
      %dma_wait3A_368 = arith.constant 0 : i32
      %dma_wait3A_369 = tpu.memref_slice %arg9[%run_scoped3A_12, %dma_wait3A_368] : memref<3x2000xi32, #tpu.memory_space<vmem>> -> memref<1x2000xi32, #tpu.memory_space<vmem>>
      %dma_wait3A_370 = tpu.memref_squeeze %dma_wait3A_369 : memref<1x2000xi32, #tpu.memory_space<vmem>> -> memref<2000xi32, #tpu.memory_space<vmem>>
      %dma_wait3A_371 = tpu.memref_slice %arg3[%run_scoped3A_11, %add3A_8] : memref<2x320000xi32, #tpu.memory_space<hbm>> -> memref<1x2000xi32, #tpu.memory_space<hbm>>
      %dma_wait3A_372 = tpu.memref_squeeze %dma_wait3A_371 : memref<1x2000xi32, #tpu.memory_space<hbm>> -> memref<2000xi32, #tpu.memory_space<hbm>>
      tpu.wait_dma2 semaphore(%run_scoped3A_352 : memref<!tpu.dma_semaphore, #tpu.memory_space<semaphore_mem>>) src(%dma_wait3A_372 : memref<2000xi32, #tpu.memory_space<hbm>>) dst(%dma_wait3A_370 : memref<2000xi32, #tpu.memory_space<vmem>>)
      tpu.yield
    }) : () -> ()
    %dma_start3A = arith.constant 0 : i32
    %dma_start3A_13 = arith.constant 0 : i32
    %dma_start3A_14 = arith.constant 0 : i32
    %dma_start3A_15 = arith.constant 0 : i32
    %dma_start3A_16 = tpu.memref_slice %arg10[%dma_start3A_13, %dma_start3A_14, %dma_start3A_15] : memref<3x2000x16xf32, #tpu.memory_space<vmem>> -> memref<1x2000x16xf32, #tpu.memory_space<vmem>>
    %dma_start3A_17 = tpu.memref_squeeze %dma_start3A_16 : memref<1x2000x16xf32, #tpu.memory_space<vmem>> -> memref<2000x16xf32, #tpu.memory_space<vmem>>
    %dma_start3A_18 = arith.constant 0 : i32
    %dma_start3A_19 = tpu.memref_slice %arg8[%dma_start3A, %dma_start3A_18] : memref<3x2000xi32, #tpu.memory_space<vmem>> -> memref<1x2000xi32, #tpu.memory_space<vmem>>
    %dma_start3A_20 = tpu.memref_squeeze %dma_start3A_19 : memref<1x2000xi32, #tpu.memory_space<vmem>> -> memref<2000xi32, #tpu.memory_space<vmem>>
    %dma_start3A_21 = arith.constant 0 : i32
    %dma_start3A_22 = arith.constant 0 : i32
    %dma_start3A_23 = tpu.memref_slice %arg2[%dma_start3A_21, %dma_start3A_22] : memref<10000x16xf32, #tpu.memory_space<hbm>> -> memref<10000x16xf32, #tpu.memory_space<hbm>>
    tpu.enqueue_indirect_dma source(%dma_start3A_23 : memref<10000x16xf32, #tpu.memory_space<hbm>>) target(%dma_start3A_17 : memref<2000x16xf32, #tpu.memory_space<vmem>>) offsets(%dma_start3A_20 : memref<2000xi32, #tpu.memory_space<vmem>>) semaphore(%arg12 : memref<!tpu.dma_semaphore, #tpu.memory_space<semaphore_mem>>)
    %add3A_24 = arith.constant 2000 : i32
    %add3A_25 = arith.addi %mul3A_5, %add3A_24 : i32
    %run_scoped3A_26 = arith.constant 0 : i32
    %run_scoped3A_27 = arith.constant 1 : i32
    "tpu.region"() ({
      %run_scoped3A_352 = tpu.sem_alloc : memref<!tpu.dma_semaphore, #tpu.memory_space<semaphore_mem>>
      %dma_start3A_353 = arith.constant 0 : i32
      %dma_start3A_354 = tpu.memref_slice %arg8[%run_scoped3A_27, %dma_start3A_353] : memref<3x2000xi32, #tpu.memory_space<vmem>> -> memref<1x2000xi32, #tpu.memory_space<vmem>>
      %dma_start3A_355 = tpu.memref_squeeze %dma_start3A_354 : memref<1x2000xi32, #tpu.memory_space<vmem>> -> memref<2000xi32, #tpu.memory_space<vmem>>
      %dma_start3A_356 = tpu.memref_slice %arg3[%run_scoped3A_26, %add3A_25] : memref<2x320000xi32, #tpu.memory_space<hbm>> -> memref<1x2000xi32, #tpu.memory_space<hbm>>
      %dma_start3A_357 = tpu.memref_squeeze %dma_start3A_356 : memref<1x2000xi32, #tpu.memory_space<hbm>> -> memref<2000xi32, #tpu.memory_space<hbm>>
      %dma_start3A_358 = arith.constant 0 : i32
      %dma_start3A_359 = tpu.memref_slice %arg8[%run_scoped3A_27, %dma_start3A_358] : memref<3x2000xi32, #tpu.memory_space<vmem>> -> memref<1x2000xi32, #tpu.memory_space<vmem>>
      %dma_start3A_360 = tpu.memref_squeeze %dma_start3A_359 : memref<1x2000xi32, #tpu.memory_space<vmem>> -> memref<2000xi32, #tpu.memory_space<vmem>>
      %dma_start3A_361 = tpu.memref_slice %arg3[%run_scoped3A_26, %add3A_25] : memref<2x320000xi32, #tpu.memory_space<hbm>> -> memref<1x2000xi32, #tpu.memory_space<hbm>>
      %dma_start3A_362 = tpu.memref_squeeze %dma_start3A_361 : memref<1x2000xi32, #tpu.memory_space<hbm>> -> memref<2000xi32, #tpu.memory_space<hbm>>
      tpu.enqueue_dma source(%dma_start3A_362 : memref<2000xi32, #tpu.memory_space<hbm>>) target(%dma_start3A_360 : memref<2000xi32, #tpu.memory_space<vmem>>) target_semaphore(%run_scoped3A_352 : memref<!tpu.dma_semaphore, #tpu.memory_space<semaphore_mem>>)
      %dma_wait3A_363 = arith.constant 0 : i32
      %dma_wait3A_364 = tpu.memref_slice %arg8[%run_scoped3A_27, %dma_wait3A_363] : memref<3x2000xi32, #tpu.memory_space<vmem>> -> memref<1x2000xi32, #tpu.memory_space<vmem>>
      %dma_wait3A_365 = tpu.memref_squeeze %dma_wait3A_364 : memref<1x2000xi32, #tpu.memory_space<vmem>> -> memref<2000xi32, #tpu.memory_space<vmem>>
      %dma_wait3A_366 = tpu.memref_slice %arg3[%run_scoped3A_26, %add3A_25] : memref<2x320000xi32, #tpu.memory_space<hbm>> -> memref<1x2000xi32, #tpu.memory_space<hbm>>
      %dma_wait3A_367 = tpu.memref_squeeze %dma_wait3A_366 : memref<1x2000xi32, #tpu.memory_space<hbm>> -> memref<2000xi32, #tpu.memory_space<hbm>>
      %dma_wait3A_368 = arith.constant 0 : i32
      %dma_wait3A_369 = tpu.memref_slice %arg8[%run_scoped3A_27, %dma_wait3A_368] : memref<3x2000xi32, #tpu.memory_space<vmem>> -> memref<1x2000xi32, #tpu.memory_space<vmem>>
      %dma_wait3A_370 = tpu.memref_squeeze %dma_wait3A_369 : memref<1x2000xi32, #tpu.memory_space<vmem>> -> memref<2000xi32, #tpu.memory_space<vmem>>
      %dma_wait3A_371 = tpu.memref_slice %arg3[%run_scoped3A_26, %add3A_25] : memref<2x320000xi32, #tpu.memory_space<hbm>> -> memref<1x2000xi32, #tpu.memory_space<hbm>>
      %dma_wait3A_372 = tpu.memref_squeeze %dma_wait3A_371 : memref<1x2000xi32, #tpu.memory_space<hbm>> -> memref<2000xi32, #tpu.memory_space<hbm>>
      tpu.wait_dma2 semaphore(%run_scoped3A_352 : memref<!tpu.dma_semaphore, #tpu.memory_space<semaphore_mem>>) src(%dma_wait3A_372 : memref<2000xi32, #tpu.memory_space<hbm>>) dst(%dma_wait3A_370 : memref<2000xi32, #tpu.memory_space<vmem>>)
      tpu.yield
    }) : () -> ()
    %run_scoped3A_28 = arith.constant 1 : i32
    %run_scoped3A_29 = arith.constant 1 : i32
    "tpu.region"() ({
      %run_scoped3A_352 = tpu.sem_alloc : memref<!tpu.dma_semaphore, #tpu.memory_space<semaphore_mem>>
      %dma_start3A_353 = arith.constant 0 : i32
      %dma_start3A_354 = tpu.memref_slice %arg9[%run_scoped3A_29, %dma_start3A_353] : memref<3x2000xi32, #tpu.memory_space<vmem>> -> memref<1x2000xi32, #tpu.memory_space<vmem>>
      %dma_start3A_355 = tpu.memref_squeeze %dma_start3A_354 : memref<1x2000xi32, #tpu.memory_space<vmem>> -> memref<2000xi32, #tpu.memory_space<vmem>>
      %dma_start3A_356 = tpu.memref_slice %arg3[%run_scoped3A_28, %add3A_25] : memref<2x320000xi32, #tpu.memory_space<hbm>> -> memref<1x2000xi32, #tpu.memory_space<hbm>>
      %dma_start3A_357 = tpu.memref_squeeze %dma_start3A_356 : memref<1x2000xi32, #tpu.memory_space<hbm>> -> memref<2000xi32, #tpu.memory_space<hbm>>
      %dma_start3A_358 = arith.constant 0 : i32
      %dma_start3A_359 = tpu.memref_slice %arg9[%run_scoped3A_29, %dma_start3A_358] : memref<3x2000xi32, #tpu.memory_space<vmem>> -> memref<1x2000xi32, #tpu.memory_space<vmem>>
      %dma_start3A_360 = tpu.memref_squeeze %dma_start3A_359 : memref<1x2000xi32, #tpu.memory_space<vmem>> -> memref<2000xi32, #tpu.memory_space<vmem>>
      %dma_start3A_361 = tpu.memref_slice %arg3[%run_scoped3A_28, %add3A_25] : memref<2x320000xi32, #tpu.memory_space<hbm>> -> memref<1x2000xi32, #tpu.memory_space<hbm>>
      %dma_start3A_362 = tpu.memref_squeeze %dma_start3A_361 : memref<1x2000xi32, #tpu.memory_space<hbm>> -> memref<2000xi32, #tpu.memory_space<hbm>>
      tpu.enqueue_dma source(%dma_start3A_362 : memref<2000xi32, #tpu.memory_space<hbm>>) target(%dma_start3A_360 : memref<2000xi32, #tpu.memory_space<vmem>>) target_semaphore(%run_scoped3A_352 : memref<!tpu.dma_semaphore, #tpu.memory_space<semaphore_mem>>)
      %dma_wait3A_363 = arith.constant 0 : i32
      %dma_wait3A_364 = tpu.memref_slice %arg9[%run_scoped3A_29, %dma_wait3A_363] : memref<3x2000xi32, #tpu.memory_space<vmem>> -> memref<1x2000xi32, #tpu.memory_space<vmem>>
      %dma_wait3A_365 = tpu.memref_squeeze %dma_wait3A_364 : memref<1x2000xi32, #tpu.memory_space<vmem>> -> memref<2000xi32, #tpu.memory_space<vmem>>
      %dma_wait3A_366 = tpu.memref_slice %arg3[%run_scoped3A_28, %add3A_25] : memref<2x320000xi32, #tpu.memory_space<hbm>> -> memref<1x2000xi32, #tpu.memory_space<hbm>>
      %dma_wait3A_367 = tpu.memref_squeeze %dma_wait3A_366 : memref<1x2000xi32, #tpu.memory_space<hbm>> -> memref<2000xi32, #tpu.memory_space<hbm>>
      %dma_wait3A_368 = arith.constant 0 : i32
      %dma_wait3A_369 = tpu.memref_slice %arg9[%run_scoped3A_29, %dma_wait3A_368] : memref<3x2000xi32, #tpu.memory_space<vmem>> -> memref<1x2000xi32, #tpu.memory_space<vmem>>
      %dma_wait3A_370 = tpu.memref_squeeze %dma_wait3A_369 : memref<1x2000xi32, #tpu.memory_space<vmem>> -> memref<2000xi32, #tpu.memory_space<vmem>>
      %dma_wait3A_371 = tpu.memref_slice %arg3[%run_scoped3A_28, %add3A_25] : memref<2x320000xi32, #tpu.memory_space<hbm>> -> memref<1x2000xi32, #tpu.memory_space<hbm>>
      %dma_wait3A_372 = tpu.memref_squeeze %dma_wait3A_371 : memref<1x2000xi32, #tpu.memory_space<hbm>> -> memref<2000xi32, #tpu.memory_space<hbm>>
      tpu.wait_dma2 semaphore(%run_scoped3A_352 : memref<!tpu.dma_semaphore, #tpu.memory_space<semaphore_mem>>) src(%dma_wait3A_372 : memref<2000xi32, #tpu.memory_space<hbm>>) dst(%dma_wait3A_370 : memref<2000xi32, #tpu.memory_space<vmem>>)
      tpu.yield
    }) : () -> ()
    %dma_start3A_30 = arith.constant 1 : i32
    %dma_start3A_31 = arith.constant 1 : i32
    %dma_start3A_32 = arith.constant 0 : i32
    %dma_start3A_33 = arith.constant 0 : i32
    %dma_start3A_34 = tpu.memref_slice %arg10[%dma_start3A_31, %dma_start3A_32, %dma_start3A_33] : memref<3x2000x16xf32, #tpu.memory_space<vmem>> -> memref<1x2000x16xf32, #tpu.memory_space<vmem>>
    %dma_start3A_35 = tpu.memref_squeeze %dma_start3A_34 : memref<1x2000x16xf32, #tpu.memory_space<vmem>> -> memref<2000x16xf32, #tpu.memory_space<vmem>>
    %dma_start3A_36 = arith.constant 0 : i32
    %dma_start3A_37 = tpu.memref_slice %arg8[%dma_start3A_30, %dma_start3A_36] : memref<3x2000xi32, #tpu.memory_space<vmem>> -> memref<1x2000xi32, #tpu.memory_space<vmem>>
    %dma_start3A_38 = tpu.memref_squeeze %dma_start3A_37 : memref<1x2000xi32, #tpu.memory_space<vmem>> -> memref<2000xi32, #tpu.memory_space<vmem>>
    %dma_start3A_39 = arith.constant 0 : i32
    %dma_start3A_40 = arith.constant 0 : i32
    %dma_start3A_41 = tpu.memref_slice %arg2[%dma_start3A_39, %dma_start3A_40] : memref<10000x16xf32, #tpu.memory_space<hbm>> -> memref<10000x16xf32, #tpu.memory_space<hbm>>
    tpu.enqueue_indirect_dma source(%dma_start3A_41 : memref<10000x16xf32, #tpu.memory_space<hbm>>) target(%dma_start3A_35 : memref<2000x16xf32, #tpu.memory_space<vmem>>) offsets(%dma_start3A_38 : memref<2000xi32, #tpu.memory_space<vmem>>) semaphore(%arg13 : memref<!tpu.dma_semaphore, #tpu.memory_space<semaphore_mem>>)
    %add3A_42 = arith.constant 4000 : i32
    %add3A_43 = arith.addi %mul3A_5, %add3A_42 : i32
    %run_scoped3A_44 = arith.constant 0 : i32
    %run_scoped3A_45 = arith.constant 2 : i32
    "tpu.region"() ({
      %run_scoped3A_352 = tpu.sem_alloc : memref<!tpu.dma_semaphore, #tpu.memory_space<semaphore_mem>>
      %dma_start3A_353 = arith.constant 0 : i32
      %dma_start3A_354 = tpu.memref_slice %arg8[%run_scoped3A_45, %dma_start3A_353] : memref<3x2000xi32, #tpu.memory_space<vmem>> -> memref<1x2000xi32, #tpu.memory_space<vmem>>
      %dma_start3A_355 = tpu.memref_squeeze %dma_start3A_354 : memref<1x2000xi32, #tpu.memory_space<vmem>> -> memref<2000xi32, #tpu.memory_space<vmem>>
      %dma_start3A_356 = tpu.memref_slice %arg3[%run_scoped3A_44, %add3A_43] : memref<2x320000xi32, #tpu.memory_space<hbm>> -> memref<1x2000xi32, #tpu.memory_space<hbm>>
      %dma_start3A_357 = tpu.memref_squeeze %dma_start3A_356 : memref<1x2000xi32, #tpu.memory_space<hbm>> -> memref<2000xi32, #tpu.memory_space<hbm>>
      %dma_start3A_358 = arith.constant 0 : i32
      %dma_start3A_359 = tpu.memref_slice %arg8[%run_scoped3A_45, %dma_start3A_358] : memref<3x2000xi32, #tpu.memory_space<vmem>> -> memref<1x2000xi32, #tpu.memory_space<vmem>>
      %dma_start3A_360 = tpu.memref_squeeze %dma_start3A_359 : memref<1x2000xi32, #tpu.memory_space<vmem>> -> memref<2000xi32, #tpu.memory_space<vmem>>
      %dma_start3A_361 = tpu.memref_slice %arg3[%run_scoped3A_44, %add3A_43] : memref<2x320000xi32, #tpu.memory_space<hbm>> -> memref<1x2000xi32, #tpu.memory_space<hbm>>
      %dma_start3A_362 = tpu.memref_squeeze %dma_start3A_361 : memref<1x2000xi32, #tpu.memory_space<hbm>> -> memref<2000xi32, #tpu.memory_space<hbm>>
      tpu.enqueue_dma source(%dma_start3A_362 : memref<2000xi32, #tpu.memory_space<hbm>>) target(%dma_start3A_360 : memref<2000xi32, #tpu.memory_space<vmem>>) target_semaphore(%run_scoped3A_352 : memref<!tpu.dma_semaphore, #tpu.memory_space<semaphore_mem>>)
      %dma_wait3A_363 = arith.constant 0 : i32
      %dma_wait3A_364 = tpu.memref_slice %arg8[%run_scoped3A_45, %dma_wait3A_363] : memref<3x2000xi32, #tpu.memory_space<vmem>> -> memref<1x2000xi32, #tpu.memory_space<vmem>>
      %dma_wait3A_365 = tpu.memref_squeeze %dma_wait3A_364 : memref<1x2000xi32, #tpu.memory_space<vmem>> -> memref<2000xi32, #tpu.memory_space<vmem>>
      %dma_wait3A_366 = tpu.memref_slice %arg3[%run_scoped3A_44, %add3A_43] : memref<2x320000xi32, #tpu.memory_space<hbm>> -> memref<1x2000xi32, #tpu.memory_space<hbm>>
      %dma_wait3A_367 = tpu.memref_squeeze %dma_wait3A_366 : memref<1x2000xi32, #tpu.memory_space<hbm>> -> memref<2000xi32, #tpu.memory_space<hbm>>
      %dma_wait3A_368 = arith.constant 0 : i32
      %dma_wait3A_369 = tpu.memref_slice %arg8[%run_scoped3A_45, %dma_wait3A_368] : memref<3x2000xi32, #tpu.memory_space<vmem>> -> memref<1x2000xi32, #tpu.memory_space<vmem>>
      %dma_wait3A_370 = tpu.memref_squeeze %dma_wait3A_369 : memref<1x2000xi32, #tpu.memory_space<vmem>> -> memref<2000xi32, #tpu.memory_space<vmem>>
      %dma_wait3A_371 = tpu.memref_slice %arg3[%run_scoped3A_44, %add3A_43] : memref<2x320000xi32, #tpu.memory_space<hbm>> -> memref<1x2000xi32, #tpu.memory_space<hbm>>
      %dma_wait3A_372 = tpu.memref_squeeze %dma_wait3A_371 : memref<1x2000xi32, #tpu.memory_space<hbm>> -> memref<2000xi32, #tpu.memory_space<hbm>>
      tpu.wait_dma2 semaphore(%run_scoped3A_352 : memref<!tpu.dma_semaphore, #tpu.memory_space<semaphore_mem>>) src(%dma_wait3A_372 : memref<2000xi32, #tpu.memory_space<hbm>>) dst(%dma_wait3A_370 : memref<2000xi32, #tpu.memory_space<vmem>>)
      tpu.yield
    }) : () -> ()
    %run_scoped3A_46 = arith.constant 1 : i32
    %run_scoped3A_47 = arith.constant 2 : i32
    "tpu.region"() ({
      %run_scoped3A_352 = tpu.sem_alloc : memref<!tpu.dma_semaphore, #tpu.memory_space<semaphore_mem>>
      %dma_start3A_353 = arith.constant 0 : i32
      %dma_start3A_354 = tpu.memref_slice %arg9[%run_scoped3A_47, %dma_start3A_353] : memref<3x2000xi32, #tpu.memory_space<vmem>> -> memref<1x2000xi32, #tpu.memory_space<vmem>>
      %dma_start3A_355 = tpu.memref_squeeze %dma_start3A_354 : memref<1x2000xi32, #tpu.memory_space<vmem>> -> memref<2000xi32, #tpu.memory_space<vmem>>
      %dma_start3A_356 = tpu.memref_slice %arg3[%run_scoped3A_46, %add3A_43] : memref<2x320000xi32, #tpu.memory_space<hbm>> -> memref<1x2000xi32, #tpu.memory_space<hbm>>
      %dma_start3A_357 = tpu.memref_squeeze %dma_start3A_356 : memref<1x2000xi32, #tpu.memory_space<hbm>> -> memref<2000xi32, #tpu.memory_space<hbm>>
      %dma_start3A_358 = arith.constant 0 : i32
      %dma_start3A_359 = tpu.memref_slice %arg9[%run_scoped3A_47, %dma_start3A_358] : memref<3x2000xi32, #tpu.memory_space<vmem>> -> memref<1x2000xi32, #tpu.memory_space<vmem>>
      %dma_start3A_360 = tpu.memref_squeeze %dma_start3A_359 : memref<1x2000xi32, #tpu.memory_space<vmem>> -> memref<2000xi32, #tpu.memory_space<vmem>>
      %dma_start3A_361 = tpu.memref_slice %arg3[%run_scoped3A_46, %add3A_43] : memref<2x320000xi32, #tpu.memory_space<hbm>> -> memref<1x2000xi32, #tpu.memory_space<hbm>>
      %dma_start3A_362 = tpu.memref_squeeze %dma_start3A_361 : memref<1x2000xi32, #tpu.memory_space<hbm>> -> memref<2000xi32, #tpu.memory_space<hbm>>
      tpu.enqueue_dma source(%dma_start3A_362 : memref<2000xi32, #tpu.memory_space<hbm>>) target(%dma_start3A_360 : memref<2000xi32, #tpu.memory_space<vmem>>) target_semaphore(%run_scoped3A_352 : memref<!tpu.dma_semaphore, #tpu.memory_space<semaphore_mem>>)
      %dma_wait3A_363 = arith.constant 0 : i32
      %dma_wait3A_364 = tpu.memref_slice %arg9[%run_scoped3A_47, %dma_wait3A_363] : memref<3x2000xi32, #tpu.memory_space<vmem>> -> memref<1x2000xi32, #tpu.memory_space<vmem>>
      %dma_wait3A_365 = tpu.memref_squeeze %dma_wait3A_364 : memref<1x2000xi32, #tpu.memory_space<vmem>> -> memref<2000xi32, #tpu.memory_space<vmem>>
      %dma_wait3A_366 = tpu.memref_slice %arg3[%run_scoped3A_46, %add3A_43] : memref<2x320000xi32, #tpu.memory_space<hbm>> -> memref<1x2000xi32, #tpu.memory_space<hbm>>
      %dma_wait3A_367 = tpu.memref_squeeze %dma_wait3A_366 : memref<1x2000xi32, #tpu.memory_space<hbm>> -> memref<2000xi32, #tpu.memory_space<hbm>>
      %dma_wait3A_368 = arith.constant 0 : i32
      %dma_wait3A_369 = tpu.memref_slice %arg9[%run_scoped3A_47, %dma_wait3A_368] : memref<3x2000xi32, #tpu.memory_space<vmem>> -> memref<1x2000xi32, #tpu.memory_space<vmem>>
      %dma_wait3A_370 = tpu.memref_squeeze %dma_wait3A_369 : memref<1x2000xi32, #tpu.memory_space<vmem>> -> memref<2000xi32, #tpu.memory_space<vmem>>
      %dma_wait3A_371 = tpu.memref_slice %arg3[%run_scoped3A_46, %add3A_43] : memref<2x320000xi32, #tpu.memory_space<hbm>> -> memref<1x2000xi32, #tpu.memory_space<hbm>>
      %dma_wait3A_372 = tpu.memref_squeeze %dma_wait3A_371 : memref<1x2000xi32, #tpu.memory_space<hbm>> -> memref<2000xi32, #tpu.memory_space<hbm>>
      tpu.wait_dma2 semaphore(%run_scoped3A_352 : memref<!tpu.dma_semaphore, #tpu.memory_space<semaphore_mem>>) src(%dma_wait3A_372 : memref<2000xi32, #tpu.memory_space<hbm>>) dst(%dma_wait3A_370 : memref<2000xi32, #tpu.memory_space<vmem>>)
      tpu.yield
    }) : () -> ()
    %dma_start3A_48 = arith.constant 2 : i32
    %dma_start3A_49 = arith.constant 2 : i32
    %dma_start3A_50 = arith.constant 0 : i32
    %dma_start3A_51 = arith.constant 0 : i32
    %dma_start3A_52 = tpu.memref_slice %arg10[%dma_start3A_49, %dma_start3A_50, %dma_start3A_51] : memref<3x2000x16xf32, #tpu.memory_space<vmem>> -> memref<1x2000x16xf32, #tpu.memory_space<vmem>>
    %dma_start3A_53 = tpu.memref_squeeze %dma_start3A_52 : memref<1x2000x16xf32, #tpu.memory_space<vmem>> -> memref<2000x16xf32, #tpu.memory_space<vmem>>
    %dma_start3A_54 = arith.constant 0 : i32
    %dma_start3A_55 = tpu.memref_slice %arg8[%dma_start3A_48, %dma_start3A_54] : memref<3x2000xi32, #tpu.memory_space<vmem>> -> memref<1x2000xi32, #tpu.memory_space<vmem>>
    %dma_start3A_56 = tpu.memref_squeeze %dma_start3A_55 : memref<1x2000xi32, #tpu.memory_space<vmem>> -> memref<2000xi32, #tpu.memory_space<vmem>>
    %dma_start3A_57 = arith.constant 0 : i32
    %dma_start3A_58 = arith.constant 0 : i32
    %dma_start3A_59 = tpu.memref_slice %arg2[%dma_start3A_57, %dma_start3A_58] : memref<10000x16xf32, #tpu.memory_space<hbm>> -> memref<10000x16xf32, #tpu.memory_space<hbm>>
    tpu.enqueue_indirect_dma source(%dma_start3A_59 : memref<10000x16xf32, #tpu.memory_space<hbm>>) target(%dma_start3A_53 : memref<2000x16xf32, #tpu.memory_space<vmem>>) offsets(%dma_start3A_56 : memref<2000xi32, #tpu.memory_space<vmem>>) semaphore(%arg14 : memref<!tpu.dma_semaphore, #tpu.memory_space<semaphore_mem>>)
    %dma_wait3A = arith.constant 0 : i32
    %dma_wait3A_60 = arith.constant 0 : i32
    %dma_wait3A_61 = arith.constant 0 : i32
    %dma_wait3A_62 = arith.constant 0 : i32
    %dma_wait3A_63 = tpu.memref_slice %arg10[%dma_wait3A_60, %dma_wait3A_61, %dma_wait3A_62] : memref<3x2000x16xf32, #tpu.memory_space<vmem>> -> memref<1x2000x16xf32, #tpu.memory_space<vmem>>
    %dma_wait3A_64 = tpu.memref_squeeze %dma_wait3A_63 : memref<1x2000x16xf32, #tpu.memory_space<vmem>> -> memref<2000x16xf32, #tpu.memory_space<vmem>>
    %dma_wait3A_65 = arith.constant 0 : i32
    %dma_wait3A_66 = tpu.memref_slice %arg8[%dma_wait3A, %dma_wait3A_65] : memref<3x2000xi32, #tpu.memory_space<vmem>> -> memref<1x2000xi32, #tpu.memory_space<vmem>>
    %dma_wait3A_67 = tpu.memref_squeeze %dma_wait3A_66 : memref<1x2000xi32, #tpu.memory_space<vmem>> -> memref<2000xi32, #tpu.memory_space<vmem>>
    %dma_wait3A_68 = arith.constant 0 : i32
    %dma_wait3A_69 = arith.constant 0 : i32
    %dma_wait3A_70 = tpu.memref_slice %arg2[%dma_wait3A_68, %dma_wait3A_69] : memref<10000x16xf32, #tpu.memory_space<hbm>> -> memref<10000x16xf32, #tpu.memory_space<hbm>>
    tpu.wait_indirect_dma semaphore(%arg12 : memref<!tpu.dma_semaphore, #tpu.memory_space<semaphore_mem>>) src(%dma_wait3A_70 : memref<10000x16xf32, #tpu.memory_space<hbm>>) dst(%dma_wait3A_64 : memref<2000x16xf32, #tpu.memory_space<vmem>>)
    %dma_start3A_71 = arith.constant 0 : i32
    %dma_start3A_72 = arith.constant 0 : i32
    %dma_start3A_73 = arith.constant 0 : i32
    %dma_start3A_74 = arith.constant 0 : i32
    %dma_start3A_75 = tpu.memref_slice %arg10[%dma_start3A_71, %dma_start3A_73, %dma_start3A_74] : memref<3x2000x16xf32, #tpu.memory_space<vmem>> -> memref<1x2000x16xf32, #tpu.memory_space<vmem>>
    %dma_start3A_76 = tpu.memref_squeeze %dma_start3A_75 : memref<1x2000x16xf32, #tpu.memory_space<vmem>> -> memref<2000x16xf32, #tpu.memory_space<vmem>>
    %dma_start3A_77 = arith.constant 0 : i32
    %dma_start3A_78 = tpu.memref_slice %arg9[%dma_start3A_72, %dma_start3A_77] : memref<3x2000xi32, #tpu.memory_space<vmem>> -> memref<1x2000xi32, #tpu.memory_space<vmem>>
    %dma_start3A_79 = tpu.memref_squeeze %dma_start3A_78 : memref<1x2000xi32, #tpu.memory_space<vmem>> -> memref<2000xi32, #tpu.memory_space<vmem>>
    %dma_start3A_80 = arith.constant 0 : i32
    %dma_start3A_81 = arith.constant 0 : i32
    %dma_start3A_82 = tpu.memref_slice %arg18[%dma_start3A_80, %dma_start3A_81] : memref<10240x16xf32, #tpu.memory_space<vmem_shared>> -> memref<10240x16xf32, #tpu.memory_space<vmem_shared>>
    tpu.enqueue_indirect_dma source(%dma_start3A_76 : memref<2000x16xf32, #tpu.memory_space<vmem>>) target(%dma_start3A_82 : memref<10240x16xf32, #tpu.memory_space<vmem_shared>>) offsets(%dma_start3A_79 : memref<2000xi32, #tpu.memory_space<vmem>>) semaphore(%arg15 : memref<!tpu.dma_semaphore, #tpu.memory_space<semaphore_mem>>) {add = true}
    %scan3A = arith.constant 0 : i32
    %scan3A_83 = arith.constant 0 : i32
    %scan3A_84 = arith.constant 124 : i32
    %scan3A_85 = arith.addi %scan3A_83, %scan3A_84 : i32
    %scan3A_86 = arith.constant 4 : i32
    scf.for %scan3A_352 = %scan3A_83 to %scan3A_85 step %scan3A_86  : i32 {
      %mul3A_353 = arith.constant 16 : i32
      %mul3A_354 = arith.muli %scan3A_352, %mul3A_353 : i32
      %multiple_of3A_355 = tpu.assume_multiple %mul3A_354, 16 : i32
      %get3A_356 = arith.constant 0 : i32
      %get3A_357 = arith.index_cast %get3A_356 : i32 to index
      %get3A_358 = arith.index_cast %multiple_of3A_355 : i32 to index
      %get3A_359 = tpu.vector_load %arg8[%get3A_357, %get3A_358] {strides = array<i32>} : memref<3x2000xi32, #tpu.memory_space<vmem>>, vector<16xi32>,
      tpu.vector_store_idx %arg11[%get3A_359], %broadcast_in_dim3A_6 {add = true} : memref<10240xf32, #tpu.memory_space<vmem>>[vector<16xi32>], vector<16xf32>,
      %scan3A_360 = arith.constant 1 : i32
      %scan3A_361 = arith.addi %scan3A_352, %scan3A_360 : i32
      %mul3A_362 = arith.constant 16 : i32
      %mul3A_363 = arith.muli %scan3A_361, %mul3A_362 : i32
      %multiple_of3A_364 = tpu.assume_multiple %mul3A_363, 16 : i32
      %get3A_365 = arith.constant 0 : i32
      %get3A_366 = arith.index_cast %get3A_365 : i32 to index
      %get3A_367 = arith.index_cast %multiple_of3A_364 : i32 to index
      %get3A_368 = tpu.vector_load %arg8[%get3A_366, %get3A_367] {strides = array<i32>} : memref<3x2000xi32, #tpu.memory_space<vmem>>, vector<16xi32>,
      tpu.vector_store_idx %arg11[%get3A_368], %broadcast_in_dim3A_6 {add = true} : memref<10240xf32, #tpu.memory_space<vmem>>[vector<16xi32>], vector<16xf32>,
      %scan3A_369 = arith.constant 2 : i32
      %scan3A_370 = arith.addi %scan3A_352, %scan3A_369 : i32
      %mul3A_371 = arith.constant 16 : i32
      %mul3A_372 = arith.muli %scan3A_370, %mul3A_371 : i32
      %multiple_of3A_373 = tpu.assume_multiple %mul3A_372, 16 : i32
      %get3A_374 = arith.constant 0 : i32
      %get3A_375 = arith.index_cast %get3A_374 : i32 to index
      %get3A_376 = arith.index_cast %multiple_of3A_373 : i32 to index
      %get3A_377 = tpu.vector_load %arg8[%get3A_375, %get3A_376] {strides = array<i32>} : memref<3x2000xi32, #tpu.memory_space<vmem>>, vector<16xi32>,
      tpu.vector_store_idx %arg11[%get3A_377], %broadcast_in_dim3A_6 {add = true} : memref<10240xf32, #tpu.memory_space<vmem>>[vector<16xi32>], vector<16xf32>,
      %scan3A_378 = arith.constant 3 : i32
      %scan3A_379 = arith.addi %scan3A_352, %scan3A_378 : i32
      %mul3A_380 = arith.constant 16 : i32
      %mul3A_381 = arith.muli %scan3A_379, %mul3A_380 : i32
      %multiple_of3A_382 = tpu.assume_multiple %mul3A_381, 16 : i32
      %get3A_383 = arith.constant 0 : i32
      %get3A_384 = arith.index_cast %get3A_383 : i32 to index
      %get3A_385 = arith.index_cast %multiple_of3A_382 : i32 to index
      %get3A_386 = tpu.vector_load %arg8[%get3A_384, %get3A_385] {strides = array<i32>} : memref<3x2000xi32, #tpu.memory_space<vmem>>, vector<16xi32>,
      tpu.vector_store_idx %arg11[%get3A_386], %broadcast_in_dim3A_6 {add = true} : memref<10240xf32, #tpu.memory_space<vmem>>[vector<16xi32>], vector<16xf32>,
    }
    %scan3A_87 = arith.constant 124 : i32
    %scan3A_88 = arith.addi %scan3A_83, %scan3A_87 : i32
    %mul3A_89 = arith.constant 16 : i32
    %mul3A_90 = arith.muli %scan3A_88, %mul3A_89 : i32
    %multiple_of3A = tpu.assume_multiple %mul3A_90, 16 : i32
    %get3A = arith.constant 0 : i32
    %get3A_91 = arith.index_cast %get3A : i32 to index
    %get3A_92 = arith.index_cast %multiple_of3A : i32 to index
    %get3A_93 = tpu.vector_load %arg8[%get3A_91, %get3A_92] {strides = array<i32>} : memref<3x2000xi32, #tpu.memory_space<vmem>>, vector<16xi32>,
    tpu.vector_store_idx %arg11[%get3A_93], %broadcast_in_dim3A_6 {add = true} : memref<10240xf32, #tpu.memory_space<vmem>>[vector<16xi32>], vector<16xf32>,
    %scan3A_94 = arith.constant 125 : i32
    %dma_wait3A_95 = arith.constant 0 : i32
    %dma_wait3A_96 = arith.constant 0 : i32
    %dma_wait3A_97 = arith.constant 0 : i32
    %dma_wait3A_98 = arith.constant 0 : i32
    %dma_wait3A_99 = tpu.memref_slice %arg10[%dma_wait3A_95, %dma_wait3A_97, %dma_wait3A_98] : memref<3x2000x16xf32, #tpu.memory_space<vmem>> -> memref<1x2000x16xf32, #tpu.memory_space<vmem>>
    %dma_wait3A_100 = tpu.memref_squeeze %dma_wait3A_99 : memref<1x2000x16xf32, #tpu.memory_space<vmem>> -> memref<2000x16xf32, #tpu.memory_space<vmem>>
    %dma_wait3A_101 = arith.constant 0 : i32
    %dma_wait3A_102 = tpu.memref_slice %arg9[%dma_wait3A_96, %dma_wait3A_101] : memref<3x2000xi32, #tpu.memory_space<vmem>> -> memref<1x2000xi32, #tpu.memory_space<vmem>>
    %dma_wait3A_103 = tpu.memref_squeeze %dma_wait3A_102 : memref<1x2000xi32, #tpu.memory_space<vmem>> -> memref<2000xi32, #tpu.memory_space<vmem>>
    %dma_wait3A_104 = arith.constant 0 : i32
    %dma_wait3A_105 = arith.constant 0 : i32
    %dma_wait3A_106 = tpu.memref_slice %arg18[%dma_wait3A_104, %dma_wait3A_105] : memref<10240x16xf32, #tpu.memory_space<vmem_shared>> -> memref<10240x16xf32, #tpu.memory_space<vmem_shared>>
    tpu.wait_indirect_dma semaphore(%arg15 : memref<!tpu.dma_semaphore, #tpu.memory_space<semaphore_mem>>) src(%dma_wait3A_100 : memref<2000x16xf32, #tpu.memory_space<vmem>>) dst(%dma_wait3A_106 : memref<10240x16xf32, #tpu.memory_space<vmem_shared>>)
    %add3A_107 = arith.constant 6000 : i32
    %add3A_108 = arith.addi %mul3A_5, %add3A_107 : i32
    %run_scoped3A_109 = arith.constant 0 : i32
    %run_scoped3A_110 = arith.constant 0 : i32
    "tpu.region"() ({
      %run_scoped3A_352 = tpu.sem_alloc : memref<!tpu.dma_semaphore, #tpu.memory_space<semaphore_mem>>
      %dma_start3A_353 = arith.constant 0 : i32
      %dma_start3A_354 = tpu.memref_slice %arg8[%run_scoped3A_110, %dma_start3A_353] : memref<3x2000xi32, #tpu.memory_space<vmem>> -> memref<1x2000xi32, #tpu.memory_space<vmem>>
      %dma_start3A_355 = tpu.memref_squeeze %dma_start3A_354 : memref<1x2000xi32, #tpu.memory_space<vmem>> -> memref<2000xi32, #tpu.memory_space<vmem>>
      %dma_start3A_356 = tpu.memref_slice %arg3[%run_scoped3A_109, %add3A_108] : memref<2x320000xi32, #tpu.memory_space<hbm>> -> memref<1x2000xi32, #tpu.memory_space<hbm>>
      %dma_start3A_357 = tpu.memref_squeeze %dma_start3A_356 : memref<1x2000xi32, #tpu.memory_space<hbm>> -> memref<2000xi32, #tpu.memory_space<hbm>>
      %dma_start3A_358 = arith.constant 0 : i32
      %dma_start3A_359 = tpu.memref_slice %arg8[%run_scoped3A_110, %dma_start3A_358] : memref<3x2000xi32, #tpu.memory_space<vmem>> -> memref<1x2000xi32, #tpu.memory_space<vmem>>
      %dma_start3A_360 = tpu.memref_squeeze %dma_start3A_359 : memref<1x2000xi32, #tpu.memory_space<vmem>> -> memref<2000xi32, #tpu.memory_space<vmem>>
      %dma_start3A_361 = tpu.memref_slice %arg3[%run_scoped3A_109, %add3A_108] : memref<2x320000xi32, #tpu.memory_space<hbm>> -> memref<1x2000xi32, #tpu.memory_space<hbm>>
      %dma_start3A_362 = tpu.memref_squeeze %dma_start3A_361 : memref<1x2000xi32, #tpu.memory_space<hbm>> -> memref<2000xi32, #tpu.memory_space<hbm>>
      tpu.enqueue_dma source(%dma_start3A_362 : memref<2000xi32, #tpu.memory_space<hbm>>) target(%dma_start3A_360 : memref<2000xi32, #tpu.memory_space<vmem>>) target_semaphore(%run_scoped3A_352 : memref<!tpu.dma_semaphore, #tpu.memory_space<semaphore_mem>>)
      %dma_wait3A_363 = arith.constant 0 : i32
      %dma_wait3A_364 = tpu.memref_slice %arg8[%run_scoped3A_110, %dma_wait3A_363] : memref<3x2000xi32, #tpu.memory_space<vmem>> -> memref<1x2000xi32, #tpu.memory_space<vmem>>
      %dma_wait3A_365 = tpu.memref_squeeze %dma_wait3A_364 : memref<1x2000xi32, #tpu.memory_space<vmem>> -> memref<2000xi32, #tpu.memory_space<vmem>>
      %dma_wait3A_366 = tpu.memref_slice %arg3[%run_scoped3A_109, %add3A_108] : memref<2x320000xi32, #tpu.memory_space<hbm>> -> memref<1x2000xi32, #tpu.memory_space<hbm>>
      %dma_wait3A_367 = tpu.memref_squeeze %dma_wait3A_366 : memref<1x2000xi32, #tpu.memory_space<hbm>> -> memref<2000xi32, #tpu.memory_space<hbm>>
      %dma_wait3A_368 = arith.constant 0 : i32
      %dma_wait3A_369 = tpu.memref_slice %arg8[%run_scoped3A_110, %dma_wait3A_368] : memref<3x2000xi32, #tpu.memory_space<vmem>> -> memref<1x2000xi32, #tpu.memory_space<vmem>>
      %dma_wait3A_370 = tpu.memref_squeeze %dma_wait3A_369 : memref<1x2000xi32, #tpu.memory_space<vmem>> -> memref<2000xi32, #tpu.memory_space<vmem>>
      %dma_wait3A_371 = tpu.memref_slice %arg3[%run_scoped3A_109, %add3A_108] : memref<2x320000xi32, #tpu.memory_space<hbm>> -> memref<1x2000xi32, #tpu.memory_space<hbm>>
      %dma_wait3A_372 = tpu.memref_squeeze %dma_wait3A_371 : memref<1x2000xi32, #tpu.memory_space<hbm>> -> memref<2000xi32, #tpu.memory_space<hbm>>
      tpu.wait_dma2 semaphore(%run_scoped3A_352 : memref<!tpu.dma_semaphore, #tpu.memory_space<semaphore_mem>>) src(%dma_wait3A_372 : memref<2000xi32, #tpu.memory_space<hbm>>) dst(%dma_wait3A_370 : memref<2000xi32, #tpu.memory_space<vmem>>)
      tpu.yield
    }) : () -> ()
    %run_scoped3A_111 = arith.constant 1 : i32
    %run_scoped3A_112 = arith.constant 0 : i32
    "tpu.region"() ({
      %run_scoped3A_352 = tpu.sem_alloc : memref<!tpu.dma_semaphore, #tpu.memory_space<semaphore_mem>>
      %dma_start3A_353 = arith.constant 0 : i32
      %dma_start3A_354 = tpu.memref_slice %arg9[%run_scoped3A_112, %dma_start3A_353] : memref<3x2000xi32, #tpu.memory_space<vmem>> -> memref<1x2000xi32, #tpu.memory_space<vmem>>
      %dma_start3A_355 = tpu.memref_squeeze %dma_start3A_354 : memref<1x2000xi32, #tpu.memory_space<vmem>> -> memref<2000xi32, #tpu.memory_space<vmem>>
      %dma_start3A_356 = tpu.memref_slice %arg3[%run_scoped3A_111, %add3A_108] : memref<2x320000xi32, #tpu.memory_space<hbm>> -> memref<1x2000xi32, #tpu.memory_space<hbm>>
      %dma_start3A_357 = tpu.memref_squeeze %dma_start3A_356 : memref<1x2000xi32, #tpu.memory_space<hbm>> -> memref<2000xi32, #tpu.memory_space<hbm>>
      %dma_start3A_358 = arith.constant 0 : i32
      %dma_start3A_359 = tpu.memref_slice %arg9[%run_scoped3A_112, %dma_start3A_358] : memref<3x2000xi32, #tpu.memory_space<vmem>> -> memref<1x2000xi32, #tpu.memory_space<vmem>>
      %dma_start3A_360 = tpu.memref_squeeze %dma_start3A_359 : memref<1x2000xi32, #tpu.memory_space<vmem>> -> memref<2000xi32, #tpu.memory_space<vmem>>
      %dma_start3A_361 = tpu.memref_slice %arg3[%run_scoped3A_111, %add3A_108] : memref<2x320000xi32, #tpu.memory_space<hbm>> -> memref<1x2000xi32, #tpu.memory_space<hbm>>
      %dma_start3A_362 = tpu.memref_squeeze %dma_start3A_361 : memref<1x2000xi32, #tpu.memory_space<hbm>> -> memref<2000xi32, #tpu.memory_space<hbm>>
      tpu.enqueue_dma source(%dma_start3A_362 : memref<2000xi32, #tpu.memory_space<hbm>>) target(%dma_start3A_360 : memref<2000xi32, #tpu.memory_space<vmem>>) target_semaphore(%run_scoped3A_352 : memref<!tpu.dma_semaphore, #tpu.memory_space<semaphore_mem>>)
      %dma_wait3A_363 = arith.constant 0 : i32
      %dma_wait3A_364 = tpu.memref_slice %arg9[%run_scoped3A_112, %dma_wait3A_363] : memref<3x2000xi32, #tpu.memory_space<vmem>> -> memref<1x2000xi32, #tpu.memory_space<vmem>>
      %dma_wait3A_365 = tpu.memref_squeeze %dma_wait3A_364 : memref<1x2000xi32, #tpu.memory_space<vmem>> -> memref<2000xi32, #tpu.memory_space<vmem>>
      %dma_wait3A_366 = tpu.memref_slice %arg3[%run_scoped3A_111, %add3A_108] : memref<2x320000xi32, #tpu.memory_space<hbm>> -> memref<1x2000xi32, #tpu.memory_space<hbm>>
      %dma_wait3A_367 = tpu.memref_squeeze %dma_wait3A_366 : memref<1x2000xi32, #tpu.memory_space<hbm>> -> memref<2000xi32, #tpu.memory_space<hbm>>
      %dma_wait3A_368 = arith.constant 0 : i32
      %dma_wait3A_369 = tpu.memref_slice %arg9[%run_scoped3A_112, %dma_wait3A_368] : memref<3x2000xi32, #tpu.memory_space<vmem>> -> memref<1x2000xi32, #tpu.memory_space<vmem>>
      %dma_wait3A_370 = tpu.memref_squeeze %dma_wait3A_369 : memref<1x2000xi32, #tpu.memory_space<vmem>> -> memref<2000xi32, #tpu.memory_space<vmem>>
      %dma_wait3A_371 = tpu.memref_slice %arg3[%run_scoped3A_111, %add3A_108] : memref<2x320000xi32, #tpu.memory_space<hbm>> -> memref<1x2000xi32, #tpu.memory_space<hbm>>
      %dma_wait3A_372 = tpu.memref_squeeze %dma_wait3A_371 : memref<1x2000xi32, #tpu.memory_space<hbm>> -> memref<2000xi32, #tpu.memory_space<hbm>>
      tpu.wait_dma2 semaphore(%run_scoped3A_352 : memref<!tpu.dma_semaphore, #tpu.memory_space<semaphore_mem>>) src(%dma_wait3A_372 : memref<2000xi32, #tpu.memory_space<hbm>>) dst(%dma_wait3A_370 : memref<2000xi32, #tpu.memory_space<vmem>>)
      tpu.yield
    }) : () -> ()
    %dma_start3A_113 = arith.constant 0 : i32
    %dma_start3A_114 = arith.constant 0 : i32
    %dma_start3A_115 = arith.constant 0 : i32
    %dma_start3A_116 = arith.constant 0 : i32
    %dma_start3A_117 = tpu.memref_slice %arg10[%dma_start3A_114, %dma_start3A_115, %dma_start3A_116] : memref<3x2000x16xf32, #tpu.memory_space<vmem>> -> memref<1x2000x16xf32, #tpu.memory_space<vmem>>
    %dma_start3A_118 = tpu.memref_squeeze %dma_start3A_117 : memref<1x2000x16xf32, #tpu.memory_space<vmem>> -> memref<2000x16xf32, #tpu.memory_space<vmem>>
    %dma_start3A_119 = arith.constant 0 : i32
    %dma_start3A_120 = tpu.memref_slice %arg8[%dma_start3A_113, %dma_start3A_119] : memref<3x2000xi32, #tpu.memory_space<vmem>> -> memref<1x2000xi32, #tpu.memory_space<vmem>>
    %dma_start3A_121 = tpu.memref_squeeze %dma_start3A_120 : memref<1x2000xi32, #tpu.memory_space<vmem>> -> memref<2000xi32, #tpu.memory_space<vmem>>
    %dma_start3A_122 = arith.constant 0 : i32
    %dma_start3A_123 = arith.constant 0 : i32
    %dma_start3A_124 = tpu.memref_slice %arg2[%dma_start3A_122, %dma_start3A_123] : memref<10000x16xf32, #tpu.memory_space<hbm>> -> memref<10000x16xf32, #tpu.memory_space<hbm>>
    tpu.enqueue_indirect_dma source(%dma_start3A_124 : memref<10000x16xf32, #tpu.memory_space<hbm>>) target(%dma_start3A_118 : memref<2000x16xf32, #tpu.memory_space<vmem>>) offsets(%dma_start3A_121 : memref<2000xi32, #tpu.memory_space<vmem>>) semaphore(%arg12 : memref<!tpu.dma_semaphore, #tpu.memory_space<semaphore_mem>>)
    %dma_wait3A_125 = arith.constant 1 : i32
    %dma_wait3A_126 = arith.constant 1 : i32
    %dma_wait3A_127 = arith.constant 0 : i32
    %dma_wait3A_128 = arith.constant 0 : i32
    %dma_wait3A_129 = tpu.memref_slice %arg10[%dma_wait3A_126, %dma_wait3A_127, %dma_wait3A_128] : memref<3x2000x16xf32, #tpu.memory_space<vmem>> -> memref<1x2000x16xf32, #tpu.memory_space<vmem>>
    %dma_wait3A_130 = tpu.memref_squeeze %dma_wait3A_129 : memref<1x2000x16xf32, #tpu.memory_space<vmem>> -> memref<2000x16xf32, #tpu.memory_space<vmem>>
    %dma_wait3A_131 = arith.constant 0 : i32
    %dma_wait3A_132 = tpu.memref_slice %arg8[%dma_wait3A_125, %dma_wait3A_131] : memref<3x2000xi32, #tpu.memory_space<vmem>> -> memref<1x2000xi32, #tpu.memory_space<vmem>>
    %dma_wait3A_133 = tpu.memref_squeeze %dma_wait3A_132 : memref<1x2000xi32, #tpu.memory_space<vmem>> -> memref<2000xi32, #tpu.memory_space<vmem>>
    %dma_wait3A_134 = arith.constant 0 : i32
    %dma_wait3A_135 = arith.constant 0 : i32
    %dma_wait3A_136 = tpu.memref_slice %arg2[%dma_wait3A_134, %dma_wait3A_135] : memref<10000x16xf32, #tpu.memory_space<hbm>> -> memref<10000x16xf32, #tpu.memory_space<hbm>>
    tpu.wait_indirect_dma semaphore(%arg13 : memref<!tpu.dma_semaphore, #tpu.memory_space<semaphore_mem>>) src(%dma_wait3A_136 : memref<10000x16xf32, #tpu.memory_space<hbm>>) dst(%dma_wait3A_130 : memref<2000x16xf32, #tpu.memory_space<vmem>>)
    %dma_start3A_137 = arith.constant 1 : i32
    %dma_start3A_138 = arith.constant 1 : i32
    %dma_start3A_139 = arith.constant 0 : i32
    %dma_start3A_140 = arith.constant 0 : i32
    %dma_start3A_141 = tpu.memref_slice %arg10[%dma_start3A_137, %dma_start3A_139, %dma_start3A_140] : memref<3x2000x16xf32, #tpu.memory_space<vmem>> -> memref<1x2000x16xf32, #tpu.memory_space<vmem>>
    %dma_start3A_142 = tpu.memref_squeeze %dma_start3A_141 : memref<1x2000x16xf32, #tpu.memory_space<vmem>> -> memref<2000x16xf32, #tpu.memory_space<vmem>>
    %dma_start3A_143 = arith.constant 0 : i32
    %dma_start3A_144 = tpu.memref_slice %arg9[%dma_start3A_138, %dma_start3A_143] : memref<3x2000xi32, #tpu.memory_space<vmem>> -> memref<1x2000xi32, #tpu.memory_space<vmem>>
    %dma_start3A_145 = tpu.memref_squeeze %dma_start3A_144 : memref<1x2000xi32, #tpu.memory_space<vmem>> -> memref<2000xi32, #tpu.memory_space<vmem>>
    %dma_start3A_146 = arith.constant 0 : i32
    %dma_start3A_147 = arith.constant 0 : i32
    %dma_start3A_148 = tpu.memref_slice %arg18[%dma_start3A_146, %dma_start3A_147] : memref<10240x16xf32, #tpu.memory_space<vmem_shared>> -> memref<10240x16xf32, #tpu.memory_space<vmem_shared>>
    tpu.enqueue_indirect_dma source(%dma_start3A_142 : memref<2000x16xf32, #tpu.memory_space<vmem>>) target(%dma_start3A_148 : memref<10240x16xf32, #tpu.memory_space<vmem_shared>>) offsets(%dma_start3A_145 : memref<2000xi32, #tpu.memory_space<vmem>>) semaphore(%arg16 : memref<!tpu.dma_semaphore, #tpu.memory_space<semaphore_mem>>) {add = true}
    %scan3A_149 = arith.constant 0 : i32
    %scan3A_150 = arith.constant 0 : i32
    %scan3A_151 = arith.constant 124 : i32
    %scan3A_152 = arith.addi %scan3A_150, %scan3A_151 : i32
    %scan3A_153 = arith.constant 4 : i32
    scf.for %scan3A_352 = %scan3A_150 to %scan3A_152 step %scan3A_153  : i32 {
      %mul3A_353 = arith.constant 16 : i32
      %mul3A_354 = arith.muli %scan3A_352, %mul3A_353 : i32
      %multiple_of3A_355 = tpu.assume_multiple %mul3A_354, 16 : i32
      %get3A_356 = arith.constant 1 : i32
      %get3A_357 = arith.index_cast %get3A_356 : i32 to index
      %get3A_358 = arith.index_cast %multiple_of3A_355 : i32 to index
      %get3A_359 = tpu.vector_load %arg8[%get3A_357, %get3A_358] {strides = array<i32>} : memref<3x2000xi32, #tpu.memory_space<vmem>>, vector<16xi32>,
      tpu.vector_store_idx %arg11[%get3A_359], %broadcast_in_dim3A_6 {add = true} : memref<10240xf32, #tpu.memory_space<vmem>>[vector<16xi32>], vector<16xf32>,
      %scan3A_360 = arith.constant 1 : i32
      %scan3A_361 = arith.addi %scan3A_352, %scan3A_360 : i32
      %mul3A_362 = arith.constant 16 : i32
      %mul3A_363 = arith.muli %scan3A_361, %mul3A_362 : i32
      %multiple_of3A_364 = tpu.assume_multiple %mul3A_363, 16 : i32
      %get3A_365 = arith.constant 1 : i32
      %get3A_366 = arith.index_cast %get3A_365 : i32 to index
      %get3A_367 = arith.index_cast %multiple_of3A_364 : i32 to index
      %get3A_368 = tpu.vector_load %arg8[%get3A_366, %get3A_367] {strides = array<i32>} : memref<3x2000xi32, #tpu.memory_space<vmem>>, vector<16xi32>,
      tpu.vector_store_idx %arg11[%get3A_368], %broadcast_in_dim3A_6 {add = true} : memref<10240xf32, #tpu.memory_space<vmem>>[vector<16xi32>], vector<16xf32>,
      %scan3A_369 = arith.constant 2 : i32
      %scan3A_370 = arith.addi %scan3A_352, %scan3A_369 : i32
      %mul3A_371 = arith.constant 16 : i32
      %mul3A_372 = arith.muli %scan3A_370, %mul3A_371 : i32
      %multiple_of3A_373 = tpu.assume_multiple %mul3A_372, 16 : i32
      %get3A_374 = arith.constant 1 : i32
      %get3A_375 = arith.index_cast %get3A_374 : i32 to index
      %get3A_376 = arith.index_cast %multiple_of3A_373 : i32 to index
      %get3A_377 = tpu.vector_load %arg8[%get3A_375, %get3A_376] {strides = array<i32>} : memref<3x2000xi32, #tpu.memory_space<vmem>>, vector<16xi32>,
      tpu.vector_store_idx %arg11[%get3A_377], %broadcast_in_dim3A_6 {add = true} : memref<10240xf32, #tpu.memory_space<vmem>>[vector<16xi32>], vector<16xf32>,
      %scan3A_378 = arith.constant 3 : i32
      %scan3A_379 = arith.addi %scan3A_352, %scan3A_378 : i32
      %mul3A_380 = arith.constant 16 : i32
      %mul3A_381 = arith.muli %scan3A_379, %mul3A_380 : i32
      %multiple_of3A_382 = tpu.assume_multiple %mul3A_381, 16 : i32
      %get3A_383 = arith.constant 1 : i32
      %get3A_384 = arith.index_cast %get3A_383 : i32 to index
      %get3A_385 = arith.index_cast %multiple_of3A_382 : i32 to index
      %get3A_386 = tpu.vector_load %arg8[%get3A_384, %get3A_385] {strides = array<i32>} : memref<3x2000xi32, #tpu.memory_space<vmem>>, vector<16xi32>,
      tpu.vector_store_idx %arg11[%get3A_386], %broadcast_in_dim3A_6 {add = true} : memref<10240xf32, #tpu.memory_space<vmem>>[vector<16xi32>], vector<16xf32>,
    }
    %scan3A_154 = arith.constant 124 : i32
    %scan3A_155 = arith.addi %scan3A_150, %scan3A_154 : i32
    %mul3A_156 = arith.constant 16 : i32
    %mul3A_157 = arith.muli %scan3A_155, %mul3A_156 : i32
    %multiple_of3A_158 = tpu.assume_multiple %mul3A_157, 16 : i32
    %get3A_159 = arith.constant 1 : i32
    %get3A_160 = arith.index_cast %get3A_159 : i32 to index
    %get3A_161 = arith.index_cast %multiple_of3A_158 : i32 to index
    %get3A_162 = tpu.vector_load %arg8[%get3A_160, %get3A_161] {strides = array<i32>} : memref<3x2000xi32, #tpu.memory_space<vmem>>, vector<16xi32>,
    tpu.vector_store_idx %arg11[%get3A_162], %broadcast_in_dim3A_6 {add = true} : memref<10240xf32, #tpu.memory_space<vmem>>[vector<16xi32>], vector<16xf32>,
    %scan3A_163 = arith.constant 125 : i32
    %dma_wait3A_164 = arith.constant 1 : i32
    %dma_wait3A_165 = arith.constant 1 : i32
    %dma_wait3A_166 = arith.constant 0 : i32
    %dma_wait3A_167 = arith.constant 0 : i32
    %dma_wait3A_168 = tpu.memref_slice %arg10[%dma_wait3A_164, %dma_wait3A_166, %dma_wait3A_167] : memref<3x2000x16xf32, #tpu.memory_space<vmem>> -> memref<1x2000x16xf32, #tpu.memory_space<vmem>>
    %dma_wait3A_169 = tpu.memref_squeeze %dma_wait3A_168 : memref<1x2000x16xf32, #tpu.memory_space<vmem>> -> memref<2000x16xf32, #tpu.memory_space<vmem>>
    %dma_wait3A_170 = arith.constant 0 : i32
    %dma_wait3A_171 = tpu.memref_slice %arg9[%dma_wait3A_165, %dma_wait3A_170] : memref<3x2000xi32, #tpu.memory_space<vmem>> -> memref<1x2000xi32, #tpu.memory_space<vmem>>
    %dma_wait3A_172 = tpu.memref_squeeze %dma_wait3A_171 : memref<1x2000xi32, #tpu.memory_space<vmem>> -> memref<2000xi32, #tpu.memory_space<vmem>>
    %dma_wait3A_173 = arith.constant 0 : i32
    %dma_wait3A_174 = arith.constant 0 : i32
    %dma_wait3A_175 = tpu.memref_slice %arg18[%dma_wait3A_173, %dma_wait3A_174] : memref<10240x16xf32, #tpu.memory_space<vmem_shared>> -> memref<10240x16xf32, #tpu.memory_space<vmem_shared>>
    tpu.wait_indirect_dma semaphore(%arg16 : memref<!tpu.dma_semaphore, #tpu.memory_space<semaphore_mem>>) src(%dma_wait3A_169 : memref<2000x16xf32, #tpu.memory_space<vmem>>) dst(%dma_wait3A_175 : memref<10240x16xf32, #tpu.memory_space<vmem_shared>>)
    %add3A_176 = arith.constant 8000 : i32
    %add3A_177 = arith.addi %mul3A_5, %add3A_176 : i32
    %run_scoped3A_178 = arith.constant 0 : i32
    %run_scoped3A_179 = arith.constant 1 : i32
    "tpu.region"() ({
      %run_scoped3A_352 = tpu.sem_alloc : memref<!tpu.dma_semaphore, #tpu.memory_space<semaphore_mem>>
      %dma_start3A_353 = arith.constant 0 : i32
      %dma_start3A_354 = tpu.memref_slice %arg8[%run_scoped3A_179, %dma_start3A_353] : memref<3x2000xi32, #tpu.memory_space<vmem>> -> memref<1x2000xi32, #tpu.memory_space<vmem>>
      %dma_start3A_355 = tpu.memref_squeeze %dma_start3A_354 : memref<1x2000xi32, #tpu.memory_space<vmem>> -> memref<2000xi32, #tpu.memory_space<vmem>>
      %dma_start3A_356 = tpu.memref_slice %arg3[%run_scoped3A_178, %add3A_177] : memref<2x320000xi32, #tpu.memory_space<hbm>> -> memref<1x2000xi32, #tpu.memory_space<hbm>>
      %dma_start3A_357 = tpu.memref_squeeze %dma_start3A_356 : memref<1x2000xi32, #tpu.memory_space<hbm>> -> memref<2000xi32, #tpu.memory_space<hbm>>
      %dma_start3A_358 = arith.constant 0 : i32
      %dma_start3A_359 = tpu.memref_slice %arg8[%run_scoped3A_179, %dma_start3A_358] : memref<3x2000xi32, #tpu.memory_space<vmem>> -> memref<1x2000xi32, #tpu.memory_space<vmem>>
      %dma_start3A_360 = tpu.memref_squeeze %dma_start3A_359 : memref<1x2000xi32, #tpu.memory_space<vmem>> -> memref<2000xi32, #tpu.memory_space<vmem>>
      %dma_start3A_361 = tpu.memref_slice %arg3[%run_scoped3A_178, %add3A_177] : memref<2x320000xi32, #tpu.memory_space<hbm>> -> memref<1x2000xi32, #tpu.memory_space<hbm>>
      %dma_start3A_362 = tpu.memref_squeeze %dma_start3A_361 : memref<1x2000xi32, #tpu.memory_space<hbm>> -> memref<2000xi32, #tpu.memory_space<hbm>>
      tpu.enqueue_dma source(%dma_start3A_362 : memref<2000xi32, #tpu.memory_space<hbm>>) target(%dma_start3A_360 : memref<2000xi32, #tpu.memory_space<vmem>>) target_semaphore(%run_scoped3A_352 : memref<!tpu.dma_semaphore, #tpu.memory_space<semaphore_mem>>)
      %dma_wait3A_363 = arith.constant 0 : i32
      %dma_wait3A_364 = tpu.memref_slice %arg8[%run_scoped3A_179, %dma_wait3A_363] : memref<3x2000xi32, #tpu.memory_space<vmem>> -> memref<1x2000xi32, #tpu.memory_space<vmem>>
      %dma_wait3A_365 = tpu.memref_squeeze %dma_wait3A_364 : memref<1x2000xi32, #tpu.memory_space<vmem>> -> memref<2000xi32, #tpu.memory_space<vmem>>
      %dma_wait3A_366 = tpu.memref_slice %arg3[%run_scoped3A_178, %add3A_177] : memref<2x320000xi32, #tpu.memory_space<hbm>> -> memref<1x2000xi32, #tpu.memory_space<hbm>>
      %dma_wait3A_367 = tpu.memref_squeeze %dma_wait3A_366 : memref<1x2000xi32, #tpu.memory_space<hbm>> -> memref<2000xi32, #tpu.memory_space<hbm>>
      %dma_wait3A_368 = arith.constant 0 : i32
      %dma_wait3A_369 = tpu.memref_slice %arg8[%run_scoped3A_179, %dma_wait3A_368] : memref<3x2000xi32, #tpu.memory_space<vmem>> -> memref<1x2000xi32, #tpu.memory_space<vmem>>
      %dma_wait3A_370 = tpu.memref_squeeze %dma_wait3A_369 : memref<1x2000xi32, #tpu.memory_space<vmem>> -> memref<2000xi32, #tpu.memory_space<vmem>>
      %dma_wait3A_371 = tpu.memref_slice %arg3[%run_scoped3A_178, %add3A_177] : memref<2x320000xi32, #tpu.memory_space<hbm>> -> memref<1x2000xi32, #tpu.memory_space<hbm>>
      %dma_wait3A_372 = tpu.memref_squeeze %dma_wait3A_371 : memref<1x2000xi32, #tpu.memory_space<hbm>> -> memref<2000xi32, #tpu.memory_space<hbm>>
      tpu.wait_dma2 semaphore(%run_scoped3A_352 : memref<!tpu.dma_semaphore, #tpu.memory_space<semaphore_mem>>) src(%dma_wait3A_372 : memref<2000xi32, #tpu.memory_space<hbm>>) dst(%dma_wait3A_370 : memref<2000xi32, #tpu.memory_space<vmem>>)
      tpu.yield
    }) : () -> ()
    %run_scoped3A_180 = arith.constant 1 : i32
    %run_scoped3A_181 = arith.constant 1 : i32
    "tpu.region"() ({
      %run_scoped3A_352 = tpu.sem_alloc : memref<!tpu.dma_semaphore, #tpu.memory_space<semaphore_mem>>
      %dma_start3A_353 = arith.constant 0 : i32
      %dma_start3A_354 = tpu.memref_slice %arg9[%run_scoped3A_181, %dma_start3A_353] : memref<3x2000xi32, #tpu.memory_space<vmem>> -> memref<1x2000xi32, #tpu.memory_space<vmem>>
      %dma_start3A_355 = tpu.memref_squeeze %dma_start3A_354 : memref<1x2000xi32, #tpu.memory_space<vmem>> -> memref<2000xi32, #tpu.memory_space<vmem>>
      %dma_start3A_356 = tpu.memref_slice %arg3[%run_scoped3A_180, %add3A_177] : memref<2x320000xi32, #tpu.memory_space<hbm>> -> memref<1x2000xi32, #tpu.memory_space<hbm>>
      %dma_start3A_357 = tpu.memref_squeeze %dma_start3A_356 : memref<1x2000xi32, #tpu.memory_space<hbm>> -> memref<2000xi32, #tpu.memory_space<hbm>>
      %dma_start3A_358 = arith.constant 0 : i32
      %dma_start3A_359 = tpu.memref_slice %arg9[%run_scoped3A_181, %dma_start3A_358] : memref<3x2000xi32, #tpu.memory_space<vmem>> -> memref<1x2000xi32, #tpu.memory_space<vmem>>
      %dma_start3A_360 = tpu.memref_squeeze %dma_start3A_359 : memref<1x2000xi32, #tpu.memory_space<vmem>> -> memref<2000xi32, #tpu.memory_space<vmem>>
      %dma_start3A_361 = tpu.memref_slice %arg3[%run_scoped3A_180, %add3A_177] : memref<2x320000xi32, #tpu.memory_space<hbm>> -> memref<1x2000xi32, #tpu.memory_space<hbm>>
      %dma_start3A_362 = tpu.memref_squeeze %dma_start3A_361 : memref<1x2000xi32, #tpu.memory_space<hbm>> -> memref<2000xi32, #tpu.memory_space<hbm>>
      tpu.enqueue_dma source(%dma_start3A_362 : memref<2000xi32, #tpu.memory_space<hbm>>) target(%dma_start3A_360 : memref<2000xi32, #tpu.memory_space<vmem>>) target_semaphore(%run_scoped3A_352 : memref<!tpu.dma_semaphore, #tpu.memory_space<semaphore_mem>>)
      %dma_wait3A_363 = arith.constant 0 : i32
      %dma_wait3A_364 = tpu.memref_slice %arg9[%run_scoped3A_181, %dma_wait3A_363] : memref<3x2000xi32, #tpu.memory_space<vmem>> -> memref<1x2000xi32, #tpu.memory_space<vmem>>
      %dma_wait3A_365 = tpu.memref_squeeze %dma_wait3A_364 : memref<1x2000xi32, #tpu.memory_space<vmem>> -> memref<2000xi32, #tpu.memory_space<vmem>>
      %dma_wait3A_366 = tpu.memref_slice %arg3[%run_scoped3A_180, %add3A_177] : memref<2x320000xi32, #tpu.memory_space<hbm>> -> memref<1x2000xi32, #tpu.memory_space<hbm>>
      %dma_wait3A_367 = tpu.memref_squeeze %dma_wait3A_366 : memref<1x2000xi32, #tpu.memory_space<hbm>> -> memref<2000xi32, #tpu.memory_space<hbm>>
      %dma_wait3A_368 = arith.constant 0 : i32
      %dma_wait3A_369 = tpu.memref_slice %arg9[%run_scoped3A_181, %dma_wait3A_368] : memref<3x2000xi32, #tpu.memory_space<vmem>> -> memref<1x2000xi32, #tpu.memory_space<vmem>>
      %dma_wait3A_370 = tpu.memref_squeeze %dma_wait3A_369 : memref<1x2000xi32, #tpu.memory_space<vmem>> -> memref<2000xi32, #tpu.memory_space<vmem>>
      %dma_wait3A_371 = tpu.memref_slice %arg3[%run_scoped3A_180, %add3A_177] : memref<2x320000xi32, #tpu.memory_space<hbm>> -> memref<1x2000xi32, #tpu.memory_space<hbm>>
      %dma_wait3A_372 = tpu.memref_squeeze %dma_wait3A_371 : memref<1x2000xi32, #tpu.memory_space<hbm>> -> memref<2000xi32, #tpu.memory_space<hbm>>
      tpu.wait_dma2 semaphore(%run_scoped3A_352 : memref<!tpu.dma_semaphore, #tpu.memory_space<semaphore_mem>>) src(%dma_wait3A_372 : memref<2000xi32, #tpu.memory_space<hbm>>) dst(%dma_wait3A_370 : memref<2000xi32, #tpu.memory_space<vmem>>)
      tpu.yield
    }) : () -> ()
    %dma_start3A_182 = arith.constant 1 : i32
    %dma_start3A_183 = arith.constant 1 : i32
    %dma_start3A_184 = arith.constant 0 : i32
    %dma_start3A_185 = arith.constant 0 : i32
    %dma_start3A_186 = tpu.memref_slice %arg10[%dma_start3A_183, %dma_start3A_184, %dma_start3A_185] : memref<3x2000x16xf32, #tpu.memory_space<vmem>> -> memref<1x2000x16xf32, #tpu.memory_space<vmem>>
    %dma_start3A_187 = tpu.memref_squeeze %dma_start3A_186 : memref<1x2000x16xf32, #tpu.memory_space<vmem>> -> memref<2000x16xf32, #tpu.memory_space<vmem>>
    %dma_start3A_188 = arith.constant 0 : i32
    %dma_start3A_189 = tpu.memref_slice %arg8[%dma_start3A_182, %dma_start3A_188] : memref<3x2000xi32, #tpu.memory_space<vmem>> -> memref<1x2000xi32, #tpu.memory_space<vmem>>
    %dma_start3A_190 = tpu.memref_squeeze %dma_start3A_189 : memref<1x2000xi32, #tpu.memory_space<vmem>> -> memref<2000xi32, #tpu.memory_space<vmem>>
    %dma_start3A_191 = arith.constant 0 : i32
    %dma_start3A_192 = arith.constant 0 : i32
    %dma_start3A_193 = tpu.memref_slice %arg2[%dma_start3A_191, %dma_start3A_192] : memref<10000x16xf32, #tpu.memory_space<hbm>> -> memref<10000x16xf32, #tpu.memory_space<hbm>>
    tpu.enqueue_indirect_dma source(%dma_start3A_193 : memref<10000x16xf32, #tpu.memory_space<hbm>>) target(%dma_start3A_187 : memref<2000x16xf32, #tpu.memory_space<vmem>>) offsets(%dma_start3A_190 : memref<2000xi32, #tpu.memory_space<vmem>>) semaphore(%arg13 : memref<!tpu.dma_semaphore, #tpu.memory_space<semaphore_mem>>)
    %dma_wait3A_194 = arith.constant 2 : i32
    %dma_wait3A_195 = arith.constant 2 : i32
    %dma_wait3A_196 = arith.constant 0 : i32
    %dma_wait3A_197 = arith.constant 0 : i32
    %dma_wait3A_198 = tpu.memref_slice %arg10[%dma_wait3A_195, %dma_wait3A_196, %dma_wait3A_197] : memref<3x2000x16xf32, #tpu.memory_space<vmem>> -> memref<1x2000x16xf32, #tpu.memory_space<vmem>>
    %dma_wait3A_199 = tpu.memref_squeeze %dma_wait3A_198 : memref<1x2000x16xf32, #tpu.memory_space<vmem>> -> memref<2000x16xf32, #tpu.memory_space<vmem>>
    %dma_wait3A_200 = arith.constant 0 : i32
    %dma_wait3A_201 = tpu.memref_slice %arg8[%dma_wait3A_194, %dma_wait3A_200] : memref<3x2000xi32, #tpu.memory_space<vmem>> -> memref<1x2000xi32, #tpu.memory_space<vmem>>
    %dma_wait3A_202 = tpu.memref_squeeze %dma_wait3A_201 : memref<1x2000xi32, #tpu.memory_space<vmem>> -> memref<2000xi32, #tpu.memory_space<vmem>>
    %dma_wait3A_203 = arith.constant 0 : i32
    %dma_wait3A_204 = arith.constant 0 : i32
    %dma_wait3A_205 = tpu.memref_slice %arg2[%dma_wait3A_203, %dma_wait3A_204] : memref<10000x16xf32, #tpu.memory_space<hbm>> -> memref<10000x16xf32, #tpu.memory_space<hbm>>
    tpu.wait_indirect_dma semaphore(%arg14 : memref<!tpu.dma_semaphore, #tpu.memory_space<semaphore_mem>>) src(%dma_wait3A_205 : memref<10000x16xf32, #tpu.memory_space<hbm>>) dst(%dma_wait3A_199 : memref<2000x16xf32, #tpu.memory_space<vmem>>)
    %dma_start3A_206 = arith.constant 2 : i32
    %dma_start3A_207 = arith.constant 2 : i32
    %dma_start3A_208 = arith.constant 0 : i32
    %dma_start3A_209 = arith.constant 0 : i32
    %dma_start3A_210 = tpu.memref_slice %arg10[%dma_start3A_206, %dma_start3A_208, %dma_start3A_209] : memref<3x2000x16xf32, #tpu.memory_space<vmem>> -> memref<1x2000x16xf32, #tpu.memory_space<vmem>>
    %dma_start3A_211 = tpu.memref_squeeze %dma_start3A_210 : memref<1x2000x16xf32, #tpu.memory_space<vmem>> -> memref<2000x16xf32, #tpu.memory_space<vmem>>
    %dma_start3A_212 = arith.constant 0 : i32
    %dma_start3A_213 = tpu.memref_slice %arg9[%dma_start3A_207, %dma_start3A_212] : memref<3x2000xi32, #tpu.memory_space<vmem>> -> memref<1x2000xi32, #tpu.memory_space<vmem>>
    %dma_start3A_214 = tpu.memref_squeeze %dma_start3A_213 : memref<1x2000xi32, #tpu.memory_space<vmem>> -> memref<2000xi32, #tpu.memory_space<vmem>>
    %dma_start3A_215 = arith.constant 0 : i32
    %dma_start3A_216 = arith.constant 0 : i32
    %dma_start3A_217 = tpu.memref_slice %arg18[%dma_start3A_215, %dma_start3A_216] : memref<10240x16xf32, #tpu.memory_space<vmem_shared>> -> memref<10240x16xf32, #tpu.memory_space<vmem_shared>>
    tpu.enqueue_indirect_dma source(%dma_start3A_211 : memref<2000x16xf32, #tpu.memory_space<vmem>>) target(%dma_start3A_217 : memref<10240x16xf32, #tpu.memory_space<vmem_shared>>) offsets(%dma_start3A_214 : memref<2000xi32, #tpu.memory_space<vmem>>) semaphore(%arg17 : memref<!tpu.dma_semaphore, #tpu.memory_space<semaphore_mem>>) {add = true}
    %scan3A_218 = arith.constant 0 : i32
    %scan3A_219 = arith.constant 0 : i32
    %scan3A_220 = arith.constant 124 : i32
    %scan3A_221 = arith.addi %scan3A_219, %scan3A_220 : i32
    %scan3A_222 = arith.constant 4 : i32
    scf.for %scan3A_352 = %scan3A_219 to %scan3A_221 step %scan3A_222  : i32 {
      %mul3A_353 = arith.constant 16 : i32
      %mul3A_354 = arith.muli %scan3A_352, %mul3A_353 : i32
      %multiple_of3A_355 = tpu.assume_multiple %mul3A_354, 16 : i32
      %get3A_356 = arith.constant 2 : i32
      %get3A_357 = arith.index_cast %get3A_356 : i32 to index
      %get3A_358 = arith.index_cast %multiple_of3A_355 : i32 to index
      %get3A_359 = tpu.vector_load %arg8[%get3A_357, %get3A_358] {strides = array<i32>} : memref<3x2000xi32, #tpu.memory_space<vmem>>, vector<16xi32>,
      tpu.vector_store_idx %arg11[%get3A_359], %broadcast_in_dim3A_6 {add = true} : memref<10240xf32, #tpu.memory_space<vmem>>[vector<16xi32>], vector<16xf32>,
      %scan3A_360 = arith.constant 1 : i32
      %scan3A_361 = arith.addi %scan3A_352, %scan3A_360 : i32
      %mul3A_362 = arith.constant 16 : i32
      %mul3A_363 = arith.muli %scan3A_361, %mul3A_362 : i32
      %multiple_of3A_364 = tpu.assume_multiple %mul3A_363, 16 : i32
      %get3A_365 = arith.constant 2 : i32
      %get3A_366 = arith.index_cast %get3A_365 : i32 to index
      %get3A_367 = arith.index_cast %multiple_of3A_364 : i32 to index
      %get3A_368 = tpu.vector_load %arg8[%get3A_366, %get3A_367] {strides = array<i32>} : memref<3x2000xi32, #tpu.memory_space<vmem>>, vector<16xi32>,
      tpu.vector_store_idx %arg11[%get3A_368], %broadcast_in_dim3A_6 {add = true} : memref<10240xf32, #tpu.memory_space<vmem>>[vector<16xi32>], vector<16xf32>,
      %scan3A_369 = arith.constant 2 : i32
      %scan3A_370 = arith.addi %scan3A_352, %scan3A_369 : i32
      %mul3A_371 = arith.constant 16 : i32
      %mul3A_372 = arith.muli %scan3A_370, %mul3A_371 : i32
      %multiple_of3A_373 = tpu.assume_multiple %mul3A_372, 16 : i32
      %get3A_374 = arith.constant 2 : i32
      %get3A_375 = arith.index_cast %get3A_374 : i32 to index
      %get3A_376 = arith.index_cast %multiple_of3A_373 : i32 to index
      %get3A_377 = tpu.vector_load %arg8[%get3A_375, %get3A_376] {strides = array<i32>} : memref<3x2000xi32, #tpu.memory_space<vmem>>, vector<16xi32>,
      tpu.vector_store_idx %arg11[%get3A_377], %broadcast_in_dim3A_6 {add = true} : memref<10240xf32, #tpu.memory_space<vmem>>[vector<16xi32>], vector<16xf32>,
      %scan3A_378 = arith.constant 3 : i32
      %scan3A_379 = arith.addi %scan3A_352, %scan3A_378 : i32
      %mul3A_380 = arith.constant 16 : i32
      %mul3A_381 = arith.muli %scan3A_379, %mul3A_380 : i32
      %multiple_of3A_382 = tpu.assume_multiple %mul3A_381, 16 : i32
      %get3A_383 = arith.constant 2 : i32
      %get3A_384 = arith.index_cast %get3A_383 : i32 to index
      %get3A_385 = arith.index_cast %multiple_of3A_382 : i32 to index
      %get3A_386 = tpu.vector_load %arg8[%get3A_384, %get3A_385] {strides = array<i32>} : memref<3x2000xi32, #tpu.memory_space<vmem>>, vector<16xi32>,
      tpu.vector_store_idx %arg11[%get3A_386], %broadcast_in_dim3A_6 {add = true} : memref<10240xf32, #tpu.memory_space<vmem>>[vector<16xi32>], vector<16xf32>,
    }
    %scan3A_223 = arith.constant 124 : i32
    %scan3A_224 = arith.addi %scan3A_219, %scan3A_223 : i32
    %mul3A_225 = arith.constant 16 : i32
    %mul3A_226 = arith.muli %scan3A_224, %mul3A_225 : i32
    %multiple_of3A_227 = tpu.assume_multiple %mul3A_226, 16 : i32
    %get3A_228 = arith.constant 2 : i32
    %get3A_229 = arith.index_cast %get3A_228 : i32 to index
    %get3A_230 = arith.index_cast %multiple_of3A_227 : i32 to index
    %get3A_231 = tpu.vector_load %arg8[%get3A_229, %get3A_230] {strides = array<i32>} : memref<3x2000xi32, #tpu.memory_space<vmem>>, vector<16xi32>,
    tpu.vector_store_idx %arg11[%get3A_231], %broadcast_in_dim3A_6 {add = true} : memref<10240xf32, #tpu.memory_space<vmem>>[vector<16xi32>], vector<16xf32>,
    %scan3A_232 = arith.constant 125 : i32
    %dma_wait3A_233 = arith.constant 0 : i32
    %dma_wait3A_234 = arith.constant 0 : i32
    %dma_wait3A_235 = arith.constant 0 : i32
    %dma_wait3A_236 = arith.constant 0 : i32
    %dma_wait3A_237 = tpu.memref_slice %arg10[%dma_wait3A_234, %dma_wait3A_235, %dma_wait3A_236] : memref<3x2000x16xf32, #tpu.memory_space<vmem>> -> memref<1x2000x16xf32, #tpu.memory_space<vmem>>
    %dma_wait3A_238 = tpu.memref_squeeze %dma_wait3A_237 : memref<1x2000x16xf32, #tpu.memory_space<vmem>> -> memref<2000x16xf32, #tpu.memory_space<vmem>>
    %dma_wait3A_239 = arith.constant 0 : i32
    %dma_wait3A_240 = tpu.memref_slice %arg8[%dma_wait3A_233, %dma_wait3A_239] : memref<3x2000xi32, #tpu.memory_space<vmem>> -> memref<1x2000xi32, #tpu.memory_space<vmem>>
    %dma_wait3A_241 = tpu.memref_squeeze %dma_wait3A_240 : memref<1x2000xi32, #tpu.memory_space<vmem>> -> memref<2000xi32, #tpu.memory_space<vmem>>
    %dma_wait3A_242 = arith.constant 0 : i32
    %dma_wait3A_243 = arith.constant 0 : i32
    %dma_wait3A_244 = tpu.memref_slice %arg2[%dma_wait3A_242, %dma_wait3A_243] : memref<10000x16xf32, #tpu.memory_space<hbm>> -> memref<10000x16xf32, #tpu.memory_space<hbm>>
    tpu.wait_indirect_dma semaphore(%arg12 : memref<!tpu.dma_semaphore, #tpu.memory_space<semaphore_mem>>) src(%dma_wait3A_244 : memref<10000x16xf32, #tpu.memory_space<hbm>>) dst(%dma_wait3A_238 : memref<2000x16xf32, #tpu.memory_space<vmem>>)
    %dma_start3A_245 = arith.constant 0 : i32
    %dma_start3A_246 = arith.constant 0 : i32
    %dma_start3A_247 = arith.constant 0 : i32
    %dma_start3A_248 = arith.constant 0 : i32
    %dma_start3A_249 = tpu.memref_slice %arg10[%dma_start3A_245, %dma_start3A_247, %dma_start3A_248] : memref<3x2000x16xf32, #tpu.memory_space<vmem>> -> memref<1x2000x16xf32, #tpu.memory_space<vmem>>
    %dma_start3A_250 = tpu.memref_squeeze %dma_start3A_249 : memref<1x2000x16xf32, #tpu.memory_space<vmem>> -> memref<2000x16xf32, #tpu.memory_space<vmem>>
    %dma_start3A_251 = arith.constant 0 : i32
    %dma_start3A_252 = tpu.memref_slice %arg9[%dma_start3A_246, %dma_start3A_251] : memref<3x2000xi32, #tpu.memory_space<vmem>> -> memref<1x2000xi32, #tpu.memory_space<vmem>>
    %dma_start3A_253 = tpu.memref_squeeze %dma_start3A_252 : memref<1x2000xi32, #tpu.memory_space<vmem>> -> memref<2000xi32, #tpu.memory_space<vmem>>
    %dma_start3A_254 = arith.constant 0 : i32
    %dma_start3A_255 = arith.constant 0 : i32
    %dma_start3A_256 = tpu.memref_slice %arg18[%dma_start3A_254, %dma_start3A_255] : memref<10240x16xf32, #tpu.memory_space<vmem_shared>> -> memref<10240x16xf32, #tpu.memory_space<vmem_shared>>
    tpu.enqueue_indirect_dma source(%dma_start3A_250 : memref<2000x16xf32, #tpu.memory_space<vmem>>) target(%dma_start3A_256 : memref<10240x16xf32, #tpu.memory_space<vmem_shared>>) offsets(%dma_start3A_253 : memref<2000xi32, #tpu.memory_space<vmem>>) semaphore(%arg15 : memref<!tpu.dma_semaphore, #tpu.memory_space<semaphore_mem>>) {add = true}
    %scan3A_257 = arith.constant 0 : i32
    %scan3A_258 = arith.constant 0 : i32
    %scan3A_259 = arith.constant 124 : i32
    %scan3A_260 = arith.addi %scan3A_258, %scan3A_259 : i32
    %scan3A_261 = arith.constant 4 : i32
    scf.for %scan3A_352 = %scan3A_258 to %scan3A_260 step %scan3A_261  : i32 {
      %mul3A_353 = arith.constant 16 : i32
      %mul3A_354 = arith.muli %scan3A_352, %mul3A_353 : i32
      %multiple_of3A_355 = tpu.assume_multiple %mul3A_354, 16 : i32
      %get3A_356 = arith.constant 0 : i32
      %get3A_357 = arith.index_cast %get3A_356 : i32 to index
      %get3A_358 = arith.index_cast %multiple_of3A_355 : i32 to index
      %get3A_359 = tpu.vector_load %arg8[%get3A_357, %get3A_358] {strides = array<i32>} : memref<3x2000xi32, #tpu.memory_space<vmem>>, vector<16xi32>,
      tpu.vector_store_idx %arg11[%get3A_359], %broadcast_in_dim3A_6 {add = true} : memref<10240xf32, #tpu.memory_space<vmem>>[vector<16xi32>], vector<16xf32>,
      %scan3A_360 = arith.constant 1 : i32
      %scan3A_361 = arith.addi %scan3A_352, %scan3A_360 : i32
      %mul3A_362 = arith.constant 16 : i32
      %mul3A_363 = arith.muli %scan3A_361, %mul3A_362 : i32
      %multiple_of3A_364 = tpu.assume_multiple %mul3A_363, 16 : i32
      %get3A_365 = arith.constant 0 : i32
      %get3A_366 = arith.index_cast %get3A_365 : i32 to index
      %get3A_367 = arith.index_cast %multiple_of3A_364 : i32 to index
      %get3A_368 = tpu.vector_load %arg8[%get3A_366, %get3A_367] {strides = array<i32>} : memref<3x2000xi32, #tpu.memory_space<vmem>>, vector<16xi32>,
      tpu.vector_store_idx %arg11[%get3A_368], %broadcast_in_dim3A_6 {add = true} : memref<10240xf32, #tpu.memory_space<vmem>>[vector<16xi32>], vector<16xf32>,
      %scan3A_369 = arith.constant 2 : i32
      %scan3A_370 = arith.addi %scan3A_352, %scan3A_369 : i32
      %mul3A_371 = arith.constant 16 : i32
      %mul3A_372 = arith.muli %scan3A_370, %mul3A_371 : i32
      %multiple_of3A_373 = tpu.assume_multiple %mul3A_372, 16 : i32
      %get3A_374 = arith.constant 0 : i32
      %get3A_375 = arith.index_cast %get3A_374 : i32 to index
      %get3A_376 = arith.index_cast %multiple_of3A_373 : i32 to index
      %get3A_377 = tpu.vector_load %arg8[%get3A_375, %get3A_376] {strides = array<i32>} : memref<3x2000xi32, #tpu.memory_space<vmem>>, vector<16xi32>,
      tpu.vector_store_idx %arg11[%get3A_377], %broadcast_in_dim3A_6 {add = true} : memref<10240xf32, #tpu.memory_space<vmem>>[vector<16xi32>], vector<16xf32>,
      %scan3A_378 = arith.constant 3 : i32
      %scan3A_379 = arith.addi %scan3A_352, %scan3A_378 : i32
      %mul3A_380 = arith.constant 16 : i32
      %mul3A_381 = arith.muli %scan3A_379, %mul3A_380 : i32
      %multiple_of3A_382 = tpu.assume_multiple %mul3A_381, 16 : i32
      %get3A_383 = arith.constant 0 : i32
      %get3A_384 = arith.index_cast %get3A_383 : i32 to index
      %get3A_385 = arith.index_cast %multiple_of3A_382 : i32 to index
      %get3A_386 = tpu.vector_load %arg8[%get3A_384, %get3A_385] {strides = array<i32>} : memref<3x2000xi32, #tpu.memory_space<vmem>>, vector<16xi32>,
      tpu.vector_store_idx %arg11[%get3A_386], %broadcast_in_dim3A_6 {add = true} : memref<10240xf32, #tpu.memory_space<vmem>>[vector<16xi32>], vector<16xf32>,
    }
    %scan3A_262 = arith.constant 124 : i32
    %scan3A_263 = arith.addi %scan3A_258, %scan3A_262 : i32
    %mul3A_264 = arith.constant 16 : i32
    %mul3A_265 = arith.muli %scan3A_263, %mul3A_264 : i32
    %multiple_of3A_266 = tpu.assume_multiple %mul3A_265, 16 : i32
    %get3A_267 = arith.constant 0 : i32
    %get3A_268 = arith.index_cast %get3A_267 : i32 to index
    %get3A_269 = arith.index_cast %multiple_of3A_266 : i32 to index
    %get3A_270 = tpu.vector_load %arg8[%get3A_268, %get3A_269] {strides = array<i32>} : memref<3x2000xi32, #tpu.memory_space<vmem>>, vector<16xi32>,
    tpu.vector_store_idx %arg11[%get3A_270], %broadcast_in_dim3A_6 {add = true} : memref<10240xf32, #tpu.memory_space<vmem>>[vector<16xi32>], vector<16xf32>,
    %scan3A_271 = arith.constant 125 : i32
    %dma_wait3A_272 = arith.constant 1 : i32
    %dma_wait3A_273 = arith.constant 1 : i32
    %dma_wait3A_274 = arith.constant 0 : i32
    %dma_wait3A_275 = arith.constant 0 : i32
    %dma_wait3A_276 = tpu.memref_slice %arg10[%dma_wait3A_273, %dma_wait3A_274, %dma_wait3A_275] : memref<3x2000x16xf32, #tpu.memory_space<vmem>> -> memref<1x2000x16xf32, #tpu.memory_space<vmem>>
    %dma_wait3A_277 = tpu.memref_squeeze %dma_wait3A_276 : memref<1x2000x16xf32, #tpu.memory_space<vmem>> -> memref<2000x16xf32, #tpu.memory_space<vmem>>
    %dma_wait3A_278 = arith.constant 0 : i32
    %dma_wait3A_279 = tpu.memref_slice %arg8[%dma_wait3A_272, %dma_wait3A_278] : memref<3x2000xi32, #tpu.memory_space<vmem>> -> memref<1x2000xi32, #tpu.memory_space<vmem>>
    %dma_wait3A_280 = tpu.memref_squeeze %dma_wait3A_279 : memref<1x2000xi32, #tpu.memory_space<vmem>> -> memref<2000xi32, #tpu.memory_space<vmem>>
    %dma_wait3A_281 = arith.constant 0 : i32
    %dma_wait3A_282 = arith.constant 0 : i32
    %dma_wait3A_283 = tpu.memref_slice %arg2[%dma_wait3A_281, %dma_wait3A_282] : memref<10000x16xf32, #tpu.memory_space<hbm>> -> memref<10000x16xf32, #tpu.memory_space<hbm>>
    tpu.wait_indirect_dma semaphore(%arg13 : memref<!tpu.dma_semaphore, #tpu.memory_space<semaphore_mem>>) src(%dma_wait3A_283 : memref<10000x16xf32, #tpu.memory_space<hbm>>) dst(%dma_wait3A_277 : memref<2000x16xf32, #tpu.memory_space<vmem>>)
    %dma_start3A_284 = arith.constant 1 : i32
    %dma_start3A_285 = arith.constant 1 : i32
    %dma_start3A_286 = arith.constant 0 : i32
    %dma_start3A_287 = arith.constant 0 : i32
    %dma_start3A_288 = tpu.memref_slice %arg10[%dma_start3A_284, %dma_start3A_286, %dma_start3A_287] : memref<3x2000x16xf32, #tpu.memory_space<vmem>> -> memref<1x2000x16xf32, #tpu.memory_space<vmem>>
    %dma_start3A_289 = tpu.memref_squeeze %dma_start3A_288 : memref<1x2000x16xf32, #tpu.memory_space<vmem>> -> memref<2000x16xf32, #tpu.memory_space<vmem>>
    %dma_start3A_290 = arith.constant 0 : i32
    %dma_start3A_291 = tpu.memref_slice %arg9[%dma_start3A_285, %dma_start3A_290] : memref<3x2000xi32, #tpu.memory_space<vmem>> -> memref<1x2000xi32, #tpu.memory_space<vmem>>
    %dma_start3A_292 = tpu.memref_squeeze %dma_start3A_291 : memref<1x2000xi32, #tpu.memory_space<vmem>> -> memref<2000xi32, #tpu.memory_space<vmem>>
    %dma_start3A_293 = arith.constant 0 : i32
    %dma_start3A_294 = arith.constant 0 : i32
    %dma_start3A_295 = tpu.memref_slice %arg18[%dma_start3A_293, %dma_start3A_294] : memref<10240x16xf32, #tpu.memory_space<vmem_shared>> -> memref<10240x16xf32, #tpu.memory_space<vmem_shared>>
    tpu.enqueue_indirect_dma source(%dma_start3A_289 : memref<2000x16xf32, #tpu.memory_space<vmem>>) target(%dma_start3A_295 : memref<10240x16xf32, #tpu.memory_space<vmem_shared>>) offsets(%dma_start3A_292 : memref<2000xi32, #tpu.memory_space<vmem>>) semaphore(%arg16 : memref<!tpu.dma_semaphore, #tpu.memory_space<semaphore_mem>>) {add = true}
    %scan3A_296 = arith.constant 0 : i32
    %scan3A_297 = arith.constant 0 : i32
    %scan3A_298 = arith.constant 124 : i32
    %scan3A_299 = arith.addi %scan3A_297, %scan3A_298 : i32
    %scan3A_300 = arith.constant 4 : i32
    scf.for %scan3A_352 = %scan3A_297 to %scan3A_299 step %scan3A_300  : i32 {
      %mul3A_353 = arith.constant 16 : i32
      %mul3A_354 = arith.muli %scan3A_352, %mul3A_353 : i32
      %multiple_of3A_355 = tpu.assume_multiple %mul3A_354, 16 : i32
      %get3A_356 = arith.constant 1 : i32
      %get3A_357 = arith.index_cast %get3A_356 : i32 to index
      %get3A_358 = arith.index_cast %multiple_of3A_355 : i32 to index
      %get3A_359 = tpu.vector_load %arg8[%get3A_357, %get3A_358] {strides = array<i32>} : memref<3x2000xi32, #tpu.memory_space<vmem>>, vector<16xi32>,
      tpu.vector_store_idx %arg11[%get3A_359], %broadcast_in_dim3A_6 {add = true} : memref<10240xf32, #tpu.memory_space<vmem>>[vector<16xi32>], vector<16xf32>,
      %scan3A_360 = arith.constant 1 : i32
      %scan3A_361 = arith.addi %scan3A_352, %scan3A_360 : i32
      %mul3A_362 = arith.constant 16 : i32
      %mul3A_363 = arith.muli %scan3A_361, %mul3A_362 : i32
      %multiple_of3A_364 = tpu.assume_multiple %mul3A_363, 16 : i32
      %get3A_365 = arith.constant 1 : i32
      %get3A_366 = arith.index_cast %get3A_365 : i32 to index
      %get3A_367 = arith.index_cast %multiple_of3A_364 : i32 to index
      %get3A_368 = tpu.vector_load %arg8[%get3A_366, %get3A_367] {strides = array<i32>} : memref<3x2000xi32, #tpu.memory_space<vmem>>, vector<16xi32>,
      tpu.vector_store_idx %arg11[%get3A_368], %broadcast_in_dim3A_6 {add = true} : memref<10240xf32, #tpu.memory_space<vmem>>[vector<16xi32>], vector<16xf32>,
      %scan3A_369 = arith.constant 2 : i32
      %scan3A_370 = arith.addi %scan3A_352, %scan3A_369 : i32
      %mul3A_371 = arith.constant 16 : i32
      %mul3A_372 = arith.muli %scan3A_370, %mul3A_371 : i32
      %multiple_of3A_373 = tpu.assume_multiple %mul3A_372, 16 : i32
      %get3A_374 = arith.constant 1 : i32
      %get3A_375 = arith.index_cast %get3A_374 : i32 to index
      %get3A_376 = arith.index_cast %multiple_of3A_373 : i32 to index
      %get3A_377 = tpu.vector_load %arg8[%get3A_375, %get3A_376] {strides = array<i32>} : memref<3x2000xi32, #tpu.memory_space<vmem>>, vector<16xi32>,
      tpu.vector_store_idx %arg11[%get3A_377], %broadcast_in_dim3A_6 {add = true} : memref<10240xf32, #tpu.memory_space<vmem>>[vector<16xi32>], vector<16xf32>,
      %scan3A_378 = arith.constant 3 : i32
      %scan3A_379 = arith.addi %scan3A_352, %scan3A_378 : i32
      %mul3A_380 = arith.constant 16 : i32
      %mul3A_381 = arith.muli %scan3A_379, %mul3A_380 : i32
      %multiple_of3A_382 = tpu.assume_multiple %mul3A_381, 16 : i32
      %get3A_383 = arith.constant 1 : i32
      %get3A_384 = arith.index_cast %get3A_383 : i32 to index
      %get3A_385 = arith.index_cast %multiple_of3A_382 : i32 to index
      %get3A_386 = tpu.vector_load %arg8[%get3A_384, %get3A_385] {strides = array<i32>} : memref<3x2000xi32, #tpu.memory_space<vmem>>, vector<16xi32>,
      tpu.vector_store_idx %arg11[%get3A_386], %broadcast_in_dim3A_6 {add = true} : memref<10240xf32, #tpu.memory_space<vmem>>[vector<16xi32>], vector<16xf32>,
    }
    %scan3A_301 = arith.constant 124 : i32
    %scan3A_302 = arith.addi %scan3A_297, %scan3A_301 : i32
    %mul3A_303 = arith.constant 16 : i32
    %mul3A_304 = arith.muli %scan3A_302, %mul3A_303 : i32
    %multiple_of3A_305 = tpu.assume_multiple %mul3A_304, 16 : i32
    %get3A_306 = arith.constant 1 : i32
    %get3A_307 = arith.index_cast %get3A_306 : i32 to index
    %get3A_308 = arith.index_cast %multiple_of3A_305 : i32 to index
    %get3A_309 = tpu.vector_load %arg8[%get3A_307, %get3A_308] {strides = array<i32>} : memref<3x2000xi32, #tpu.memory_space<vmem>>, vector<16xi32>,
    tpu.vector_store_idx %arg11[%get3A_309], %broadcast_in_dim3A_6 {add = true} : memref<10240xf32, #tpu.memory_space<vmem>>[vector<16xi32>], vector<16xf32>,
    %scan3A_310 = arith.constant 125 : i32
    %dma_wait3A_311 = arith.constant 2 : i32
    %dma_wait3A_312 = arith.constant 2 : i32
    %dma_wait3A_313 = arith.constant 0 : i32
    %dma_wait3A_314 = arith.constant 0 : i32
    %dma_wait3A_315 = tpu.memref_slice %arg10[%dma_wait3A_311, %dma_wait3A_313, %dma_wait3A_314] : memref<3x2000x16xf32, #tpu.memory_space<vmem>> -> memref<1x2000x16xf32, #tpu.memory_space<vmem>>
    %dma_wait3A_316 = tpu.memref_squeeze %dma_wait3A_315 : memref<1x2000x16xf32, #tpu.memory_space<vmem>> -> memref<2000x16xf32, #tpu.memory_space<vmem>>
    %dma_wait3A_317 = arith.constant 0 : i32
    %dma_wait3A_318 = tpu.memref_slice %arg9[%dma_wait3A_312, %dma_wait3A_317] : memref<3x2000xi32, #tpu.memory_space<vmem>> -> memref<1x2000xi32, #tpu.memory_space<vmem>>
    %dma_wait3A_319 = tpu.memref_squeeze %dma_wait3A_318 : memref<1x2000xi32, #tpu.memory_space<vmem>> -> memref<2000xi32, #tpu.memory_space<vmem>>
    %dma_wait3A_320 = arith.constant 0 : i32
    %dma_wait3A_321 = arith.constant 0 : i32
    %dma_wait3A_322 = tpu.memref_slice %arg18[%dma_wait3A_320, %dma_wait3A_321] : memref<10240x16xf32, #tpu.memory_space<vmem_shared>> -> memref<10240x16xf32, #tpu.memory_space<vmem_shared>>
    tpu.wait_indirect_dma semaphore(%arg17 : memref<!tpu.dma_semaphore, #tpu.memory_space<semaphore_mem>>) src(%dma_wait3A_316 : memref<2000x16xf32, #tpu.memory_space<vmem>>) dst(%dma_wait3A_322 : memref<10240x16xf32, #tpu.memory_space<vmem_shared>>)
    %dma_wait3A_323 = arith.constant 0 : i32
    %dma_wait3A_324 = arith.constant 0 : i32
    %dma_wait3A_325 = arith.constant 0 : i32
    %dma_wait3A_326 = arith.constant 0 : i32
    %dma_wait3A_327 = tpu.memref_slice %arg10[%dma_wait3A_323, %dma_wait3A_325, %dma_wait3A_326] : memref<3x2000x16xf32, #tpu.memory_space<vmem>> -> memref<1x2000x16xf32, #tpu.memory_space<vmem>>
    %dma_wait3A_328 = tpu.memref_squeeze %dma_wait3A_327 : memref<1x2000x16xf32, #tpu.memory_space<vmem>> -> memref<2000x16xf32, #tpu.memory_space<vmem>>
    %dma_wait3A_329 = arith.constant 0 : i32
    %dma_wait3A_330 = tpu.memref_slice %arg9[%dma_wait3A_324, %dma_wait3A_329] : memref<3x2000xi32, #tpu.memory_space<vmem>> -> memref<1x2000xi32, #tpu.memory_space<vmem>>
    %dma_wait3A_331 = tpu.memref_squeeze %dma_wait3A_330 : memref<1x2000xi32, #tpu.memory_space<vmem>> -> memref<2000xi32, #tpu.memory_space<vmem>>
    %dma_wait3A_332 = arith.constant 0 : i32
    %dma_wait3A_333 = arith.constant 0 : i32
    %dma_wait3A_334 = tpu.memref_slice %arg18[%dma_wait3A_332, %dma_wait3A_333] : memref<10240x16xf32, #tpu.memory_space<vmem_shared>> -> memref<10240x16xf32, #tpu.memory_space<vmem_shared>>
    tpu.wait_indirect_dma semaphore(%arg15 : memref<!tpu.dma_semaphore, #tpu.memory_space<semaphore_mem>>) src(%dma_wait3A_328 : memref<2000x16xf32, #tpu.memory_space<vmem>>) dst(%dma_wait3A_334 : memref<10240x16xf32, #tpu.memory_space<vmem_shared>>)
    %dma_wait3A_335 = arith.constant 1 : i32
    %dma_wait3A_336 = arith.constant 1 : i32
    %dma_wait3A_337 = arith.constant 0 : i32
    %dma_wait3A_338 = arith.constant 0 : i32
    %dma_wait3A_339 = tpu.memref_slice %arg10[%dma_wait3A_335, %dma_wait3A_337, %dma_wait3A_338] : memref<3x2000x16xf32, #tpu.memory_space<vmem>> -> memref<1x2000x16xf32, #tpu.memory_space<vmem>>
    %dma_wait3A_340 = tpu.memref_squeeze %dma_wait3A_339 : memref<1x2000x16xf32, #tpu.memory_space<vmem>> -> memref<2000x16xf32, #tpu.memory_space<vmem>>
    %dma_wait3A_341 = arith.constant 0 : i32
    %dma_wait3A_342 = tpu.memref_slice %arg9[%dma_wait3A_336, %dma_wait3A_341] : memref<3x2000xi32, #tpu.memory_space<vmem>> -> memref<1x2000xi32, #tpu.memory_space<vmem>>
    %dma_wait3A_343 = tpu.memref_squeeze %dma_wait3A_342 : memref<1x2000xi32, #tpu.memory_space<vmem>> -> memref<2000xi32, #tpu.memory_space<vmem>>
    %dma_wait3A_344 = arith.constant 0 : i32
    %dma_wait3A_345 = arith.constant 0 : i32
    %dma_wait3A_346 = tpu.memref_slice %arg18[%dma_wait3A_344, %dma_wait3A_345] : memref<10240x16xf32, #tpu.memory_space<vmem_shared>> -> memref<10240x16xf32, #tpu.memory_space<vmem_shared>>
    tpu.wait_indirect_dma semaphore(%arg16 : memref<!tpu.dma_semaphore, #tpu.memory_space<semaphore_mem>>) src(%dma_wait3A_340 : memref<2000x16xf32, #tpu.memory_space<vmem>>) dst(%dma_wait3A_346 : memref<10240x16xf32, #tpu.memory_space<vmem_shared>>)
    %barrier3A_347 = arith.constant 0 : index
    tpu.barrier barrier_id(%barrier3A_347)
    "tpu.region"() ({
      %run_scoped3A_352 = tpu.sem_alloc : memref<!tpu.dma_semaphore, #tpu.memory_space<semaphore_mem>>
      %dma_start3A_353 = arith.constant 0 : i32
      %dma_start3A_354 = tpu.memref_slice %arg7[%arg0, %arg1, %dma_start3A_353] : memref<2x16x10240xf32, #tpu.memory_space<hbm>> -> memref<1x1x10240xf32, #tpu.memory_space<hbm>>
      %dma_start3A_355 = tpu.memref_squeeze %dma_start3A_354 : memref<1x1x10240xf32, #tpu.memory_space<hbm>> -> memref<10240xf32, #tpu.memory_space<hbm>>
      %dma_start3A_356 = arith.constant 0 : i32
      %dma_start3A_357 = tpu.memref_slice %arg7[%arg0, %arg1, %dma_start3A_356] : memref<2x16x10240xf32, #tpu.memory_space<hbm>> -> memref<1x1x10240xf32, #tpu.memory_space<hbm>>
      %dma_start3A_358 = tpu.memref_squeeze %dma_start3A_357 : memref<1x1x10240xf32, #tpu.memory_space<hbm>> -> memref<10240xf32, #tpu.memory_space<hbm>>
      tpu.enqueue_dma source(%arg11 : memref<10240xf32, #tpu.memory_space<vmem>>) target(%dma_start3A_358 : memref<10240xf32, #tpu.memory_space<hbm>>) target_semaphore(%run_scoped3A_352 : memref<!tpu.dma_semaphore, #tpu.memory_space<semaphore_mem>>)
      %dma_wait3A_359 = arith.constant 0 : i32
      %dma_wait3A_360 = tpu.memref_slice %arg7[%arg0, %arg1, %dma_wait3A_359] : memref<2x16x10240xf32, #tpu.memory_space<hbm>> -> memref<1x1x10240xf32, #tpu.memory_space<hbm>>
      %dma_wait3A_361 = tpu.memref_squeeze %dma_wait3A_360 : memref<1x1x10240xf32, #tpu.memory_space<hbm>> -> memref<10240xf32, #tpu.memory_space<hbm>>
      %dma_wait3A_362 = arith.constant 0 : i32
      %dma_wait3A_363 = tpu.memref_slice %arg7[%arg0, %arg1, %dma_wait3A_362] : memref<2x16x10240xf32, #tpu.memory_space<hbm>> -> memref<1x1x10240xf32, #tpu.memory_space<hbm>>
      %dma_wait3A_364 = tpu.memref_squeeze %dma_wait3A_363 : memref<1x1x10240xf32, #tpu.memory_space<hbm>> -> memref<10240xf32, #tpu.memory_space<hbm>>
      tpu.wait_dma2 semaphore(%run_scoped3A_352 : memref<!tpu.dma_semaphore, #tpu.memory_space<semaphore_mem>>) src(%arg11 : memref<10240xf32, #tpu.memory_space<vmem>>) dst(%dma_wait3A_364 : memref<10240xf32, #tpu.memory_space<hbm>>)
      tpu.yield
    }) : () -> ()
    %mul3A_348 = arith.constant 640 : i32
    %mul3A_349 = arith.muli %arg1, %mul3A_348 : i32
    %mul3A_350 = arith.constant 640 : i32
    %mul3A_351 = arith.muli %arg1, %mul3A_350 : i32
    "tpu.region"() ({
      %run_scoped3A_352 = tpu.sem_alloc : memref<!tpu.dma_semaphore, #tpu.memory_space<semaphore_mem>>
      %dma_start3A_353 = arith.constant 0 : i32
      %dma_start3A_354 = tpu.memref_slice %arg6[%arg0, %mul3A_351, %dma_start3A_353] : memref<2x10240x16xf32, #tpu.memory_space<hbm>> -> memref<1x640x16xf32, #tpu.memory_space<hbm>>
      %dma_start3A_355 = tpu.memref_squeeze %dma_start3A_354 : memref<1x640x16xf32, #tpu.memory_space<hbm>> -> memref<640x16xf32, #tpu.memory_space<hbm>>
      %dma_start3A_356 = arith.constant 0 : i32
      %dma_start3A_357 = tpu.memref_slice %arg18[%mul3A_349, %dma_start3A_356] : memref<10240x16xf32, #tpu.memory_space<vmem_shared>> -> memref<640x16xf32, #tpu.memory_space<vmem_shared>>
      tpu.enqueue_dma source(%dma_start3A_357 : memref<640x16xf32, #tpu.memory_space<vmem_shared>>) target(%dma_start3A_355 : memref<640x16xf32, #tpu.memory_space<hbm>>) target_semaphore(%run_scoped3A_352 : memref<!tpu.dma_semaphore, #tpu.memory_space<semaphore_mem>>)
      %dma_wait3A_358 = arith.constant 0 : i32
      %dma_wait3A_359 = tpu.memref_slice %arg6[%arg0, %mul3A_351, %dma_wait3A_358] : memref<2x10240x16xf32, #tpu.memory_space<hbm>> -> memref<1x640x16xf32, #tpu.memory_space<hbm>>
      %dma_wait3A_360 = tpu.memref_squeeze %dma_wait3A_359 : memref<1x640x16xf32, #tpu.memory_space<hbm>> -> memref<640x16xf32, #tpu.memory_space<hbm>>
      %dma_wait3A_361 = arith.constant 0 : i32
      %dma_wait3A_362 = tpu.memref_slice %arg18[%mul3A_349, %dma_wait3A_361] : memref<10240x16xf32, #tpu.memory_space<vmem_shared>> -> memref<640x16xf32, #tpu.memory_space<vmem_shared>>
      tpu.wait_dma2 semaphore(%run_scoped3A_352 : memref<!tpu.dma_semaphore, #tpu.memory_space<semaphore_mem>>) src(%dma_wait3A_362 : memref<640x16xf32, #tpu.memory_space<vmem_shared>>) dst(%dma_wait3A_360 : memref<640x16xf32, #tpu.memory_space<hbm>>)
      tpu.yield
    }) : () -> ()
    return
  }
}

#map = affine_map<(d0, d1) -> (0, 0, 0)>
#map1 = affine_map<(d0, d1) -> (0)>
#map2 = affine_map<(d0, d1) -> (0, 0)>
module attributes {stable_mosaic.version = 14 : i64} {
  func.func @_reduce_body(%arg0: i32, %arg1: i32, %arg2: memref<2x10240x16xf32, #tpu.memory_space<hbm>>, %arg3: memref<2x16x10240xf32, #tpu.memory_space<hbm>>, %arg4: memref<16xf32, #tpu.memory_space<hbm>>, %arg5: memref<2x16xf32, #tpu.memory_space<hbm>>, %arg6: memref<320x16xf32, #tpu.memory_space<vmem>>, %arg7: memref<320x16xf32, #tpu.memory_space<vmem>>, %arg8: memref<32x320xf32, #tpu.memory_space<vmem>>, %arg9: memref<16xf32, #tpu.memory_space<vmem>>, %arg10: memref<16xf32, #tpu.memory_space<vmem>>, %arg11: memref<!tpu.dma_semaphore, #tpu.memory_space<semaphore_mem>>, %arg12: memref<16x16xf32, #tpu.memory_space<vmem_shared>>) attributes {dimension_semantics = [#tpu.dimension_semantics<core_parallel>, #tpu.dimension_semantics<subcore_parallel>], iteration_bounds = array<i64: 2, 16>, scalar_prefetch = 0 : i64, scratch_operands = 7 : i64, tpu.core_type = #tpu.core_type<sc_vector_subcore>, window_params = [{transform_indices = #map}, {transform_indices = #map}, {transform_indices = #map1}, {transform_indices = #map2}]} {
    %mul3A = arith.constant 5120 : i32
    %mul3A_0 = arith.muli %arg0, %mul3A : i32
    %mul3A_1 = arith.constant 320 : i32
    %mul3A_2 = arith.muli %arg1, %mul3A_1 : i32
    %add3A = arith.addi %mul3A_0, %mul3A_2 : i32
    tpu.enqueue_dma source(%arg4 : memref<16xf32, #tpu.memory_space<hbm>>) target(%arg9 : memref<16xf32, #tpu.memory_space<vmem>>) target_semaphore(%arg11 : memref<!tpu.dma_semaphore, #tpu.memory_space<semaphore_mem>>)
    %dma_start3A = arith.constant 0 : i32
    %dma_start3A_3 = arith.constant 0 : i32
    %dma_start3A_4 = tpu.memref_slice %arg2[%dma_start3A, %add3A, %dma_start3A_3] : memref<2x10240x16xf32, #tpu.memory_space<hbm>> -> memref<1x320x16xf32, #tpu.memory_space<hbm>>
    %dma_start3A_5 = tpu.memref_squeeze %dma_start3A_4 : memref<1x320x16xf32, #tpu.memory_space<hbm>> -> memref<320x16xf32, #tpu.memory_space<hbm>>
    %dma_start3A_6 = arith.constant 0 : i32
    %dma_start3A_7 = tpu.memref_slice %arg2[%dma_start3A, %add3A, %dma_start3A_6] : memref<2x10240x16xf32, #tpu.memory_space<hbm>> -> memref<1x320x16xf32, #tpu.memory_space<hbm>>
    %dma_start3A_8 = tpu.memref_squeeze %dma_start3A_7 : memref<1x320x16xf32, #tpu.memory_space<hbm>> -> memref<320x16xf32, #tpu.memory_space<hbm>>
    tpu.enqueue_dma source(%dma_start3A_8 : memref<320x16xf32, #tpu.memory_space<hbm>>) target(%arg6 : memref<320x16xf32, #tpu.memory_space<vmem>>) target_semaphore(%arg11 : memref<!tpu.dma_semaphore, #tpu.memory_space<semaphore_mem>>)
    %dma_start3A_9 = arith.constant 1 : i32
    %dma_start3A_10 = arith.constant 0 : i32
    %dma_start3A_11 = tpu.memref_slice %arg2[%dma_start3A_9, %add3A, %dma_start3A_10] : memref<2x10240x16xf32, #tpu.memory_space<hbm>> -> memref<1x320x16xf32, #tpu.memory_space<hbm>>
    %dma_start3A_12 = tpu.memref_squeeze %dma_start3A_11 : memref<1x320x16xf32, #tpu.memory_space<hbm>> -> memref<320x16xf32, #tpu.memory_space<hbm>>
    %dma_start3A_13 = arith.constant 0 : i32
    %dma_start3A_14 = tpu.memref_slice %arg2[%dma_start3A_9, %add3A, %dma_start3A_13] : memref<2x10240x16xf32, #tpu.memory_space<hbm>> -> memref<1x320x16xf32, #tpu.memory_space<hbm>>
    %dma_start3A_15 = tpu.memref_squeeze %dma_start3A_14 : memref<1x320x16xf32, #tpu.memory_space<hbm>> -> memref<320x16xf32, #tpu.memory_space<hbm>>
    tpu.enqueue_dma source(%dma_start3A_15 : memref<320x16xf32, #tpu.memory_space<hbm>>) target(%arg7 : memref<320x16xf32, #tpu.memory_space<vmem>>) target_semaphore(%arg11 : memref<!tpu.dma_semaphore, #tpu.memory_space<semaphore_mem>>)
    %dma_start3A_16 = arith.constant 0 : i32
    %dma_start3A_17 = arith.constant 0 : i32
    %dma_start3A_18 = arith.constant 0 : i32
    %dma_start3A_19 = arith.constant 0 : i32
    %dma_start3A_20 = tpu.memref_slice %arg8[%dma_start3A_18, %dma_start3A_19] : memref<32x320xf32, #tpu.memory_space<vmem>> -> memref<1x320xf32, #tpu.memory_space<vmem>>
    %dma_start3A_21 = tpu.memref_squeeze %dma_start3A_20 : memref<1x320xf32, #tpu.memory_space<vmem>> -> memref<320xf32, #tpu.memory_space<vmem>>
    %dma_start3A_22 = tpu.memref_slice %arg3[%dma_start3A_16, %dma_start3A_17, %add3A] : memref<2x16x10240xf32, #tpu.memory_space<hbm>> -> memref<1x1x320xf32, #tpu.memory_space<hbm>>
    %dma_start3A_23 = tpu.memref_squeeze %dma_start3A_22 : memref<1x1x320xf32, #tpu.memory_space<hbm>> -> memref<320xf32, #tpu.memory_space<hbm>>
    %dma_start3A_24 = arith.constant 0 : i32
    %dma_start3A_25 = tpu.memref_slice %arg8[%dma_start3A_18, %dma_start3A_24] : memref<32x320xf32, #tpu.memory_space<vmem>> -> memref<1x320xf32, #tpu.memory_space<vmem>>
    %dma_start3A_26 = tpu.memref_squeeze %dma_start3A_25 : memref<1x320xf32, #tpu.memory_space<vmem>> -> memref<320xf32, #tpu.memory_space<vmem>>
    %dma_start3A_27 = tpu.memref_slice %arg3[%dma_start3A_16, %dma_start3A_17, %add3A] : memref<2x16x10240xf32, #tpu.memory_space<hbm>> -> memref<1x1x320xf32, #tpu.memory_space<hbm>>
    %dma_start3A_28 = tpu.memref_squeeze %dma_start3A_27 : memref<1x1x320xf32, #tpu.memory_space<hbm>> -> memref<320xf32, #tpu.memory_space<hbm>>
    tpu.enqueue_dma source(%dma_start3A_28 : memref<320xf32, #tpu.memory_space<hbm>>) target(%dma_start3A_26 : memref<320xf32, #tpu.memory_space<vmem>>) target_semaphore(%arg11 : memref<!tpu.dma_semaphore, #tpu.memory_space<semaphore_mem>>)
    %dma_start3A_29 = arith.constant 0 : i32
    %dma_start3A_30 = arith.constant 1 : i32
    %dma_start3A_31 = arith.constant 1 : i32
    %dma_start3A_32 = arith.constant 0 : i32
    %dma_start3A_33 = tpu.memref_slice %arg8[%dma_start3A_31, %dma_start3A_32] : memref<32x320xf32, #tpu.memory_space<vmem>> -> memref<1x320xf32, #tpu.memory_space<vmem>>
    %dma_start3A_34 = tpu.memref_squeeze %dma_start3A_33 : memref<1x320xf32, #tpu.memory_space<vmem>> -> memref<320xf32, #tpu.memory_space<vmem>>
    %dma_start3A_35 = tpu.memref_slice %arg3[%dma_start3A_29, %dma_start3A_30, %add3A] : memref<2x16x10240xf32, #tpu.memory_space<hbm>> -> memref<1x1x320xf32, #tpu.memory_space<hbm>>
    %dma_start3A_36 = tpu.memref_squeeze %dma_start3A_35 : memref<1x1x320xf32, #tpu.memory_space<hbm>> -> memref<320xf32, #tpu.memory_space<hbm>>
    %dma_start3A_37 = arith.constant 0 : i32
    %dma_start3A_38 = tpu.memref_slice %arg8[%dma_start3A_31, %dma_start3A_37] : memref<32x320xf32, #tpu.memory_space<vmem>> -> memref<1x320xf32, #tpu.memory_space<vmem>>
    %dma_start3A_39 = tpu.memref_squeeze %dma_start3A_38 : memref<1x320xf32, #tpu.memory_space<vmem>> -> memref<320xf32, #tpu.memory_space<vmem>>
    %dma_start3A_40 = tpu.memref_slice %arg3[%dma_start3A_29, %dma_start3A_30, %add3A] : memref<2x16x10240xf32, #tpu.memory_space<hbm>> -> memref<1x1x320xf32, #tpu.memory_space<hbm>>
    %dma_start3A_41 = tpu.memref_squeeze %dma_start3A_40 : memref<1x1x320xf32, #tpu.memory_space<hbm>> -> memref<320xf32, #tpu.memory_space<hbm>>
    tpu.enqueue_dma source(%dma_start3A_41 : memref<320xf32, #tpu.memory_space<hbm>>) target(%dma_start3A_39 : memref<320xf32, #tpu.memory_space<vmem>>) target_semaphore(%arg11 : memref<!tpu.dma_semaphore, #tpu.memory_space<semaphore_mem>>)
    %dma_start3A_42 = arith.constant 0 : i32
    %dma_start3A_43 = arith.constant 2 : i32
    %dma_start3A_44 = arith.constant 2 : i32
    %dma_start3A_45 = arith.constant 0 : i32
    %dma_start3A_46 = tpu.memref_slice %arg8[%dma_start3A_44, %dma_start3A_45] : memref<32x320xf32, #tpu.memory_space<vmem>> -> memref<1x320xf32, #tpu.memory_space<vmem>>
    %dma_start3A_47 = tpu.memref_squeeze %dma_start3A_46 : memref<1x320xf32, #tpu.memory_space<vmem>> -> memref<320xf32, #tpu.memory_space<vmem>>
    %dma_start3A_48 = tpu.memref_slice %arg3[%dma_start3A_42, %dma_start3A_43, %add3A] : memref<2x16x10240xf32, #tpu.memory_space<hbm>> -> memref<1x1x320xf32, #tpu.memory_space<hbm>>
    %dma_start3A_49 = tpu.memref_squeeze %dma_start3A_48 : memref<1x1x320xf32, #tpu.memory_space<hbm>> -> memref<320xf32, #tpu.memory_space<hbm>>
    %dma_start3A_50 = arith.constant 0 : i32
    %dma_start3A_51 = tpu.memref_slice %arg8[%dma_start3A_44, %dma_start3A_50] : memref<32x320xf32, #tpu.memory_space<vmem>> -> memref<1x320xf32, #tpu.memory_space<vmem>>
    %dma_start3A_52 = tpu.memref_squeeze %dma_start3A_51 : memref<1x320xf32, #tpu.memory_space<vmem>> -> memref<320xf32, #tpu.memory_space<vmem>>
    %dma_start3A_53 = tpu.memref_slice %arg3[%dma_start3A_42, %dma_start3A_43, %add3A] : memref<2x16x10240xf32, #tpu.memory_space<hbm>> -> memref<1x1x320xf32, #tpu.memory_space<hbm>>
    %dma_start3A_54 = tpu.memref_squeeze %dma_start3A_53 : memref<1x1x320xf32, #tpu.memory_space<hbm>> -> memref<320xf32, #tpu.memory_space<hbm>>
    tpu.enqueue_dma source(%dma_start3A_54 : memref<320xf32, #tpu.memory_space<hbm>>) target(%dma_start3A_52 : memref<320xf32, #tpu.memory_space<vmem>>) target_semaphore(%arg11 : memref<!tpu.dma_semaphore, #tpu.memory_space<semaphore_mem>>)
    %dma_start3A_55 = arith.constant 0 : i32
    %dma_start3A_56 = arith.constant 3 : i32
    %dma_start3A_57 = arith.constant 3 : i32
    %dma_start3A_58 = arith.constant 0 : i32
    %dma_start3A_59 = tpu.memref_slice %arg8[%dma_start3A_57, %dma_start3A_58] : memref<32x320xf32, #tpu.memory_space<vmem>> -> memref<1x320xf32, #tpu.memory_space<vmem>>
    %dma_start3A_60 = tpu.memref_squeeze %dma_start3A_59 : memref<1x320xf32, #tpu.memory_space<vmem>> -> memref<320xf32, #tpu.memory_space<vmem>>
    %dma_start3A_61 = tpu.memref_slice %arg3[%dma_start3A_55, %dma_start3A_56, %add3A] : memref<2x16x10240xf32, #tpu.memory_space<hbm>> -> memref<1x1x320xf32, #tpu.memory_space<hbm>>
    %dma_start3A_62 = tpu.memref_squeeze %dma_start3A_61 : memref<1x1x320xf32, #tpu.memory_space<hbm>> -> memref<320xf32, #tpu.memory_space<hbm>>
    %dma_start3A_63 = arith.constant 0 : i32
    %dma_start3A_64 = tpu.memref_slice %arg8[%dma_start3A_57, %dma_start3A_63] : memref<32x320xf32, #tpu.memory_space<vmem>> -> memref<1x320xf32, #tpu.memory_space<vmem>>
    %dma_start3A_65 = tpu.memref_squeeze %dma_start3A_64 : memref<1x320xf32, #tpu.memory_space<vmem>> -> memref<320xf32, #tpu.memory_space<vmem>>
    %dma_start3A_66 = tpu.memref_slice %arg3[%dma_start3A_55, %dma_start3A_56, %add3A] : memref<2x16x10240xf32, #tpu.memory_space<hbm>> -> memref<1x1x320xf32, #tpu.memory_space<hbm>>
    %dma_start3A_67 = tpu.memref_squeeze %dma_start3A_66 : memref<1x1x320xf32, #tpu.memory_space<hbm>> -> memref<320xf32, #tpu.memory_space<hbm>>
    tpu.enqueue_dma source(%dma_start3A_67 : memref<320xf32, #tpu.memory_space<hbm>>) target(%dma_start3A_65 : memref<320xf32, #tpu.memory_space<vmem>>) target_semaphore(%arg11 : memref<!tpu.dma_semaphore, #tpu.memory_space<semaphore_mem>>)
    %dma_start3A_68 = arith.constant 0 : i32
    %dma_start3A_69 = arith.constant 4 : i32
    %dma_start3A_70 = arith.constant 4 : i32
    %dma_start3A_71 = arith.constant 0 : i32
    %dma_start3A_72 = tpu.memref_slice %arg8[%dma_start3A_70, %dma_start3A_71] : memref<32x320xf32, #tpu.memory_space<vmem>> -> memref<1x320xf32, #tpu.memory_space<vmem>>
    %dma_start3A_73 = tpu.memref_squeeze %dma_start3A_72 : memref<1x320xf32, #tpu.memory_space<vmem>> -> memref<320xf32, #tpu.memory_space<vmem>>
    %dma_start3A_74 = tpu.memref_slice %arg3[%dma_start3A_68, %dma_start3A_69, %add3A] : memref<2x16x10240xf32, #tpu.memory_space<hbm>> -> memref<1x1x320xf32, #tpu.memory_space<hbm>>
    %dma_start3A_75 = tpu.memref_squeeze %dma_start3A_74 : memref<1x1x320xf32, #tpu.memory_space<hbm>> -> memref<320xf32, #tpu.memory_space<hbm>>
    %dma_start3A_76 = arith.constant 0 : i32
    %dma_start3A_77 = tpu.memref_slice %arg8[%dma_start3A_70, %dma_start3A_76] : memref<32x320xf32, #tpu.memory_space<vmem>> -> memref<1x320xf32, #tpu.memory_space<vmem>>
    %dma_start3A_78 = tpu.memref_squeeze %dma_start3A_77 : memref<1x320xf32, #tpu.memory_space<vmem>> -> memref<320xf32, #tpu.memory_space<vmem>>
    %dma_start3A_79 = tpu.memref_slice %arg3[%dma_start3A_68, %dma_start3A_69, %add3A] : memref<2x16x10240xf32, #tpu.memory_space<hbm>> -> memref<1x1x320xf32, #tpu.memory_space<hbm>>
    %dma_start3A_80 = tpu.memref_squeeze %dma_start3A_79 : memref<1x1x320xf32, #tpu.memory_space<hbm>> -> memref<320xf32, #tpu.memory_space<hbm>>
    tpu.enqueue_dma source(%dma_start3A_80 : memref<320xf32, #tpu.memory_space<hbm>>) target(%dma_start3A_78 : memref<320xf32, #tpu.memory_space<vmem>>) target_semaphore(%arg11 : memref<!tpu.dma_semaphore, #tpu.memory_space<semaphore_mem>>)
    %dma_start3A_81 = arith.constant 0 : i32
    %dma_start3A_82 = arith.constant 5 : i32
    %dma_start3A_83 = arith.constant 5 : i32
    %dma_start3A_84 = arith.constant 0 : i32
    %dma_start3A_85 = tpu.memref_slice %arg8[%dma_start3A_83, %dma_start3A_84] : memref<32x320xf32, #tpu.memory_space<vmem>> -> memref<1x320xf32, #tpu.memory_space<vmem>>
    %dma_start3A_86 = tpu.memref_squeeze %dma_start3A_85 : memref<1x320xf32, #tpu.memory_space<vmem>> -> memref<320xf32, #tpu.memory_space<vmem>>
    %dma_start3A_87 = tpu.memref_slice %arg3[%dma_start3A_81, %dma_start3A_82, %add3A] : memref<2x16x10240xf32, #tpu.memory_space<hbm>> -> memref<1x1x320xf32, #tpu.memory_space<hbm>>
    %dma_start3A_88 = tpu.memref_squeeze %dma_start3A_87 : memref<1x1x320xf32, #tpu.memory_space<hbm>> -> memref<320xf32, #tpu.memory_space<hbm>>
    %dma_start3A_89 = arith.constant 0 : i32
    %dma_start3A_90 = tpu.memref_slice %arg8[%dma_start3A_83, %dma_start3A_89] : memref<32x320xf32, #tpu.memory_space<vmem>> -> memref<1x320xf32, #tpu.memory_space<vmem>>
    %dma_start3A_91 = tpu.memref_squeeze %dma_start3A_90 : memref<1x320xf32, #tpu.memory_space<vmem>> -> memref<320xf32, #tpu.memory_space<vmem>>
    %dma_start3A_92 = tpu.memref_slice %arg3[%dma_start3A_81, %dma_start3A_82, %add3A] : memref<2x16x10240xf32, #tpu.memory_space<hbm>> -> memref<1x1x320xf32, #tpu.memory_space<hbm>>
    %dma_start3A_93 = tpu.memref_squeeze %dma_start3A_92 : memref<1x1x320xf32, #tpu.memory_space<hbm>> -> memref<320xf32, #tpu.memory_space<hbm>>
    tpu.enqueue_dma source(%dma_start3A_93 : memref<320xf32, #tpu.memory_space<hbm>>) target(%dma_start3A_91 : memref<320xf32, #tpu.memory_space<vmem>>) target_semaphore(%arg11 : memref<!tpu.dma_semaphore, #tpu.memory_space<semaphore_mem>>)
    %dma_start3A_94 = arith.constant 0 : i32
    %dma_start3A_95 = arith.constant 6 : i32
    %dma_start3A_96 = arith.constant 6 : i32
    %dma_start3A_97 = arith.constant 0 : i32
    %dma_start3A_98 = tpu.memref_slice %arg8[%dma_start3A_96, %dma_start3A_97] : memref<32x320xf32, #tpu.memory_space<vmem>> -> memref<1x320xf32, #tpu.memory_space<vmem>>
    %dma_start3A_99 = tpu.memref_squeeze %dma_start3A_98 : memref<1x320xf32, #tpu.memory_space<vmem>> -> memref<320xf32, #tpu.memory_space<vmem>>
    %dma_start3A_100 = tpu.memref_slice %arg3[%dma_start3A_94, %dma_start3A_95, %add3A] : memref<2x16x10240xf32, #tpu.memory_space<hbm>> -> memref<1x1x320xf32, #tpu.memory_space<hbm>>
    %dma_start3A_101 = tpu.memref_squeeze %dma_start3A_100 : memref<1x1x320xf32, #tpu.memory_space<hbm>> -> memref<320xf32, #tpu.memory_space<hbm>>
    %dma_start3A_102 = arith.constant 0 : i32
    %dma_start3A_103 = tpu.memref_slice %arg8[%dma_start3A_96, %dma_start3A_102] : memref<32x320xf32, #tpu.memory_space<vmem>> -> memref<1x320xf32, #tpu.memory_space<vmem>>
    %dma_start3A_104 = tpu.memref_squeeze %dma_start3A_103 : memref<1x320xf32, #tpu.memory_space<vmem>> -> memref<320xf32, #tpu.memory_space<vmem>>
    %dma_start3A_105 = tpu.memref_slice %arg3[%dma_start3A_94, %dma_start3A_95, %add3A] : memref<2x16x10240xf32, #tpu.memory_space<hbm>> -> memref<1x1x320xf32, #tpu.memory_space<hbm>>
    %dma_start3A_106 = tpu.memref_squeeze %dma_start3A_105 : memref<1x1x320xf32, #tpu.memory_space<hbm>> -> memref<320xf32, #tpu.memory_space<hbm>>
    tpu.enqueue_dma source(%dma_start3A_106 : memref<320xf32, #tpu.memory_space<hbm>>) target(%dma_start3A_104 : memref<320xf32, #tpu.memory_space<vmem>>) target_semaphore(%arg11 : memref<!tpu.dma_semaphore, #tpu.memory_space<semaphore_mem>>)
    %dma_start3A_107 = arith.constant 0 : i32
    %dma_start3A_108 = arith.constant 7 : i32
    %dma_start3A_109 = arith.constant 7 : i32
    %dma_start3A_110 = arith.constant 0 : i32
    %dma_start3A_111 = tpu.memref_slice %arg8[%dma_start3A_109, %dma_start3A_110] : memref<32x320xf32, #tpu.memory_space<vmem>> -> memref<1x320xf32, #tpu.memory_space<vmem>>
    %dma_start3A_112 = tpu.memref_squeeze %dma_start3A_111 : memref<1x320xf32, #tpu.memory_space<vmem>> -> memref<320xf32, #tpu.memory_space<vmem>>
    %dma_start3A_113 = tpu.memref_slice %arg3[%dma_start3A_107, %dma_start3A_108, %add3A] : memref<2x16x10240xf32, #tpu.memory_space<hbm>> -> memref<1x1x320xf32, #tpu.memory_space<hbm>>
    %dma_start3A_114 = tpu.memref_squeeze %dma_start3A_113 : memref<1x1x320xf32, #tpu.memory_space<hbm>> -> memref<320xf32, #tpu.memory_space<hbm>>
    %dma_start3A_115 = arith.constant 0 : i32
    %dma_start3A_116 = tpu.memref_slice %arg8[%dma_start3A_109, %dma_start3A_115] : memref<32x320xf32, #tpu.memory_space<vmem>> -> memref<1x320xf32, #tpu.memory_space<vmem>>
    %dma_start3A_117 = tpu.memref_squeeze %dma_start3A_116 : memref<1x320xf32, #tpu.memory_space<vmem>> -> memref<320xf32, #tpu.memory_space<vmem>>
    %dma_start3A_118 = tpu.memref_slice %arg3[%dma_start3A_107, %dma_start3A_108, %add3A] : memref<2x16x10240xf32, #tpu.memory_space<hbm>> -> memref<1x1x320xf32, #tpu.memory_space<hbm>>
    %dma_start3A_119 = tpu.memref_squeeze %dma_start3A_118 : memref<1x1x320xf32, #tpu.memory_space<hbm>> -> memref<320xf32, #tpu.memory_space<hbm>>
    tpu.enqueue_dma source(%dma_start3A_119 : memref<320xf32, #tpu.memory_space<hbm>>) target(%dma_start3A_117 : memref<320xf32, #tpu.memory_space<vmem>>) target_semaphore(%arg11 : memref<!tpu.dma_semaphore, #tpu.memory_space<semaphore_mem>>)
    %dma_start3A_120 = arith.constant 0 : i32
    %dma_start3A_121 = arith.constant 8 : i32
    %dma_start3A_122 = arith.constant 8 : i32
    %dma_start3A_123 = arith.constant 0 : i32
    %dma_start3A_124 = tpu.memref_slice %arg8[%dma_start3A_122, %dma_start3A_123] : memref<32x320xf32, #tpu.memory_space<vmem>> -> memref<1x320xf32, #tpu.memory_space<vmem>>
    %dma_start3A_125 = tpu.memref_squeeze %dma_start3A_124 : memref<1x320xf32, #tpu.memory_space<vmem>> -> memref<320xf32, #tpu.memory_space<vmem>>
    %dma_start3A_126 = tpu.memref_slice %arg3[%dma_start3A_120, %dma_start3A_121, %add3A] : memref<2x16x10240xf32, #tpu.memory_space<hbm>> -> memref<1x1x320xf32, #tpu.memory_space<hbm>>
    %dma_start3A_127 = tpu.memref_squeeze %dma_start3A_126 : memref<1x1x320xf32, #tpu.memory_space<hbm>> -> memref<320xf32, #tpu.memory_space<hbm>>
    %dma_start3A_128 = arith.constant 0 : i32
    %dma_start3A_129 = tpu.memref_slice %arg8[%dma_start3A_122, %dma_start3A_128] : memref<32x320xf32, #tpu.memory_space<vmem>> -> memref<1x320xf32, #tpu.memory_space<vmem>>
    %dma_start3A_130 = tpu.memref_squeeze %dma_start3A_129 : memref<1x320xf32, #tpu.memory_space<vmem>> -> memref<320xf32, #tpu.memory_space<vmem>>
    %dma_start3A_131 = tpu.memref_slice %arg3[%dma_start3A_120, %dma_start3A_121, %add3A] : memref<2x16x10240xf32, #tpu.memory_space<hbm>> -> memref<1x1x320xf32, #tpu.memory_space<hbm>>
    %dma_start3A_132 = tpu.memref_squeeze %dma_start3A_131 : memref<1x1x320xf32, #tpu.memory_space<hbm>> -> memref<320xf32, #tpu.memory_space<hbm>>
    tpu.enqueue_dma source(%dma_start3A_132 : memref<320xf32, #tpu.memory_space<hbm>>) target(%dma_start3A_130 : memref<320xf32, #tpu.memory_space<vmem>>) target_semaphore(%arg11 : memref<!tpu.dma_semaphore, #tpu.memory_space<semaphore_mem>>)
    %dma_start3A_133 = arith.constant 0 : i32
    %dma_start3A_134 = arith.constant 9 : i32
    %dma_start3A_135 = arith.constant 9 : i32
    %dma_start3A_136 = arith.constant 0 : i32
    %dma_start3A_137 = tpu.memref_slice %arg8[%dma_start3A_135, %dma_start3A_136] : memref<32x320xf32, #tpu.memory_space<vmem>> -> memref<1x320xf32, #tpu.memory_space<vmem>>
    %dma_start3A_138 = tpu.memref_squeeze %dma_start3A_137 : memref<1x320xf32, #tpu.memory_space<vmem>> -> memref<320xf32, #tpu.memory_space<vmem>>
    %dma_start3A_139 = tpu.memref_slice %arg3[%dma_start3A_133, %dma_start3A_134, %add3A] : memref<2x16x10240xf32, #tpu.memory_space<hbm>> -> memref<1x1x320xf32, #tpu.memory_space<hbm>>
    %dma_start3A_140 = tpu.memref_squeeze %dma_start3A_139 : memref<1x1x320xf32, #tpu.memory_space<hbm>> -> memref<320xf32, #tpu.memory_space<hbm>>
    %dma_start3A_141 = arith.constant 0 : i32
    %dma_start3A_142 = tpu.memref_slice %arg8[%dma_start3A_135, %dma_start3A_141] : memref<32x320xf32, #tpu.memory_space<vmem>> -> memref<1x320xf32, #tpu.memory_space<vmem>>
    %dma_start3A_143 = tpu.memref_squeeze %dma_start3A_142 : memref<1x320xf32, #tpu.memory_space<vmem>> -> memref<320xf32, #tpu.memory_space<vmem>>
    %dma_start3A_144 = tpu.memref_slice %arg3[%dma_start3A_133, %dma_start3A_134, %add3A] : memref<2x16x10240xf32, #tpu.memory_space<hbm>> -> memref<1x1x320xf32, #tpu.memory_space<hbm>>
    %dma_start3A_145 = tpu.memref_squeeze %dma_start3A_144 : memref<1x1x320xf32, #tpu.memory_space<hbm>> -> memref<320xf32, #tpu.memory_space<hbm>>
    tpu.enqueue_dma source(%dma_start3A_145 : memref<320xf32, #tpu.memory_space<hbm>>) target(%dma_start3A_143 : memref<320xf32, #tpu.memory_space<vmem>>) target_semaphore(%arg11 : memref<!tpu.dma_semaphore, #tpu.memory_space<semaphore_mem>>)
    %dma_start3A_146 = arith.constant 0 : i32
    %dma_start3A_147 = arith.constant 10 : i32
    %dma_start3A_148 = arith.constant 10 : i32
    %dma_start3A_149 = arith.constant 0 : i32
    %dma_start3A_150 = tpu.memref_slice %arg8[%dma_start3A_148, %dma_start3A_149] : memref<32x320xf32, #tpu.memory_space<vmem>> -> memref<1x320xf32, #tpu.memory_space<vmem>>
    %dma_start3A_151 = tpu.memref_squeeze %dma_start3A_150 : memref<1x320xf32, #tpu.memory_space<vmem>> -> memref<320xf32, #tpu.memory_space<vmem>>
    %dma_start3A_152 = tpu.memref_slice %arg3[%dma_start3A_146, %dma_start3A_147, %add3A] : memref<2x16x10240xf32, #tpu.memory_space<hbm>> -> memref<1x1x320xf32, #tpu.memory_space<hbm>>
    %dma_start3A_153 = tpu.memref_squeeze %dma_start3A_152 : memref<1x1x320xf32, #tpu.memory_space<hbm>> -> memref<320xf32, #tpu.memory_space<hbm>>
    %dma_start3A_154 = arith.constant 0 : i32
    %dma_start3A_155 = tpu.memref_slice %arg8[%dma_start3A_148, %dma_start3A_154] : memref<32x320xf32, #tpu.memory_space<vmem>> -> memref<1x320xf32, #tpu.memory_space<vmem>>
    %dma_start3A_156 = tpu.memref_squeeze %dma_start3A_155 : memref<1x320xf32, #tpu.memory_space<vmem>> -> memref<320xf32, #tpu.memory_space<vmem>>
    %dma_start3A_157 = tpu.memref_slice %arg3[%dma_start3A_146, %dma_start3A_147, %add3A] : memref<2x16x10240xf32, #tpu.memory_space<hbm>> -> memref<1x1x320xf32, #tpu.memory_space<hbm>>
    %dma_start3A_158 = tpu.memref_squeeze %dma_start3A_157 : memref<1x1x320xf32, #tpu.memory_space<hbm>> -> memref<320xf32, #tpu.memory_space<hbm>>
    tpu.enqueue_dma source(%dma_start3A_158 : memref<320xf32, #tpu.memory_space<hbm>>) target(%dma_start3A_156 : memref<320xf32, #tpu.memory_space<vmem>>) target_semaphore(%arg11 : memref<!tpu.dma_semaphore, #tpu.memory_space<semaphore_mem>>)
    %dma_start3A_159 = arith.constant 0 : i32
    %dma_start3A_160 = arith.constant 11 : i32
    %dma_start3A_161 = arith.constant 11 : i32
    %dma_start3A_162 = arith.constant 0 : i32
    %dma_start3A_163 = tpu.memref_slice %arg8[%dma_start3A_161, %dma_start3A_162] : memref<32x320xf32, #tpu.memory_space<vmem>> -> memref<1x320xf32, #tpu.memory_space<vmem>>
    %dma_start3A_164 = tpu.memref_squeeze %dma_start3A_163 : memref<1x320xf32, #tpu.memory_space<vmem>> -> memref<320xf32, #tpu.memory_space<vmem>>
    %dma_start3A_165 = tpu.memref_slice %arg3[%dma_start3A_159, %dma_start3A_160, %add3A] : memref<2x16x10240xf32, #tpu.memory_space<hbm>> -> memref<1x1x320xf32, #tpu.memory_space<hbm>>
    %dma_start3A_166 = tpu.memref_squeeze %dma_start3A_165 : memref<1x1x320xf32, #tpu.memory_space<hbm>> -> memref<320xf32, #tpu.memory_space<hbm>>
    %dma_start3A_167 = arith.constant 0 : i32
    %dma_start3A_168 = tpu.memref_slice %arg8[%dma_start3A_161, %dma_start3A_167] : memref<32x320xf32, #tpu.memory_space<vmem>> -> memref<1x320xf32, #tpu.memory_space<vmem>>
    %dma_start3A_169 = tpu.memref_squeeze %dma_start3A_168 : memref<1x320xf32, #tpu.memory_space<vmem>> -> memref<320xf32, #tpu.memory_space<vmem>>
    %dma_start3A_170 = tpu.memref_slice %arg3[%dma_start3A_159, %dma_start3A_160, %add3A] : memref<2x16x10240xf32, #tpu.memory_space<hbm>> -> memref<1x1x320xf32, #tpu.memory_space<hbm>>
    %dma_start3A_171 = tpu.memref_squeeze %dma_start3A_170 : memref<1x1x320xf32, #tpu.memory_space<hbm>> -> memref<320xf32, #tpu.memory_space<hbm>>
    tpu.enqueue_dma source(%dma_start3A_171 : memref<320xf32, #tpu.memory_space<hbm>>) target(%dma_start3A_169 : memref<320xf32, #tpu.memory_space<vmem>>) target_semaphore(%arg11 : memref<!tpu.dma_semaphore, #tpu.memory_space<semaphore_mem>>)
    %dma_start3A_172 = arith.constant 0 : i32
    %dma_start3A_173 = arith.constant 12 : i32
    %dma_start3A_174 = arith.constant 12 : i32
    %dma_start3A_175 = arith.constant 0 : i32
    %dma_start3A_176 = tpu.memref_slice %arg8[%dma_start3A_174, %dma_start3A_175] : memref<32x320xf32, #tpu.memory_space<vmem>> -> memref<1x320xf32, #tpu.memory_space<vmem>>
    %dma_start3A_177 = tpu.memref_squeeze %dma_start3A_176 : memref<1x320xf32, #tpu.memory_space<vmem>> -> memref<320xf32, #tpu.memory_space<vmem>>
    %dma_start3A_178 = tpu.memref_slice %arg3[%dma_start3A_172, %dma_start3A_173, %add3A] : memref<2x16x10240xf32, #tpu.memory_space<hbm>> -> memref<1x1x320xf32, #tpu.memory_space<hbm>>
    %dma_start3A_179 = tpu.memref_squeeze %dma_start3A_178 : memref<1x1x320xf32, #tpu.memory_space<hbm>> -> memref<320xf32, #tpu.memory_space<hbm>>
    %dma_start3A_180 = arith.constant 0 : i32
    %dma_start3A_181 = tpu.memref_slice %arg8[%dma_start3A_174, %dma_start3A_180] : memref<32x320xf32, #tpu.memory_space<vmem>> -> memref<1x320xf32, #tpu.memory_space<vmem>>
    %dma_start3A_182 = tpu.memref_squeeze %dma_start3A_181 : memref<1x320xf32, #tpu.memory_space<vmem>> -> memref<320xf32, #tpu.memory_space<vmem>>
    %dma_start3A_183 = tpu.memref_slice %arg3[%dma_start3A_172, %dma_start3A_173, %add3A] : memref<2x16x10240xf32, #tpu.memory_space<hbm>> -> memref<1x1x320xf32, #tpu.memory_space<hbm>>
    %dma_start3A_184 = tpu.memref_squeeze %dma_start3A_183 : memref<1x1x320xf32, #tpu.memory_space<hbm>> -> memref<320xf32, #tpu.memory_space<hbm>>
    tpu.enqueue_dma source(%dma_start3A_184 : memref<320xf32, #tpu.memory_space<hbm>>) target(%dma_start3A_182 : memref<320xf32, #tpu.memory_space<vmem>>) target_semaphore(%arg11 : memref<!tpu.dma_semaphore, #tpu.memory_space<semaphore_mem>>)
    %dma_start3A_185 = arith.constant 0 : i32
    %dma_start3A_186 = arith.constant 13 : i32
    %dma_start3A_187 = arith.constant 13 : i32
    %dma_start3A_188 = arith.constant 0 : i32
    %dma_start3A_189 = tpu.memref_slice %arg8[%dma_start3A_187, %dma_start3A_188] : memref<32x320xf32, #tpu.memory_space<vmem>> -> memref<1x320xf32, #tpu.memory_space<vmem>>
    %dma_start3A_190 = tpu.memref_squeeze %dma_start3A_189 : memref<1x320xf32, #tpu.memory_space<vmem>> -> memref<320xf32, #tpu.memory_space<vmem>>
    %dma_start3A_191 = tpu.memref_slice %arg3[%dma_start3A_185, %dma_start3A_186, %add3A] : memref<2x16x10240xf32, #tpu.memory_space<hbm>> -> memref<1x1x320xf32, #tpu.memory_space<hbm>>
    %dma_start3A_192 = tpu.memref_squeeze %dma_start3A_191 : memref<1x1x320xf32, #tpu.memory_space<hbm>> -> memref<320xf32, #tpu.memory_space<hbm>>
    %dma_start3A_193 = arith.constant 0 : i32
    %dma_start3A_194 = tpu.memref_slice %arg8[%dma_start3A_187, %dma_start3A_193] : memref<32x320xf32, #tpu.memory_space<vmem>> -> memref<1x320xf32, #tpu.memory_space<vmem>>
    %dma_start3A_195 = tpu.memref_squeeze %dma_start3A_194 : memref<1x320xf32, #tpu.memory_space<vmem>> -> memref<320xf32, #tpu.memory_space<vmem>>
    %dma_start3A_196 = tpu.memref_slice %arg3[%dma_start3A_185, %dma_start3A_186, %add3A] : memref<2x16x10240xf32, #tpu.memory_space<hbm>> -> memref<1x1x320xf32, #tpu.memory_space<hbm>>
    %dma_start3A_197 = tpu.memref_squeeze %dma_start3A_196 : memref<1x1x320xf32, #tpu.memory_space<hbm>> -> memref<320xf32, #tpu.memory_space<hbm>>
    tpu.enqueue_dma source(%dma_start3A_197 : memref<320xf32, #tpu.memory_space<hbm>>) target(%dma_start3A_195 : memref<320xf32, #tpu.memory_space<vmem>>) target_semaphore(%arg11 : memref<!tpu.dma_semaphore, #tpu.memory_space<semaphore_mem>>)
    %dma_start3A_198 = arith.constant 0 : i32
    %dma_start3A_199 = arith.constant 14 : i32
    %dma_start3A_200 = arith.constant 14 : i32
    %dma_start3A_201 = arith.constant 0 : i32
    %dma_start3A_202 = tpu.memref_slice %arg8[%dma_start3A_200, %dma_start3A_201] : memref<32x320xf32, #tpu.memory_space<vmem>> -> memref<1x320xf32, #tpu.memory_space<vmem>>
    %dma_start3A_203 = tpu.memref_squeeze %dma_start3A_202 : memref<1x320xf32, #tpu.memory_space<vmem>> -> memref<320xf32, #tpu.memory_space<vmem>>
    %dma_start3A_204 = tpu.memref_slice %arg3[%dma_start3A_198, %dma_start3A_199, %add3A] : memref<2x16x10240xf32, #tpu.memory_space<hbm>> -> memref<1x1x320xf32, #tpu.memory_space<hbm>>
    %dma_start3A_205 = tpu.memref_squeeze %dma_start3A_204 : memref<1x1x320xf32, #tpu.memory_space<hbm>> -> memref<320xf32, #tpu.memory_space<hbm>>
    %dma_start3A_206 = arith.constant 0 : i32
    %dma_start3A_207 = tpu.memref_slice %arg8[%dma_start3A_200, %dma_start3A_206] : memref<32x320xf32, #tpu.memory_space<vmem>> -> memref<1x320xf32, #tpu.memory_space<vmem>>
    %dma_start3A_208 = tpu.memref_squeeze %dma_start3A_207 : memref<1x320xf32, #tpu.memory_space<vmem>> -> memref<320xf32, #tpu.memory_space<vmem>>
    %dma_start3A_209 = tpu.memref_slice %arg3[%dma_start3A_198, %dma_start3A_199, %add3A] : memref<2x16x10240xf32, #tpu.memory_space<hbm>> -> memref<1x1x320xf32, #tpu.memory_space<hbm>>
    %dma_start3A_210 = tpu.memref_squeeze %dma_start3A_209 : memref<1x1x320xf32, #tpu.memory_space<hbm>> -> memref<320xf32, #tpu.memory_space<hbm>>
    tpu.enqueue_dma source(%dma_start3A_210 : memref<320xf32, #tpu.memory_space<hbm>>) target(%dma_start3A_208 : memref<320xf32, #tpu.memory_space<vmem>>) target_semaphore(%arg11 : memref<!tpu.dma_semaphore, #tpu.memory_space<semaphore_mem>>)
    %dma_start3A_211 = arith.constant 0 : i32
    %dma_start3A_212 = arith.constant 15 : i32
    %dma_start3A_213 = arith.constant 15 : i32
    %dma_start3A_214 = arith.constant 0 : i32
    %dma_start3A_215 = tpu.memref_slice %arg8[%dma_start3A_213, %dma_start3A_214] : memref<32x320xf32, #tpu.memory_space<vmem>> -> memref<1x320xf32, #tpu.memory_space<vmem>>
    %dma_start3A_216 = tpu.memref_squeeze %dma_start3A_215 : memref<1x320xf32, #tpu.memory_space<vmem>> -> memref<320xf32, #tpu.memory_space<vmem>>
    %dma_start3A_217 = tpu.memref_slice %arg3[%dma_start3A_211, %dma_start3A_212, %add3A] : memref<2x16x10240xf32, #tpu.memory_space<hbm>> -> memref<1x1x320xf32, #tpu.memory_space<hbm>>
    %dma_start3A_218 = tpu.memref_squeeze %dma_start3A_217 : memref<1x1x320xf32, #tpu.memory_space<hbm>> -> memref<320xf32, #tpu.memory_space<hbm>>
    %dma_start3A_219 = arith.constant 0 : i32
    %dma_start3A_220 = tpu.memref_slice %arg8[%dma_start3A_213, %dma_start3A_219] : memref<32x320xf32, #tpu.memory_space<vmem>> -> memref<1x320xf32, #tpu.memory_space<vmem>>
    %dma_start3A_221 = tpu.memref_squeeze %dma_start3A_220 : memref<1x320xf32, #tpu.memory_space<vmem>> -> memref<320xf32, #tpu.memory_space<vmem>>
    %dma_start3A_222 = tpu.memref_slice %arg3[%dma_start3A_211, %dma_start3A_212, %add3A] : memref<2x16x10240xf32, #tpu.memory_space<hbm>> -> memref<1x1x320xf32, #tpu.memory_space<hbm>>
    %dma_start3A_223 = tpu.memref_squeeze %dma_start3A_222 : memref<1x1x320xf32, #tpu.memory_space<hbm>> -> memref<320xf32, #tpu.memory_space<hbm>>
    tpu.enqueue_dma source(%dma_start3A_223 : memref<320xf32, #tpu.memory_space<hbm>>) target(%dma_start3A_221 : memref<320xf32, #tpu.memory_space<vmem>>) target_semaphore(%arg11 : memref<!tpu.dma_semaphore, #tpu.memory_space<semaphore_mem>>)
    %dma_start3A_224 = arith.constant 1 : i32
    %dma_start3A_225 = arith.constant 0 : i32
    %dma_start3A_226 = arith.constant 16 : i32
    %dma_start3A_227 = arith.constant 0 : i32
    %dma_start3A_228 = tpu.memref_slice %arg8[%dma_start3A_226, %dma_start3A_227] : memref<32x320xf32, #tpu.memory_space<vmem>> -> memref<1x320xf32, #tpu.memory_space<vmem>>
    %dma_start3A_229 = tpu.memref_squeeze %dma_start3A_228 : memref<1x320xf32, #tpu.memory_space<vmem>> -> memref<320xf32, #tpu.memory_space<vmem>>
    %dma_start3A_230 = tpu.memref_slice %arg3[%dma_start3A_224, %dma_start3A_225, %add3A] : memref<2x16x10240xf32, #tpu.memory_space<hbm>> -> memref<1x1x320xf32, #tpu.memory_space<hbm>>
    %dma_start3A_231 = tpu.memref_squeeze %dma_start3A_230 : memref<1x1x320xf32, #tpu.memory_space<hbm>> -> memref<320xf32, #tpu.memory_space<hbm>>
    %dma_start3A_232 = arith.constant 0 : i32
    %dma_start3A_233 = tpu.memref_slice %arg8[%dma_start3A_226, %dma_start3A_232] : memref<32x320xf32, #tpu.memory_space<vmem>> -> memref<1x320xf32, #tpu.memory_space<vmem>>
    %dma_start3A_234 = tpu.memref_squeeze %dma_start3A_233 : memref<1x320xf32, #tpu.memory_space<vmem>> -> memref<320xf32, #tpu.memory_space<vmem>>
    %dma_start3A_235 = tpu.memref_slice %arg3[%dma_start3A_224, %dma_start3A_225, %add3A] : memref<2x16x10240xf32, #tpu.memory_space<hbm>> -> memref<1x1x320xf32, #tpu.memory_space<hbm>>
    %dma_start3A_236 = tpu.memref_squeeze %dma_start3A_235 : memref<1x1x320xf32, #tpu.memory_space<hbm>> -> memref<320xf32, #tpu.memory_space<hbm>>
    tpu.enqueue_dma source(%dma_start3A_236 : memref<320xf32, #tpu.memory_space<hbm>>) target(%dma_start3A_234 : memref<320xf32, #tpu.memory_space<vmem>>) target_semaphore(%arg11 : memref<!tpu.dma_semaphore, #tpu.memory_space<semaphore_mem>>)
    %dma_start3A_237 = arith.constant 1 : i32
    %dma_start3A_238 = arith.constant 1 : i32
    %dma_start3A_239 = arith.constant 17 : i32
    %dma_start3A_240 = arith.constant 0 : i32
    %dma_start3A_241 = tpu.memref_slice %arg8[%dma_start3A_239, %dma_start3A_240] : memref<32x320xf32, #tpu.memory_space<vmem>> -> memref<1x320xf32, #tpu.memory_space<vmem>>
    %dma_start3A_242 = tpu.memref_squeeze %dma_start3A_241 : memref<1x320xf32, #tpu.memory_space<vmem>> -> memref<320xf32, #tpu.memory_space<vmem>>
    %dma_start3A_243 = tpu.memref_slice %arg3[%dma_start3A_237, %dma_start3A_238, %add3A] : memref<2x16x10240xf32, #tpu.memory_space<hbm>> -> memref<1x1x320xf32, #tpu.memory_space<hbm>>
    %dma_start3A_244 = tpu.memref_squeeze %dma_start3A_243 : memref<1x1x320xf32, #tpu.memory_space<hbm>> -> memref<320xf32, #tpu.memory_space<hbm>>
    %dma_start3A_245 = arith.constant 0 : i32
    %dma_start3A_246 = tpu.memref_slice %arg8[%dma_start3A_239, %dma_start3A_245] : memref<32x320xf32, #tpu.memory_space<vmem>> -> memref<1x320xf32, #tpu.memory_space<vmem>>
    %dma_start3A_247 = tpu.memref_squeeze %dma_start3A_246 : memref<1x320xf32, #tpu.memory_space<vmem>> -> memref<320xf32, #tpu.memory_space<vmem>>
    %dma_start3A_248 = tpu.memref_slice %arg3[%dma_start3A_237, %dma_start3A_238, %add3A] : memref<2x16x10240xf32, #tpu.memory_space<hbm>> -> memref<1x1x320xf32, #tpu.memory_space<hbm>>
    %dma_start3A_249 = tpu.memref_squeeze %dma_start3A_248 : memref<1x1x320xf32, #tpu.memory_space<hbm>> -> memref<320xf32, #tpu.memory_space<hbm>>
    tpu.enqueue_dma source(%dma_start3A_249 : memref<320xf32, #tpu.memory_space<hbm>>) target(%dma_start3A_247 : memref<320xf32, #tpu.memory_space<vmem>>) target_semaphore(%arg11 : memref<!tpu.dma_semaphore, #tpu.memory_space<semaphore_mem>>)
    %dma_start3A_250 = arith.constant 1 : i32
    %dma_start3A_251 = arith.constant 2 : i32
    %dma_start3A_252 = arith.constant 18 : i32
    %dma_start3A_253 = arith.constant 0 : i32
    %dma_start3A_254 = tpu.memref_slice %arg8[%dma_start3A_252, %dma_start3A_253] : memref<32x320xf32, #tpu.memory_space<vmem>> -> memref<1x320xf32, #tpu.memory_space<vmem>>
    %dma_start3A_255 = tpu.memref_squeeze %dma_start3A_254 : memref<1x320xf32, #tpu.memory_space<vmem>> -> memref<320xf32, #tpu.memory_space<vmem>>
    %dma_start3A_256 = tpu.memref_slice %arg3[%dma_start3A_250, %dma_start3A_251, %add3A] : memref<2x16x10240xf32, #tpu.memory_space<hbm>> -> memref<1x1x320xf32, #tpu.memory_space<hbm>>
    %dma_start3A_257 = tpu.memref_squeeze %dma_start3A_256 : memref<1x1x320xf32, #tpu.memory_space<hbm>> -> memref<320xf32, #tpu.memory_space<hbm>>
    %dma_start3A_258 = arith.constant 0 : i32
    %dma_start3A_259 = tpu.memref_slice %arg8[%dma_start3A_252, %dma_start3A_258] : memref<32x320xf32, #tpu.memory_space<vmem>> -> memref<1x320xf32, #tpu.memory_space<vmem>>
    %dma_start3A_260 = tpu.memref_squeeze %dma_start3A_259 : memref<1x320xf32, #tpu.memory_space<vmem>> -> memref<320xf32, #tpu.memory_space<vmem>>
    %dma_start3A_261 = tpu.memref_slice %arg3[%dma_start3A_250, %dma_start3A_251, %add3A] : memref<2x16x10240xf32, #tpu.memory_space<hbm>> -> memref<1x1x320xf32, #tpu.memory_space<hbm>>
    %dma_start3A_262 = tpu.memref_squeeze %dma_start3A_261 : memref<1x1x320xf32, #tpu.memory_space<hbm>> -> memref<320xf32, #tpu.memory_space<hbm>>
    tpu.enqueue_dma source(%dma_start3A_262 : memref<320xf32, #tpu.memory_space<hbm>>) target(%dma_start3A_260 : memref<320xf32, #tpu.memory_space<vmem>>) target_semaphore(%arg11 : memref<!tpu.dma_semaphore, #tpu.memory_space<semaphore_mem>>)
    %dma_start3A_263 = arith.constant 1 : i32
    %dma_start3A_264 = arith.constant 3 : i32
    %dma_start3A_265 = arith.constant 19 : i32
    %dma_start3A_266 = arith.constant 0 : i32
    %dma_start3A_267 = tpu.memref_slice %arg8[%dma_start3A_265, %dma_start3A_266] : memref<32x320xf32, #tpu.memory_space<vmem>> -> memref<1x320xf32, #tpu.memory_space<vmem>>
    %dma_start3A_268 = tpu.memref_squeeze %dma_start3A_267 : memref<1x320xf32, #tpu.memory_space<vmem>> -> memref<320xf32, #tpu.memory_space<vmem>>
    %dma_start3A_269 = tpu.memref_slice %arg3[%dma_start3A_263, %dma_start3A_264, %add3A] : memref<2x16x10240xf32, #tpu.memory_space<hbm>> -> memref<1x1x320xf32, #tpu.memory_space<hbm>>
    %dma_start3A_270 = tpu.memref_squeeze %dma_start3A_269 : memref<1x1x320xf32, #tpu.memory_space<hbm>> -> memref<320xf32, #tpu.memory_space<hbm>>
    %dma_start3A_271 = arith.constant 0 : i32
    %dma_start3A_272 = tpu.memref_slice %arg8[%dma_start3A_265, %dma_start3A_271] : memref<32x320xf32, #tpu.memory_space<vmem>> -> memref<1x320xf32, #tpu.memory_space<vmem>>
    %dma_start3A_273 = tpu.memref_squeeze %dma_start3A_272 : memref<1x320xf32, #tpu.memory_space<vmem>> -> memref<320xf32, #tpu.memory_space<vmem>>
    %dma_start3A_274 = tpu.memref_slice %arg3[%dma_start3A_263, %dma_start3A_264, %add3A] : memref<2x16x10240xf32, #tpu.memory_space<hbm>> -> memref<1x1x320xf32, #tpu.memory_space<hbm>>
    %dma_start3A_275 = tpu.memref_squeeze %dma_start3A_274 : memref<1x1x320xf32, #tpu.memory_space<hbm>> -> memref<320xf32, #tpu.memory_space<hbm>>
    tpu.enqueue_dma source(%dma_start3A_275 : memref<320xf32, #tpu.memory_space<hbm>>) target(%dma_start3A_273 : memref<320xf32, #tpu.memory_space<vmem>>) target_semaphore(%arg11 : memref<!tpu.dma_semaphore, #tpu.memory_space<semaphore_mem>>)
    %dma_start3A_276 = arith.constant 1 : i32
    %dma_start3A_277 = arith.constant 4 : i32
    %dma_start3A_278 = arith.constant 20 : i32
    %dma_start3A_279 = arith.constant 0 : i32
    %dma_start3A_280 = tpu.memref_slice %arg8[%dma_start3A_278, %dma_start3A_279] : memref<32x320xf32, #tpu.memory_space<vmem>> -> memref<1x320xf32, #tpu.memory_space<vmem>>
    %dma_start3A_281 = tpu.memref_squeeze %dma_start3A_280 : memref<1x320xf32, #tpu.memory_space<vmem>> -> memref<320xf32, #tpu.memory_space<vmem>>
    %dma_start3A_282 = tpu.memref_slice %arg3[%dma_start3A_276, %dma_start3A_277, %add3A] : memref<2x16x10240xf32, #tpu.memory_space<hbm>> -> memref<1x1x320xf32, #tpu.memory_space<hbm>>
    %dma_start3A_283 = tpu.memref_squeeze %dma_start3A_282 : memref<1x1x320xf32, #tpu.memory_space<hbm>> -> memref<320xf32, #tpu.memory_space<hbm>>
    %dma_start3A_284 = arith.constant 0 : i32
    %dma_start3A_285 = tpu.memref_slice %arg8[%dma_start3A_278, %dma_start3A_284] : memref<32x320xf32, #tpu.memory_space<vmem>> -> memref<1x320xf32, #tpu.memory_space<vmem>>
    %dma_start3A_286 = tpu.memref_squeeze %dma_start3A_285 : memref<1x320xf32, #tpu.memory_space<vmem>> -> memref<320xf32, #tpu.memory_space<vmem>>
    %dma_start3A_287 = tpu.memref_slice %arg3[%dma_start3A_276, %dma_start3A_277, %add3A] : memref<2x16x10240xf32, #tpu.memory_space<hbm>> -> memref<1x1x320xf32, #tpu.memory_space<hbm>>
    %dma_start3A_288 = tpu.memref_squeeze %dma_start3A_287 : memref<1x1x320xf32, #tpu.memory_space<hbm>> -> memref<320xf32, #tpu.memory_space<hbm>>
    tpu.enqueue_dma source(%dma_start3A_288 : memref<320xf32, #tpu.memory_space<hbm>>) target(%dma_start3A_286 : memref<320xf32, #tpu.memory_space<vmem>>) target_semaphore(%arg11 : memref<!tpu.dma_semaphore, #tpu.memory_space<semaphore_mem>>)
    %dma_start3A_289 = arith.constant 1 : i32
    %dma_start3A_290 = arith.constant 5 : i32
    %dma_start3A_291 = arith.constant 21 : i32
    %dma_start3A_292 = arith.constant 0 : i32
    %dma_start3A_293 = tpu.memref_slice %arg8[%dma_start3A_291, %dma_start3A_292] : memref<32x320xf32, #tpu.memory_space<vmem>> -> memref<1x320xf32, #tpu.memory_space<vmem>>
    %dma_start3A_294 = tpu.memref_squeeze %dma_start3A_293 : memref<1x320xf32, #tpu.memory_space<vmem>> -> memref<320xf32, #tpu.memory_space<vmem>>
    %dma_start3A_295 = tpu.memref_slice %arg3[%dma_start3A_289, %dma_start3A_290, %add3A] : memref<2x16x10240xf32, #tpu.memory_space<hbm>> -> memref<1x1x320xf32, #tpu.memory_space<hbm>>
    %dma_start3A_296 = tpu.memref_squeeze %dma_start3A_295 : memref<1x1x320xf32, #tpu.memory_space<hbm>> -> memref<320xf32, #tpu.memory_space<hbm>>
    %dma_start3A_297 = arith.constant 0 : i32
    %dma_start3A_298 = tpu.memref_slice %arg8[%dma_start3A_291, %dma_start3A_297] : memref<32x320xf32, #tpu.memory_space<vmem>> -> memref<1x320xf32, #tpu.memory_space<vmem>>
    %dma_start3A_299 = tpu.memref_squeeze %dma_start3A_298 : memref<1x320xf32, #tpu.memory_space<vmem>> -> memref<320xf32, #tpu.memory_space<vmem>>
    %dma_start3A_300 = tpu.memref_slice %arg3[%dma_start3A_289, %dma_start3A_290, %add3A] : memref<2x16x10240xf32, #tpu.memory_space<hbm>> -> memref<1x1x320xf32, #tpu.memory_space<hbm>>
    %dma_start3A_301 = tpu.memref_squeeze %dma_start3A_300 : memref<1x1x320xf32, #tpu.memory_space<hbm>> -> memref<320xf32, #tpu.memory_space<hbm>>
    tpu.enqueue_dma source(%dma_start3A_301 : memref<320xf32, #tpu.memory_space<hbm>>) target(%dma_start3A_299 : memref<320xf32, #tpu.memory_space<vmem>>) target_semaphore(%arg11 : memref<!tpu.dma_semaphore, #tpu.memory_space<semaphore_mem>>)
    %dma_start3A_302 = arith.constant 1 : i32
    %dma_start3A_303 = arith.constant 6 : i32
    %dma_start3A_304 = arith.constant 22 : i32
    %dma_start3A_305 = arith.constant 0 : i32
    %dma_start3A_306 = tpu.memref_slice %arg8[%dma_start3A_304, %dma_start3A_305] : memref<32x320xf32, #tpu.memory_space<vmem>> -> memref<1x320xf32, #tpu.memory_space<vmem>>
    %dma_start3A_307 = tpu.memref_squeeze %dma_start3A_306 : memref<1x320xf32, #tpu.memory_space<vmem>> -> memref<320xf32, #tpu.memory_space<vmem>>
    %dma_start3A_308 = tpu.memref_slice %arg3[%dma_start3A_302, %dma_start3A_303, %add3A] : memref<2x16x10240xf32, #tpu.memory_space<hbm>> -> memref<1x1x320xf32, #tpu.memory_space<hbm>>
    %dma_start3A_309 = tpu.memref_squeeze %dma_start3A_308 : memref<1x1x320xf32, #tpu.memory_space<hbm>> -> memref<320xf32, #tpu.memory_space<hbm>>
    %dma_start3A_310 = arith.constant 0 : i32
    %dma_start3A_311 = tpu.memref_slice %arg8[%dma_start3A_304, %dma_start3A_310] : memref<32x320xf32, #tpu.memory_space<vmem>> -> memref<1x320xf32, #tpu.memory_space<vmem>>
    %dma_start3A_312 = tpu.memref_squeeze %dma_start3A_311 : memref<1x320xf32, #tpu.memory_space<vmem>> -> memref<320xf32, #tpu.memory_space<vmem>>
    %dma_start3A_313 = tpu.memref_slice %arg3[%dma_start3A_302, %dma_start3A_303, %add3A] : memref<2x16x10240xf32, #tpu.memory_space<hbm>> -> memref<1x1x320xf32, #tpu.memory_space<hbm>>
    %dma_start3A_314 = tpu.memref_squeeze %dma_start3A_313 : memref<1x1x320xf32, #tpu.memory_space<hbm>> -> memref<320xf32, #tpu.memory_space<hbm>>
    tpu.enqueue_dma source(%dma_start3A_314 : memref<320xf32, #tpu.memory_space<hbm>>) target(%dma_start3A_312 : memref<320xf32, #tpu.memory_space<vmem>>) target_semaphore(%arg11 : memref<!tpu.dma_semaphore, #tpu.memory_space<semaphore_mem>>)
    %dma_start3A_315 = arith.constant 1 : i32
    %dma_start3A_316 = arith.constant 7 : i32
    %dma_start3A_317 = arith.constant 23 : i32
    %dma_start3A_318 = arith.constant 0 : i32
    %dma_start3A_319 = tpu.memref_slice %arg8[%dma_start3A_317, %dma_start3A_318] : memref<32x320xf32, #tpu.memory_space<vmem>> -> memref<1x320xf32, #tpu.memory_space<vmem>>
    %dma_start3A_320 = tpu.memref_squeeze %dma_start3A_319 : memref<1x320xf32, #tpu.memory_space<vmem>> -> memref<320xf32, #tpu.memory_space<vmem>>
    %dma_start3A_321 = tpu.memref_slice %arg3[%dma_start3A_315, %dma_start3A_316, %add3A] : memref<2x16x10240xf32, #tpu.memory_space<hbm>> -> memref<1x1x320xf32, #tpu.memory_space<hbm>>
    %dma_start3A_322 = tpu.memref_squeeze %dma_start3A_321 : memref<1x1x320xf32, #tpu.memory_space<hbm>> -> memref<320xf32, #tpu.memory_space<hbm>>
    %dma_start3A_323 = arith.constant 0 : i32
    %dma_start3A_324 = tpu.memref_slice %arg8[%dma_start3A_317, %dma_start3A_323] : memref<32x320xf32, #tpu.memory_space<vmem>> -> memref<1x320xf32, #tpu.memory_space<vmem>>
    %dma_start3A_325 = tpu.memref_squeeze %dma_start3A_324 : memref<1x320xf32, #tpu.memory_space<vmem>> -> memref<320xf32, #tpu.memory_space<vmem>>
    %dma_start3A_326 = tpu.memref_slice %arg3[%dma_start3A_315, %dma_start3A_316, %add3A] : memref<2x16x10240xf32, #tpu.memory_space<hbm>> -> memref<1x1x320xf32, #tpu.memory_space<hbm>>
    %dma_start3A_327 = tpu.memref_squeeze %dma_start3A_326 : memref<1x1x320xf32, #tpu.memory_space<hbm>> -> memref<320xf32, #tpu.memory_space<hbm>>
    tpu.enqueue_dma source(%dma_start3A_327 : memref<320xf32, #tpu.memory_space<hbm>>) target(%dma_start3A_325 : memref<320xf32, #tpu.memory_space<vmem>>) target_semaphore(%arg11 : memref<!tpu.dma_semaphore, #tpu.memory_space<semaphore_mem>>)
    %dma_start3A_328 = arith.constant 1 : i32
    %dma_start3A_329 = arith.constant 8 : i32
    %dma_start3A_330 = arith.constant 24 : i32
    %dma_start3A_331 = arith.constant 0 : i32
    %dma_start3A_332 = tpu.memref_slice %arg8[%dma_start3A_330, %dma_start3A_331] : memref<32x320xf32, #tpu.memory_space<vmem>> -> memref<1x320xf32, #tpu.memory_space<vmem>>
    %dma_start3A_333 = tpu.memref_squeeze %dma_start3A_332 : memref<1x320xf32, #tpu.memory_space<vmem>> -> memref<320xf32, #tpu.memory_space<vmem>>
    %dma_start3A_334 = tpu.memref_slice %arg3[%dma_start3A_328, %dma_start3A_329, %add3A] : memref<2x16x10240xf32, #tpu.memory_space<hbm>> -> memref<1x1x320xf32, #tpu.memory_space<hbm>>
    %dma_start3A_335 = tpu.memref_squeeze %dma_start3A_334 : memref<1x1x320xf32, #tpu.memory_space<hbm>> -> memref<320xf32, #tpu.memory_space<hbm>>
    %dma_start3A_336 = arith.constant 0 : i32
    %dma_start3A_337 = tpu.memref_slice %arg8[%dma_start3A_330, %dma_start3A_336] : memref<32x320xf32, #tpu.memory_space<vmem>> -> memref<1x320xf32, #tpu.memory_space<vmem>>
    %dma_start3A_338 = tpu.memref_squeeze %dma_start3A_337 : memref<1x320xf32, #tpu.memory_space<vmem>> -> memref<320xf32, #tpu.memory_space<vmem>>
    %dma_start3A_339 = tpu.memref_slice %arg3[%dma_start3A_328, %dma_start3A_329, %add3A] : memref<2x16x10240xf32, #tpu.memory_space<hbm>> -> memref<1x1x320xf32, #tpu.memory_space<hbm>>
    %dma_start3A_340 = tpu.memref_squeeze %dma_start3A_339 : memref<1x1x320xf32, #tpu.memory_space<hbm>> -> memref<320xf32, #tpu.memory_space<hbm>>
    tpu.enqueue_dma source(%dma_start3A_340 : memref<320xf32, #tpu.memory_space<hbm>>) target(%dma_start3A_338 : memref<320xf32, #tpu.memory_space<vmem>>) target_semaphore(%arg11 : memref<!tpu.dma_semaphore, #tpu.memory_space<semaphore_mem>>)
    %dma_start3A_341 = arith.constant 1 : i32
    %dma_start3A_342 = arith.constant 9 : i32
    %dma_start3A_343 = arith.constant 25 : i32
    %dma_start3A_344 = arith.constant 0 : i32
    %dma_start3A_345 = tpu.memref_slice %arg8[%dma_start3A_343, %dma_start3A_344] : memref<32x320xf32, #tpu.memory_space<vmem>> -> memref<1x320xf32, #tpu.memory_space<vmem>>
    %dma_start3A_346 = tpu.memref_squeeze %dma_start3A_345 : memref<1x320xf32, #tpu.memory_space<vmem>> -> memref<320xf32, #tpu.memory_space<vmem>>
    %dma_start3A_347 = tpu.memref_slice %arg3[%dma_start3A_341, %dma_start3A_342, %add3A] : memref<2x16x10240xf32, #tpu.memory_space<hbm>> -> memref<1x1x320xf32, #tpu.memory_space<hbm>>
    %dma_start3A_348 = tpu.memref_squeeze %dma_start3A_347 : memref<1x1x320xf32, #tpu.memory_space<hbm>> -> memref<320xf32, #tpu.memory_space<hbm>>
    %dma_start3A_349 = arith.constant 0 : i32
    %dma_start3A_350 = tpu.memref_slice %arg8[%dma_start3A_343, %dma_start3A_349] : memref<32x320xf32, #tpu.memory_space<vmem>> -> memref<1x320xf32, #tpu.memory_space<vmem>>
    %dma_start3A_351 = tpu.memref_squeeze %dma_start3A_350 : memref<1x320xf32, #tpu.memory_space<vmem>> -> memref<320xf32, #tpu.memory_space<vmem>>
    %dma_start3A_352 = tpu.memref_slice %arg3[%dma_start3A_341, %dma_start3A_342, %add3A] : memref<2x16x10240xf32, #tpu.memory_space<hbm>> -> memref<1x1x320xf32, #tpu.memory_space<hbm>>
    %dma_start3A_353 = tpu.memref_squeeze %dma_start3A_352 : memref<1x1x320xf32, #tpu.memory_space<hbm>> -> memref<320xf32, #tpu.memory_space<hbm>>
    tpu.enqueue_dma source(%dma_start3A_353 : memref<320xf32, #tpu.memory_space<hbm>>) target(%dma_start3A_351 : memref<320xf32, #tpu.memory_space<vmem>>) target_semaphore(%arg11 : memref<!tpu.dma_semaphore, #tpu.memory_space<semaphore_mem>>)
    %dma_start3A_354 = arith.constant 1 : i32
    %dma_start3A_355 = arith.constant 10 : i32
    %dma_start3A_356 = arith.constant 26 : i32
    %dma_start3A_357 = arith.constant 0 : i32
    %dma_start3A_358 = tpu.memref_slice %arg8[%dma_start3A_356, %dma_start3A_357] : memref<32x320xf32, #tpu.memory_space<vmem>> -> memref<1x320xf32, #tpu.memory_space<vmem>>
    %dma_start3A_359 = tpu.memref_squeeze %dma_start3A_358 : memref<1x320xf32, #tpu.memory_space<vmem>> -> memref<320xf32, #tpu.memory_space<vmem>>
    %dma_start3A_360 = tpu.memref_slice %arg3[%dma_start3A_354, %dma_start3A_355, %add3A] : memref<2x16x10240xf32, #tpu.memory_space<hbm>> -> memref<1x1x320xf32, #tpu.memory_space<hbm>>
    %dma_start3A_361 = tpu.memref_squeeze %dma_start3A_360 : memref<1x1x320xf32, #tpu.memory_space<hbm>> -> memref<320xf32, #tpu.memory_space<hbm>>
    %dma_start3A_362 = arith.constant 0 : i32
    %dma_start3A_363 = tpu.memref_slice %arg8[%dma_start3A_356, %dma_start3A_362] : memref<32x320xf32, #tpu.memory_space<vmem>> -> memref<1x320xf32, #tpu.memory_space<vmem>>
    %dma_start3A_364 = tpu.memref_squeeze %dma_start3A_363 : memref<1x320xf32, #tpu.memory_space<vmem>> -> memref<320xf32, #tpu.memory_space<vmem>>
    %dma_start3A_365 = tpu.memref_slice %arg3[%dma_start3A_354, %dma_start3A_355, %add3A] : memref<2x16x10240xf32, #tpu.memory_space<hbm>> -> memref<1x1x320xf32, #tpu.memory_space<hbm>>
    %dma_start3A_366 = tpu.memref_squeeze %dma_start3A_365 : memref<1x1x320xf32, #tpu.memory_space<hbm>> -> memref<320xf32, #tpu.memory_space<hbm>>
    tpu.enqueue_dma source(%dma_start3A_366 : memref<320xf32, #tpu.memory_space<hbm>>) target(%dma_start3A_364 : memref<320xf32, #tpu.memory_space<vmem>>) target_semaphore(%arg11 : memref<!tpu.dma_semaphore, #tpu.memory_space<semaphore_mem>>)
    %dma_start3A_367 = arith.constant 1 : i32
    %dma_start3A_368 = arith.constant 11 : i32
    %dma_start3A_369 = arith.constant 27 : i32
    %dma_start3A_370 = arith.constant 0 : i32
    %dma_start3A_371 = tpu.memref_slice %arg8[%dma_start3A_369, %dma_start3A_370] : memref<32x320xf32, #tpu.memory_space<vmem>> -> memref<1x320xf32, #tpu.memory_space<vmem>>
    %dma_start3A_372 = tpu.memref_squeeze %dma_start3A_371 : memref<1x320xf32, #tpu.memory_space<vmem>> -> memref<320xf32, #tpu.memory_space<vmem>>
    %dma_start3A_373 = tpu.memref_slice %arg3[%dma_start3A_367, %dma_start3A_368, %add3A] : memref<2x16x10240xf32, #tpu.memory_space<hbm>> -> memref<1x1x320xf32, #tpu.memory_space<hbm>>
    %dma_start3A_374 = tpu.memref_squeeze %dma_start3A_373 : memref<1x1x320xf32, #tpu.memory_space<hbm>> -> memref<320xf32, #tpu.memory_space<hbm>>
    %dma_start3A_375 = arith.constant 0 : i32
    %dma_start3A_376 = tpu.memref_slice %arg8[%dma_start3A_369, %dma_start3A_375] : memref<32x320xf32, #tpu.memory_space<vmem>> -> memref<1x320xf32, #tpu.memory_space<vmem>>
    %dma_start3A_377 = tpu.memref_squeeze %dma_start3A_376 : memref<1x320xf32, #tpu.memory_space<vmem>> -> memref<320xf32, #tpu.memory_space<vmem>>
    %dma_start3A_378 = tpu.memref_slice %arg3[%dma_start3A_367, %dma_start3A_368, %add3A] : memref<2x16x10240xf32, #tpu.memory_space<hbm>> -> memref<1x1x320xf32, #tpu.memory_space<hbm>>
    %dma_start3A_379 = tpu.memref_squeeze %dma_start3A_378 : memref<1x1x320xf32, #tpu.memory_space<hbm>> -> memref<320xf32, #tpu.memory_space<hbm>>
    tpu.enqueue_dma source(%dma_start3A_379 : memref<320xf32, #tpu.memory_space<hbm>>) target(%dma_start3A_377 : memref<320xf32, #tpu.memory_space<vmem>>) target_semaphore(%arg11 : memref<!tpu.dma_semaphore, #tpu.memory_space<semaphore_mem>>)
    %dma_start3A_380 = arith.constant 1 : i32
    %dma_start3A_381 = arith.constant 12 : i32
    %dma_start3A_382 = arith.constant 28 : i32
    %dma_start3A_383 = arith.constant 0 : i32
    %dma_start3A_384 = tpu.memref_slice %arg8[%dma_start3A_382, %dma_start3A_383] : memref<32x320xf32, #tpu.memory_space<vmem>> -> memref<1x320xf32, #tpu.memory_space<vmem>>
    %dma_start3A_385 = tpu.memref_squeeze %dma_start3A_384 : memref<1x320xf32, #tpu.memory_space<vmem>> -> memref<320xf32, #tpu.memory_space<vmem>>
    %dma_start3A_386 = tpu.memref_slice %arg3[%dma_start3A_380, %dma_start3A_381, %add3A] : memref<2x16x10240xf32, #tpu.memory_space<hbm>> -> memref<1x1x320xf32, #tpu.memory_space<hbm>>
    %dma_start3A_387 = tpu.memref_squeeze %dma_start3A_386 : memref<1x1x320xf32, #tpu.memory_space<hbm>> -> memref<320xf32, #tpu.memory_space<hbm>>
    %dma_start3A_388 = arith.constant 0 : i32
    %dma_start3A_389 = tpu.memref_slice %arg8[%dma_start3A_382, %dma_start3A_388] : memref<32x320xf32, #tpu.memory_space<vmem>> -> memref<1x320xf32, #tpu.memory_space<vmem>>
    %dma_start3A_390 = tpu.memref_squeeze %dma_start3A_389 : memref<1x320xf32, #tpu.memory_space<vmem>> -> memref<320xf32, #tpu.memory_space<vmem>>
    %dma_start3A_391 = tpu.memref_slice %arg3[%dma_start3A_380, %dma_start3A_381, %add3A] : memref<2x16x10240xf32, #tpu.memory_space<hbm>> -> memref<1x1x320xf32, #tpu.memory_space<hbm>>
    %dma_start3A_392 = tpu.memref_squeeze %dma_start3A_391 : memref<1x1x320xf32, #tpu.memory_space<hbm>> -> memref<320xf32, #tpu.memory_space<hbm>>
    tpu.enqueue_dma source(%dma_start3A_392 : memref<320xf32, #tpu.memory_space<hbm>>) target(%dma_start3A_390 : memref<320xf32, #tpu.memory_space<vmem>>) target_semaphore(%arg11 : memref<!tpu.dma_semaphore, #tpu.memory_space<semaphore_mem>>)
    %dma_start3A_393 = arith.constant 1 : i32
    %dma_start3A_394 = arith.constant 13 : i32
    %dma_start3A_395 = arith.constant 29 : i32
    %dma_start3A_396 = arith.constant 0 : i32
    %dma_start3A_397 = tpu.memref_slice %arg8[%dma_start3A_395, %dma_start3A_396] : memref<32x320xf32, #tpu.memory_space<vmem>> -> memref<1x320xf32, #tpu.memory_space<vmem>>
    %dma_start3A_398 = tpu.memref_squeeze %dma_start3A_397 : memref<1x320xf32, #tpu.memory_space<vmem>> -> memref<320xf32, #tpu.memory_space<vmem>>
    %dma_start3A_399 = tpu.memref_slice %arg3[%dma_start3A_393, %dma_start3A_394, %add3A] : memref<2x16x10240xf32, #tpu.memory_space<hbm>> -> memref<1x1x320xf32, #tpu.memory_space<hbm>>
    %dma_start3A_400 = tpu.memref_squeeze %dma_start3A_399 : memref<1x1x320xf32, #tpu.memory_space<hbm>> -> memref<320xf32, #tpu.memory_space<hbm>>
    %dma_start3A_401 = arith.constant 0 : i32
    %dma_start3A_402 = tpu.memref_slice %arg8[%dma_start3A_395, %dma_start3A_401] : memref<32x320xf32, #tpu.memory_space<vmem>> -> memref<1x320xf32, #tpu.memory_space<vmem>>
    %dma_start3A_403 = tpu.memref_squeeze %dma_start3A_402 : memref<1x320xf32, #tpu.memory_space<vmem>> -> memref<320xf32, #tpu.memory_space<vmem>>
    %dma_start3A_404 = tpu.memref_slice %arg3[%dma_start3A_393, %dma_start3A_394, %add3A] : memref<2x16x10240xf32, #tpu.memory_space<hbm>> -> memref<1x1x320xf32, #tpu.memory_space<hbm>>
    %dma_start3A_405 = tpu.memref_squeeze %dma_start3A_404 : memref<1x1x320xf32, #tpu.memory_space<hbm>> -> memref<320xf32, #tpu.memory_space<hbm>>
    tpu.enqueue_dma source(%dma_start3A_405 : memref<320xf32, #tpu.memory_space<hbm>>) target(%dma_start3A_403 : memref<320xf32, #tpu.memory_space<vmem>>) target_semaphore(%arg11 : memref<!tpu.dma_semaphore, #tpu.memory_space<semaphore_mem>>)
    %dma_start3A_406 = arith.constant 1 : i32
    %dma_start3A_407 = arith.constant 14 : i32
    %dma_start3A_408 = arith.constant 30 : i32
    %dma_start3A_409 = arith.constant 0 : i32
    %dma_start3A_410 = tpu.memref_slice %arg8[%dma_start3A_408, %dma_start3A_409] : memref<32x320xf32, #tpu.memory_space<vmem>> -> memref<1x320xf32, #tpu.memory_space<vmem>>
    %dma_start3A_411 = tpu.memref_squeeze %dma_start3A_410 : memref<1x320xf32, #tpu.memory_space<vmem>> -> memref<320xf32, #tpu.memory_space<vmem>>
    %dma_start3A_412 = tpu.memref_slice %arg3[%dma_start3A_406, %dma_start3A_407, %add3A] : memref<2x16x10240xf32, #tpu.memory_space<hbm>> -> memref<1x1x320xf32, #tpu.memory_space<hbm>>
    %dma_start3A_413 = tpu.memref_squeeze %dma_start3A_412 : memref<1x1x320xf32, #tpu.memory_space<hbm>> -> memref<320xf32, #tpu.memory_space<hbm>>
    %dma_start3A_414 = arith.constant 0 : i32
    %dma_start3A_415 = tpu.memref_slice %arg8[%dma_start3A_408, %dma_start3A_414] : memref<32x320xf32, #tpu.memory_space<vmem>> -> memref<1x320xf32, #tpu.memory_space<vmem>>
    %dma_start3A_416 = tpu.memref_squeeze %dma_start3A_415 : memref<1x320xf32, #tpu.memory_space<vmem>> -> memref<320xf32, #tpu.memory_space<vmem>>
    %dma_start3A_417 = tpu.memref_slice %arg3[%dma_start3A_406, %dma_start3A_407, %add3A] : memref<2x16x10240xf32, #tpu.memory_space<hbm>> -> memref<1x1x320xf32, #tpu.memory_space<hbm>>
    %dma_start3A_418 = tpu.memref_squeeze %dma_start3A_417 : memref<1x1x320xf32, #tpu.memory_space<hbm>> -> memref<320xf32, #tpu.memory_space<hbm>>
    tpu.enqueue_dma source(%dma_start3A_418 : memref<320xf32, #tpu.memory_space<hbm>>) target(%dma_start3A_416 : memref<320xf32, #tpu.memory_space<vmem>>) target_semaphore(%arg11 : memref<!tpu.dma_semaphore, #tpu.memory_space<semaphore_mem>>)
    %dma_start3A_419 = arith.constant 1 : i32
    %dma_start3A_420 = arith.constant 15 : i32
    %dma_start3A_421 = arith.constant 31 : i32
    %dma_start3A_422 = arith.constant 0 : i32
    %dma_start3A_423 = tpu.memref_slice %arg8[%dma_start3A_421, %dma_start3A_422] : memref<32x320xf32, #tpu.memory_space<vmem>> -> memref<1x320xf32, #tpu.memory_space<vmem>>
    %dma_start3A_424 = tpu.memref_squeeze %dma_start3A_423 : memref<1x320xf32, #tpu.memory_space<vmem>> -> memref<320xf32, #tpu.memory_space<vmem>>
    %dma_start3A_425 = tpu.memref_slice %arg3[%dma_start3A_419, %dma_start3A_420, %add3A] : memref<2x16x10240xf32, #tpu.memory_space<hbm>> -> memref<1x1x320xf32, #tpu.memory_space<hbm>>
    %dma_start3A_426 = tpu.memref_squeeze %dma_start3A_425 : memref<1x1x320xf32, #tpu.memory_space<hbm>> -> memref<320xf32, #tpu.memory_space<hbm>>
    %dma_start3A_427 = arith.constant 0 : i32
    %dma_start3A_428 = tpu.memref_slice %arg8[%dma_start3A_421, %dma_start3A_427] : memref<32x320xf32, #tpu.memory_space<vmem>> -> memref<1x320xf32, #tpu.memory_space<vmem>>
    %dma_start3A_429 = tpu.memref_squeeze %dma_start3A_428 : memref<1x320xf32, #tpu.memory_space<vmem>> -> memref<320xf32, #tpu.memory_space<vmem>>
    %dma_start3A_430 = tpu.memref_slice %arg3[%dma_start3A_419, %dma_start3A_420, %add3A] : memref<2x16x10240xf32, #tpu.memory_space<hbm>> -> memref<1x1x320xf32, #tpu.memory_space<hbm>>
    %dma_start3A_431 = tpu.memref_squeeze %dma_start3A_430 : memref<1x1x320xf32, #tpu.memory_space<hbm>> -> memref<320xf32, #tpu.memory_space<hbm>>
    tpu.enqueue_dma source(%dma_start3A_431 : memref<320xf32, #tpu.memory_space<hbm>>) target(%dma_start3A_429 : memref<320xf32, #tpu.memory_space<vmem>>) target_semaphore(%arg11 : memref<!tpu.dma_semaphore, #tpu.memory_space<semaphore_mem>>)
    tpu.wait_dma2 semaphore(%arg11 : memref<!tpu.dma_semaphore, #tpu.memory_space<semaphore_mem>>) src(%arg4 : memref<16xf32, #tpu.memory_space<hbm>>) dst(%arg9 : memref<16xf32, #tpu.memory_space<vmem>>)
    %dma_wait3A = arith.constant 0 : i32
    %dma_wait3A_432 = arith.constant 0 : i32
    %dma_wait3A_433 = tpu.memref_slice %arg2[%dma_wait3A, %add3A, %dma_wait3A_432] : memref<2x10240x16xf32, #tpu.memory_space<hbm>> -> memref<1x320x16xf32, #tpu.memory_space<hbm>>
    %dma_wait3A_434 = tpu.memref_squeeze %dma_wait3A_433 : memref<1x320x16xf32, #tpu.memory_space<hbm>> -> memref<320x16xf32, #tpu.memory_space<hbm>>
    %dma_wait3A_435 = arith.constant 0 : i32
    %dma_wait3A_436 = tpu.memref_slice %arg2[%dma_wait3A, %add3A, %dma_wait3A_435] : memref<2x10240x16xf32, #tpu.memory_space<hbm>> -> memref<1x320x16xf32, #tpu.memory_space<hbm>>
    %dma_wait3A_437 = tpu.memref_squeeze %dma_wait3A_436 : memref<1x320x16xf32, #tpu.memory_space<hbm>> -> memref<320x16xf32, #tpu.memory_space<hbm>>
    tpu.wait_dma2 semaphore(%arg11 : memref<!tpu.dma_semaphore, #tpu.memory_space<semaphore_mem>>) src(%dma_wait3A_437 : memref<320x16xf32, #tpu.memory_space<hbm>>) dst(%arg6 : memref<320x16xf32, #tpu.memory_space<vmem>>)
    %dma_wait3A_438 = arith.constant 1 : i32
    %dma_wait3A_439 = arith.constant 0 : i32
    %dma_wait3A_440 = tpu.memref_slice %arg2[%dma_wait3A_438, %add3A, %dma_wait3A_439] : memref<2x10240x16xf32, #tpu.memory_space<hbm>> -> memref<1x320x16xf32, #tpu.memory_space<hbm>>
    %dma_wait3A_441 = tpu.memref_squeeze %dma_wait3A_440 : memref<1x320x16xf32, #tpu.memory_space<hbm>> -> memref<320x16xf32, #tpu.memory_space<hbm>>
    %dma_wait3A_442 = arith.constant 0 : i32
    %dma_wait3A_443 = tpu.memref_slice %arg2[%dma_wait3A_438, %add3A, %dma_wait3A_442] : memref<2x10240x16xf32, #tpu.memory_space<hbm>> -> memref<1x320x16xf32, #tpu.memory_space<hbm>>
    %dma_wait3A_444 = tpu.memref_squeeze %dma_wait3A_443 : memref<1x320x16xf32, #tpu.memory_space<hbm>> -> memref<320x16xf32, #tpu.memory_space<hbm>>
    tpu.wait_dma2 semaphore(%arg11 : memref<!tpu.dma_semaphore, #tpu.memory_space<semaphore_mem>>) src(%dma_wait3A_444 : memref<320x16xf32, #tpu.memory_space<hbm>>) dst(%arg7 : memref<320x16xf32, #tpu.memory_space<vmem>>)
    %dma_wait3A_445 = arith.constant 0 : i32
    %dma_wait3A_446 = arith.constant 0 : i32
    %dma_wait3A_447 = arith.constant 0 : i32
    %dma_wait3A_448 = arith.constant 0 : i32
    %dma_wait3A_449 = tpu.memref_slice %arg8[%dma_wait3A_447, %dma_wait3A_448] : memref<32x320xf32, #tpu.memory_space<vmem>> -> memref<1x320xf32, #tpu.memory_space<vmem>>
    %dma_wait3A_450 = tpu.memref_squeeze %dma_wait3A_449 : memref<1x320xf32, #tpu.memory_space<vmem>> -> memref<320xf32, #tpu.memory_space<vmem>>
    %dma_wait3A_451 = tpu.memref_slice %arg3[%dma_wait3A_445, %dma_wait3A_446, %add3A] : memref<2x16x10240xf32, #tpu.memory_space<hbm>> -> memref<1x1x320xf32, #tpu.memory_space<hbm>>
    %dma_wait3A_452 = tpu.memref_squeeze %dma_wait3A_451 : memref<1x1x320xf32, #tpu.memory_space<hbm>> -> memref<320xf32, #tpu.memory_space<hbm>>
    %dma_wait3A_453 = arith.constant 0 : i32
    %dma_wait3A_454 = tpu.memref_slice %arg8[%dma_wait3A_447, %dma_wait3A_453] : memref<32x320xf32, #tpu.memory_space<vmem>> -> memref<1x320xf32, #tpu.memory_space<vmem>>
    %dma_wait3A_455 = tpu.memref_squeeze %dma_wait3A_454 : memref<1x320xf32, #tpu.memory_space<vmem>> -> memref<320xf32, #tpu.memory_space<vmem>>
    %dma_wait3A_456 = tpu.memref_slice %arg3[%dma_wait3A_445, %dma_wait3A_446, %add3A] : memref<2x16x10240xf32, #tpu.memory_space<hbm>> -> memref<1x1x320xf32, #tpu.memory_space<hbm>>
    %dma_wait3A_457 = tpu.memref_squeeze %dma_wait3A_456 : memref<1x1x320xf32, #tpu.memory_space<hbm>> -> memref<320xf32, #tpu.memory_space<hbm>>
    tpu.wait_dma2 semaphore(%arg11 : memref<!tpu.dma_semaphore, #tpu.memory_space<semaphore_mem>>) src(%dma_wait3A_457 : memref<320xf32, #tpu.memory_space<hbm>>) dst(%dma_wait3A_455 : memref<320xf32, #tpu.memory_space<vmem>>)
    %dma_wait3A_458 = arith.constant 0 : i32
    %dma_wait3A_459 = arith.constant 1 : i32
    %dma_wait3A_460 = arith.constant 1 : i32
    %dma_wait3A_461 = arith.constant 0 : i32
    %dma_wait3A_462 = tpu.memref_slice %arg8[%dma_wait3A_460, %dma_wait3A_461] : memref<32x320xf32, #tpu.memory_space<vmem>> -> memref<1x320xf32, #tpu.memory_space<vmem>>
    %dma_wait3A_463 = tpu.memref_squeeze %dma_wait3A_462 : memref<1x320xf32, #tpu.memory_space<vmem>> -> memref<320xf32, #tpu.memory_space<vmem>>
    %dma_wait3A_464 = tpu.memref_slice %arg3[%dma_wait3A_458, %dma_wait3A_459, %add3A] : memref<2x16x10240xf32, #tpu.memory_space<hbm>> -> memref<1x1x320xf32, #tpu.memory_space<hbm>>
    %dma_wait3A_465 = tpu.memref_squeeze %dma_wait3A_464 : memref<1x1x320xf32, #tpu.memory_space<hbm>> -> memref<320xf32, #tpu.memory_space<hbm>>
    %dma_wait3A_466 = arith.constant 0 : i32
    %dma_wait3A_467 = tpu.memref_slice %arg8[%dma_wait3A_460, %dma_wait3A_466] : memref<32x320xf32, #tpu.memory_space<vmem>> -> memref<1x320xf32, #tpu.memory_space<vmem>>
    %dma_wait3A_468 = tpu.memref_squeeze %dma_wait3A_467 : memref<1x320xf32, #tpu.memory_space<vmem>> -> memref<320xf32, #tpu.memory_space<vmem>>
    %dma_wait3A_469 = tpu.memref_slice %arg3[%dma_wait3A_458, %dma_wait3A_459, %add3A] : memref<2x16x10240xf32, #tpu.memory_space<hbm>> -> memref<1x1x320xf32, #tpu.memory_space<hbm>>
    %dma_wait3A_470 = tpu.memref_squeeze %dma_wait3A_469 : memref<1x1x320xf32, #tpu.memory_space<hbm>> -> memref<320xf32, #tpu.memory_space<hbm>>
    tpu.wait_dma2 semaphore(%arg11 : memref<!tpu.dma_semaphore, #tpu.memory_space<semaphore_mem>>) src(%dma_wait3A_470 : memref<320xf32, #tpu.memory_space<hbm>>) dst(%dma_wait3A_468 : memref<320xf32, #tpu.memory_space<vmem>>)
    %dma_wait3A_471 = arith.constant 0 : i32
    %dma_wait3A_472 = arith.constant 2 : i32
    %dma_wait3A_473 = arith.constant 2 : i32
    %dma_wait3A_474 = arith.constant 0 : i32
    %dma_wait3A_475 = tpu.memref_slice %arg8[%dma_wait3A_473, %dma_wait3A_474] : memref<32x320xf32, #tpu.memory_space<vmem>> -> memref<1x320xf32, #tpu.memory_space<vmem>>
    %dma_wait3A_476 = tpu.memref_squeeze %dma_wait3A_475 : memref<1x320xf32, #tpu.memory_space<vmem>> -> memref<320xf32, #tpu.memory_space<vmem>>
    %dma_wait3A_477 = tpu.memref_slice %arg3[%dma_wait3A_471, %dma_wait3A_472, %add3A] : memref<2x16x10240xf32, #tpu.memory_space<hbm>> -> memref<1x1x320xf32, #tpu.memory_space<hbm>>
    %dma_wait3A_478 = tpu.memref_squeeze %dma_wait3A_477 : memref<1x1x320xf32, #tpu.memory_space<hbm>> -> memref<320xf32, #tpu.memory_space<hbm>>
    %dma_wait3A_479 = arith.constant 0 : i32
    %dma_wait3A_480 = tpu.memref_slice %arg8[%dma_wait3A_473, %dma_wait3A_479] : memref<32x320xf32, #tpu.memory_space<vmem>> -> memref<1x320xf32, #tpu.memory_space<vmem>>
    %dma_wait3A_481 = tpu.memref_squeeze %dma_wait3A_480 : memref<1x320xf32, #tpu.memory_space<vmem>> -> memref<320xf32, #tpu.memory_space<vmem>>
    %dma_wait3A_482 = tpu.memref_slice %arg3[%dma_wait3A_471, %dma_wait3A_472, %add3A] : memref<2x16x10240xf32, #tpu.memory_space<hbm>> -> memref<1x1x320xf32, #tpu.memory_space<hbm>>
    %dma_wait3A_483 = tpu.memref_squeeze %dma_wait3A_482 : memref<1x1x320xf32, #tpu.memory_space<hbm>> -> memref<320xf32, #tpu.memory_space<hbm>>
    tpu.wait_dma2 semaphore(%arg11 : memref<!tpu.dma_semaphore, #tpu.memory_space<semaphore_mem>>) src(%dma_wait3A_483 : memref<320xf32, #tpu.memory_space<hbm>>) dst(%dma_wait3A_481 : memref<320xf32, #tpu.memory_space<vmem>>)
    %dma_wait3A_484 = arith.constant 0 : i32
    %dma_wait3A_485 = arith.constant 3 : i32
    %dma_wait3A_486 = arith.constant 3 : i32
    %dma_wait3A_487 = arith.constant 0 : i32
    %dma_wait3A_488 = tpu.memref_slice %arg8[%dma_wait3A_486, %dma_wait3A_487] : memref<32x320xf32, #tpu.memory_space<vmem>> -> memref<1x320xf32, #tpu.memory_space<vmem>>
    %dma_wait3A_489 = tpu.memref_squeeze %dma_wait3A_488 : memref<1x320xf32, #tpu.memory_space<vmem>> -> memref<320xf32, #tpu.memory_space<vmem>>
    %dma_wait3A_490 = tpu.memref_slice %arg3[%dma_wait3A_484, %dma_wait3A_485, %add3A] : memref<2x16x10240xf32, #tpu.memory_space<hbm>> -> memref<1x1x320xf32, #tpu.memory_space<hbm>>
    %dma_wait3A_491 = tpu.memref_squeeze %dma_wait3A_490 : memref<1x1x320xf32, #tpu.memory_space<hbm>> -> memref<320xf32, #tpu.memory_space<hbm>>
    %dma_wait3A_492 = arith.constant 0 : i32
    %dma_wait3A_493 = tpu.memref_slice %arg8[%dma_wait3A_486, %dma_wait3A_492] : memref<32x320xf32, #tpu.memory_space<vmem>> -> memref<1x320xf32, #tpu.memory_space<vmem>>
    %dma_wait3A_494 = tpu.memref_squeeze %dma_wait3A_493 : memref<1x320xf32, #tpu.memory_space<vmem>> -> memref<320xf32, #tpu.memory_space<vmem>>
    %dma_wait3A_495 = tpu.memref_slice %arg3[%dma_wait3A_484, %dma_wait3A_485, %add3A] : memref<2x16x10240xf32, #tpu.memory_space<hbm>> -> memref<1x1x320xf32, #tpu.memory_space<hbm>>
    %dma_wait3A_496 = tpu.memref_squeeze %dma_wait3A_495 : memref<1x1x320xf32, #tpu.memory_space<hbm>> -> memref<320xf32, #tpu.memory_space<hbm>>
    tpu.wait_dma2 semaphore(%arg11 : memref<!tpu.dma_semaphore, #tpu.memory_space<semaphore_mem>>) src(%dma_wait3A_496 : memref<320xf32, #tpu.memory_space<hbm>>) dst(%dma_wait3A_494 : memref<320xf32, #tpu.memory_space<vmem>>)
    %dma_wait3A_497 = arith.constant 0 : i32
    %dma_wait3A_498 = arith.constant 4 : i32
    %dma_wait3A_499 = arith.constant 4 : i32
    %dma_wait3A_500 = arith.constant 0 : i32
    %dma_wait3A_501 = tpu.memref_slice %arg8[%dma_wait3A_499, %dma_wait3A_500] : memref<32x320xf32, #tpu.memory_space<vmem>> -> memref<1x320xf32, #tpu.memory_space<vmem>>
    %dma_wait3A_502 = tpu.memref_squeeze %dma_wait3A_501 : memref<1x320xf32, #tpu.memory_space<vmem>> -> memref<320xf32, #tpu.memory_space<vmem>>
    %dma_wait3A_503 = tpu.memref_slice %arg3[%dma_wait3A_497, %dma_wait3A_498, %add3A] : memref<2x16x10240xf32, #tpu.memory_space<hbm>> -> memref<1x1x320xf32, #tpu.memory_space<hbm>>
    %dma_wait3A_504 = tpu.memref_squeeze %dma_wait3A_503 : memref<1x1x320xf32, #tpu.memory_space<hbm>> -> memref<320xf32, #tpu.memory_space<hbm>>
    %dma_wait3A_505 = arith.constant 0 : i32
    %dma_wait3A_506 = tpu.memref_slice %arg8[%dma_wait3A_499, %dma_wait3A_505] : memref<32x320xf32, #tpu.memory_space<vmem>> -> memref<1x320xf32, #tpu.memory_space<vmem>>
    %dma_wait3A_507 = tpu.memref_squeeze %dma_wait3A_506 : memref<1x320xf32, #tpu.memory_space<vmem>> -> memref<320xf32, #tpu.memory_space<vmem>>
    %dma_wait3A_508 = tpu.memref_slice %arg3[%dma_wait3A_497, %dma_wait3A_498, %add3A] : memref<2x16x10240xf32, #tpu.memory_space<hbm>> -> memref<1x1x320xf32, #tpu.memory_space<hbm>>
    %dma_wait3A_509 = tpu.memref_squeeze %dma_wait3A_508 : memref<1x1x320xf32, #tpu.memory_space<hbm>> -> memref<320xf32, #tpu.memory_space<hbm>>
    tpu.wait_dma2 semaphore(%arg11 : memref<!tpu.dma_semaphore, #tpu.memory_space<semaphore_mem>>) src(%dma_wait3A_509 : memref<320xf32, #tpu.memory_space<hbm>>) dst(%dma_wait3A_507 : memref<320xf32, #tpu.memory_space<vmem>>)
    %dma_wait3A_510 = arith.constant 0 : i32
    %dma_wait3A_511 = arith.constant 5 : i32
    %dma_wait3A_512 = arith.constant 5 : i32
    %dma_wait3A_513 = arith.constant 0 : i32
    %dma_wait3A_514 = tpu.memref_slice %arg8[%dma_wait3A_512, %dma_wait3A_513] : memref<32x320xf32, #tpu.memory_space<vmem>> -> memref<1x320xf32, #tpu.memory_space<vmem>>
    %dma_wait3A_515 = tpu.memref_squeeze %dma_wait3A_514 : memref<1x320xf32, #tpu.memory_space<vmem>> -> memref<320xf32, #tpu.memory_space<vmem>>
    %dma_wait3A_516 = tpu.memref_slice %arg3[%dma_wait3A_510, %dma_wait3A_511, %add3A] : memref<2x16x10240xf32, #tpu.memory_space<hbm>> -> memref<1x1x320xf32, #tpu.memory_space<hbm>>
    %dma_wait3A_517 = tpu.memref_squeeze %dma_wait3A_516 : memref<1x1x320xf32, #tpu.memory_space<hbm>> -> memref<320xf32, #tpu.memory_space<hbm>>
    %dma_wait3A_518 = arith.constant 0 : i32
    %dma_wait3A_519 = tpu.memref_slice %arg8[%dma_wait3A_512, %dma_wait3A_518] : memref<32x320xf32, #tpu.memory_space<vmem>> -> memref<1x320xf32, #tpu.memory_space<vmem>>
    %dma_wait3A_520 = tpu.memref_squeeze %dma_wait3A_519 : memref<1x320xf32, #tpu.memory_space<vmem>> -> memref<320xf32, #tpu.memory_space<vmem>>
    %dma_wait3A_521 = tpu.memref_slice %arg3[%dma_wait3A_510, %dma_wait3A_511, %add3A] : memref<2x16x10240xf32, #tpu.memory_space<hbm>> -> memref<1x1x320xf32, #tpu.memory_space<hbm>>
    %dma_wait3A_522 = tpu.memref_squeeze %dma_wait3A_521 : memref<1x1x320xf32, #tpu.memory_space<hbm>> -> memref<320xf32, #tpu.memory_space<hbm>>
    tpu.wait_dma2 semaphore(%arg11 : memref<!tpu.dma_semaphore, #tpu.memory_space<semaphore_mem>>) src(%dma_wait3A_522 : memref<320xf32, #tpu.memory_space<hbm>>) dst(%dma_wait3A_520 : memref<320xf32, #tpu.memory_space<vmem>>)
    %dma_wait3A_523 = arith.constant 0 : i32
    %dma_wait3A_524 = arith.constant 6 : i32
    %dma_wait3A_525 = arith.constant 6 : i32
    %dma_wait3A_526 = arith.constant 0 : i32
    %dma_wait3A_527 = tpu.memref_slice %arg8[%dma_wait3A_525, %dma_wait3A_526] : memref<32x320xf32, #tpu.memory_space<vmem>> -> memref<1x320xf32, #tpu.memory_space<vmem>>
    %dma_wait3A_528 = tpu.memref_squeeze %dma_wait3A_527 : memref<1x320xf32, #tpu.memory_space<vmem>> -> memref<320xf32, #tpu.memory_space<vmem>>
    %dma_wait3A_529 = tpu.memref_slice %arg3[%dma_wait3A_523, %dma_wait3A_524, %add3A] : memref<2x16x10240xf32, #tpu.memory_space<hbm>> -> memref<1x1x320xf32, #tpu.memory_space<hbm>>
    %dma_wait3A_530 = tpu.memref_squeeze %dma_wait3A_529 : memref<1x1x320xf32, #tpu.memory_space<hbm>> -> memref<320xf32, #tpu.memory_space<hbm>>
    %dma_wait3A_531 = arith.constant 0 : i32
    %dma_wait3A_532 = tpu.memref_slice %arg8[%dma_wait3A_525, %dma_wait3A_531] : memref<32x320xf32, #tpu.memory_space<vmem>> -> memref<1x320xf32, #tpu.memory_space<vmem>>
    %dma_wait3A_533 = tpu.memref_squeeze %dma_wait3A_532 : memref<1x320xf32, #tpu.memory_space<vmem>> -> memref<320xf32, #tpu.memory_space<vmem>>
    %dma_wait3A_534 = tpu.memref_slice %arg3[%dma_wait3A_523, %dma_wait3A_524, %add3A] : memref<2x16x10240xf32, #tpu.memory_space<hbm>> -> memref<1x1x320xf32, #tpu.memory_space<hbm>>
    %dma_wait3A_535 = tpu.memref_squeeze %dma_wait3A_534 : memref<1x1x320xf32, #tpu.memory_space<hbm>> -> memref<320xf32, #tpu.memory_space<hbm>>
    tpu.wait_dma2 semaphore(%arg11 : memref<!tpu.dma_semaphore, #tpu.memory_space<semaphore_mem>>) src(%dma_wait3A_535 : memref<320xf32, #tpu.memory_space<hbm>>) dst(%dma_wait3A_533 : memref<320xf32, #tpu.memory_space<vmem>>)
    %dma_wait3A_536 = arith.constant 0 : i32
    %dma_wait3A_537 = arith.constant 7 : i32
    %dma_wait3A_538 = arith.constant 7 : i32
    %dma_wait3A_539 = arith.constant 0 : i32
    %dma_wait3A_540 = tpu.memref_slice %arg8[%dma_wait3A_538, %dma_wait3A_539] : memref<32x320xf32, #tpu.memory_space<vmem>> -> memref<1x320xf32, #tpu.memory_space<vmem>>
    %dma_wait3A_541 = tpu.memref_squeeze %dma_wait3A_540 : memref<1x320xf32, #tpu.memory_space<vmem>> -> memref<320xf32, #tpu.memory_space<vmem>>
    %dma_wait3A_542 = tpu.memref_slice %arg3[%dma_wait3A_536, %dma_wait3A_537, %add3A] : memref<2x16x10240xf32, #tpu.memory_space<hbm>> -> memref<1x1x320xf32, #tpu.memory_space<hbm>>
    %dma_wait3A_543 = tpu.memref_squeeze %dma_wait3A_542 : memref<1x1x320xf32, #tpu.memory_space<hbm>> -> memref<320xf32, #tpu.memory_space<hbm>>
    %dma_wait3A_544 = arith.constant 0 : i32
    %dma_wait3A_545 = tpu.memref_slice %arg8[%dma_wait3A_538, %dma_wait3A_544] : memref<32x320xf32, #tpu.memory_space<vmem>> -> memref<1x320xf32, #tpu.memory_space<vmem>>
    %dma_wait3A_546 = tpu.memref_squeeze %dma_wait3A_545 : memref<1x320xf32, #tpu.memory_space<vmem>> -> memref<320xf32, #tpu.memory_space<vmem>>
    %dma_wait3A_547 = tpu.memref_slice %arg3[%dma_wait3A_536, %dma_wait3A_537, %add3A] : memref<2x16x10240xf32, #tpu.memory_space<hbm>> -> memref<1x1x320xf32, #tpu.memory_space<hbm>>
    %dma_wait3A_548 = tpu.memref_squeeze %dma_wait3A_547 : memref<1x1x320xf32, #tpu.memory_space<hbm>> -> memref<320xf32, #tpu.memory_space<hbm>>
    tpu.wait_dma2 semaphore(%arg11 : memref<!tpu.dma_semaphore, #tpu.memory_space<semaphore_mem>>) src(%dma_wait3A_548 : memref<320xf32, #tpu.memory_space<hbm>>) dst(%dma_wait3A_546 : memref<320xf32, #tpu.memory_space<vmem>>)
    %dma_wait3A_549 = arith.constant 0 : i32
    %dma_wait3A_550 = arith.constant 8 : i32
    %dma_wait3A_551 = arith.constant 8 : i32
    %dma_wait3A_552 = arith.constant 0 : i32
    %dma_wait3A_553 = tpu.memref_slice %arg8[%dma_wait3A_551, %dma_wait3A_552] : memref<32x320xf32, #tpu.memory_space<vmem>> -> memref<1x320xf32, #tpu.memory_space<vmem>>
    %dma_wait3A_554 = tpu.memref_squeeze %dma_wait3A_553 : memref<1x320xf32, #tpu.memory_space<vmem>> -> memref<320xf32, #tpu.memory_space<vmem>>
    %dma_wait3A_555 = tpu.memref_slice %arg3[%dma_wait3A_549, %dma_wait3A_550, %add3A] : memref<2x16x10240xf32, #tpu.memory_space<hbm>> -> memref<1x1x320xf32, #tpu.memory_space<hbm>>
    %dma_wait3A_556 = tpu.memref_squeeze %dma_wait3A_555 : memref<1x1x320xf32, #tpu.memory_space<hbm>> -> memref<320xf32, #tpu.memory_space<hbm>>
    %dma_wait3A_557 = arith.constant 0 : i32
    %dma_wait3A_558 = tpu.memref_slice %arg8[%dma_wait3A_551, %dma_wait3A_557] : memref<32x320xf32, #tpu.memory_space<vmem>> -> memref<1x320xf32, #tpu.memory_space<vmem>>
    %dma_wait3A_559 = tpu.memref_squeeze %dma_wait3A_558 : memref<1x320xf32, #tpu.memory_space<vmem>> -> memref<320xf32, #tpu.memory_space<vmem>>
    %dma_wait3A_560 = tpu.memref_slice %arg3[%dma_wait3A_549, %dma_wait3A_550, %add3A] : memref<2x16x10240xf32, #tpu.memory_space<hbm>> -> memref<1x1x320xf32, #tpu.memory_space<hbm>>
    %dma_wait3A_561 = tpu.memref_squeeze %dma_wait3A_560 : memref<1x1x320xf32, #tpu.memory_space<hbm>> -> memref<320xf32, #tpu.memory_space<hbm>>
    tpu.wait_dma2 semaphore(%arg11 : memref<!tpu.dma_semaphore, #tpu.memory_space<semaphore_mem>>) src(%dma_wait3A_561 : memref<320xf32, #tpu.memory_space<hbm>>) dst(%dma_wait3A_559 : memref<320xf32, #tpu.memory_space<vmem>>)
    %dma_wait3A_562 = arith.constant 0 : i32
    %dma_wait3A_563 = arith.constant 9 : i32
    %dma_wait3A_564 = arith.constant 9 : i32
    %dma_wait3A_565 = arith.constant 0 : i32
    %dma_wait3A_566 = tpu.memref_slice %arg8[%dma_wait3A_564, %dma_wait3A_565] : memref<32x320xf32, #tpu.memory_space<vmem>> -> memref<1x320xf32, #tpu.memory_space<vmem>>
    %dma_wait3A_567 = tpu.memref_squeeze %dma_wait3A_566 : memref<1x320xf32, #tpu.memory_space<vmem>> -> memref<320xf32, #tpu.memory_space<vmem>>
    %dma_wait3A_568 = tpu.memref_slice %arg3[%dma_wait3A_562, %dma_wait3A_563, %add3A] : memref<2x16x10240xf32, #tpu.memory_space<hbm>> -> memref<1x1x320xf32, #tpu.memory_space<hbm>>
    %dma_wait3A_569 = tpu.memref_squeeze %dma_wait3A_568 : memref<1x1x320xf32, #tpu.memory_space<hbm>> -> memref<320xf32, #tpu.memory_space<hbm>>
    %dma_wait3A_570 = arith.constant 0 : i32
    %dma_wait3A_571 = tpu.memref_slice %arg8[%dma_wait3A_564, %dma_wait3A_570] : memref<32x320xf32, #tpu.memory_space<vmem>> -> memref<1x320xf32, #tpu.memory_space<vmem>>
    %dma_wait3A_572 = tpu.memref_squeeze %dma_wait3A_571 : memref<1x320xf32, #tpu.memory_space<vmem>> -> memref<320xf32, #tpu.memory_space<vmem>>
    %dma_wait3A_573 = tpu.memref_slice %arg3[%dma_wait3A_562, %dma_wait3A_563, %add3A] : memref<2x16x10240xf32, #tpu.memory_space<hbm>> -> memref<1x1x320xf32, #tpu.memory_space<hbm>>
    %dma_wait3A_574 = tpu.memref_squeeze %dma_wait3A_573 : memref<1x1x320xf32, #tpu.memory_space<hbm>> -> memref<320xf32, #tpu.memory_space<hbm>>
    tpu.wait_dma2 semaphore(%arg11 : memref<!tpu.dma_semaphore, #tpu.memory_space<semaphore_mem>>) src(%dma_wait3A_574 : memref<320xf32, #tpu.memory_space<hbm>>) dst(%dma_wait3A_572 : memref<320xf32, #tpu.memory_space<vmem>>)
    %dma_wait3A_575 = arith.constant 0 : i32
    %dma_wait3A_576 = arith.constant 10 : i32
    %dma_wait3A_577 = arith.constant 10 : i32
    %dma_wait3A_578 = arith.constant 0 : i32
    %dma_wait3A_579 = tpu.memref_slice %arg8[%dma_wait3A_577, %dma_wait3A_578] : memref<32x320xf32, #tpu.memory_space<vmem>> -> memref<1x320xf32, #tpu.memory_space<vmem>>
    %dma_wait3A_580 = tpu.memref_squeeze %dma_wait3A_579 : memref<1x320xf32, #tpu.memory_space<vmem>> -> memref<320xf32, #tpu.memory_space<vmem>>
    %dma_wait3A_581 = tpu.memref_slice %arg3[%dma_wait3A_575, %dma_wait3A_576, %add3A] : memref<2x16x10240xf32, #tpu.memory_space<hbm>> -> memref<1x1x320xf32, #tpu.memory_space<hbm>>
    %dma_wait3A_582 = tpu.memref_squeeze %dma_wait3A_581 : memref<1x1x320xf32, #tpu.memory_space<hbm>> -> memref<320xf32, #tpu.memory_space<hbm>>
    %dma_wait3A_583 = arith.constant 0 : i32
    %dma_wait3A_584 = tpu.memref_slice %arg8[%dma_wait3A_577, %dma_wait3A_583] : memref<32x320xf32, #tpu.memory_space<vmem>> -> memref<1x320xf32, #tpu.memory_space<vmem>>
    %dma_wait3A_585 = tpu.memref_squeeze %dma_wait3A_584 : memref<1x320xf32, #tpu.memory_space<vmem>> -> memref<320xf32, #tpu.memory_space<vmem>>
    %dma_wait3A_586 = tpu.memref_slice %arg3[%dma_wait3A_575, %dma_wait3A_576, %add3A] : memref<2x16x10240xf32, #tpu.memory_space<hbm>> -> memref<1x1x320xf32, #tpu.memory_space<hbm>>
    %dma_wait3A_587 = tpu.memref_squeeze %dma_wait3A_586 : memref<1x1x320xf32, #tpu.memory_space<hbm>> -> memref<320xf32, #tpu.memory_space<hbm>>
    tpu.wait_dma2 semaphore(%arg11 : memref<!tpu.dma_semaphore, #tpu.memory_space<semaphore_mem>>) src(%dma_wait3A_587 : memref<320xf32, #tpu.memory_space<hbm>>) dst(%dma_wait3A_585 : memref<320xf32, #tpu.memory_space<vmem>>)
    %dma_wait3A_588 = arith.constant 0 : i32
    %dma_wait3A_589 = arith.constant 11 : i32
    %dma_wait3A_590 = arith.constant 11 : i32
    %dma_wait3A_591 = arith.constant 0 : i32
    %dma_wait3A_592 = tpu.memref_slice %arg8[%dma_wait3A_590, %dma_wait3A_591] : memref<32x320xf32, #tpu.memory_space<vmem>> -> memref<1x320xf32, #tpu.memory_space<vmem>>
    %dma_wait3A_593 = tpu.memref_squeeze %dma_wait3A_592 : memref<1x320xf32, #tpu.memory_space<vmem>> -> memref<320xf32, #tpu.memory_space<vmem>>
    %dma_wait3A_594 = tpu.memref_slice %arg3[%dma_wait3A_588, %dma_wait3A_589, %add3A] : memref<2x16x10240xf32, #tpu.memory_space<hbm>> -> memref<1x1x320xf32, #tpu.memory_space<hbm>>
    %dma_wait3A_595 = tpu.memref_squeeze %dma_wait3A_594 : memref<1x1x320xf32, #tpu.memory_space<hbm>> -> memref<320xf32, #tpu.memory_space<hbm>>
    %dma_wait3A_596 = arith.constant 0 : i32
    %dma_wait3A_597 = tpu.memref_slice %arg8[%dma_wait3A_590, %dma_wait3A_596] : memref<32x320xf32, #tpu.memory_space<vmem>> -> memref<1x320xf32, #tpu.memory_space<vmem>>
    %dma_wait3A_598 = tpu.memref_squeeze %dma_wait3A_597 : memref<1x320xf32, #tpu.memory_space<vmem>> -> memref<320xf32, #tpu.memory_space<vmem>>
    %dma_wait3A_599 = tpu.memref_slice %arg3[%dma_wait3A_588, %dma_wait3A_589, %add3A] : memref<2x16x10240xf32, #tpu.memory_space<hbm>> -> memref<1x1x320xf32, #tpu.memory_space<hbm>>
    %dma_wait3A_600 = tpu.memref_squeeze %dma_wait3A_599 : memref<1x1x320xf32, #tpu.memory_space<hbm>> -> memref<320xf32, #tpu.memory_space<hbm>>
    tpu.wait_dma2 semaphore(%arg11 : memref<!tpu.dma_semaphore, #tpu.memory_space<semaphore_mem>>) src(%dma_wait3A_600 : memref<320xf32, #tpu.memory_space<hbm>>) dst(%dma_wait3A_598 : memref<320xf32, #tpu.memory_space<vmem>>)
    %dma_wait3A_601 = arith.constant 0 : i32
    %dma_wait3A_602 = arith.constant 12 : i32
    %dma_wait3A_603 = arith.constant 12 : i32
    %dma_wait3A_604 = arith.constant 0 : i32
    %dma_wait3A_605 = tpu.memref_slice %arg8[%dma_wait3A_603, %dma_wait3A_604] : memref<32x320xf32, #tpu.memory_space<vmem>> -> memref<1x320xf32, #tpu.memory_space<vmem>>
    %dma_wait3A_606 = tpu.memref_squeeze %dma_wait3A_605 : memref<1x320xf32, #tpu.memory_space<vmem>> -> memref<320xf32, #tpu.memory_space<vmem>>
    %dma_wait3A_607 = tpu.memref_slice %arg3[%dma_wait3A_601, %dma_wait3A_602, %add3A] : memref<2x16x10240xf32, #tpu.memory_space<hbm>> -> memref<1x1x320xf32, #tpu.memory_space<hbm>>
    %dma_wait3A_608 = tpu.memref_squeeze %dma_wait3A_607 : memref<1x1x320xf32, #tpu.memory_space<hbm>> -> memref<320xf32, #tpu.memory_space<hbm>>
    %dma_wait3A_609 = arith.constant 0 : i32
    %dma_wait3A_610 = tpu.memref_slice %arg8[%dma_wait3A_603, %dma_wait3A_609] : memref<32x320xf32, #tpu.memory_space<vmem>> -> memref<1x320xf32, #tpu.memory_space<vmem>>
    %dma_wait3A_611 = tpu.memref_squeeze %dma_wait3A_610 : memref<1x320xf32, #tpu.memory_space<vmem>> -> memref<320xf32, #tpu.memory_space<vmem>>
    %dma_wait3A_612 = tpu.memref_slice %arg3[%dma_wait3A_601, %dma_wait3A_602, %add3A] : memref<2x16x10240xf32, #tpu.memory_space<hbm>> -> memref<1x1x320xf32, #tpu.memory_space<hbm>>
    %dma_wait3A_613 = tpu.memref_squeeze %dma_wait3A_612 : memref<1x1x320xf32, #tpu.memory_space<hbm>> -> memref<320xf32, #tpu.memory_space<hbm>>
    tpu.wait_dma2 semaphore(%arg11 : memref<!tpu.dma_semaphore, #tpu.memory_space<semaphore_mem>>) src(%dma_wait3A_613 : memref<320xf32, #tpu.memory_space<hbm>>) dst(%dma_wait3A_611 : memref<320xf32, #tpu.memory_space<vmem>>)
    %dma_wait3A_614 = arith.constant 0 : i32
    %dma_wait3A_615 = arith.constant 13 : i32
    %dma_wait3A_616 = arith.constant 13 : i32
    %dma_wait3A_617 = arith.constant 0 : i32
    %dma_wait3A_618 = tpu.memref_slice %arg8[%dma_wait3A_616, %dma_wait3A_617] : memref<32x320xf32, #tpu.memory_space<vmem>> -> memref<1x320xf32, #tpu.memory_space<vmem>>
    %dma_wait3A_619 = tpu.memref_squeeze %dma_wait3A_618 : memref<1x320xf32, #tpu.memory_space<vmem>> -> memref<320xf32, #tpu.memory_space<vmem>>
    %dma_wait3A_620 = tpu.memref_slice %arg3[%dma_wait3A_614, %dma_wait3A_615, %add3A] : memref<2x16x10240xf32, #tpu.memory_space<hbm>> -> memref<1x1x320xf32, #tpu.memory_space<hbm>>
    %dma_wait3A_621 = tpu.memref_squeeze %dma_wait3A_620 : memref<1x1x320xf32, #tpu.memory_space<hbm>> -> memref<320xf32, #tpu.memory_space<hbm>>
    %dma_wait3A_622 = arith.constant 0 : i32
    %dma_wait3A_623 = tpu.memref_slice %arg8[%dma_wait3A_616, %dma_wait3A_622] : memref<32x320xf32, #tpu.memory_space<vmem>> -> memref<1x320xf32, #tpu.memory_space<vmem>>
    %dma_wait3A_624 = tpu.memref_squeeze %dma_wait3A_623 : memref<1x320xf32, #tpu.memory_space<vmem>> -> memref<320xf32, #tpu.memory_space<vmem>>
    %dma_wait3A_625 = tpu.memref_slice %arg3[%dma_wait3A_614, %dma_wait3A_615, %add3A] : memref<2x16x10240xf32, #tpu.memory_space<hbm>> -> memref<1x1x320xf32, #tpu.memory_space<hbm>>
    %dma_wait3A_626 = tpu.memref_squeeze %dma_wait3A_625 : memref<1x1x320xf32, #tpu.memory_space<hbm>> -> memref<320xf32, #tpu.memory_space<hbm>>
    tpu.wait_dma2 semaphore(%arg11 : memref<!tpu.dma_semaphore, #tpu.memory_space<semaphore_mem>>) src(%dma_wait3A_626 : memref<320xf32, #tpu.memory_space<hbm>>) dst(%dma_wait3A_624 : memref<320xf32, #tpu.memory_space<vmem>>)
    %dma_wait3A_627 = arith.constant 0 : i32
    %dma_wait3A_628 = arith.constant 14 : i32
    %dma_wait3A_629 = arith.constant 14 : i32
    %dma_wait3A_630 = arith.constant 0 : i32
    %dma_wait3A_631 = tpu.memref_slice %arg8[%dma_wait3A_629, %dma_wait3A_630] : memref<32x320xf32, #tpu.memory_space<vmem>> -> memref<1x320xf32, #tpu.memory_space<vmem>>
    %dma_wait3A_632 = tpu.memref_squeeze %dma_wait3A_631 : memref<1x320xf32, #tpu.memory_space<vmem>> -> memref<320xf32, #tpu.memory_space<vmem>>
    %dma_wait3A_633 = tpu.memref_slice %arg3[%dma_wait3A_627, %dma_wait3A_628, %add3A] : memref<2x16x10240xf32, #tpu.memory_space<hbm>> -> memref<1x1x320xf32, #tpu.memory_space<hbm>>
    %dma_wait3A_634 = tpu.memref_squeeze %dma_wait3A_633 : memref<1x1x320xf32, #tpu.memory_space<hbm>> -> memref<320xf32, #tpu.memory_space<hbm>>
    %dma_wait3A_635 = arith.constant 0 : i32
    %dma_wait3A_636 = tpu.memref_slice %arg8[%dma_wait3A_629, %dma_wait3A_635] : memref<32x320xf32, #tpu.memory_space<vmem>> -> memref<1x320xf32, #tpu.memory_space<vmem>>
    %dma_wait3A_637 = tpu.memref_squeeze %dma_wait3A_636 : memref<1x320xf32, #tpu.memory_space<vmem>> -> memref<320xf32, #tpu.memory_space<vmem>>
    %dma_wait3A_638 = tpu.memref_slice %arg3[%dma_wait3A_627, %dma_wait3A_628, %add3A] : memref<2x16x10240xf32, #tpu.memory_space<hbm>> -> memref<1x1x320xf32, #tpu.memory_space<hbm>>
    %dma_wait3A_639 = tpu.memref_squeeze %dma_wait3A_638 : memref<1x1x320xf32, #tpu.memory_space<hbm>> -> memref<320xf32, #tpu.memory_space<hbm>>
    tpu.wait_dma2 semaphore(%arg11 : memref<!tpu.dma_semaphore, #tpu.memory_space<semaphore_mem>>) src(%dma_wait3A_639 : memref<320xf32, #tpu.memory_space<hbm>>) dst(%dma_wait3A_637 : memref<320xf32, #tpu.memory_space<vmem>>)
    %dma_wait3A_640 = arith.constant 0 : i32
    %dma_wait3A_641 = arith.constant 15 : i32
    %dma_wait3A_642 = arith.constant 15 : i32
    %dma_wait3A_643 = arith.constant 0 : i32
    %dma_wait3A_644 = tpu.memref_slice %arg8[%dma_wait3A_642, %dma_wait3A_643] : memref<32x320xf32, #tpu.memory_space<vmem>> -> memref<1x320xf32, #tpu.memory_space<vmem>>
    %dma_wait3A_645 = tpu.memref_squeeze %dma_wait3A_644 : memref<1x320xf32, #tpu.memory_space<vmem>> -> memref<320xf32, #tpu.memory_space<vmem>>
    %dma_wait3A_646 = tpu.memref_slice %arg3[%dma_wait3A_640, %dma_wait3A_641, %add3A] : memref<2x16x10240xf32, #tpu.memory_space<hbm>> -> memref<1x1x320xf32, #tpu.memory_space<hbm>>
    %dma_wait3A_647 = tpu.memref_squeeze %dma_wait3A_646 : memref<1x1x320xf32, #tpu.memory_space<hbm>> -> memref<320xf32, #tpu.memory_space<hbm>>
    %dma_wait3A_648 = arith.constant 0 : i32
    %dma_wait3A_649 = tpu.memref_slice %arg8[%dma_wait3A_642, %dma_wait3A_648] : memref<32x320xf32, #tpu.memory_space<vmem>> -> memref<1x320xf32, #tpu.memory_space<vmem>>
    %dma_wait3A_650 = tpu.memref_squeeze %dma_wait3A_649 : memref<1x320xf32, #tpu.memory_space<vmem>> -> memref<320xf32, #tpu.memory_space<vmem>>
    %dma_wait3A_651 = tpu.memref_slice %arg3[%dma_wait3A_640, %dma_wait3A_641, %add3A] : memref<2x16x10240xf32, #tpu.memory_space<hbm>> -> memref<1x1x320xf32, #tpu.memory_space<hbm>>
    %dma_wait3A_652 = tpu.memref_squeeze %dma_wait3A_651 : memref<1x1x320xf32, #tpu.memory_space<hbm>> -> memref<320xf32, #tpu.memory_space<hbm>>
    tpu.wait_dma2 semaphore(%arg11 : memref<!tpu.dma_semaphore, #tpu.memory_space<semaphore_mem>>) src(%dma_wait3A_652 : memref<320xf32, #tpu.memory_space<hbm>>) dst(%dma_wait3A_650 : memref<320xf32, #tpu.memory_space<vmem>>)
    %dma_wait3A_653 = arith.constant 1 : i32
    %dma_wait3A_654 = arith.constant 0 : i32
    %dma_wait3A_655 = arith.constant 16 : i32
    %dma_wait3A_656 = arith.constant 0 : i32
    %dma_wait3A_657 = tpu.memref_slice %arg8[%dma_wait3A_655, %dma_wait3A_656] : memref<32x320xf32, #tpu.memory_space<vmem>> -> memref<1x320xf32, #tpu.memory_space<vmem>>
    %dma_wait3A_658 = tpu.memref_squeeze %dma_wait3A_657 : memref<1x320xf32, #tpu.memory_space<vmem>> -> memref<320xf32, #tpu.memory_space<vmem>>
    %dma_wait3A_659 = tpu.memref_slice %arg3[%dma_wait3A_653, %dma_wait3A_654, %add3A] : memref<2x16x10240xf32, #tpu.memory_space<hbm>> -> memref<1x1x320xf32, #tpu.memory_space<hbm>>
    %dma_wait3A_660 = tpu.memref_squeeze %dma_wait3A_659 : memref<1x1x320xf32, #tpu.memory_space<hbm>> -> memref<320xf32, #tpu.memory_space<hbm>>
    %dma_wait3A_661 = arith.constant 0 : i32
    %dma_wait3A_662 = tpu.memref_slice %arg8[%dma_wait3A_655, %dma_wait3A_661] : memref<32x320xf32, #tpu.memory_space<vmem>> -> memref<1x320xf32, #tpu.memory_space<vmem>>
    %dma_wait3A_663 = tpu.memref_squeeze %dma_wait3A_662 : memref<1x320xf32, #tpu.memory_space<vmem>> -> memref<320xf32, #tpu.memory_space<vmem>>
    %dma_wait3A_664 = tpu.memref_slice %arg3[%dma_wait3A_653, %dma_wait3A_654, %add3A] : memref<2x16x10240xf32, #tpu.memory_space<hbm>> -> memref<1x1x320xf32, #tpu.memory_space<hbm>>
    %dma_wait3A_665 = tpu.memref_squeeze %dma_wait3A_664 : memref<1x1x320xf32, #tpu.memory_space<hbm>> -> memref<320xf32, #tpu.memory_space<hbm>>
    tpu.wait_dma2 semaphore(%arg11 : memref<!tpu.dma_semaphore, #tpu.memory_space<semaphore_mem>>) src(%dma_wait3A_665 : memref<320xf32, #tpu.memory_space<hbm>>) dst(%dma_wait3A_663 : memref<320xf32, #tpu.memory_space<vmem>>)
    %dma_wait3A_666 = arith.constant 1 : i32
    %dma_wait3A_667 = arith.constant 1 : i32
    %dma_wait3A_668 = arith.constant 17 : i32
    %dma_wait3A_669 = arith.constant 0 : i32
    %dma_wait3A_670 = tpu.memref_slice %arg8[%dma_wait3A_668, %dma_wait3A_669] : memref<32x320xf32, #tpu.memory_space<vmem>> -> memref<1x320xf32, #tpu.memory_space<vmem>>
    %dma_wait3A_671 = tpu.memref_squeeze %dma_wait3A_670 : memref<1x320xf32, #tpu.memory_space<vmem>> -> memref<320xf32, #tpu.memory_space<vmem>>
    %dma_wait3A_672 = tpu.memref_slice %arg3[%dma_wait3A_666, %dma_wait3A_667, %add3A] : memref<2x16x10240xf32, #tpu.memory_space<hbm>> -> memref<1x1x320xf32, #tpu.memory_space<hbm>>
    %dma_wait3A_673 = tpu.memref_squeeze %dma_wait3A_672 : memref<1x1x320xf32, #tpu.memory_space<hbm>> -> memref<320xf32, #tpu.memory_space<hbm>>
    %dma_wait3A_674 = arith.constant 0 : i32
    %dma_wait3A_675 = tpu.memref_slice %arg8[%dma_wait3A_668, %dma_wait3A_674] : memref<32x320xf32, #tpu.memory_space<vmem>> -> memref<1x320xf32, #tpu.memory_space<vmem>>
    %dma_wait3A_676 = tpu.memref_squeeze %dma_wait3A_675 : memref<1x320xf32, #tpu.memory_space<vmem>> -> memref<320xf32, #tpu.memory_space<vmem>>
    %dma_wait3A_677 = tpu.memref_slice %arg3[%dma_wait3A_666, %dma_wait3A_667, %add3A] : memref<2x16x10240xf32, #tpu.memory_space<hbm>> -> memref<1x1x320xf32, #tpu.memory_space<hbm>>
    %dma_wait3A_678 = tpu.memref_squeeze %dma_wait3A_677 : memref<1x1x320xf32, #tpu.memory_space<hbm>> -> memref<320xf32, #tpu.memory_space<hbm>>
    tpu.wait_dma2 semaphore(%arg11 : memref<!tpu.dma_semaphore, #tpu.memory_space<semaphore_mem>>) src(%dma_wait3A_678 : memref<320xf32, #tpu.memory_space<hbm>>) dst(%dma_wait3A_676 : memref<320xf32, #tpu.memory_space<vmem>>)
    %dma_wait3A_679 = arith.constant 1 : i32
    %dma_wait3A_680 = arith.constant 2 : i32
    %dma_wait3A_681 = arith.constant 18 : i32
    %dma_wait3A_682 = arith.constant 0 : i32
    %dma_wait3A_683 = tpu.memref_slice %arg8[%dma_wait3A_681, %dma_wait3A_682] : memref<32x320xf32, #tpu.memory_space<vmem>> -> memref<1x320xf32, #tpu.memory_space<vmem>>
    %dma_wait3A_684 = tpu.memref_squeeze %dma_wait3A_683 : memref<1x320xf32, #tpu.memory_space<vmem>> -> memref<320xf32, #tpu.memory_space<vmem>>
    %dma_wait3A_685 = tpu.memref_slice %arg3[%dma_wait3A_679, %dma_wait3A_680, %add3A] : memref<2x16x10240xf32, #tpu.memory_space<hbm>> -> memref<1x1x320xf32, #tpu.memory_space<hbm>>
    %dma_wait3A_686 = tpu.memref_squeeze %dma_wait3A_685 : memref<1x1x320xf32, #tpu.memory_space<hbm>> -> memref<320xf32, #tpu.memory_space<hbm>>
    %dma_wait3A_687 = arith.constant 0 : i32
    %dma_wait3A_688 = tpu.memref_slice %arg8[%dma_wait3A_681, %dma_wait3A_687] : memref<32x320xf32, #tpu.memory_space<vmem>> -> memref<1x320xf32, #tpu.memory_space<vmem>>
    %dma_wait3A_689 = tpu.memref_squeeze %dma_wait3A_688 : memref<1x320xf32, #tpu.memory_space<vmem>> -> memref<320xf32, #tpu.memory_space<vmem>>
    %dma_wait3A_690 = tpu.memref_slice %arg3[%dma_wait3A_679, %dma_wait3A_680, %add3A] : memref<2x16x10240xf32, #tpu.memory_space<hbm>> -> memref<1x1x320xf32, #tpu.memory_space<hbm>>
    %dma_wait3A_691 = tpu.memref_squeeze %dma_wait3A_690 : memref<1x1x320xf32, #tpu.memory_space<hbm>> -> memref<320xf32, #tpu.memory_space<hbm>>
    tpu.wait_dma2 semaphore(%arg11 : memref<!tpu.dma_semaphore, #tpu.memory_space<semaphore_mem>>) src(%dma_wait3A_691 : memref<320xf32, #tpu.memory_space<hbm>>) dst(%dma_wait3A_689 : memref<320xf32, #tpu.memory_space<vmem>>)
    %dma_wait3A_692 = arith.constant 1 : i32
    %dma_wait3A_693 = arith.constant 3 : i32
    %dma_wait3A_694 = arith.constant 19 : i32
    %dma_wait3A_695 = arith.constant 0 : i32
    %dma_wait3A_696 = tpu.memref_slice %arg8[%dma_wait3A_694, %dma_wait3A_695] : memref<32x320xf32, #tpu.memory_space<vmem>> -> memref<1x320xf32, #tpu.memory_space<vmem>>
    %dma_wait3A_697 = tpu.memref_squeeze %dma_wait3A_696 : memref<1x320xf32, #tpu.memory_space<vmem>> -> memref<320xf32, #tpu.memory_space<vmem>>
    %dma_wait3A_698 = tpu.memref_slice %arg3[%dma_wait3A_692, %dma_wait3A_693, %add3A] : memref<2x16x10240xf32, #tpu.memory_space<hbm>> -> memref<1x1x320xf32, #tpu.memory_space<hbm>>
    %dma_wait3A_699 = tpu.memref_squeeze %dma_wait3A_698 : memref<1x1x320xf32, #tpu.memory_space<hbm>> -> memref<320xf32, #tpu.memory_space<hbm>>
    %dma_wait3A_700 = arith.constant 0 : i32
    %dma_wait3A_701 = tpu.memref_slice %arg8[%dma_wait3A_694, %dma_wait3A_700] : memref<32x320xf32, #tpu.memory_space<vmem>> -> memref<1x320xf32, #tpu.memory_space<vmem>>
    %dma_wait3A_702 = tpu.memref_squeeze %dma_wait3A_701 : memref<1x320xf32, #tpu.memory_space<vmem>> -> memref<320xf32, #tpu.memory_space<vmem>>
    %dma_wait3A_703 = tpu.memref_slice %arg3[%dma_wait3A_692, %dma_wait3A_693, %add3A] : memref<2x16x10240xf32, #tpu.memory_space<hbm>> -> memref<1x1x320xf32, #tpu.memory_space<hbm>>
    %dma_wait3A_704 = tpu.memref_squeeze %dma_wait3A_703 : memref<1x1x320xf32, #tpu.memory_space<hbm>> -> memref<320xf32, #tpu.memory_space<hbm>>
    tpu.wait_dma2 semaphore(%arg11 : memref<!tpu.dma_semaphore, #tpu.memory_space<semaphore_mem>>) src(%dma_wait3A_704 : memref<320xf32, #tpu.memory_space<hbm>>) dst(%dma_wait3A_702 : memref<320xf32, #tpu.memory_space<vmem>>)
    %dma_wait3A_705 = arith.constant 1 : i32
    %dma_wait3A_706 = arith.constant 4 : i32
    %dma_wait3A_707 = arith.constant 20 : i32
    %dma_wait3A_708 = arith.constant 0 : i32
    %dma_wait3A_709 = tpu.memref_slice %arg8[%dma_wait3A_707, %dma_wait3A_708] : memref<32x320xf32, #tpu.memory_space<vmem>> -> memref<1x320xf32, #tpu.memory_space<vmem>>
    %dma_wait3A_710 = tpu.memref_squeeze %dma_wait3A_709 : memref<1x320xf32, #tpu.memory_space<vmem>> -> memref<320xf32, #tpu.memory_space<vmem>>
    %dma_wait3A_711 = tpu.memref_slice %arg3[%dma_wait3A_705, %dma_wait3A_706, %add3A] : memref<2x16x10240xf32, #tpu.memory_space<hbm>> -> memref<1x1x320xf32, #tpu.memory_space<hbm>>
    %dma_wait3A_712 = tpu.memref_squeeze %dma_wait3A_711 : memref<1x1x320xf32, #tpu.memory_space<hbm>> -> memref<320xf32, #tpu.memory_space<hbm>>
    %dma_wait3A_713 = arith.constant 0 : i32
    %dma_wait3A_714 = tpu.memref_slice %arg8[%dma_wait3A_707, %dma_wait3A_713] : memref<32x320xf32, #tpu.memory_space<vmem>> -> memref<1x320xf32, #tpu.memory_space<vmem>>
    %dma_wait3A_715 = tpu.memref_squeeze %dma_wait3A_714 : memref<1x320xf32, #tpu.memory_space<vmem>> -> memref<320xf32, #tpu.memory_space<vmem>>
    %dma_wait3A_716 = tpu.memref_slice %arg3[%dma_wait3A_705, %dma_wait3A_706, %add3A] : memref<2x16x10240xf32, #tpu.memory_space<hbm>> -> memref<1x1x320xf32, #tpu.memory_space<hbm>>
    %dma_wait3A_717 = tpu.memref_squeeze %dma_wait3A_716 : memref<1x1x320xf32, #tpu.memory_space<hbm>> -> memref<320xf32, #tpu.memory_space<hbm>>
    tpu.wait_dma2 semaphore(%arg11 : memref<!tpu.dma_semaphore, #tpu.memory_space<semaphore_mem>>) src(%dma_wait3A_717 : memref<320xf32, #tpu.memory_space<hbm>>) dst(%dma_wait3A_715 : memref<320xf32, #tpu.memory_space<vmem>>)
    %dma_wait3A_718 = arith.constant 1 : i32
    %dma_wait3A_719 = arith.constant 5 : i32
    %dma_wait3A_720 = arith.constant 21 : i32
    %dma_wait3A_721 = arith.constant 0 : i32
    %dma_wait3A_722 = tpu.memref_slice %arg8[%dma_wait3A_720, %dma_wait3A_721] : memref<32x320xf32, #tpu.memory_space<vmem>> -> memref<1x320xf32, #tpu.memory_space<vmem>>
    %dma_wait3A_723 = tpu.memref_squeeze %dma_wait3A_722 : memref<1x320xf32, #tpu.memory_space<vmem>> -> memref<320xf32, #tpu.memory_space<vmem>>
    %dma_wait3A_724 = tpu.memref_slice %arg3[%dma_wait3A_718, %dma_wait3A_719, %add3A] : memref<2x16x10240xf32, #tpu.memory_space<hbm>> -> memref<1x1x320xf32, #tpu.memory_space<hbm>>
    %dma_wait3A_725 = tpu.memref_squeeze %dma_wait3A_724 : memref<1x1x320xf32, #tpu.memory_space<hbm>> -> memref<320xf32, #tpu.memory_space<hbm>>
    %dma_wait3A_726 = arith.constant 0 : i32
    %dma_wait3A_727 = tpu.memref_slice %arg8[%dma_wait3A_720, %dma_wait3A_726] : memref<32x320xf32, #tpu.memory_space<vmem>> -> memref<1x320xf32, #tpu.memory_space<vmem>>
    %dma_wait3A_728 = tpu.memref_squeeze %dma_wait3A_727 : memref<1x320xf32, #tpu.memory_space<vmem>> -> memref<320xf32, #tpu.memory_space<vmem>>
    %dma_wait3A_729 = tpu.memref_slice %arg3[%dma_wait3A_718, %dma_wait3A_719, %add3A] : memref<2x16x10240xf32, #tpu.memory_space<hbm>> -> memref<1x1x320xf32, #tpu.memory_space<hbm>>
    %dma_wait3A_730 = tpu.memref_squeeze %dma_wait3A_729 : memref<1x1x320xf32, #tpu.memory_space<hbm>> -> memref<320xf32, #tpu.memory_space<hbm>>
    tpu.wait_dma2 semaphore(%arg11 : memref<!tpu.dma_semaphore, #tpu.memory_space<semaphore_mem>>) src(%dma_wait3A_730 : memref<320xf32, #tpu.memory_space<hbm>>) dst(%dma_wait3A_728 : memref<320xf32, #tpu.memory_space<vmem>>)
    %dma_wait3A_731 = arith.constant 1 : i32
    %dma_wait3A_732 = arith.constant 6 : i32
    %dma_wait3A_733 = arith.constant 22 : i32
    %dma_wait3A_734 = arith.constant 0 : i32
    %dma_wait3A_735 = tpu.memref_slice %arg8[%dma_wait3A_733, %dma_wait3A_734] : memref<32x320xf32, #tpu.memory_space<vmem>> -> memref<1x320xf32, #tpu.memory_space<vmem>>
    %dma_wait3A_736 = tpu.memref_squeeze %dma_wait3A_735 : memref<1x320xf32, #tpu.memory_space<vmem>> -> memref<320xf32, #tpu.memory_space<vmem>>
    %dma_wait3A_737 = tpu.memref_slice %arg3[%dma_wait3A_731, %dma_wait3A_732, %add3A] : memref<2x16x10240xf32, #tpu.memory_space<hbm>> -> memref<1x1x320xf32, #tpu.memory_space<hbm>>
    %dma_wait3A_738 = tpu.memref_squeeze %dma_wait3A_737 : memref<1x1x320xf32, #tpu.memory_space<hbm>> -> memref<320xf32, #tpu.memory_space<hbm>>
    %dma_wait3A_739 = arith.constant 0 : i32
    %dma_wait3A_740 = tpu.memref_slice %arg8[%dma_wait3A_733, %dma_wait3A_739] : memref<32x320xf32, #tpu.memory_space<vmem>> -> memref<1x320xf32, #tpu.memory_space<vmem>>
    %dma_wait3A_741 = tpu.memref_squeeze %dma_wait3A_740 : memref<1x320xf32, #tpu.memory_space<vmem>> -> memref<320xf32, #tpu.memory_space<vmem>>
    %dma_wait3A_742 = tpu.memref_slice %arg3[%dma_wait3A_731, %dma_wait3A_732, %add3A] : memref<2x16x10240xf32, #tpu.memory_space<hbm>> -> memref<1x1x320xf32, #tpu.memory_space<hbm>>
    %dma_wait3A_743 = tpu.memref_squeeze %dma_wait3A_742 : memref<1x1x320xf32, #tpu.memory_space<hbm>> -> memref<320xf32, #tpu.memory_space<hbm>>
    tpu.wait_dma2 semaphore(%arg11 : memref<!tpu.dma_semaphore, #tpu.memory_space<semaphore_mem>>) src(%dma_wait3A_743 : memref<320xf32, #tpu.memory_space<hbm>>) dst(%dma_wait3A_741 : memref<320xf32, #tpu.memory_space<vmem>>)
    %dma_wait3A_744 = arith.constant 1 : i32
    %dma_wait3A_745 = arith.constant 7 : i32
    %dma_wait3A_746 = arith.constant 23 : i32
    %dma_wait3A_747 = arith.constant 0 : i32
    %dma_wait3A_748 = tpu.memref_slice %arg8[%dma_wait3A_746, %dma_wait3A_747] : memref<32x320xf32, #tpu.memory_space<vmem>> -> memref<1x320xf32, #tpu.memory_space<vmem>>
    %dma_wait3A_749 = tpu.memref_squeeze %dma_wait3A_748 : memref<1x320xf32, #tpu.memory_space<vmem>> -> memref<320xf32, #tpu.memory_space<vmem>>
    %dma_wait3A_750 = tpu.memref_slice %arg3[%dma_wait3A_744, %dma_wait3A_745, %add3A] : memref<2x16x10240xf32, #tpu.memory_space<hbm>> -> memref<1x1x320xf32, #tpu.memory_space<hbm>>
    %dma_wait3A_751 = tpu.memref_squeeze %dma_wait3A_750 : memref<1x1x320xf32, #tpu.memory_space<hbm>> -> memref<320xf32, #tpu.memory_space<hbm>>
    %dma_wait3A_752 = arith.constant 0 : i32
    %dma_wait3A_753 = tpu.memref_slice %arg8[%dma_wait3A_746, %dma_wait3A_752] : memref<32x320xf32, #tpu.memory_space<vmem>> -> memref<1x320xf32, #tpu.memory_space<vmem>>
    %dma_wait3A_754 = tpu.memref_squeeze %dma_wait3A_753 : memref<1x320xf32, #tpu.memory_space<vmem>> -> memref<320xf32, #tpu.memory_space<vmem>>
    %dma_wait3A_755 = tpu.memref_slice %arg3[%dma_wait3A_744, %dma_wait3A_745, %add3A] : memref<2x16x10240xf32, #tpu.memory_space<hbm>> -> memref<1x1x320xf32, #tpu.memory_space<hbm>>
    %dma_wait3A_756 = tpu.memref_squeeze %dma_wait3A_755 : memref<1x1x320xf32, #tpu.memory_space<hbm>> -> memref<320xf32, #tpu.memory_space<hbm>>
    tpu.wait_dma2 semaphore(%arg11 : memref<!tpu.dma_semaphore, #tpu.memory_space<semaphore_mem>>) src(%dma_wait3A_756 : memref<320xf32, #tpu.memory_space<hbm>>) dst(%dma_wait3A_754 : memref<320xf32, #tpu.memory_space<vmem>>)
    %dma_wait3A_757 = arith.constant 1 : i32
    %dma_wait3A_758 = arith.constant 8 : i32
    %dma_wait3A_759 = arith.constant 24 : i32
    %dma_wait3A_760 = arith.constant 0 : i32
    %dma_wait3A_761 = tpu.memref_slice %arg8[%dma_wait3A_759, %dma_wait3A_760] : memref<32x320xf32, #tpu.memory_space<vmem>> -> memref<1x320xf32, #tpu.memory_space<vmem>>
    %dma_wait3A_762 = tpu.memref_squeeze %dma_wait3A_761 : memref<1x320xf32, #tpu.memory_space<vmem>> -> memref<320xf32, #tpu.memory_space<vmem>>
    %dma_wait3A_763 = tpu.memref_slice %arg3[%dma_wait3A_757, %dma_wait3A_758, %add3A] : memref<2x16x10240xf32, #tpu.memory_space<hbm>> -> memref<1x1x320xf32, #tpu.memory_space<hbm>>
    %dma_wait3A_764 = tpu.memref_squeeze %dma_wait3A_763 : memref<1x1x320xf32, #tpu.memory_space<hbm>> -> memref<320xf32, #tpu.memory_space<hbm>>
    %dma_wait3A_765 = arith.constant 0 : i32
    %dma_wait3A_766 = tpu.memref_slice %arg8[%dma_wait3A_759, %dma_wait3A_765] : memref<32x320xf32, #tpu.memory_space<vmem>> -> memref<1x320xf32, #tpu.memory_space<vmem>>
    %dma_wait3A_767 = tpu.memref_squeeze %dma_wait3A_766 : memref<1x320xf32, #tpu.memory_space<vmem>> -> memref<320xf32, #tpu.memory_space<vmem>>
    %dma_wait3A_768 = tpu.memref_slice %arg3[%dma_wait3A_757, %dma_wait3A_758, %add3A] : memref<2x16x10240xf32, #tpu.memory_space<hbm>> -> memref<1x1x320xf32, #tpu.memory_space<hbm>>
    %dma_wait3A_769 = tpu.memref_squeeze %dma_wait3A_768 : memref<1x1x320xf32, #tpu.memory_space<hbm>> -> memref<320xf32, #tpu.memory_space<hbm>>
    tpu.wait_dma2 semaphore(%arg11 : memref<!tpu.dma_semaphore, #tpu.memory_space<semaphore_mem>>) src(%dma_wait3A_769 : memref<320xf32, #tpu.memory_space<hbm>>) dst(%dma_wait3A_767 : memref<320xf32, #tpu.memory_space<vmem>>)
    %dma_wait3A_770 = arith.constant 1 : i32
    %dma_wait3A_771 = arith.constant 9 : i32
    %dma_wait3A_772 = arith.constant 25 : i32
    %dma_wait3A_773 = arith.constant 0 : i32
    %dma_wait3A_774 = tpu.memref_slice %arg8[%dma_wait3A_772, %dma_wait3A_773] : memref<32x320xf32, #tpu.memory_space<vmem>> -> memref<1x320xf32, #tpu.memory_space<vmem>>
    %dma_wait3A_775 = tpu.memref_squeeze %dma_wait3A_774 : memref<1x320xf32, #tpu.memory_space<vmem>> -> memref<320xf32, #tpu.memory_space<vmem>>
    %dma_wait3A_776 = tpu.memref_slice %arg3[%dma_wait3A_770, %dma_wait3A_771, %add3A] : memref<2x16x10240xf32, #tpu.memory_space<hbm>> -> memref<1x1x320xf32, #tpu.memory_space<hbm>>
    %dma_wait3A_777 = tpu.memref_squeeze %dma_wait3A_776 : memref<1x1x320xf32, #tpu.memory_space<hbm>> -> memref<320xf32, #tpu.memory_space<hbm>>
    %dma_wait3A_778 = arith.constant 0 : i32
    %dma_wait3A_779 = tpu.memref_slice %arg8[%dma_wait3A_772, %dma_wait3A_778] : memref<32x320xf32, #tpu.memory_space<vmem>> -> memref<1x320xf32, #tpu.memory_space<vmem>>
    %dma_wait3A_780 = tpu.memref_squeeze %dma_wait3A_779 : memref<1x320xf32, #tpu.memory_space<vmem>> -> memref<320xf32, #tpu.memory_space<vmem>>
    %dma_wait3A_781 = tpu.memref_slice %arg3[%dma_wait3A_770, %dma_wait3A_771, %add3A] : memref<2x16x10240xf32, #tpu.memory_space<hbm>> -> memref<1x1x320xf32, #tpu.memory_space<hbm>>
    %dma_wait3A_782 = tpu.memref_squeeze %dma_wait3A_781 : memref<1x1x320xf32, #tpu.memory_space<hbm>> -> memref<320xf32, #tpu.memory_space<hbm>>
    tpu.wait_dma2 semaphore(%arg11 : memref<!tpu.dma_semaphore, #tpu.memory_space<semaphore_mem>>) src(%dma_wait3A_782 : memref<320xf32, #tpu.memory_space<hbm>>) dst(%dma_wait3A_780 : memref<320xf32, #tpu.memory_space<vmem>>)
    %dma_wait3A_783 = arith.constant 1 : i32
    %dma_wait3A_784 = arith.constant 10 : i32
    %dma_wait3A_785 = arith.constant 26 : i32
    %dma_wait3A_786 = arith.constant 0 : i32
    %dma_wait3A_787 = tpu.memref_slice %arg8[%dma_wait3A_785, %dma_wait3A_786] : memref<32x320xf32, #tpu.memory_space<vmem>> -> memref<1x320xf32, #tpu.memory_space<vmem>>
    %dma_wait3A_788 = tpu.memref_squeeze %dma_wait3A_787 : memref<1x320xf32, #tpu.memory_space<vmem>> -> memref<320xf32, #tpu.memory_space<vmem>>
    %dma_wait3A_789 = tpu.memref_slice %arg3[%dma_wait3A_783, %dma_wait3A_784, %add3A] : memref<2x16x10240xf32, #tpu.memory_space<hbm>> -> memref<1x1x320xf32, #tpu.memory_space<hbm>>
    %dma_wait3A_790 = tpu.memref_squeeze %dma_wait3A_789 : memref<1x1x320xf32, #tpu.memory_space<hbm>> -> memref<320xf32, #tpu.memory_space<hbm>>
    %dma_wait3A_791 = arith.constant 0 : i32
    %dma_wait3A_792 = tpu.memref_slice %arg8[%dma_wait3A_785, %dma_wait3A_791] : memref<32x320xf32, #tpu.memory_space<vmem>> -> memref<1x320xf32, #tpu.memory_space<vmem>>
    %dma_wait3A_793 = tpu.memref_squeeze %dma_wait3A_792 : memref<1x320xf32, #tpu.memory_space<vmem>> -> memref<320xf32, #tpu.memory_space<vmem>>
    %dma_wait3A_794 = tpu.memref_slice %arg3[%dma_wait3A_783, %dma_wait3A_784, %add3A] : memref<2x16x10240xf32, #tpu.memory_space<hbm>> -> memref<1x1x320xf32, #tpu.memory_space<hbm>>
    %dma_wait3A_795 = tpu.memref_squeeze %dma_wait3A_794 : memref<1x1x320xf32, #tpu.memory_space<hbm>> -> memref<320xf32, #tpu.memory_space<hbm>>
    tpu.wait_dma2 semaphore(%arg11 : memref<!tpu.dma_semaphore, #tpu.memory_space<semaphore_mem>>) src(%dma_wait3A_795 : memref<320xf32, #tpu.memory_space<hbm>>) dst(%dma_wait3A_793 : memref<320xf32, #tpu.memory_space<vmem>>)
    %dma_wait3A_796 = arith.constant 1 : i32
    %dma_wait3A_797 = arith.constant 11 : i32
    %dma_wait3A_798 = arith.constant 27 : i32
    %dma_wait3A_799 = arith.constant 0 : i32
    %dma_wait3A_800 = tpu.memref_slice %arg8[%dma_wait3A_798, %dma_wait3A_799] : memref<32x320xf32, #tpu.memory_space<vmem>> -> memref<1x320xf32, #tpu.memory_space<vmem>>
    %dma_wait3A_801 = tpu.memref_squeeze %dma_wait3A_800 : memref<1x320xf32, #tpu.memory_space<vmem>> -> memref<320xf32, #tpu.memory_space<vmem>>
    %dma_wait3A_802 = tpu.memref_slice %arg3[%dma_wait3A_796, %dma_wait3A_797, %add3A] : memref<2x16x10240xf32, #tpu.memory_space<hbm>> -> memref<1x1x320xf32, #tpu.memory_space<hbm>>
    %dma_wait3A_803 = tpu.memref_squeeze %dma_wait3A_802 : memref<1x1x320xf32, #tpu.memory_space<hbm>> -> memref<320xf32, #tpu.memory_space<hbm>>
    %dma_wait3A_804 = arith.constant 0 : i32
    %dma_wait3A_805 = tpu.memref_slice %arg8[%dma_wait3A_798, %dma_wait3A_804] : memref<32x320xf32, #tpu.memory_space<vmem>> -> memref<1x320xf32, #tpu.memory_space<vmem>>
    %dma_wait3A_806 = tpu.memref_squeeze %dma_wait3A_805 : memref<1x320xf32, #tpu.memory_space<vmem>> -> memref<320xf32, #tpu.memory_space<vmem>>
    %dma_wait3A_807 = tpu.memref_slice %arg3[%dma_wait3A_796, %dma_wait3A_797, %add3A] : memref<2x16x10240xf32, #tpu.memory_space<hbm>> -> memref<1x1x320xf32, #tpu.memory_space<hbm>>
    %dma_wait3A_808 = tpu.memref_squeeze %dma_wait3A_807 : memref<1x1x320xf32, #tpu.memory_space<hbm>> -> memref<320xf32, #tpu.memory_space<hbm>>
    tpu.wait_dma2 semaphore(%arg11 : memref<!tpu.dma_semaphore, #tpu.memory_space<semaphore_mem>>) src(%dma_wait3A_808 : memref<320xf32, #tpu.memory_space<hbm>>) dst(%dma_wait3A_806 : memref<320xf32, #tpu.memory_space<vmem>>)
    %dma_wait3A_809 = arith.constant 1 : i32
    %dma_wait3A_810 = arith.constant 12 : i32
    %dma_wait3A_811 = arith.constant 28 : i32
    %dma_wait3A_812 = arith.constant 0 : i32
    %dma_wait3A_813 = tpu.memref_slice %arg8[%dma_wait3A_811, %dma_wait3A_812] : memref<32x320xf32, #tpu.memory_space<vmem>> -> memref<1x320xf32, #tpu.memory_space<vmem>>
    %dma_wait3A_814 = tpu.memref_squeeze %dma_wait3A_813 : memref<1x320xf32, #tpu.memory_space<vmem>> -> memref<320xf32, #tpu.memory_space<vmem>>
    %dma_wait3A_815 = tpu.memref_slice %arg3[%dma_wait3A_809, %dma_wait3A_810, %add3A] : memref<2x16x10240xf32, #tpu.memory_space<hbm>> -> memref<1x1x320xf32, #tpu.memory_space<hbm>>
    %dma_wait3A_816 = tpu.memref_squeeze %dma_wait3A_815 : memref<1x1x320xf32, #tpu.memory_space<hbm>> -> memref<320xf32, #tpu.memory_space<hbm>>
    %dma_wait3A_817 = arith.constant 0 : i32
    %dma_wait3A_818 = tpu.memref_slice %arg8[%dma_wait3A_811, %dma_wait3A_817] : memref<32x320xf32, #tpu.memory_space<vmem>> -> memref<1x320xf32, #tpu.memory_space<vmem>>
    %dma_wait3A_819 = tpu.memref_squeeze %dma_wait3A_818 : memref<1x320xf32, #tpu.memory_space<vmem>> -> memref<320xf32, #tpu.memory_space<vmem>>
    %dma_wait3A_820 = tpu.memref_slice %arg3[%dma_wait3A_809, %dma_wait3A_810, %add3A] : memref<2x16x10240xf32, #tpu.memory_space<hbm>> -> memref<1x1x320xf32, #tpu.memory_space<hbm>>
    %dma_wait3A_821 = tpu.memref_squeeze %dma_wait3A_820 : memref<1x1x320xf32, #tpu.memory_space<hbm>> -> memref<320xf32, #tpu.memory_space<hbm>>
    tpu.wait_dma2 semaphore(%arg11 : memref<!tpu.dma_semaphore, #tpu.memory_space<semaphore_mem>>) src(%dma_wait3A_821 : memref<320xf32, #tpu.memory_space<hbm>>) dst(%dma_wait3A_819 : memref<320xf32, #tpu.memory_space<vmem>>)
    %dma_wait3A_822 = arith.constant 1 : i32
    %dma_wait3A_823 = arith.constant 13 : i32
    %dma_wait3A_824 = arith.constant 29 : i32
    %dma_wait3A_825 = arith.constant 0 : i32
    %dma_wait3A_826 = tpu.memref_slice %arg8[%dma_wait3A_824, %dma_wait3A_825] : memref<32x320xf32, #tpu.memory_space<vmem>> -> memref<1x320xf32, #tpu.memory_space<vmem>>
    %dma_wait3A_827 = tpu.memref_squeeze %dma_wait3A_826 : memref<1x320xf32, #tpu.memory_space<vmem>> -> memref<320xf32, #tpu.memory_space<vmem>>
    %dma_wait3A_828 = tpu.memref_slice %arg3[%dma_wait3A_822, %dma_wait3A_823, %add3A] : memref<2x16x10240xf32, #tpu.memory_space<hbm>> -> memref<1x1x320xf32, #tpu.memory_space<hbm>>
    %dma_wait3A_829 = tpu.memref_squeeze %dma_wait3A_828 : memref<1x1x320xf32, #tpu.memory_space<hbm>> -> memref<320xf32, #tpu.memory_space<hbm>>
    %dma_wait3A_830 = arith.constant 0 : i32
    %dma_wait3A_831 = tpu.memref_slice %arg8[%dma_wait3A_824, %dma_wait3A_830] : memref<32x320xf32, #tpu.memory_space<vmem>> -> memref<1x320xf32, #tpu.memory_space<vmem>>
    %dma_wait3A_832 = tpu.memref_squeeze %dma_wait3A_831 : memref<1x320xf32, #tpu.memory_space<vmem>> -> memref<320xf32, #tpu.memory_space<vmem>>
    %dma_wait3A_833 = tpu.memref_slice %arg3[%dma_wait3A_822, %dma_wait3A_823, %add3A] : memref<2x16x10240xf32, #tpu.memory_space<hbm>> -> memref<1x1x320xf32, #tpu.memory_space<hbm>>
    %dma_wait3A_834 = tpu.memref_squeeze %dma_wait3A_833 : memref<1x1x320xf32, #tpu.memory_space<hbm>> -> memref<320xf32, #tpu.memory_space<hbm>>
    tpu.wait_dma2 semaphore(%arg11 : memref<!tpu.dma_semaphore, #tpu.memory_space<semaphore_mem>>) src(%dma_wait3A_834 : memref<320xf32, #tpu.memory_space<hbm>>) dst(%dma_wait3A_832 : memref<320xf32, #tpu.memory_space<vmem>>)
    %dma_wait3A_835 = arith.constant 1 : i32
    %dma_wait3A_836 = arith.constant 14 : i32
    %dma_wait3A_837 = arith.constant 30 : i32
    %dma_wait3A_838 = arith.constant 0 : i32
    %dma_wait3A_839 = tpu.memref_slice %arg8[%dma_wait3A_837, %dma_wait3A_838] : memref<32x320xf32, #tpu.memory_space<vmem>> -> memref<1x320xf32, #tpu.memory_space<vmem>>
    %dma_wait3A_840 = tpu.memref_squeeze %dma_wait3A_839 : memref<1x320xf32, #tpu.memory_space<vmem>> -> memref<320xf32, #tpu.memory_space<vmem>>
    %dma_wait3A_841 = tpu.memref_slice %arg3[%dma_wait3A_835, %dma_wait3A_836, %add3A] : memref<2x16x10240xf32, #tpu.memory_space<hbm>> -> memref<1x1x320xf32, #tpu.memory_space<hbm>>
    %dma_wait3A_842 = tpu.memref_squeeze %dma_wait3A_841 : memref<1x1x320xf32, #tpu.memory_space<hbm>> -> memref<320xf32, #tpu.memory_space<hbm>>
    %dma_wait3A_843 = arith.constant 0 : i32
    %dma_wait3A_844 = tpu.memref_slice %arg8[%dma_wait3A_837, %dma_wait3A_843] : memref<32x320xf32, #tpu.memory_space<vmem>> -> memref<1x320xf32, #tpu.memory_space<vmem>>
    %dma_wait3A_845 = tpu.memref_squeeze %dma_wait3A_844 : memref<1x320xf32, #tpu.memory_space<vmem>> -> memref<320xf32, #tpu.memory_space<vmem>>
    %dma_wait3A_846 = tpu.memref_slice %arg3[%dma_wait3A_835, %dma_wait3A_836, %add3A] : memref<2x16x10240xf32, #tpu.memory_space<hbm>> -> memref<1x1x320xf32, #tpu.memory_space<hbm>>
    %dma_wait3A_847 = tpu.memref_squeeze %dma_wait3A_846 : memref<1x1x320xf32, #tpu.memory_space<hbm>> -> memref<320xf32, #tpu.memory_space<hbm>>
    tpu.wait_dma2 semaphore(%arg11 : memref<!tpu.dma_semaphore, #tpu.memory_space<semaphore_mem>>) src(%dma_wait3A_847 : memref<320xf32, #tpu.memory_space<hbm>>) dst(%dma_wait3A_845 : memref<320xf32, #tpu.memory_space<vmem>>)
    %dma_wait3A_848 = arith.constant 1 : i32
    %dma_wait3A_849 = arith.constant 15 : i32
    %dma_wait3A_850 = arith.constant 31 : i32
    %dma_wait3A_851 = arith.constant 0 : i32
    %dma_wait3A_852 = tpu.memref_slice %arg8[%dma_wait3A_850, %dma_wait3A_851] : memref<32x320xf32, #tpu.memory_space<vmem>> -> memref<1x320xf32, #tpu.memory_space<vmem>>
    %dma_wait3A_853 = tpu.memref_squeeze %dma_wait3A_852 : memref<1x320xf32, #tpu.memory_space<vmem>> -> memref<320xf32, #tpu.memory_space<vmem>>
    %dma_wait3A_854 = tpu.memref_slice %arg3[%dma_wait3A_848, %dma_wait3A_849, %add3A] : memref<2x16x10240xf32, #tpu.memory_space<hbm>> -> memref<1x1x320xf32, #tpu.memory_space<hbm>>
    %dma_wait3A_855 = tpu.memref_squeeze %dma_wait3A_854 : memref<1x1x320xf32, #tpu.memory_space<hbm>> -> memref<320xf32, #tpu.memory_space<hbm>>
    %dma_wait3A_856 = arith.constant 0 : i32
    %dma_wait3A_857 = tpu.memref_slice %arg8[%dma_wait3A_850, %dma_wait3A_856] : memref<32x320xf32, #tpu.memory_space<vmem>> -> memref<1x320xf32, #tpu.memory_space<vmem>>
    %dma_wait3A_858 = tpu.memref_squeeze %dma_wait3A_857 : memref<1x320xf32, #tpu.memory_space<vmem>> -> memref<320xf32, #tpu.memory_space<vmem>>
    %dma_wait3A_859 = tpu.memref_slice %arg3[%dma_wait3A_848, %dma_wait3A_849, %add3A] : memref<2x16x10240xf32, #tpu.memory_space<hbm>> -> memref<1x1x320xf32, #tpu.memory_space<hbm>>
    %dma_wait3A_860 = tpu.memref_squeeze %dma_wait3A_859 : memref<1x1x320xf32, #tpu.memory_space<hbm>> -> memref<320xf32, #tpu.memory_space<hbm>>
    tpu.wait_dma2 semaphore(%arg11 : memref<!tpu.dma_semaphore, #tpu.memory_space<semaphore_mem>>) src(%dma_wait3A_860 : memref<320xf32, #tpu.memory_space<hbm>>) dst(%dma_wait3A_858 : memref<320xf32, #tpu.memory_space<vmem>>)
    %get3A = arith.constant 0 : index
    %get3A_861 = tpu.vector_load %arg9[%get3A] {strides = array<i32>} : memref<16xf32, #tpu.memory_space<vmem>>, vector<16xf32>,
    %get3A_862 = vector.shape_cast %get3A_861 : vector<16xf32> to vector<16xf32>
    %broadcast_in_dim3A = arith.constant 0.000000e+00 : f32
    %broadcast_in_dim3A_863 = vector.broadcast %broadcast_in_dim3A : f32 to vector<16xf32>
    %scan3A = arith.constant 0 : i32
    %scan3A_864 = arith.constant 20 : i32
    %scan3A_865 = arith.addi %scan3A, %scan3A_864 : i32
    %scan3A_866 = arith.constant 1 : i32
    %scan3A_867 = scf.for %scan3A_874 = %scan3A to %scan3A_865 step %scan3A_866 iter_args(%scan3A_875 = %broadcast_in_dim3A_863) -> (vector<16xf32>)  : i32 {
      %mul3A_876 = arith.constant 16 : i32
      %mul3A_877 = arith.muli %scan3A_874, %mul3A_876 : i32
      %multiple_of3A = tpu.assume_multiple %mul3A_877, 16 : i32
      %get3A_878 = arith.constant 0 : i32
      %get3A_879 = arith.index_cast %get3A_878 : i32 to index
      %get3A_880 = arith.index_cast %multiple_of3A : i32 to index
      %get3A_881 = tpu.vector_load %arg8[%get3A_879, %get3A_880] {strides = array<i32>} : memref<32x320xf32, #tpu.memory_space<vmem>>, vector<1x16xf32>,
      %get3A_882 = vector.shape_cast %get3A_881 : vector<1x16xf32> to vector<16xf32>
      %get3A_883 = arith.constant 1 : i32
      %get3A_884 = arith.index_cast %get3A_883 : i32 to index
      %get3A_885 = arith.index_cast %multiple_of3A : i32 to index
      %get3A_886 = tpu.vector_load %arg8[%get3A_884, %get3A_885] {strides = array<i32>} : memref<32x320xf32, #tpu.memory_space<vmem>>, vector<1x16xf32>,
      %get3A_887 = vector.shape_cast %get3A_886 : vector<1x16xf32> to vector<16xf32>
      %add3A_888 = arith.addf %get3A_882, %get3A_887 : vector<16xf32>
      %get3A_889 = arith.constant 2 : i32
      %get3A_890 = arith.index_cast %get3A_889 : i32 to index
      %get3A_891 = arith.index_cast %multiple_of3A : i32 to index
      %get3A_892 = tpu.vector_load %arg8[%get3A_890, %get3A_891] {strides = array<i32>} : memref<32x320xf32, #tpu.memory_space<vmem>>, vector<1x16xf32>,
      %get3A_893 = vector.shape_cast %get3A_892 : vector<1x16xf32> to vector<16xf32>
      %add3A_894 = arith.addf %add3A_888, %get3A_893 : vector<16xf32>
      %get3A_895 = arith.constant 3 : i32
      %get3A_896 = arith.index_cast %get3A_895 : i32 to index
      %get3A_897 = arith.index_cast %multiple_of3A : i32 to index
      %get3A_898 = tpu.vector_load %arg8[%get3A_896, %get3A_897] {strides = array<i32>} : memref<32x320xf32, #tpu.memory_space<vmem>>, vector<1x16xf32>,
      %get3A_899 = vector.shape_cast %get3A_898 : vector<1x16xf32> to vector<16xf32>
      %add3A_900 = arith.addf %add3A_894, %get3A_899 : vector<16xf32>
      %get3A_901 = arith.constant 4 : i32
      %get3A_902 = arith.index_cast %get3A_901 : i32 to index
      %get3A_903 = arith.index_cast %multiple_of3A : i32 to index
      %get3A_904 = tpu.vector_load %arg8[%get3A_902, %get3A_903] {strides = array<i32>} : memref<32x320xf32, #tpu.memory_space<vmem>>, vector<1x16xf32>,
      %get3A_905 = vector.shape_cast %get3A_904 : vector<1x16xf32> to vector<16xf32>
      %add3A_906 = arith.addf %add3A_900, %get3A_905 : vector<16xf32>
      %get3A_907 = arith.constant 5 : i32
      %get3A_908 = arith.index_cast %get3A_907 : i32 to index
      %get3A_909 = arith.index_cast %multiple_of3A : i32 to index
      %get3A_910 = tpu.vector_load %arg8[%get3A_908, %get3A_909] {strides = array<i32>} : memref<32x320xf32, #tpu.memory_space<vmem>>, vector<1x16xf32>,
      %get3A_911 = vector.shape_cast %get3A_910 : vector<1x16xf32> to vector<16xf32>
      %add3A_912 = arith.addf %add3A_906, %get3A_911 : vector<16xf32>
      %get3A_913 = arith.constant 6 : i32
      %get3A_914 = arith.index_cast %get3A_913 : i32 to index
      %get3A_915 = arith.index_cast %multiple_of3A : i32 to index
      %get3A_916 = tpu.vector_load %arg8[%get3A_914, %get3A_915] {strides = array<i32>} : memref<32x320xf32, #tpu.memory_space<vmem>>, vector<1x16xf32>,
      %get3A_917 = vector.shape_cast %get3A_916 : vector<1x16xf32> to vector<16xf32>
      %add3A_918 = arith.addf %add3A_912, %get3A_917 : vector<16xf32>
      %get3A_919 = arith.constant 7 : i32
      %get3A_920 = arith.index_cast %get3A_919 : i32 to index
      %get3A_921 = arith.index_cast %multiple_of3A : i32 to index
      %get3A_922 = tpu.vector_load %arg8[%get3A_920, %get3A_921] {strides = array<i32>} : memref<32x320xf32, #tpu.memory_space<vmem>>, vector<1x16xf32>,
      %get3A_923 = vector.shape_cast %get3A_922 : vector<1x16xf32> to vector<16xf32>
      %add3A_924 = arith.addf %add3A_918, %get3A_923 : vector<16xf32>
      %get3A_925 = arith.constant 8 : i32
      %get3A_926 = arith.index_cast %get3A_925 : i32 to index
      %get3A_927 = arith.index_cast %multiple_of3A : i32 to index
      %get3A_928 = tpu.vector_load %arg8[%get3A_926, %get3A_927] {strides = array<i32>} : memref<32x320xf32, #tpu.memory_space<vmem>>, vector<1x16xf32>,
      %get3A_929 = vector.shape_cast %get3A_928 : vector<1x16xf32> to vector<16xf32>
      %add3A_930 = arith.addf %add3A_924, %get3A_929 : vector<16xf32>
      %get3A_931 = arith.constant 9 : i32
      %get3A_932 = arith.index_cast %get3A_931 : i32 to index
      %get3A_933 = arith.index_cast %multiple_of3A : i32 to index
      %get3A_934 = tpu.vector_load %arg8[%get3A_932, %get3A_933] {strides = array<i32>} : memref<32x320xf32, #tpu.memory_space<vmem>>, vector<1x16xf32>,
      %get3A_935 = vector.shape_cast %get3A_934 : vector<1x16xf32> to vector<16xf32>
      %add3A_936 = arith.addf %add3A_930, %get3A_935 : vector<16xf32>
      %get3A_937 = arith.constant 10 : i32
      %get3A_938 = arith.index_cast %get3A_937 : i32 to index
      %get3A_939 = arith.index_cast %multiple_of3A : i32 to index
      %get3A_940 = tpu.vector_load %arg8[%get3A_938, %get3A_939] {strides = array<i32>} : memref<32x320xf32, #tpu.memory_space<vmem>>, vector<1x16xf32>,
      %get3A_941 = vector.shape_cast %get3A_940 : vector<1x16xf32> to vector<16xf32>
      %add3A_942 = arith.addf %add3A_936, %get3A_941 : vector<16xf32>
      %get3A_943 = arith.constant 11 : i32
      %get3A_944 = arith.index_cast %get3A_943 : i32 to index
      %get3A_945 = arith.index_cast %multiple_of3A : i32 to index
      %get3A_946 = tpu.vector_load %arg8[%get3A_944, %get3A_945] {strides = array<i32>} : memref<32x320xf32, #tpu.memory_space<vmem>>, vector<1x16xf32>,
      %get3A_947 = vector.shape_cast %get3A_946 : vector<1x16xf32> to vector<16xf32>
      %add3A_948 = arith.addf %add3A_942, %get3A_947 : vector<16xf32>
      %get3A_949 = arith.constant 12 : i32
      %get3A_950 = arith.index_cast %get3A_949 : i32 to index
      %get3A_951 = arith.index_cast %multiple_of3A : i32 to index
      %get3A_952 = tpu.vector_load %arg8[%get3A_950, %get3A_951] {strides = array<i32>} : memref<32x320xf32, #tpu.memory_space<vmem>>, vector<1x16xf32>,
      %get3A_953 = vector.shape_cast %get3A_952 : vector<1x16xf32> to vector<16xf32>
      %add3A_954 = arith.addf %add3A_948, %get3A_953 : vector<16xf32>
      %get3A_955 = arith.constant 13 : i32
      %get3A_956 = arith.index_cast %get3A_955 : i32 to index
      %get3A_957 = arith.index_cast %multiple_of3A : i32 to index
      %get3A_958 = tpu.vector_load %arg8[%get3A_956, %get3A_957] {strides = array<i32>} : memref<32x320xf32, #tpu.memory_space<vmem>>, vector<1x16xf32>,
      %get3A_959 = vector.shape_cast %get3A_958 : vector<1x16xf32> to vector<16xf32>
      %add3A_960 = arith.addf %add3A_954, %get3A_959 : vector<16xf32>
      %get3A_961 = arith.constant 14 : i32
      %get3A_962 = arith.index_cast %get3A_961 : i32 to index
      %get3A_963 = arith.index_cast %multiple_of3A : i32 to index
      %get3A_964 = tpu.vector_load %arg8[%get3A_962, %get3A_963] {strides = array<i32>} : memref<32x320xf32, #tpu.memory_space<vmem>>, vector<1x16xf32>,
      %get3A_965 = vector.shape_cast %get3A_964 : vector<1x16xf32> to vector<16xf32>
      %add3A_966 = arith.addf %add3A_960, %get3A_965 : vector<16xf32>
      %get3A_967 = arith.constant 15 : i32
      %get3A_968 = arith.index_cast %get3A_967 : i32 to index
      %get3A_969 = arith.index_cast %multiple_of3A : i32 to index
      %get3A_970 = tpu.vector_load %arg8[%get3A_968, %get3A_969] {strides = array<i32>} : memref<32x320xf32, #tpu.memory_space<vmem>>, vector<1x16xf32>,
      %get3A_971 = vector.shape_cast %get3A_970 : vector<1x16xf32> to vector<16xf32>
      %add3A_972 = arith.addf %add3A_966, %get3A_971 : vector<16xf32>
      %get3A_973 = arith.constant 16 : i32
      %get3A_974 = arith.index_cast %get3A_973 : i32 to index
      %get3A_975 = arith.index_cast %multiple_of3A : i32 to index
      %get3A_976 = tpu.vector_load %arg8[%get3A_974, %get3A_975] {strides = array<i32>} : memref<32x320xf32, #tpu.memory_space<vmem>>, vector<1x16xf32>,
      %get3A_977 = vector.shape_cast %get3A_976 : vector<1x16xf32> to vector<16xf32>
      %add3A_978 = arith.addf %add3A_972, %get3A_977 : vector<16xf32>
      %get3A_979 = arith.constant 17 : i32
      %get3A_980 = arith.index_cast %get3A_979 : i32 to index
      %get3A_981 = arith.index_cast %multiple_of3A : i32 to index
      %get3A_982 = tpu.vector_load %arg8[%get3A_980, %get3A_981] {strides = array<i32>} : memref<32x320xf32, #tpu.memory_space<vmem>>, vector<1x16xf32>,
      %get3A_983 = vector.shape_cast %get3A_982 : vector<1x16xf32> to vector<16xf32>
      %add3A_984 = arith.addf %add3A_978, %get3A_983 : vector<16xf32>
      %get3A_985 = arith.constant 18 : i32
      %get3A_986 = arith.index_cast %get3A_985 : i32 to index
      %get3A_987 = arith.index_cast %multiple_of3A : i32 to index
      %get3A_988 = tpu.vector_load %arg8[%get3A_986, %get3A_987] {strides = array<i32>} : memref<32x320xf32, #tpu.memory_space<vmem>>, vector<1x16xf32>,
      %get3A_989 = vector.shape_cast %get3A_988 : vector<1x16xf32> to vector<16xf32>
      %add3A_990 = arith.addf %add3A_984, %get3A_989 : vector<16xf32>
      %get3A_991 = arith.constant 19 : i32
      %get3A_992 = arith.index_cast %get3A_991 : i32 to index
      %get3A_993 = arith.index_cast %multiple_of3A : i32 to index
      %get3A_994 = tpu.vector_load %arg8[%get3A_992, %get3A_993] {strides = array<i32>} : memref<32x320xf32, #tpu.memory_space<vmem>>, vector<1x16xf32>,
      %get3A_995 = vector.shape_cast %get3A_994 : vector<1x16xf32> to vector<16xf32>
      %add3A_996 = arith.addf %add3A_990, %get3A_995 : vector<16xf32>
      %get3A_997 = arith.constant 20 : i32
      %get3A_998 = arith.index_cast %get3A_997 : i32 to index
      %get3A_999 = arith.index_cast %multiple_of3A : i32 to index
      %get3A_1000 = tpu.vector_load %arg8[%get3A_998, %get3A_999] {strides = array<i32>} : memref<32x320xf32, #tpu.memory_space<vmem>>, vector<1x16xf32>,
      %get3A_1001 = vector.shape_cast %get3A_1000 : vector<1x16xf32> to vector<16xf32>
      %add3A_1002 = arith.addf %add3A_996, %get3A_1001 : vector<16xf32>
      %get3A_1003 = arith.constant 21 : i32
      %get3A_1004 = arith.index_cast %get3A_1003 : i32 to index
      %get3A_1005 = arith.index_cast %multiple_of3A : i32 to index
      %get3A_1006 = tpu.vector_load %arg8[%get3A_1004, %get3A_1005] {strides = array<i32>} : memref<32x320xf32, #tpu.memory_space<vmem>>, vector<1x16xf32>,
      %get3A_1007 = vector.shape_cast %get3A_1006 : vector<1x16xf32> to vector<16xf32>
      %add3A_1008 = arith.addf %add3A_1002, %get3A_1007 : vector<16xf32>
      %get3A_1009 = arith.constant 22 : i32
      %get3A_1010 = arith.index_cast %get3A_1009 : i32 to index
      %get3A_1011 = arith.index_cast %multiple_of3A : i32 to index
      %get3A_1012 = tpu.vector_load %arg8[%get3A_1010, %get3A_1011] {strides = array<i32>} : memref<32x320xf32, #tpu.memory_space<vmem>>, vector<1x16xf32>,
      %get3A_1013 = vector.shape_cast %get3A_1012 : vector<1x16xf32> to vector<16xf32>
      %add3A_1014 = arith.addf %add3A_1008, %get3A_1013 : vector<16xf32>
      %get3A_1015 = arith.constant 23 : i32
      %get3A_1016 = arith.index_cast %get3A_1015 : i32 to index
      %get3A_1017 = arith.index_cast %multiple_of3A : i32 to index
      %get3A_1018 = tpu.vector_load %arg8[%get3A_1016, %get3A_1017] {strides = array<i32>} : memref<32x320xf32, #tpu.memory_space<vmem>>, vector<1x16xf32>,
      %get3A_1019 = vector.shape_cast %get3A_1018 : vector<1x16xf32> to vector<16xf32>
      %add3A_1020 = arith.addf %add3A_1014, %get3A_1019 : vector<16xf32>
      %get3A_1021 = arith.constant 24 : i32
      %get3A_1022 = arith.index_cast %get3A_1021 : i32 to index
      %get3A_1023 = arith.index_cast %multiple_of3A : i32 to index
      %get3A_1024 = tpu.vector_load %arg8[%get3A_1022, %get3A_1023] {strides = array<i32>} : memref<32x320xf32, #tpu.memory_space<vmem>>, vector<1x16xf32>,
      %get3A_1025 = vector.shape_cast %get3A_1024 : vector<1x16xf32> to vector<16xf32>
      %add3A_1026 = arith.addf %add3A_1020, %get3A_1025 : vector<16xf32>
      %get3A_1027 = arith.constant 25 : i32
      %get3A_1028 = arith.index_cast %get3A_1027 : i32 to index
      %get3A_1029 = arith.index_cast %multiple_of3A : i32 to index
      %get3A_1030 = tpu.vector_load %arg8[%get3A_1028, %get3A_1029] {strides = array<i32>} : memref<32x320xf32, #tpu.memory_space<vmem>>, vector<1x16xf32>,
      %get3A_1031 = vector.shape_cast %get3A_1030 : vector<1x16xf32> to vector<16xf32>
      %add3A_1032 = arith.addf %add3A_1026, %get3A_1031 : vector<16xf32>
      %get3A_1033 = arith.constant 26 : i32
      %get3A_1034 = arith.index_cast %get3A_1033 : i32 to index
      %get3A_1035 = arith.index_cast %multiple_of3A : i32 to index
      %get3A_1036 = tpu.vector_load %arg8[%get3A_1034, %get3A_1035] {strides = array<i32>} : memref<32x320xf32, #tpu.memory_space<vmem>>, vector<1x16xf32>,
      %get3A_1037 = vector.shape_cast %get3A_1036 : vector<1x16xf32> to vector<16xf32>
      %add3A_1038 = arith.addf %add3A_1032, %get3A_1037 : vector<16xf32>
      %get3A_1039 = arith.constant 27 : i32
      %get3A_1040 = arith.index_cast %get3A_1039 : i32 to index
      %get3A_1041 = arith.index_cast %multiple_of3A : i32 to index
      %get3A_1042 = tpu.vector_load %arg8[%get3A_1040, %get3A_1041] {strides = array<i32>} : memref<32x320xf32, #tpu.memory_space<vmem>>, vector<1x16xf32>,
      %get3A_1043 = vector.shape_cast %get3A_1042 : vector<1x16xf32> to vector<16xf32>
      %add3A_1044 = arith.addf %add3A_1038, %get3A_1043 : vector<16xf32>
      %get3A_1045 = arith.constant 28 : i32
      %get3A_1046 = arith.index_cast %get3A_1045 : i32 to index
      %get3A_1047 = arith.index_cast %multiple_of3A : i32 to index
      %get3A_1048 = tpu.vector_load %arg8[%get3A_1046, %get3A_1047] {strides = array<i32>} : memref<32x320xf32, #tpu.memory_space<vmem>>, vector<1x16xf32>,
      %get3A_1049 = vector.shape_cast %get3A_1048 : vector<1x16xf32> to vector<16xf32>
      %add3A_1050 = arith.addf %add3A_1044, %get3A_1049 : vector<16xf32>
      %get3A_1051 = arith.constant 29 : i32
      %get3A_1052 = arith.index_cast %get3A_1051 : i32 to index
      %get3A_1053 = arith.index_cast %multiple_of3A : i32 to index
      %get3A_1054 = tpu.vector_load %arg8[%get3A_1052, %get3A_1053] {strides = array<i32>} : memref<32x320xf32, #tpu.memory_space<vmem>>, vector<1x16xf32>,
      %get3A_1055 = vector.shape_cast %get3A_1054 : vector<1x16xf32> to vector<16xf32>
      %add3A_1056 = arith.addf %add3A_1050, %get3A_1055 : vector<16xf32>
      %get3A_1057 = arith.constant 30 : i32
      %get3A_1058 = arith.index_cast %get3A_1057 : i32 to index
      %get3A_1059 = arith.index_cast %multiple_of3A : i32 to index
      %get3A_1060 = tpu.vector_load %arg8[%get3A_1058, %get3A_1059] {strides = array<i32>} : memref<32x320xf32, #tpu.memory_space<vmem>>, vector<1x16xf32>,
      %get3A_1061 = vector.shape_cast %get3A_1060 : vector<1x16xf32> to vector<16xf32>
      %add3A_1062 = arith.addf %add3A_1056, %get3A_1061 : vector<16xf32>
      %get3A_1063 = arith.constant 31 : i32
      %get3A_1064 = arith.index_cast %get3A_1063 : i32 to index
      %get3A_1065 = arith.index_cast %multiple_of3A : i32 to index
      %get3A_1066 = tpu.vector_load %arg8[%get3A_1064, %get3A_1065] {strides = array<i32>} : memref<32x320xf32, #tpu.memory_space<vmem>>, vector<1x16xf32>,
      %get3A_1067 = vector.shape_cast %get3A_1066 : vector<1x16xf32> to vector<16xf32>
      %add3A_1068 = arith.addf %add3A_1062, %get3A_1067 : vector<16xf32>
      %mul3A_1069 = arith.constant 16 : i32
      %mul3A_1070 = arith.muli %scan3A_874, %mul3A_1069 : i32
      %add3A_1071 = arith.constant 0 : i32
      %add3A_1072 = arith.addi %mul3A_1070, %add3A_1071 : i32
      %get3A_1073 = arith.index_cast %add3A_1072 : i32 to index
      %get3A_1074 = arith.constant 0 : index
      %get3A_1075 = tpu.vector_load %arg6[%get3A_1073, %get3A_1074] {strides = array<i32>} : memref<320x16xf32, #tpu.memory_space<vmem>>, vector<1x16xf32>,
      %get3A_1076 = vector.shape_cast %get3A_1075 : vector<1x16xf32> to vector<16xf32>
      %get3A_1077 = arith.index_cast %add3A_1072 : i32 to index
      %get3A_1078 = arith.constant 0 : index
      %get3A_1079 = tpu.vector_load %arg7[%get3A_1077, %get3A_1078] {strides = array<i32>} : memref<320x16xf32, #tpu.memory_space<vmem>>, vector<1x16xf32>,
      %get3A_1080 = vector.shape_cast %get3A_1079 : vector<1x16xf32> to vector<16xf32>
      %add3A_1081 = arith.addf %get3A_1076, %get3A_1080 : vector<16xf32>
      %add3A_1082 = arith.addf %add3A_1081, %get3A_862 : vector<16xf32>
      %max3A = arith.constant 0.000000e+00 : f32
      %max3A_1083 = vector.broadcast %max3A : f32 to vector<16xf32>
      %max3A_1084 = arith.maximumf %add3A_1082, %max3A_1083 : vector<16xf32>
      %slice3A = vector.extract_strided_slice %add3A_1068 {offsets = [0], sizes = [1], strides = [1]} : vector<16xf32> to vector<1xf32>
      %squeeze3A = vector.extract %slice3A[0] : f32 from vector<1xf32>
      %mul3A_1085 = vector.broadcast %squeeze3A : f32 to vector<16xf32>
      %mul3A_1086 = arith.mulf %max3A_1084, %mul3A_1085 : vector<16xf32>
      %add3A_1087 = arith.addf %scan3A_875, %mul3A_1086 : vector<16xf32>
      %mul3A_1088 = arith.constant 16 : i32
      %mul3A_1089 = arith.muli %scan3A_874, %mul3A_1088 : i32
      %add3A_1090 = arith.constant 1 : i32
      %add3A_1091 = arith.addi %mul3A_1089, %add3A_1090 : i32
      %get3A_1092 = arith.index_cast %add3A_1091 : i32 to index
      %get3A_1093 = arith.constant 0 : index
      %get3A_1094 = tpu.vector_load %arg6[%get3A_1092, %get3A_1093] {strides = array<i32>} : memref<320x16xf32, #tpu.memory_space<vmem>>, vector<1x16xf32>,
      %get3A_1095 = vector.shape_cast %get3A_1094 : vector<1x16xf32> to vector<16xf32>
      %get3A_1096 = arith.index_cast %add3A_1091 : i32 to index
      %get3A_1097 = arith.constant 0 : index
      %get3A_1098 = tpu.vector_load %arg7[%get3A_1096, %get3A_1097] {strides = array<i32>} : memref<320x16xf32, #tpu.memory_space<vmem>>, vector<1x16xf32>,
      %get3A_1099 = vector.shape_cast %get3A_1098 : vector<1x16xf32> to vector<16xf32>
      %add3A_1100 = arith.addf %get3A_1095, %get3A_1099 : vector<16xf32>
      %add3A_1101 = arith.addf %add3A_1100, %get3A_862 : vector<16xf32>
      %max3A_1102 = arith.constant 0.000000e+00 : f32
      %max3A_1103 = vector.broadcast %max3A_1102 : f32 to vector<16xf32>
      %max3A_1104 = arith.maximumf %add3A_1101, %max3A_1103 : vector<16xf32>
      %slice3A_1105 = vector.extract_strided_slice %add3A_1068 {offsets = [1], sizes = [1], strides = [1]} : vector<16xf32> to vector<1xf32>
      %squeeze3A_1106 = vector.extract %slice3A_1105[0] : f32 from vector<1xf32>
      %mul3A_1107 = vector.broadcast %squeeze3A_1106 : f32 to vector<16xf32>
      %mul3A_1108 = arith.mulf %max3A_1104, %mul3A_1107 : vector<16xf32>
      %add3A_1109 = arith.addf %add3A_1087, %mul3A_1108 : vector<16xf32>
      %mul3A_1110 = arith.constant 16 : i32
      %mul3A_1111 = arith.muli %scan3A_874, %mul3A_1110 : i32
      %add3A_1112 = arith.constant 2 : i32
      %add3A_1113 = arith.addi %mul3A_1111, %add3A_1112 : i32
      %get3A_1114 = arith.index_cast %add3A_1113 : i32 to index
      %get3A_1115 = arith.constant 0 : index
      %get3A_1116 = tpu.vector_load %arg6[%get3A_1114, %get3A_1115] {strides = array<i32>} : memref<320x16xf32, #tpu.memory_space<vmem>>, vector<1x16xf32>,
      %get3A_1117 = vector.shape_cast %get3A_1116 : vector<1x16xf32> to vector<16xf32>
      %get3A_1118 = arith.index_cast %add3A_1113 : i32 to index
      %get3A_1119 = arith.constant 0 : index
      %get3A_1120 = tpu.vector_load %arg7[%get3A_1118, %get3A_1119] {strides = array<i32>} : memref<320x16xf32, #tpu.memory_space<vmem>>, vector<1x16xf32>,
      %get3A_1121 = vector.shape_cast %get3A_1120 : vector<1x16xf32> to vector<16xf32>
      %add3A_1122 = arith.addf %get3A_1117, %get3A_1121 : vector<16xf32>
      %add3A_1123 = arith.addf %add3A_1122, %get3A_862 : vector<16xf32>
      %max3A_1124 = arith.constant 0.000000e+00 : f32
      %max3A_1125 = vector.broadcast %max3A_1124 : f32 to vector<16xf32>
      %max3A_1126 = arith.maximumf %add3A_1123, %max3A_1125 : vector<16xf32>
      %slice3A_1127 = vector.extract_strided_slice %add3A_1068 {offsets = [2], sizes = [1], strides = [1]} : vector<16xf32> to vector<1xf32>
      %squeeze3A_1128 = vector.extract %slice3A_1127[0] : f32 from vector<1xf32>
      %mul3A_1129 = vector.broadcast %squeeze3A_1128 : f32 to vector<16xf32>
      %mul3A_1130 = arith.mulf %max3A_1126, %mul3A_1129 : vector<16xf32>
      %add3A_1131 = arith.addf %add3A_1109, %mul3A_1130 : vector<16xf32>
      %mul3A_1132 = arith.constant 16 : i32
      %mul3A_1133 = arith.muli %scan3A_874, %mul3A_1132 : i32
      %add3A_1134 = arith.constant 3 : i32
      %add3A_1135 = arith.addi %mul3A_1133, %add3A_1134 : i32
      %get3A_1136 = arith.index_cast %add3A_1135 : i32 to index
      %get3A_1137 = arith.constant 0 : index
      %get3A_1138 = tpu.vector_load %arg6[%get3A_1136, %get3A_1137] {strides = array<i32>} : memref<320x16xf32, #tpu.memory_space<vmem>>, vector<1x16xf32>,
      %get3A_1139 = vector.shape_cast %get3A_1138 : vector<1x16xf32> to vector<16xf32>
      %get3A_1140 = arith.index_cast %add3A_1135 : i32 to index
      %get3A_1141 = arith.constant 0 : index
      %get3A_1142 = tpu.vector_load %arg7[%get3A_1140, %get3A_1141] {strides = array<i32>} : memref<320x16xf32, #tpu.memory_space<vmem>>, vector<1x16xf32>,
      %get3A_1143 = vector.shape_cast %get3A_1142 : vector<1x16xf32> to vector<16xf32>
      %add3A_1144 = arith.addf %get3A_1139, %get3A_1143 : vector<16xf32>
      %add3A_1145 = arith.addf %add3A_1144, %get3A_862 : vector<16xf32>
      %max3A_1146 = arith.constant 0.000000e+00 : f32
      %max3A_1147 = vector.broadcast %max3A_1146 : f32 to vector<16xf32>
      %max3A_1148 = arith.maximumf %add3A_1145, %max3A_1147 : vector<16xf32>
      %slice3A_1149 = vector.extract_strided_slice %add3A_1068 {offsets = [3], sizes = [1], strides = [1]} : vector<16xf32> to vector<1xf32>
      %squeeze3A_1150 = vector.extract %slice3A_1149[0] : f32 from vector<1xf32>
      %mul3A_1151 = vector.broadcast %squeeze3A_1150 : f32 to vector<16xf32>
      %mul3A_1152 = arith.mulf %max3A_1148, %mul3A_1151 : vector<16xf32>
      %add3A_1153 = arith.addf %add3A_1131, %mul3A_1152 : vector<16xf32>
      %mul3A_1154 = arith.constant 16 : i32
      %mul3A_1155 = arith.muli %scan3A_874, %mul3A_1154 : i32
      %add3A_1156 = arith.constant 4 : i32
      %add3A_1157 = arith.addi %mul3A_1155, %add3A_1156 : i32
      %get3A_1158 = arith.index_cast %add3A_1157 : i32 to index
      %get3A_1159 = arith.constant 0 : index
      %get3A_1160 = tpu.vector_load %arg6[%get3A_1158, %get3A_1159] {strides = array<i32>} : memref<320x16xf32, #tpu.memory_space<vmem>>, vector<1x16xf32>,
      %get3A_1161 = vector.shape_cast %get3A_1160 : vector<1x16xf32> to vector<16xf32>
      %get3A_1162 = arith.index_cast %add3A_1157 : i32 to index
      %get3A_1163 = arith.constant 0 : index
      %get3A_1164 = tpu.vector_load %arg7[%get3A_1162, %get3A_1163] {strides = array<i32>} : memref<320x16xf32, #tpu.memory_space<vmem>>, vector<1x16xf32>,
      %get3A_1165 = vector.shape_cast %get3A_1164 : vector<1x16xf32> to vector<16xf32>
      %add3A_1166 = arith.addf %get3A_1161, %get3A_1165 : vector<16xf32>
      %add3A_1167 = arith.addf %add3A_1166, %get3A_862 : vector<16xf32>
      %max3A_1168 = arith.constant 0.000000e+00 : f32
      %max3A_1169 = vector.broadcast %max3A_1168 : f32 to vector<16xf32>
      %max3A_1170 = arith.maximumf %add3A_1167, %max3A_1169 : vector<16xf32>
      %slice3A_1171 = vector.extract_strided_slice %add3A_1068 {offsets = [4], sizes = [1], strides = [1]} : vector<16xf32> to vector<1xf32>
      %squeeze3A_1172 = vector.extract %slice3A_1171[0] : f32 from vector<1xf32>
      %mul3A_1173 = vector.broadcast %squeeze3A_1172 : f32 to vector<16xf32>
      %mul3A_1174 = arith.mulf %max3A_1170, %mul3A_1173 : vector<16xf32>
      %add3A_1175 = arith.addf %add3A_1153, %mul3A_1174 : vector<16xf32>
      %mul3A_1176 = arith.constant 16 : i32
      %mul3A_1177 = arith.muli %scan3A_874, %mul3A_1176 : i32
      %add3A_1178 = arith.constant 5 : i32
      %add3A_1179 = arith.addi %mul3A_1177, %add3A_1178 : i32
      %get3A_1180 = arith.index_cast %add3A_1179 : i32 to index
      %get3A_1181 = arith.constant 0 : index
      %get3A_1182 = tpu.vector_load %arg6[%get3A_1180, %get3A_1181] {strides = array<i32>} : memref<320x16xf32, #tpu.memory_space<vmem>>, vector<1x16xf32>,
      %get3A_1183 = vector.shape_cast %get3A_1182 : vector<1x16xf32> to vector<16xf32>
      %get3A_1184 = arith.index_cast %add3A_1179 : i32 to index
      %get3A_1185 = arith.constant 0 : index
      %get3A_1186 = tpu.vector_load %arg7[%get3A_1184, %get3A_1185] {strides = array<i32>} : memref<320x16xf32, #tpu.memory_space<vmem>>, vector<1x16xf32>,
      %get3A_1187 = vector.shape_cast %get3A_1186 : vector<1x16xf32> to vector<16xf32>
      %add3A_1188 = arith.addf %get3A_1183, %get3A_1187 : vector<16xf32>
      %add3A_1189 = arith.addf %add3A_1188, %get3A_862 : vector<16xf32>
      %max3A_1190 = arith.constant 0.000000e+00 : f32
      %max3A_1191 = vector.broadcast %max3A_1190 : f32 to vector<16xf32>
      %max3A_1192 = arith.maximumf %add3A_1189, %max3A_1191 : vector<16xf32>
      %slice3A_1193 = vector.extract_strided_slice %add3A_1068 {offsets = [5], sizes = [1], strides = [1]} : vector<16xf32> to vector<1xf32>
      %squeeze3A_1194 = vector.extract %slice3A_1193[0] : f32 from vector<1xf32>
      %mul3A_1195 = vector.broadcast %squeeze3A_1194 : f32 to vector<16xf32>
      %mul3A_1196 = arith.mulf %max3A_1192, %mul3A_1195 : vector<16xf32>
      %add3A_1197 = arith.addf %add3A_1175, %mul3A_1196 : vector<16xf32>
      %mul3A_1198 = arith.constant 16 : i32
      %mul3A_1199 = arith.muli %scan3A_874, %mul3A_1198 : i32
      %add3A_1200 = arith.constant 6 : i32
      %add3A_1201 = arith.addi %mul3A_1199, %add3A_1200 : i32
      %get3A_1202 = arith.index_cast %add3A_1201 : i32 to index
      %get3A_1203 = arith.constant 0 : index
      %get3A_1204 = tpu.vector_load %arg6[%get3A_1202, %get3A_1203] {strides = array<i32>} : memref<320x16xf32, #tpu.memory_space<vmem>>, vector<1x16xf32>,
      %get3A_1205 = vector.shape_cast %get3A_1204 : vector<1x16xf32> to vector<16xf32>
      %get3A_1206 = arith.index_cast %add3A_1201 : i32 to index
      %get3A_1207 = arith.constant 0 : index
      %get3A_1208 = tpu.vector_load %arg7[%get3A_1206, %get3A_1207] {strides = array<i32>} : memref<320x16xf32, #tpu.memory_space<vmem>>, vector<1x16xf32>,
      %get3A_1209 = vector.shape_cast %get3A_1208 : vector<1x16xf32> to vector<16xf32>
      %add3A_1210 = arith.addf %get3A_1205, %get3A_1209 : vector<16xf32>
      %add3A_1211 = arith.addf %add3A_1210, %get3A_862 : vector<16xf32>
      %max3A_1212 = arith.constant 0.000000e+00 : f32
      %max3A_1213 = vector.broadcast %max3A_1212 : f32 to vector<16xf32>
      %max3A_1214 = arith.maximumf %add3A_1211, %max3A_1213 : vector<16xf32>
      %slice3A_1215 = vector.extract_strided_slice %add3A_1068 {offsets = [6], sizes = [1], strides = [1]} : vector<16xf32> to vector<1xf32>
      %squeeze3A_1216 = vector.extract %slice3A_1215[0] : f32 from vector<1xf32>
      %mul3A_1217 = vector.broadcast %squeeze3A_1216 : f32 to vector<16xf32>
      %mul3A_1218 = arith.mulf %max3A_1214, %mul3A_1217 : vector<16xf32>
      %add3A_1219 = arith.addf %add3A_1197, %mul3A_1218 : vector<16xf32>
      %mul3A_1220 = arith.constant 16 : i32
      %mul3A_1221 = arith.muli %scan3A_874, %mul3A_1220 : i32
      %add3A_1222 = arith.constant 7 : i32
      %add3A_1223 = arith.addi %mul3A_1221, %add3A_1222 : i32
      %get3A_1224 = arith.index_cast %add3A_1223 : i32 to index
      %get3A_1225 = arith.constant 0 : index
      %get3A_1226 = tpu.vector_load %arg6[%get3A_1224, %get3A_1225] {strides = array<i32>} : memref<320x16xf32, #tpu.memory_space<vmem>>, vector<1x16xf32>,
      %get3A_1227 = vector.shape_cast %get3A_1226 : vector<1x16xf32> to vector<16xf32>
      %get3A_1228 = arith.index_cast %add3A_1223 : i32 to index
      %get3A_1229 = arith.constant 0 : index
      %get3A_1230 = tpu.vector_load %arg7[%get3A_1228, %get3A_1229] {strides = array<i32>} : memref<320x16xf32, #tpu.memory_space<vmem>>, vector<1x16xf32>,
      %get3A_1231 = vector.shape_cast %get3A_1230 : vector<1x16xf32> to vector<16xf32>
      %add3A_1232 = arith.addf %get3A_1227, %get3A_1231 : vector<16xf32>
      %add3A_1233 = arith.addf %add3A_1232, %get3A_862 : vector<16xf32>
      %max3A_1234 = arith.constant 0.000000e+00 : f32
      %max3A_1235 = vector.broadcast %max3A_1234 : f32 to vector<16xf32>
      %max3A_1236 = arith.maximumf %add3A_1233, %max3A_1235 : vector<16xf32>
      %slice3A_1237 = vector.extract_strided_slice %add3A_1068 {offsets = [7], sizes = [1], strides = [1]} : vector<16xf32> to vector<1xf32>
      %squeeze3A_1238 = vector.extract %slice3A_1237[0] : f32 from vector<1xf32>
      %mul3A_1239 = vector.broadcast %squeeze3A_1238 : f32 to vector<16xf32>
      %mul3A_1240 = arith.mulf %max3A_1236, %mul3A_1239 : vector<16xf32>
      %add3A_1241 = arith.addf %add3A_1219, %mul3A_1240 : vector<16xf32>
      %mul3A_1242 = arith.constant 16 : i32
      %mul3A_1243 = arith.muli %scan3A_874, %mul3A_1242 : i32
      %add3A_1244 = arith.constant 8 : i32
      %add3A_1245 = arith.addi %mul3A_1243, %add3A_1244 : i32
      %get3A_1246 = arith.index_cast %add3A_1245 : i32 to index
      %get3A_1247 = arith.constant 0 : index
      %get3A_1248 = tpu.vector_load %arg6[%get3A_1246, %get3A_1247] {strides = array<i32>} : memref<320x16xf32, #tpu.memory_space<vmem>>, vector<1x16xf32>,
      %get3A_1249 = vector.shape_cast %get3A_1248 : vector<1x16xf32> to vector<16xf32>
      %get3A_1250 = arith.index_cast %add3A_1245 : i32 to index
      %get3A_1251 = arith.constant 0 : index
      %get3A_1252 = tpu.vector_load %arg7[%get3A_1250, %get3A_1251] {strides = array<i32>} : memref<320x16xf32, #tpu.memory_space<vmem>>, vector<1x16xf32>,
      %get3A_1253 = vector.shape_cast %get3A_1252 : vector<1x16xf32> to vector<16xf32>
      %add3A_1254 = arith.addf %get3A_1249, %get3A_1253 : vector<16xf32>
      %add3A_1255 = arith.addf %add3A_1254, %get3A_862 : vector<16xf32>
      %max3A_1256 = arith.constant 0.000000e+00 : f32
      %max3A_1257 = vector.broadcast %max3A_1256 : f32 to vector<16xf32>
      %max3A_1258 = arith.maximumf %add3A_1255, %max3A_1257 : vector<16xf32>
      %slice3A_1259 = vector.extract_strided_slice %add3A_1068 {offsets = [8], sizes = [1], strides = [1]} : vector<16xf32> to vector<1xf32>
      %squeeze3A_1260 = vector.extract %slice3A_1259[0] : f32 from vector<1xf32>
      %mul3A_1261 = vector.broadcast %squeeze3A_1260 : f32 to vector<16xf32>
      %mul3A_1262 = arith.mulf %max3A_1258, %mul3A_1261 : vector<16xf32>
      %add3A_1263 = arith.addf %add3A_1241, %mul3A_1262 : vector<16xf32>
      %mul3A_1264 = arith.constant 16 : i32
      %mul3A_1265 = arith.muli %scan3A_874, %mul3A_1264 : i32
      %add3A_1266 = arith.constant 9 : i32
      %add3A_1267 = arith.addi %mul3A_1265, %add3A_1266 : i32
      %get3A_1268 = arith.index_cast %add3A_1267 : i32 to index
      %get3A_1269 = arith.constant 0 : index
      %get3A_1270 = tpu.vector_load %arg6[%get3A_1268, %get3A_1269] {strides = array<i32>} : memref<320x16xf32, #tpu.memory_space<vmem>>, vector<1x16xf32>,
      %get3A_1271 = vector.shape_cast %get3A_1270 : vector<1x16xf32> to vector<16xf32>
      %get3A_1272 = arith.index_cast %add3A_1267 : i32 to index
      %get3A_1273 = arith.constant 0 : index
      %get3A_1274 = tpu.vector_load %arg7[%get3A_1272, %get3A_1273] {strides = array<i32>} : memref<320x16xf32, #tpu.memory_space<vmem>>, vector<1x16xf32>,
      %get3A_1275 = vector.shape_cast %get3A_1274 : vector<1x16xf32> to vector<16xf32>
      %add3A_1276 = arith.addf %get3A_1271, %get3A_1275 : vector<16xf32>
      %add3A_1277 = arith.addf %add3A_1276, %get3A_862 : vector<16xf32>
      %max3A_1278 = arith.constant 0.000000e+00 : f32
      %max3A_1279 = vector.broadcast %max3A_1278 : f32 to vector<16xf32>
      %max3A_1280 = arith.maximumf %add3A_1277, %max3A_1279 : vector<16xf32>
      %slice3A_1281 = vector.extract_strided_slice %add3A_1068 {offsets = [9], sizes = [1], strides = [1]} : vector<16xf32> to vector<1xf32>
      %squeeze3A_1282 = vector.extract %slice3A_1281[0] : f32 from vector<1xf32>
      %mul3A_1283 = vector.broadcast %squeeze3A_1282 : f32 to vector<16xf32>
      %mul3A_1284 = arith.mulf %max3A_1280, %mul3A_1283 : vector<16xf32>
      %add3A_1285 = arith.addf %add3A_1263, %mul3A_1284 : vector<16xf32>
      %mul3A_1286 = arith.constant 16 : i32
      %mul3A_1287 = arith.muli %scan3A_874, %mul3A_1286 : i32
      %add3A_1288 = arith.constant 10 : i32
      %add3A_1289 = arith.addi %mul3A_1287, %add3A_1288 : i32
      %get3A_1290 = arith.index_cast %add3A_1289 : i32 to index
      %get3A_1291 = arith.constant 0 : index
      %get3A_1292 = tpu.vector_load %arg6[%get3A_1290, %get3A_1291] {strides = array<i32>} : memref<320x16xf32, #tpu.memory_space<vmem>>, vector<1x16xf32>,
      %get3A_1293 = vector.shape_cast %get3A_1292 : vector<1x16xf32> to vector<16xf32>
      %get3A_1294 = arith.index_cast %add3A_1289 : i32 to index
      %get3A_1295 = arith.constant 0 : index
      %get3A_1296 = tpu.vector_load %arg7[%get3A_1294, %get3A_1295] {strides = array<i32>} : memref<320x16xf32, #tpu.memory_space<vmem>>, vector<1x16xf32>,
      %get3A_1297 = vector.shape_cast %get3A_1296 : vector<1x16xf32> to vector<16xf32>
      %add3A_1298 = arith.addf %get3A_1293, %get3A_1297 : vector<16xf32>
      %add3A_1299 = arith.addf %add3A_1298, %get3A_862 : vector<16xf32>
      %max3A_1300 = arith.constant 0.000000e+00 : f32
      %max3A_1301 = vector.broadcast %max3A_1300 : f32 to vector<16xf32>
      %max3A_1302 = arith.maximumf %add3A_1299, %max3A_1301 : vector<16xf32>
      %slice3A_1303 = vector.extract_strided_slice %add3A_1068 {offsets = [10], sizes = [1], strides = [1]} : vector<16xf32> to vector<1xf32>
      %squeeze3A_1304 = vector.extract %slice3A_1303[0] : f32 from vector<1xf32>
      %mul3A_1305 = vector.broadcast %squeeze3A_1304 : f32 to vector<16xf32>
      %mul3A_1306 = arith.mulf %max3A_1302, %mul3A_1305 : vector<16xf32>
      %add3A_1307 = arith.addf %add3A_1285, %mul3A_1306 : vector<16xf32>
      %mul3A_1308 = arith.constant 16 : i32
      %mul3A_1309 = arith.muli %scan3A_874, %mul3A_1308 : i32
      %add3A_1310 = arith.constant 11 : i32
      %add3A_1311 = arith.addi %mul3A_1309, %add3A_1310 : i32
      %get3A_1312 = arith.index_cast %add3A_1311 : i32 to index
      %get3A_1313 = arith.constant 0 : index
      %get3A_1314 = tpu.vector_load %arg6[%get3A_1312, %get3A_1313] {strides = array<i32>} : memref<320x16xf32, #tpu.memory_space<vmem>>, vector<1x16xf32>,
      %get3A_1315 = vector.shape_cast %get3A_1314 : vector<1x16xf32> to vector<16xf32>
      %get3A_1316 = arith.index_cast %add3A_1311 : i32 to index
      %get3A_1317 = arith.constant 0 : index
      %get3A_1318 = tpu.vector_load %arg7[%get3A_1316, %get3A_1317] {strides = array<i32>} : memref<320x16xf32, #tpu.memory_space<vmem>>, vector<1x16xf32>,
      %get3A_1319 = vector.shape_cast %get3A_1318 : vector<1x16xf32> to vector<16xf32>
      %add3A_1320 = arith.addf %get3A_1315, %get3A_1319 : vector<16xf32>
      %add3A_1321 = arith.addf %add3A_1320, %get3A_862 : vector<16xf32>
      %max3A_1322 = arith.constant 0.000000e+00 : f32
      %max3A_1323 = vector.broadcast %max3A_1322 : f32 to vector<16xf32>
      %max3A_1324 = arith.maximumf %add3A_1321, %max3A_1323 : vector<16xf32>
      %slice3A_1325 = vector.extract_strided_slice %add3A_1068 {offsets = [11], sizes = [1], strides = [1]} : vector<16xf32> to vector<1xf32>
      %squeeze3A_1326 = vector.extract %slice3A_1325[0] : f32 from vector<1xf32>
      %mul3A_1327 = vector.broadcast %squeeze3A_1326 : f32 to vector<16xf32>
      %mul3A_1328 = arith.mulf %max3A_1324, %mul3A_1327 : vector<16xf32>
      %add3A_1329 = arith.addf %add3A_1307, %mul3A_1328 : vector<16xf32>
      %mul3A_1330 = arith.constant 16 : i32
      %mul3A_1331 = arith.muli %scan3A_874, %mul3A_1330 : i32
      %add3A_1332 = arith.constant 12 : i32
      %add3A_1333 = arith.addi %mul3A_1331, %add3A_1332 : i32
      %get3A_1334 = arith.index_cast %add3A_1333 : i32 to index
      %get3A_1335 = arith.constant 0 : index
      %get3A_1336 = tpu.vector_load %arg6[%get3A_1334, %get3A_1335] {strides = array<i32>} : memref<320x16xf32, #tpu.memory_space<vmem>>, vector<1x16xf32>,
      %get3A_1337 = vector.shape_cast %get3A_1336 : vector<1x16xf32> to vector<16xf32>
      %get3A_1338 = arith.index_cast %add3A_1333 : i32 to index
      %get3A_1339 = arith.constant 0 : index
      %get3A_1340 = tpu.vector_load %arg7[%get3A_1338, %get3A_1339] {strides = array<i32>} : memref<320x16xf32, #tpu.memory_space<vmem>>, vector<1x16xf32>,
      %get3A_1341 = vector.shape_cast %get3A_1340 : vector<1x16xf32> to vector<16xf32>
      %add3A_1342 = arith.addf %get3A_1337, %get3A_1341 : vector<16xf32>
      %add3A_1343 = arith.addf %add3A_1342, %get3A_862 : vector<16xf32>
      %max3A_1344 = arith.constant 0.000000e+00 : f32
      %max3A_1345 = vector.broadcast %max3A_1344 : f32 to vector<16xf32>
      %max3A_1346 = arith.maximumf %add3A_1343, %max3A_1345 : vector<16xf32>
      %slice3A_1347 = vector.extract_strided_slice %add3A_1068 {offsets = [12], sizes = [1], strides = [1]} : vector<16xf32> to vector<1xf32>
      %squeeze3A_1348 = vector.extract %slice3A_1347[0] : f32 from vector<1xf32>
      %mul3A_1349 = vector.broadcast %squeeze3A_1348 : f32 to vector<16xf32>
      %mul3A_1350 = arith.mulf %max3A_1346, %mul3A_1349 : vector<16xf32>
      %add3A_1351 = arith.addf %add3A_1329, %mul3A_1350 : vector<16xf32>
      %mul3A_1352 = arith.constant 16 : i32
      %mul3A_1353 = arith.muli %scan3A_874, %mul3A_1352 : i32
      %add3A_1354 = arith.constant 13 : i32
      %add3A_1355 = arith.addi %mul3A_1353, %add3A_1354 : i32
      %get3A_1356 = arith.index_cast %add3A_1355 : i32 to index
      %get3A_1357 = arith.constant 0 : index
      %get3A_1358 = tpu.vector_load %arg6[%get3A_1356, %get3A_1357] {strides = array<i32>} : memref<320x16xf32, #tpu.memory_space<vmem>>, vector<1x16xf32>,
      %get3A_1359 = vector.shape_cast %get3A_1358 : vector<1x16xf32> to vector<16xf32>
      %get3A_1360 = arith.index_cast %add3A_1355 : i32 to index
      %get3A_1361 = arith.constant 0 : index
      %get3A_1362 = tpu.vector_load %arg7[%get3A_1360, %get3A_1361] {strides = array<i32>} : memref<320x16xf32, #tpu.memory_space<vmem>>, vector<1x16xf32>,
      %get3A_1363 = vector.shape_cast %get3A_1362 : vector<1x16xf32> to vector<16xf32>
      %add3A_1364 = arith.addf %get3A_1359, %get3A_1363 : vector<16xf32>
      %add3A_1365 = arith.addf %add3A_1364, %get3A_862 : vector<16xf32>
      %max3A_1366 = arith.constant 0.000000e+00 : f32
      %max3A_1367 = vector.broadcast %max3A_1366 : f32 to vector<16xf32>
      %max3A_1368 = arith.maximumf %add3A_1365, %max3A_1367 : vector<16xf32>
      %slice3A_1369 = vector.extract_strided_slice %add3A_1068 {offsets = [13], sizes = [1], strides = [1]} : vector<16xf32> to vector<1xf32>
      %squeeze3A_1370 = vector.extract %slice3A_1369[0] : f32 from vector<1xf32>
      %mul3A_1371 = vector.broadcast %squeeze3A_1370 : f32 to vector<16xf32>
      %mul3A_1372 = arith.mulf %max3A_1368, %mul3A_1371 : vector<16xf32>
      %add3A_1373 = arith.addf %add3A_1351, %mul3A_1372 : vector<16xf32>
      %mul3A_1374 = arith.constant 16 : i32
      %mul3A_1375 = arith.muli %scan3A_874, %mul3A_1374 : i32
      %add3A_1376 = arith.constant 14 : i32
      %add3A_1377 = arith.addi %mul3A_1375, %add3A_1376 : i32
      %get3A_1378 = arith.index_cast %add3A_1377 : i32 to index
      %get3A_1379 = arith.constant 0 : index
      %get3A_1380 = tpu.vector_load %arg6[%get3A_1378, %get3A_1379] {strides = array<i32>} : memref<320x16xf32, #tpu.memory_space<vmem>>, vector<1x16xf32>,
      %get3A_1381 = vector.shape_cast %get3A_1380 : vector<1x16xf32> to vector<16xf32>
      %get3A_1382 = arith.index_cast %add3A_1377 : i32 to index
      %get3A_1383 = arith.constant 0 : index
      %get3A_1384 = tpu.vector_load %arg7[%get3A_1382, %get3A_1383] {strides = array<i32>} : memref<320x16xf32, #tpu.memory_space<vmem>>, vector<1x16xf32>,
      %get3A_1385 = vector.shape_cast %get3A_1384 : vector<1x16xf32> to vector<16xf32>
      %add3A_1386 = arith.addf %get3A_1381, %get3A_1385 : vector<16xf32>
      %add3A_1387 = arith.addf %add3A_1386, %get3A_862 : vector<16xf32>
      %max3A_1388 = arith.constant 0.000000e+00 : f32
      %max3A_1389 = vector.broadcast %max3A_1388 : f32 to vector<16xf32>
      %max3A_1390 = arith.maximumf %add3A_1387, %max3A_1389 : vector<16xf32>
      %slice3A_1391 = vector.extract_strided_slice %add3A_1068 {offsets = [14], sizes = [1], strides = [1]} : vector<16xf32> to vector<1xf32>
      %squeeze3A_1392 = vector.extract %slice3A_1391[0] : f32 from vector<1xf32>
      %mul3A_1393 = vector.broadcast %squeeze3A_1392 : f32 to vector<16xf32>
      %mul3A_1394 = arith.mulf %max3A_1390, %mul3A_1393 : vector<16xf32>
      %add3A_1395 = arith.addf %add3A_1373, %mul3A_1394 : vector<16xf32>
      %mul3A_1396 = arith.constant 16 : i32
      %mul3A_1397 = arith.muli %scan3A_874, %mul3A_1396 : i32
      %add3A_1398 = arith.constant 15 : i32
      %add3A_1399 = arith.addi %mul3A_1397, %add3A_1398 : i32
      %get3A_1400 = arith.index_cast %add3A_1399 : i32 to index
      %get3A_1401 = arith.constant 0 : index
      %get3A_1402 = tpu.vector_load %arg6[%get3A_1400, %get3A_1401] {strides = array<i32>} : memref<320x16xf32, #tpu.memory_space<vmem>>, vector<1x16xf32>,
      %get3A_1403 = vector.shape_cast %get3A_1402 : vector<1x16xf32> to vector<16xf32>
      %get3A_1404 = arith.index_cast %add3A_1399 : i32 to index
      %get3A_1405 = arith.constant 0 : index
      %get3A_1406 = tpu.vector_load %arg7[%get3A_1404, %get3A_1405] {strides = array<i32>} : memref<320x16xf32, #tpu.memory_space<vmem>>, vector<1x16xf32>,
      %get3A_1407 = vector.shape_cast %get3A_1406 : vector<1x16xf32> to vector<16xf32>
      %add3A_1408 = arith.addf %get3A_1403, %get3A_1407 : vector<16xf32>
      %add3A_1409 = arith.addf %add3A_1408, %get3A_862 : vector<16xf32>
      %max3A_1410 = arith.constant 0.000000e+00 : f32
      %max3A_1411 = vector.broadcast %max3A_1410 : f32 to vector<16xf32>
      %max3A_1412 = arith.maximumf %add3A_1409, %max3A_1411 : vector<16xf32>
      %slice3A_1413 = vector.extract_strided_slice %add3A_1068 {offsets = [15], sizes = [1], strides = [1]} : vector<16xf32> to vector<1xf32>
      %squeeze3A_1414 = vector.extract %slice3A_1413[0] : f32 from vector<1xf32>
      %mul3A_1415 = vector.broadcast %squeeze3A_1414 : f32 to vector<16xf32>
      %mul3A_1416 = arith.mulf %max3A_1412, %mul3A_1415 : vector<16xf32>
      %add3A_1417 = arith.addf %add3A_1395, %mul3A_1416 : vector<16xf32>
      scf.yield %add3A_1417 : vector<16xf32>
    }
    %scan3A_868 = arith.constant 20 : i32
    %swap3A = arith.constant 0 : index
    %swap3A_869 = tpu.vector_load %arg10[%swap3A] {strides = array<i32>} : memref<16xf32, #tpu.memory_space<vmem>>, vector<16xf32>,
    %swap3A_870 = vector.shape_cast %swap3A_869 : vector<16xf32> to vector<16xf32>
    %swap3A_871 = vector.shape_cast %scan3A_867 : vector<16xf32> to vector<16xf32>
    tpu.vector_store %arg10[%swap3A], %swap3A_871 {strides = array<i32>} : memref<16xf32, #tpu.memory_space<vmem>>, vector<16xf32>,
    "tpu.region"() ({
      %run_scoped3A = tpu.sem_alloc : memref<!tpu.dma_semaphore, #tpu.memory_space<semaphore_mem>>
      %dma_start3A_874 = arith.constant 0 : i32
      %dma_start3A_875 = tpu.memref_slice %arg12[%arg1, %dma_start3A_874] : memref<16x16xf32, #tpu.memory_space<vmem_shared>> -> memref<1x16xf32, #tpu.memory_space<vmem_shared>>
      %dma_start3A_876 = tpu.memref_squeeze %dma_start3A_875 : memref<1x16xf32, #tpu.memory_space<vmem_shared>> -> memref<16xf32, #tpu.memory_space<vmem_shared>>
      %dma_start3A_877 = arith.constant 0 : i32
      %dma_start3A_878 = tpu.memref_slice %arg12[%arg1, %dma_start3A_877] : memref<16x16xf32, #tpu.memory_space<vmem_shared>> -> memref<1x16xf32, #tpu.memory_space<vmem_shared>>
      %dma_start3A_879 = tpu.memref_squeeze %dma_start3A_878 : memref<1x16xf32, #tpu.memory_space<vmem_shared>> -> memref<16xf32, #tpu.memory_space<vmem_shared>>
      tpu.enqueue_dma source(%arg10 : memref<16xf32, #tpu.memory_space<vmem>>) target(%dma_start3A_879 : memref<16xf32, #tpu.memory_space<vmem_shared>>) target_semaphore(%run_scoped3A : memref<!tpu.dma_semaphore, #tpu.memory_space<semaphore_mem>>)
      %dma_wait3A_880 = arith.constant 0 : i32
      %dma_wait3A_881 = tpu.memref_slice %arg12[%arg1, %dma_wait3A_880] : memref<16x16xf32, #tpu.memory_space<vmem_shared>> -> memref<1x16xf32, #tpu.memory_space<vmem_shared>>
      %dma_wait3A_882 = tpu.memref_squeeze %dma_wait3A_881 : memref<1x16xf32, #tpu.memory_space<vmem_shared>> -> memref<16xf32, #tpu.memory_space<vmem_shared>>
      %dma_wait3A_883 = arith.constant 0 : i32
      %dma_wait3A_884 = tpu.memref_slice %arg12[%arg1, %dma_wait3A_883] : memref<16x16xf32, #tpu.memory_space<vmem_shared>> -> memref<1x16xf32, #tpu.memory_space<vmem_shared>>
      %dma_wait3A_885 = tpu.memref_squeeze %dma_wait3A_884 : memref<1x16xf32, #tpu.memory_space<vmem_shared>> -> memref<16xf32, #tpu.memory_space<vmem_shared>>
      tpu.wait_dma2 semaphore(%run_scoped3A : memref<!tpu.dma_semaphore, #tpu.memory_space<semaphore_mem>>) src(%arg10 : memref<16xf32, #tpu.memory_space<vmem>>) dst(%dma_wait3A_885 : memref<16xf32, #tpu.memory_space<vmem_shared>>)
      tpu.yield
    }) : () -> ()
    %barrier3A = arith.constant 0 : index
    tpu.barrier barrier_id(%barrier3A)
    %eq3A = arith.constant 0 : i32
    %eq3A_872 = arith.cmpi eq, %arg1, %eq3A : i32
    %convert_element_type3A = arith.extui %eq3A_872 : i1 to i32
    %cond3A = arith.constant 0 : i32
    %cond3A_873 = arith.cmpi ne, %convert_element_type3A, %cond3A : i32
    scf.if %cond3A_873 {
      %broadcast_in_dim3A_874 = arith.constant 0.000000e+00 : f32
      %broadcast_in_dim3A_875 = vector.broadcast %broadcast_in_dim3A_874 : f32 to vector<16xf32>
      %scan3A_876 = arith.constant 0 : i32
      %scan3A_877 = arith.constant 16 : i32
      %scan3A_878 = arith.addi %scan3A_876, %scan3A_877 : i32
      %scan3A_879 = arith.constant 1 : i32
      %scan3A_880 = scf.for %scan3A_886 = %scan3A_876 to %scan3A_878 step %scan3A_879 iter_args(%scan3A_887 = %broadcast_in_dim3A_875) -> (vector<16xf32>)  : i32 {
        "tpu.region"() ({
          %run_scoped3A = tpu.sem_alloc : memref<!tpu.dma_semaphore, #tpu.memory_space<semaphore_mem>>
          %dma_start3A_892 = arith.constant 0 : i32
          %dma_start3A_893 = tpu.memref_slice %arg12[%scan3A_886, %dma_start3A_892] : memref<16x16xf32, #tpu.memory_space<vmem_shared>> -> memref<1x16xf32, #tpu.memory_space<vmem_shared>>
          %dma_start3A_894 = tpu.memref_squeeze %dma_start3A_893 : memref<1x16xf32, #tpu.memory_space<vmem_shared>> -> memref<16xf32, #tpu.memory_space<vmem_shared>>
          %dma_start3A_895 = arith.constant 0 : i32
          %dma_start3A_896 = tpu.memref_slice %arg12[%scan3A_886, %dma_start3A_895] : memref<16x16xf32, #tpu.memory_space<vmem_shared>> -> memref<1x16xf32, #tpu.memory_space<vmem_shared>>
          %dma_start3A_897 = tpu.memref_squeeze %dma_start3A_896 : memref<1x16xf32, #tpu.memory_space<vmem_shared>> -> memref<16xf32, #tpu.memory_space<vmem_shared>>
          tpu.enqueue_dma source(%dma_start3A_897 : memref<16xf32, #tpu.memory_space<vmem_shared>>) target(%arg10 : memref<16xf32, #tpu.memory_space<vmem>>) target_semaphore(%run_scoped3A : memref<!tpu.dma_semaphore, #tpu.memory_space<semaphore_mem>>)
          %dma_wait3A_898 = arith.constant 0 : i32
          %dma_wait3A_899 = tpu.memref_slice %arg12[%scan3A_886, %dma_wait3A_898] : memref<16x16xf32, #tpu.memory_space<vmem_shared>> -> memref<1x16xf32, #tpu.memory_space<vmem_shared>>
          %dma_wait3A_900 = tpu.memref_squeeze %dma_wait3A_899 : memref<1x16xf32, #tpu.memory_space<vmem_shared>> -> memref<16xf32, #tpu.memory_space<vmem_shared>>
          %dma_wait3A_901 = arith.constant 0 : i32
          %dma_wait3A_902 = tpu.memref_slice %arg12[%scan3A_886, %dma_wait3A_901] : memref<16x16xf32, #tpu.memory_space<vmem_shared>> -> memref<1x16xf32, #tpu.memory_space<vmem_shared>>
          %dma_wait3A_903 = tpu.memref_squeeze %dma_wait3A_902 : memref<1x16xf32, #tpu.memory_space<vmem_shared>> -> memref<16xf32, #tpu.memory_space<vmem_shared>>
          tpu.wait_dma2 semaphore(%run_scoped3A : memref<!tpu.dma_semaphore, #tpu.memory_space<semaphore_mem>>) src(%dma_wait3A_903 : memref<16xf32, #tpu.memory_space<vmem_shared>>) dst(%arg10 : memref<16xf32, #tpu.memory_space<vmem>>)
          tpu.yield
        }) : () -> ()
        %get3A_888 = arith.constant 0 : index
        %get3A_889 = tpu.vector_load %arg10[%get3A_888] {strides = array<i32>} : memref<16xf32, #tpu.memory_space<vmem>>, vector<16xf32>,
        %get3A_890 = vector.shape_cast %get3A_889 : vector<16xf32> to vector<16xf32>
        %add3A_891 = arith.addf %scan3A_887, %get3A_890 : vector<16xf32>
        scf.yield %add3A_891 : vector<16xf32>
      }
      %scan3A_881 = arith.constant 16 : i32
      %swap3A_882 = arith.constant 0 : index
      %swap3A_883 = tpu.vector_load %arg10[%swap3A_882] {strides = array<i32>} : memref<16xf32, #tpu.memory_space<vmem>>, vector<16xf32>,
      %swap3A_884 = vector.shape_cast %swap3A_883 : vector<16xf32> to vector<16xf32>
      %swap3A_885 = vector.shape_cast %scan3A_880 : vector<16xf32> to vector<16xf32>
      tpu.vector_store %arg10[%swap3A_882], %swap3A_885 {strides = array<i32>} : memref<16xf32, #tpu.memory_space<vmem>>, vector<16xf32>,
      "tpu.region"() ({
        %run_scoped3A = tpu.sem_alloc : memref<!tpu.dma_semaphore, #tpu.memory_space<semaphore_mem>>
        %dma_start3A_886 = arith.constant 0 : i32
        %dma_start3A_887 = tpu.memref_slice %arg5[%arg0, %dma_start3A_886] : memref<2x16xf32, #tpu.memory_space<hbm>> -> memref<1x16xf32, #tpu.memory_space<hbm>>
        %dma_start3A_888 = tpu.memref_squeeze %dma_start3A_887 : memref<1x16xf32, #tpu.memory_space<hbm>> -> memref<16xf32, #tpu.memory_space<hbm>>
        %dma_start3A_889 = arith.constant 0 : i32
        %dma_start3A_890 = tpu.memref_slice %arg5[%arg0, %dma_start3A_889] : memref<2x16xf32, #tpu.memory_space<hbm>> -> memref<1x16xf32, #tpu.memory_space<hbm>>
        %dma_start3A_891 = tpu.memref_squeeze %dma_start3A_890 : memref<1x16xf32, #tpu.memory_space<hbm>> -> memref<16xf32, #tpu.memory_space<hbm>>
        tpu.enqueue_dma source(%arg10 : memref<16xf32, #tpu.memory_space<vmem>>) target(%dma_start3A_891 : memref<16xf32, #tpu.memory_space<hbm>>) target_semaphore(%run_scoped3A : memref<!tpu.dma_semaphore, #tpu.memory_space<semaphore_mem>>)
        %dma_wait3A_892 = arith.constant 0 : i32
        %dma_wait3A_893 = tpu.memref_slice %arg5[%arg0, %dma_wait3A_892] : memref<2x16xf32, #tpu.memory_space<hbm>> -> memref<1x16xf32, #tpu.memory_space<hbm>>
        %dma_wait3A_894 = tpu.memref_squeeze %dma_wait3A_893 : memref<1x16xf32, #tpu.memory_space<hbm>> -> memref<16xf32, #tpu.memory_space<hbm>>
        %dma_wait3A_895 = arith.constant 0 : i32
        %dma_wait3A_896 = tpu.memref_slice %arg5[%arg0, %dma_wait3A_895] : memref<2x16xf32, #tpu.memory_space<hbm>> -> memref<1x16xf32, #tpu.memory_space<hbm>>
        %dma_wait3A_897 = tpu.memref_squeeze %dma_wait3A_896 : memref<1x16xf32, #tpu.memory_space<hbm>> -> memref<16xf32, #tpu.memory_space<hbm>>
        tpu.wait_dma2 semaphore(%run_scoped3A : memref<!tpu.dma_semaphore, #tpu.memory_space<semaphore_mem>>) src(%arg10 : memref<16xf32, #tpu.memory_space<vmem>>) dst(%dma_wait3A_897 : memref<16xf32, #tpu.memory_space<hbm>>)
        tpu.yield
      }) : () -> ()
    } else {
    }
    return
  }
}

module attributes {stable_mosaic.version = 14 : i64} {
  func.func @_matmul_body(%arg0: memref<10000x128xf32, #tpu.memory_space<vmem>>, %arg1: memref<128x16xf32, #tpu.memory_space<vmem>>, %arg2: memref<10000x16xf32, #tpu.memory_space<vmem>>) attributes {dimension_semantics = [], scalar_prefetch = 0 : i64, scratch_operands = 0 : i64, tpu.core_type = #tpu.core_type<tc>} {
    %get3A = arith.constant 0 : index
    %get3A_0 = arith.constant 0 : index
    %get3A_1 = vector.load %arg0[%get3A, %get3A_0] : memref<10000x128xf32, #tpu.memory_space<vmem>>, vector<10000x128xf32>
    %get3A_2 = arith.constant 0 : index
    %get3A_3 = arith.constant 0 : index
    %get3A_4 = vector.load %arg1[%get3A_2, %get3A_3] : memref<128x16xf32, #tpu.memory_space<vmem>>, vector<128x16xf32>
    %dot_general3A = arith.constant dense<0.000000e+00> : vector<10000x16xf32>
    %dot_general3A_5 = tpu.matmul %get3A_1, %get3A_4, %dot_general3A {dimension_numbers = #tpu.dot_dimension_numbers<[1], [0], [0], [1], [0, 0, 1, 1], [], []>, transpose_lhs_hint = false} : vector<10000x128xf32>, vector<128x16xf32>, vector<10000x16xf32> -> vector<10000x16xf32>
    %swap3A = arith.constant 0 : index
    %swap3A_6 = arith.constant 0 : index
    %swap3A_7 = vector.load %arg2[%swap3A, %swap3A_6] : memref<10000x16xf32, #tpu.memory_space<vmem>>, vector<10000x16xf32>
    tpu.vector_store %arg2[%swap3A, %swap3A_6], %dot_general3A_5 {strides = array<i32>} : memref<10000x16xf32, #tpu.memory_space<vmem>>, vector<10000x16xf32>,
    return
  }
}

module attributes {stable_mosaic.version = 14 : i64} {
  func.func @_head_body(%arg0: memref<2x16xf32, #tpu.memory_space<vmem>>, %arg1: memref<16x128xf32, #tpu.memory_space<vmem>>, %arg2: memref<128xf32, #tpu.memory_space<vmem>>, %arg3: memref<128x128xf32, #tpu.memory_space<vmem>>, %arg4: memref<128xf32, #tpu.memory_space<vmem>>, %arg5: memref<1x128xf32, #tpu.memory_space<vmem>>) attributes {dimension_semantics = [], scalar_prefetch = 0 : i64, scratch_operands = 0 : i64, tpu.core_type = #tpu.core_type<tc>} {
    %get3A = arith.constant 0 : index
    %get3A_0 = arith.constant 0 : index
    %get3A_1 = vector.load %arg0[%get3A, %get3A_0] : memref<2x16xf32, #tpu.memory_space<vmem>>, vector<1x16xf32>
    %get3A_2 = vector.shape_cast %get3A_1 : vector<1x16xf32> to vector<16xf32>
    %get3A_3 = arith.constant 1 : index
    %get3A_4 = arith.constant 0 : index
    %get3A_5 = vector.load %arg0[%get3A_3, %get3A_4] : memref<2x16xf32, #tpu.memory_space<vmem>>, vector<1x16xf32>
    %get3A_6 = vector.shape_cast %get3A_5 : vector<1x16xf32> to vector<16xf32>
    %add3A = arith.addf %get3A_2, %get3A_6 : vector<16xf32>
    %broadcast_in_dim3A = vector.shape_cast %add3A : vector<16xf32> to vector<1x16xf32>
    %get3A_7 = arith.constant 0 : index
    %get3A_8 = arith.constant 0 : index
    %get3A_9 = vector.load %arg1[%get3A_7, %get3A_8] : memref<16x128xf32, #tpu.memory_space<vmem>>, vector<16x128xf32>
    %dot_general3A = arith.constant dense<0.000000e+00> : vector<1x128xf32>
    %dot_general3A_10 = tpu.matmul %broadcast_in_dim3A, %get3A_9, %dot_general3A {dimension_numbers = #tpu.dot_dimension_numbers<[1], [0], [0], [1], [0, 0, 1, 1], [], []>, transpose_lhs_hint = false} : vector<1x16xf32>, vector<16x128xf32>, vector<1x128xf32> -> vector<1x128xf32>
    %get3A_11 = arith.constant 0 : index
    %get3A_12 = vector.load %arg2[%get3A_11] : memref<128xf32, #tpu.memory_space<vmem>>, vector<128xf32>
    %mul3A = arith.constant 1.000000e+04 : f32
    %mul3A_13 = vector.broadcast %mul3A : f32 to vector<128xf32>
    %mul3A_14 = arith.mulf %mul3A_13, %get3A_12 : vector<128xf32>
    %broadcast_in_dim3A_15 = vector.shape_cast %mul3A_14 : vector<128xf32> to vector<1x128xf32>
    %add3A_16 = arith.addf %dot_general3A_10, %broadcast_in_dim3A_15 : vector<1x128xf32>
    %get3A_17 = arith.constant 0 : index
    %get3A_18 = arith.constant 0 : index
    %get3A_19 = vector.load %arg3[%get3A_17, %get3A_18] : memref<128x128xf32, #tpu.memory_space<vmem>>, vector<128x128xf32>
    %dot_general3A_20 = arith.constant dense<0.000000e+00> : vector<1x128xf32>
    %dot_general3A_21 = tpu.matmul %add3A_16, %get3A_19, %dot_general3A_20 {dimension_numbers = #tpu.dot_dimension_numbers<[1], [0], [0], [1], [0, 0, 1, 1], [], []>, transpose_lhs_hint = false} : vector<1x128xf32>, vector<128x128xf32>, vector<1x128xf32> -> vector<1x128xf32>
    %get3A_22 = arith.constant 0 : index
    %get3A_23 = vector.load %arg4[%get3A_22] : memref<128xf32, #tpu.memory_space<vmem>>, vector<128xf32>
    %broadcast_in_dim3A_24 = vector.shape_cast %get3A_23 : vector<128xf32> to vector<1x128xf32>
    %add3A_25 = arith.addf %dot_general3A_21, %broadcast_in_dim3A_24 : vector<1x128xf32>
    %max3A = arith.constant 0.000000e+00 : f32
    %max3A_26 = vector.broadcast %max3A : f32 to vector<1x128xf32>
    %max3A_27 = arith.maximumf %add3A_25, %max3A_26 : vector<1x128xf32>
    %swap3A = arith.constant 0 : index
    %swap3A_28 = arith.constant 0 : index
    %swap3A_29 = vector.load %arg5[%swap3A, %swap3A_28] : memref<1x128xf32, #tpu.memory_space<vmem>>, vector<1x128xf32>
    tpu.vector_store %arg5[%swap3A, %swap3A_28], %max3A_27 {strides = array<i32>} : memref<1x128xf32, #tpu.memory_space<vmem>>, vector<1x128xf32>,
    return
  }
}

</mosaic_0001>

<sc_bundles>
// kernel: kernel.6.cloned.1.call-start
scs
__scs_entry_jumppad:
0x0: {  	(pc) =	sbr.rel $0x88, $3  }
0x1: {  	(tag) =	ssettag $0x0;
	lr =	simm.s32 $0x1  }
0x2: {  	[smem:$0x3F99] =	sst lr;
	_ =	strace $0xD0000000  }
0x3: {  	_ = 	snop  }
0x4: {  	_ = 	snop  }
0x5: {  	_ = 	snop  }
0x6: {  	_ = 	snop  }
0x7: {  	_ = 	snop  }
__scs_overlays_trampoline_lowered:
0x8: {  	[smem:$0x3FA8] =	sst s0  }
0x9: {  	[smem:$0x3FA9] =	sst s1  }
0xa: {  	[smem:$0x3FAA] =	sst s2  }
0xb: {  	[smem:$0x3FAB] =	sst s3  }
0xc: {  	[smem:$0x3FAC] =	sst s4  }
0xd: {  	[smem:$0x3FAD] =	sst s5  }
0xe: {  	[smem:$0x3FAE] =	sst s6  }
0xf: {  	[smem:$0x3FAF] =	sst s7  }
0x10: {  	[smem:$0x3FB0] =	sst s8  }
0x11: {  	[smem:$0x3FB1] =	sst s9;
	s0 =	simm.s32 @!p0 $0x0  }
0x12: {  	s1 =	sld [smem:$0x3F97];
	s0 =	simm.s32 @p0 $0x1  }
0x13: {  	[smem:$0x3FB2] =	sst s0;
	s0 =	simm.s32 @!p1 $0x0  }
0x14: {  	s2 =	sld [smem:$0x3F96];
	s0 =	simm.s32 @p1 $0x1  }
0x15: {  	[smem:$0x3FB3] =	sst s0;
	s0 =	simm.s32 @!p2 $0x0  }
0x16: {  	s3 =	sld [smem:$0x3FDB];
	s0 =	simm.s32 @p2 $0x1  }
0x17: {  	s4 =	simm.s32 $0x1BF5;
	[smem:$0x3FB5] =	sst s0  }
0x18: {  	s0 =	sld [smem:$0x3F98];
	_ =	swait.ge [sflag:s4], $0x0  }
0x19: {  	s7 =	sld [smem:$0x3F99]  }
0x1a: {  	s8 =	sadd.s32 $0xFFFFE003, lr  }
0x1b: {  	s9 =	sadd.s32 $0xFFFFFEF7, lr;
	s5 =	simm.s32 $0xFFFFFFFF;
	p2 =	slt.u32 s8, $0xFFFFF086  }
0x1c: {  	p1 =	slt.u32 s9, $0xF7A;
	s5 =	simm.s32 @!p2 $0x0  }
0x1d: {  	s5 =	simm.s32 @p1 $0x1;
	p0 =	seq.s32 s7, s2  }
0x1e: {  	s7 =	smul.u32 @!p0 $0xF7A, s2;
	p2 =	seq.s32 @!p0 s5, $0x0  }
0x1f: {  	s9 =	smul.u32 $0xF7A, s1;
	s8 =	simm.s32 @!p0 $0x1BF5;
	p2 =	por !p2, p0  }
0x20: {  	[sflag:s8] =	ssyncset.s32 @!p0 $0xFFFFF086;
	s6 =	sadd.s32 @!p0 s3, s7;
	s7 =	simm.s32 @!p0 $0x108  }
0x21: {  	s3 =	sadd.s32 s3, s9;
	s6 =	sadd.s32 @!p0 $0x88, s6;
	s7 =	simm.s32 @p2 $0x1082  }
0x22: {  	[simem:s7], [sflag:s8] =	dma.local @!p0 [hbm:s6], $0xF7A  }
0x23: {  	s9 =	sor.u32 $0xD0000000, s2;
	s6 =	simm.s32 $0x108;
	_ =	swait.ge @!p0 [sflag:s8], $0x0  }
0x24: {  	s3 =	sadd.s32 $0x88, s3;
	s6 =	simm.s32 @!p1 $0x1082;
	[sflag:s4] =	ssyncset.s32 $0xFFFFF086  }
0x25: {  	[simem:s6], [sflag:s4] =	dma.local [hbm:s3], $0xF7A  }
0x26: {  	[smem:$0x3F99] =	sst s1;
	(tag) =	ssettag s2;
	_ =	strace s9  }
0x27: {  	s1 =	sld [smem:$0x3FA9]  }
0x28: {  	s2 =	sld [smem:$0x3FAA]  }
0x29: {  	s4 =	sld [smem:$0x3FAC]  }
0x2a: {  	p0 =	seq.s32 s5, $0x0;
	s5 =	sld [smem:$0x3FAD]  }
0x2b: {  	s6 =	sld [smem:$0x3FAE]  }
0x2c: {  	s7 =	sld [smem:$0x3FAF]  }
0x2d: {  	s3 =	simm.s32 $0x108;
	s8 =	sld [smem:$0x3FB0]  }
0x2e: {  	s3 =	simm.s32 @!p0 $0x1082;
	s9 =	sld [smem:$0x3FB1]  }
0x2f: {  	lr =	sadd.s32 s0, s3;
	s0 =	sld [smem:$0x3FA8]  }
0x30: {  	s3 =	sld [smem:$0x3FAB]  }
0x31: {  	[smem:$0x3FB4] =	sst s10  }
0x32: {  	s10 =	sld [smem:$0x3FB2];
	_ =	sdelay $0x3  }
0x33: {  	p0 =	seq.s32 s10, $0x1;
	s10 =	sld [smem:$0x3FB4];
	_ =	sdelay $0x3  }
0x34: {  	[smem:$0x3FB4] =	sst s10  }
0x35: {  	s10 =	sld [smem:$0x3FB3];
	_ =	sdelay $0x3  }
0x36: {  	p1 =	seq.s32 s10, $0x1;
	s10 =	sld [smem:$0x3FB4];
	_ =	sdelay $0x3  }
0x37: {  	[smem:$0x3FB4] =	sst s10  }
0x38: {  	s10 =	sld [smem:$0x3FB5]  }
0x39: {  	_ = 	snop;
	(pc) =	sbr.ind lr, $3  }
0x3a: {  	_ = 	snop  }
0x3b: {  	_ = 	snop  }
0x3c: {  	p2 =	seq.s32 s10, $0x1;
	s10 =	sld [smem:$0x3FB4]  }
0x3d: {  	_ =	shalt  }
0x3e: {  	_ =	shalt  }
0x3f: {  	_ =	shalt  }
0x40: {  	_ =	shalt  }
0x41: {  	_ =	shalt  }
0x42: {  	_ =	shalt  }
0x43: {  	_ =	shalt  }
0x44: {  	_ =	shalt  }
0x45: {  	_ =	shalt  }
0x46: {  	_ =	shalt  }
0x47: {  	_ =	shalt  }
0x48: {  	_ =	shalt  }
0x49: {  	_ =	shalt  }
0x4a: {  	_ =	shalt  }
0x4b: {  	_ =	shalt  }
0x4c: {  	_ =	shalt  }
0x4d: {  	_ =	shalt  }
0x4e: {  	_ =	shalt  }
0x4f: {  	_ =	shalt  }
0x50: {  	_ =	shalt  }
0x51: {  	_ =	shalt  }
0x52: {  	_ =	shalt  }
0x53: {  	_ =	shalt  }
0x54: {  	_ =	shalt  }
0x55: {  	_ =	shalt  }
0x56: {  	_ =	shalt  }
0x57: {  	_ =	shalt  }
0x58: {  	_ =	shalt  }
0x59: {  	_ =	shalt  }
0x5a: {  	_ =	shalt  }
0x5b: {  	_ =	shalt  }
0x5c: {  	_ =	shalt  }
0x5d: {  	_ =	shalt  }
0x5e: {  	_ =	shalt  }
0x5f: {  	_ =	shalt  }
0x60: {  	_ =	shalt  }
0x61: {  	_ =	shalt  }
0x62: {  	_ =	shalt  }
0x63: {  	_ =	shalt  }
0x64: {  	_ =	shalt  }
0x65: {  	_ =	shalt  }
0x66: {  	_ =	shalt  }
0x67: {  	_ =	shalt  }
0x68: {  	_ =	shalt  }
0x69: {  	_ =	shalt  }
0x6a: {  	_ =	shalt  }
0x6b: {  	_ =	shalt  }
0x6c: {  	_ =	shalt  }
0x6d: {  	_ =	shalt  }
0x6e: {  	_ =	shalt  }
0x6f: {  	_ =	shalt  }
0x70: {  	_ =	shalt  }
0x71: {  	_ =	shalt  }
0x72: {  	_ =	shalt  }
0x73: {  	_ =	shalt  }
0x74: {  	_ =	shalt  }
0x75: {  	_ =	shalt  }
0x76: {  	_ =	shalt  }
0x77: {  	_ =	shalt  }
0x78: {  	_ =	shalt  }
0x79: {  	_ =	shalt  }
0x7a: {  	_ =	shalt  }
0x7b: {  	_ =	shalt  }
0x7c: {  	_ =	shalt  }
0x7d: {  	_ =	shalt  }
0x7e: {  	_ =	shalt  }
0x7f: {  	_ =	shalt  }
0x80: {  	_ =	shalt  }
0x81: {  	_ =	shalt  }
0x82: {  	_ =	shalt  }
0x83: {  	_ =	shalt  }
0x84: {  	_ =	shalt  }
0x85: {  	_ =	shalt  }
0x86: {  	_ =	shalt  }
0x87: {  	_ =	shalt  }
.Lfunc_end0:
.L_simem_size_0:
called_computation_lowered:
.L_overlay_start_0:
0x88: {  	s2 =	sld [smem:$0x3FD9]  }
0x89: {  	s3 =	sld [smem:$0x3FFE];
	_ =	sdelay $0x1  }
0x8a: {  	s1 =	srdreg.scid  }
0x8b: {  	s0 =	sand.u32 $0x1, s1  }
0x8c: {  	s16 =	sshll.u32 s0, $0xA;
	s2 =	sadd.s32 s3, s2  }
0x8d: {  	s2 =	sadd.s32 s2, s16  }
0x8e: {  	[smem:$0x3FC0] =	sst s2  }
0x8f: {  	_ = 	snop  }
0x90: {  	(tm) =	ssettm $0x1  }
0x91: {  	s17 =	sld [smem:$0x3FFB];
	_ =	sdelay $0x3  }
0x92: {  	_ =	strace s17  }
0x93: {  	s2 =	sld [smem:$0x3FFC];
	_ =	sdelay $0x3  }
0x94: {  	_ =	strace s2  }
0x95: {  	s2 =	sld [smem:$0x3FFD];
	_ =	sdelay $0x3  }
0x96: {  	_ =	strace s2  }
0x97: {  	_ =	strace $0x8FFFFFFF  }
0x98: {  	s18 =	sld [smem:$0x3FDB];
	_ =	sdelay $0x1  }
0x99: {  	s19 =	simm.s32 $_scs_section_size  }
0x9a: {  	s4 =	simm.s32 $_size__tile_overlayer_lowered;
	s5 =	simm.s32 $_tile_overlayer_lowered  }
0x9b: {  	s22 =	simm.s32 $0x1BFF;
	s21 =	sshll.u32 s5, $0x1;
	s2 =	sadd.s32 s19, s18  }
0x9c: {  	s6 =	simm.s32 $0x0;
	s20 =	sshll.u32 s4, $0x1;
	s4 =	sadd.s32 s21, s2  }
0x9d: {  	[timem:s6], [sflag:s22] =	dma.local [hbm:s4], s20  }
0x9e: {  	_ =	swait.ge [sflag:s22], s20  }
0x9f: {  	s3 =	ssub.s32 $0x0, s20;
	[sflag:s22] =	ssyncset.done $0x0  }
0xa0: {  	[sflag:s22] =	ssyncadd.s32 s3;
	_ =	sdelay $0x1  }
0xa1: {  	s23 =	simm.s32 $0x1B8B  }
0xa2: {  	_ =	swait.ge [sflag:s23], $0x1  }
0xa3: {  	[sflag:s23] =	ssyncset.done $0x0  }
0xa4: {  	s25 =	simm.s32 $0x1B8E;
	s24 =	sld [smem:$0x3FFE];
	[sflag:s23] =	ssyncadd.s32 $0xFFFFFFFF  }
0xa5: {  	s26 =	simm.s32 $execute0_lowered;
	[smem:$0x3FD2] =	sst s25  }
0xa6: {  	s4 =	sshll.u32 s26, $0x1;
	_ =	strace $0x80000046;
	[dreg:$0x1] =	wrdreg $0xFFFFFFFF  }
0xa7: {  	s28 =	simm.s32 $_size_execute0_lowered;
	s2 =	sadd.s32 s2, s4;
	[dreg:$0x0] =	wrdreg $0x0  }
0xa8: {  	s4 =	sshll.u32 s28, $0x1;
	[dreg:$0x2] =	wrdreg s2  }
0xa9: {  	[dreg:$0x3] =	wrdreg s4  }
0xaa: {  	[dreg:$0x4] =	wrdreg $0xC0  }
0xab: {  	_ =	task [dreg:s6], $0x5FFFF  }
0xac: {  	[dreg:$0x1] =	wrdreg $0xFFFFFFFF  }
0xad: {  	[dreg:$0x0] =	wrdreg $0x60  }
0xae: {  	[dreg:$0x2] =	wrdreg s24  }
0xaf: {  	[dreg:$0x3] =	wrdreg $0x1CDE00  }
0xb0: {  	[dreg:$0x4] =	wrdreg $0x9  }
0xb1: {  	_ =	task.clear_ibuf [dreg:s6], $0x5FFFF;
	_ =	strace $0x90000046  }
0xb2: {  	s29 =	simm.s32 $0x9;
	_ =	strace $0x80000048  }
0xb3: {  	_ =	swait.ge [sflag:s29], $0x1  }
0xb4: {  	[sflag:s29] =	ssyncadd.s32 $0xFFFFFFFF  }
0xb5: {  	_ =	strace $0x90000048  }
0xb6: {  	_ =	sfence  }
0xb7: {  	s30 =	sld [smem:$0x0];
	_ =	sdelay $0x2  }
0xb8: {  	s31 =	sshll.u32 s1, $0xD;
	s1 =	sshrl.u32 s1, $0x2  }
0xb9: {  	s3 =	sand.u32 $0x4000, s31;
	s1 =	sadd.s32 s1, s30  }
0xba: {  	s0 =	sor.u32 s3, s0;
	s1 =	sshll.u32 s1, $0x11  }
0xbb: {  	s0 =	sor.u32 s1, s0  }
0xbc: {  	s0 =	sadd.s32 $0x8F2B, s0  }
0xbd: {  	[sflag:s0] =	ssyncadd.remote.s32 $0x1  }
0xbe: {  	_ =	sfence.sel $0xFFFF  }
0xbf: {  	[dreg:$0x0] =	wrdreg $0xFFFFFFFF;
	(pc) =	sbr.abs _section_cstart, $3  }
0xc0: {  	[dreg:$0x1] =	wrdreg $0xFFFFFFFF  }
0xc1: {  	_ =	task.clear_ibuf [dreg:s6], $0x2FFFF;
	_ =	strace $0x9FFFFFFF  }
0xc2: {  	(tm) =	ssettm $0x7FFFFFFF  }
0xc3: {  	_ =	shalt  }
tec
execute0_lowered:
.L_overlay_start_1:
0x0: {  	(tag) =	ssettag $0x1  }
0x1: {  	s0 =	srdreg.scid;
	s5 =	rddreg [dreg:$0x0]  }
0x2: {  	s4 =	stileid.u32;
	s2 =	rddreg [dreg:$0x1];
	s3 =	simm.s32 $0x0  }
0x3: {  	s28 =	simm.s32 $0xABE0;
	s29 =	simm.s32 $0xFA0;
	s30 =	simm.s32 $0x2710  }
0x4: {  	s31 =	simm.s32 $0x128E0;
	s9 =	simm.s32 $0x6;
	s10 =	simm.s32 $0x0  }
0x5: {  	s0 =	sand.u32 $0x1, s0;
	s1 =	sshll.u32 s4, $0x1;
	s6 =	smul.u32 $0x2800, s4  }
0x6: {  	[smem:$0x7FF] =	sst s3;
	s4 =	sadd.s32 $0x1800, s5;
	s8 =	sadd.s32 $0x1A800, s5  }
0x7: {  	s20 =	sadd.s32 $0x1A200, s5;
	s1 =	sor.u32 s0, s1;
	s7 =	smul.u32 $0x28000, s0  }
0x8: {  	_ =	strace $0x80000047;
	[dreg:$0x3] =	wrdreg s8;
	s0 =	ssub.s32 $0x2, s0  }
0x9: {  	[dreg:$0x4] =	wrdreg s20;
	s1 =	smul.u32 $0x2710, s1;
	s21 =	sshrl.u32 s0, $0x1  }
0xa: {  	s8 =	simm.s32 $0x3;
	s7 =	sadd.s32 s6, s7;
	s0 =	ssub.s32 s0, s21  }
0xb: {  	s21 =	simm.s32 $0x2EE0;
	s1 =	sshrl.u32 s1, $0x3;
	s7 =	sshrl.u32 s7, $0x3  }
0xc: {  	s20 =	smax.u32 s0, $0x1;
	s0 =	simm.s32 $0x4;
	s1 =	sadd.s32 s1, s5  }
0xd: {  	s5 =	sadd.s32 s7, s5;
	s7 =	sadd.s32 s6, s2;
	s6 =	simm.s32 $0x5  }
0xe: {  	s22 =	sadd.s32 $0x6800, s1;
	s23 =	sadd.s32 $0x10440, s1;
	s24 =	sadd.s32 $0x68FA, s1  }
0xf: {  	s25 =	sadd.s32 $0x1053A, s1;
	s26 =	sadd.s32 $0x69F4, s1;
	s13 =	sadd.s32 $0x10634, s1  }
0x10: {  	s14 =	sadd.s32 $0x6AEE, s1;
	s15 =	sadd.s32 $0x1072E, s1;
	[dreg:$0x5] =	wrdreg s22  }
0x11: {  	s16 =	sadd.s32 $0x6BE8, s1;
	s17 =	sadd.s32 $0x10828, s1;
	[dreg:$0x6] =	wrdreg s23  }
0x12: {  	s18 =	sadd.s32 $0x24E00, s5;
	s19 =	sadd.s32 $0x1AE00, s5;
	[dreg:$0x7] =	wrdreg s24  }
0x13: {  	s1 =	simm.s32 $0x1;
	s5 =	simm.s32 $0x2;
	[dreg:$0x8] =	wrdreg s25  }
0x14: {  	[dreg:$0x9] =	wrdreg s26;
	s22 =	simm.s32 $0x7;
	s23 =	simm.s32 $0x1A5E0  }
0x15: {  	v0 =	vimm.f32 $1.000000000e+00;
	s24 =	simm.s32 $0x1770;
	s25 =	simm.s32 $0x7D0;
	s26 =	simm.s32 $0x1F40  }
.LBB2_1:
0x16: {  	s11 =	rddreg [dreg:$0x3]  }
0x17: {  	[tilespmem:s21], [sflag:$0x7] =	stream.linear.gather [hbm4b:s11+s3], $0x2800, $0x38;
	[tilespmem:$0x1F5E0] =	vst v63  }
0x18: {  	_ =	swait.ge [sflag:s22], $0x2800  }
0x19: {  	[sflag:s22] =	ssyncset.done $0x0  }
0x1a: {  	s12 =	rddreg [dreg:$0x4];
	[sflag:s22] =	ssyncadd.s32 $0xFFFFD800  }
0x1b: {  	[tilespmem:s23], [sflag:$0x7] =	stream.linear.gather [hbm4b:s12+s3], $0x2800, $0x38;
	[tilespmem:$0x1F5E0] =	vst v63  }
0x1c: {  	_ =	swait.ge [sflag:s22], $0x2800  }
0x1d: {  	[sflag:s22] =	ssyncset.done $0x0  }
0x1e: {  	[sflag:s22] =	ssyncadd.s32 $0xFFFFD800  }
0x1f: {  	[spmem:s7] =	stream.linear.scatter [tilespmem:s21], [sflag:$0x7], $0x2800, $0x38;
	[tilespmem:$0x1F5E0] =	vst v63  }
0x20: {  	_ =	swait.ge [sflag:s22], $0x2800  }
0x21: {  	[sflag:s22] =	ssyncset.done $0x0  }
0x22: {  	[sflag:s22] =	ssyncadd.s32 $0xFFFFD800  }
0x23: {  	[bflag:$0x0] =	sbarrier.arrive $0xFFFF  }
0x24: {  	s12 =	rddreg [dreg:$0x5]  }
0x25: {  	[tilespmem:s3], [sflag:$0x7] =	stream.linear.gather [hbm4b:s12+s3], $0x7D0, $0x38;
	[tilespmem:$0x1F5E0] =	vst v63  }
0x26: {  	_ =	swait.ge [sflag:s22], $0x7D0  }
0x27: {  	[sflag:s22] =	ssyncset.done $0x0  }
0x28: {  	s12 =	rddreg [dreg:$0x6];
	[sflag:s22] =	ssyncadd.s32 $0xFFFFF830  }
0x29: {  	[tilespmem:s24], [sflag:$0x7] =	stream.linear.gather [hbm4b:s12+s3], $0x7D0, $0x38;
	[tilespmem:$0x1F5E0] =	vst v63  }
0x2a: {  	_ =	swait.ge [sflag:s22], $0x7D0  }
0x2b: {  	[sflag:s22] =	ssyncset.done $0x0  }
0x2c: {  	[sflag:s22] =	ssyncadd.s32 $0xFFFFF830  }
0x2d: {  	[tilespmem:s21], [sflag:$0x1] =	stream.indirect.gather [hbm4b:s4+s25], $0x10, s3, s25, $0xb8;
	[tilespmem:$0x1F5E0] =	vst v63  }
0x2e: {  	s12 =	rddreg [dreg:$0x7]  }
0x2f: {  	[tilespmem:s25], [sflag:$0x7] =	stream.linear.gather [hbm4b:s12+s3], $0x7D0, $0x38;
	[tilespmem:$0x1F5E0] =	vst v63  }
0x30: {  	_ =	swait.ge [sflag:s22], $0x7D0  }
0x31: {  	[sflag:s22] =	ssyncset.done $0x0  }
0x32: {  	s12 =	rddreg [dreg:$0x8];
	[sflag:s22] =	ssyncadd.s32 $0xFFFFF830  }
0x33: {  	[tilespmem:s26], [sflag:$0x7] =	stream.linear.gather [hbm4b:s12+s3], $0x7D0, $0x38;
	[tilespmem:$0x1F5E0] =	vst v63  }
0x34: {  	_ =	swait.ge [sflag:s22], $0x7D0  }
0x35: {  	[sflag:s22] =	ssyncset.done $0x0  }
0x36: {  	[sflag:s22] =	ssyncadd.s32 $0xFFFFF830  }
0x37: {  	[tilespmem:s28], [sflag:$0x2] =	stream.indirect.gather [hbm4b:s4+s25], $0x10, s25, s25, $0xb8;
	[tilespmem:$0x1F5E0] =	vst v63  }
0x38: {  	s12 =	rddreg [dreg:$0x9]  }
0x39: {  	[tilespmem:s29], [sflag:$0x7] =	stream.linear.gather [hbm4b:s12+s3], $0x7D0, $0x38;
	[tilespmem:$0x1F5E0] =	vst v63  }
0x3a: {  	_ =	swait.ge [sflag:s22], $0x7D0  }
0x3b: {  	[sflag:s22] =	ssyncset.done $0x0  }
0x3c: {  	[sflag:s22] =	ssyncadd.s32 $0xFFFFF830  }
0x3d: {  	[tilespmem:s30], [sflag:$0x7] =	stream.linear.gather [hbm4b:s13+s3], $0x7D0, $0x38;
	[tilespmem:$0x1F5E0] =	vst v63  }
0x3e: {  	_ =	swait.ge [sflag:s22], $0x7D0  }
0x3f: {  	[sflag:s22] =	ssyncset.done $0x0  }
0x40: {  	[sflag:s22] =	ssyncadd.s32 $0xFFFFF830  }
0x41: {  	[tilespmem:s31], [sflag:$0x3] =	stream.indirect.gather [hbm4b:s4+s25], $0x10, s29, s25, $0xb8;
	[tilespmem:$0x1F5E0] =	vst v63  }
0x42: {  	_ =	swait.ge [sflag:s1], $0x7D00  }
0x43: {  	[sflag:s1] =	ssyncset.done $0x0  }
0x44: {  	s11 =	simm.s32 $0xFFFFFFFC;
	s12 =	simm.s32 $0x20;
	[sflag:s1] =	ssyncadd.s32 $0xFFFF8300  }
0x45: {  	[spmem:s2] =	stream.indirect.scatter.add.f32 [tilespmem:s21], [sflag:$0x4], $0x10, s24, s25, $0xb8;
	[tilespmem:$0x1F5E0] =	vst v63  }
.LBB2_2:
0x46: {  	v1 =	vld [tilespmem:s12+$0xFFFFFFE0];
	_ =	sdelay $0x7  }
0x47: {  	[tilespmem:v1+s23+$0x0] =	vst.idx.add.f32.msk $0xffff, v0  }
0x48: {  	v1 =	vld [tilespmem:s12+$0xFFFFFFF0];
	_ =	sdelay $0x7  }
0x49: {  	[tilespmem:v1+s23+$0x0] =	vst.idx.add.f32.msk $0xffff, v0  }
0x4a: {  	v1 =	vld [tilespmem:s12+$0x0];
	_ =	sdelay $0x7  }
0x4b: {  	[tilespmem:v1+s23+$0x0] =	vst.idx.add.f32.msk $0xffff, v0  }
0x4c: {  	v1 =	vld [tilespmem:s12+$0x10];
	_ =	sdelay $0x1  }
0x4d: {  	s11 =	sadd.s32 $0x4, s11  }
0x4e: {  	p0 =	slt.u32 s11, $0x78  }
.Ltmp0:
0x4f: {  	_ = 	snop;
	(pc) =	sbr.rel @p0 .LBB2_2-.Ltmp0, $2  }
0x50: {  	_ =	sdelay $0x2  }
0x51: {  	s12 =	sadd.s32 $0x40, s12;
	[tilespmem:v1+s23+$0x0] =	vst.idx.add.f32.msk $0xffff, v0  }
0x52: {  	v1 =	vld [tilespmem:$0x7C0];
	_ =	sdelay $0x7  }
0x53: {  	[tilespmem:v1+s23+$0x0] =	vst.idx.add.f32.msk $0xffff, v0  }
0x54: {  	_ =	swait.ge [sflag:s0], $0x7D00  }
0x55: {  	[sflag:s0] =	ssyncset.done $0x0  }
0x56: {  	[sflag:s0] =	ssyncadd.s32 $0xFFFF8300  }
0x57: {  	[tilespmem:s3], [sflag:$0x7] =	stream.linear.gather [hbm4b:s14+s3], $0x7D0, $0x38;
	[tilespmem:$0x1F5E0] =	vst v63  }
0x58: {  	_ =	swait.ge [sflag:s22], $0x7D0  }
0x59: {  	[sflag:s22] =	ssyncset.done $0x0  }
0x5a: {  	[sflag:s22] =	ssyncadd.s32 $0xFFFFF830  }
0x5b: {  	[tilespmem:s24], [sflag:$0x7] =	stream.linear.gather [hbm4b:s15+s3], $0x7D0, $0x38;
	[tilespmem:$0x1F5E0] =	vst v63  }
0x5c: {  	_ =	swait.ge [sflag:s22], $0x7D0  }
0x5d: {  	[sflag:s22] =	ssyncset.done $0x0  }
0x5e: {  	[sflag:s22] =	ssyncadd.s32 $0xFFFFF830  }
0x5f: {  	[tilespmem:s21], [sflag:$0x1] =	stream.indirect.gather [hbm4b:s4+s25], $0x10, s3, s25, $0xb8;
	[tilespmem:$0x1F5E0] =	vst v63  }
0x60: {  	_ =	swait.ge [sflag:s5], $0x7D00  }
0x61: {  	[sflag:s5] =	ssyncset.done $0x0  }
0x62: {  	s11 =	simm.s32 $0xFFFFFFFC;
	s12 =	simm.s32 $0x800;
	[sflag:s5] =	ssyncadd.s32 $0xFFFF8300  }
0x63: {  	[spmem:s2] =	stream.indirect.scatter.add.f32 [tilespmem:s28], [sflag:$0x5], $0x10, s26, s25, $0xb8;
	[tilespmem:$0x1F5E0] =	vst v63  }
.LBB2_4:
0x64: {  	v1 =	vld [tilespmem:s12+$0xFFFFFFD0];
	_ =	sdelay $0x7  }
0x65: {  	[tilespmem:v1+s23+$0x0] =	vst.idx.add.f32.msk $0xffff, v0  }
0x66: {  	v1 =	vld [tilespmem:s12+$0xFFFFFFE0];
	_ =	sdelay $0x7  }
0x67: {  	[tilespmem:v1+s23+$0x0] =	vst.idx.add.f32.msk $0xffff, v0  }
0x68: {  	v1 =	vld [tilespmem:s12+$0xFFFFFFF0];
	_ =	sdelay $0x7  }
0x69: {  	[tilespmem:v1+s23+$0x0] =	vst.idx.add.f32.msk $0xffff, v0  }
0x6a: {  	v1 =	vld [tilespmem:s12+$0x0];
	_ =	sdelay $0x1  }
0x6b: {  	s11 =	sadd.s32 $0x4, s11  }
0x6c: {  	p0 =	slt.u32 s11, $0x78  }
.Ltmp1:
0x6d: {  	_ = 	snop;
	(pc) =	sbr.rel @p0 .LBB2_4-.Ltmp1, $2  }
0x6e: {  	_ =	sdelay $0x2  }
0x6f: {  	s12 =	sadd.s32 $0x40, s12;
	[tilespmem:v1+s23+$0x0] =	vst.idx.add.f32.msk $0xffff, v0  }
0x70: {  	v1 =	vld [tilespmem:$0xF90];
	_ =	sdelay $0x7  }
0x71: {  	[tilespmem:v1+s23+$0x0] =	vst.idx.add.f32.msk $0xffff, v0  }
0x72: {  	_ =	swait.ge [sflag:s6], $0x7D00  }
0x73: {  	[sflag:s6] =	ssyncset.done $0x0  }
0x74: {  	[sflag:s6] =	ssyncadd.s32 $0xFFFF8300  }
0x75: {  	[tilespmem:s25], [sflag:$0x7] =	stream.linear.gather [hbm4b:s16+s3], $0x7D0, $0x38;
	[tilespmem:$0x1F5E0] =	vst v63  }
0x76: {  	_ =	swait.ge [sflag:s22], $0x7D0  }
0x77: {  	[sflag:s22] =	ssyncset.done $0x0  }
0x78: {  	[sflag:s22] =	ssyncadd.s32 $0xFFFFF830  }
0x79: {  	[tilespmem:s26], [sflag:$0x7] =	stream.linear.gather [hbm4b:s17+s3], $0x7D0, $0x38;
	[tilespmem:$0x1F5E0] =	vst v63  }
0x7a: {  	_ =	swait.ge [sflag:s22], $0x7D0  }
0x7b: {  	[sflag:s22] =	ssyncset.done $0x0  }
0x7c: {  	[sflag:s22] =	ssyncadd.s32 $0xFFFFF830  }
0x7d: {  	[tilespmem:s28], [sflag:$0x2] =	stream.indirect.gather [hbm4b:s4+s25], $0x10, s25, s25, $0xb8;
	[tilespmem:$0x1F5E0] =	vst v63  }
0x7e: {  	_ =	swait.ge [sflag:s8], $0x7D00  }
0x7f: {  	[sflag:s8] =	ssyncset.done $0x0  }
0x80: {  	s11 =	simm.s32 $0xFFFFFFFC;
	s12 =	simm.s32 $0xFD0;
	[sflag:s8] =	ssyncadd.s32 $0xFFFF8300  }
0x81: {  	[spmem:s2] =	stream.indirect.scatter.add.f32 [tilespmem:s31], [sflag:$0x6], $0x10, s30, s25, $0xb8;
	[tilespmem:$0x1F5E0] =	vst v63  }
.LBB2_6:
0x82: {  	v1 =	vld [tilespmem:s12+$0xFFFFFFD0];
	_ =	sdelay $0x7  }
0x83: {  	[tilespmem:v1+s23+$0x0] =	vst.idx.add.f32.msk $0xffff, v0  }
0x84: {  	v1 =	vld [tilespmem:s12+$0xFFFFFFE0];
	_ =	sdelay $0x7  }
0x85: {  	[tilespmem:v1+s23+$0x0] =	vst.idx.add.f32.msk $0xffff, v0  }
0x86: {  	v1 =	vld [tilespmem:s12+$0xFFFFFFF0];
	_ =	sdelay $0x7  }
0x87: {  	[tilespmem:v1+s23+$0x0] =	vst.idx.add.f32.msk $0xffff, v0  }
0x88: {  	v1 =	vld [tilespmem:s12+$0x0];
	_ =	sdelay $0x1  }
0x89: {  	s11 =	sadd.s32 $0x4, s11  }
0x8a: {  	p0 =	slt.u32 s11, $0x78  }
.Ltmp2:
0x8b: {  	_ = 	snop;
	(pc) =	sbr.rel @p0 .LBB2_6-.Ltmp2, $2  }
0x8c: {  	_ =	sdelay $0x2  }
0x8d: {  	s12 =	sadd.s32 $0x40, s12;
	[tilespmem:v1+s23+$0x0] =	vst.idx.add.f32.msk $0xffff, v0  }
0x8e: {  	v1 =	vld [tilespmem:$0x1760];
	_ =	sdelay $0x7  }
0x8f: {  	[tilespmem:v1+s23+$0x0] =	vst.idx.add.f32.msk $0xffff, v0  }
0x90: {  	_ =	swait.ge [sflag:s1], $0x7D00  }
0x91: {  	[sflag:s1] =	ssyncset.done $0x0  }
0x92: {  	s11 =	simm.s32 $0xFFFFFFFC;
	s12 =	simm.s32 $0x20;
	[sflag:s1] =	ssyncadd.s32 $0xFFFF8300  }
0x93: {  	[spmem:s2] =	stream.indirect.scatter.add.f32 [tilespmem:s21], [sflag:$0x4], $0x10, s24, s25, $0xb8;
	[tilespmem:$0x1F5E0] =	vst v63  }
.LBB2_8:
0x94: {  	v1 =	vld [tilespmem:s12+$0xFFFFFFE0];
	_ =	sdelay $0x7  }
0x95: {  	[tilespmem:v1+s23+$0x0] =	vst.idx.add.f32.msk $0xffff, v0  }
0x96: {  	v1 =	vld [tilespmem:s12+$0xFFFFFFF0];
	_ =	sdelay $0x7  }
0x97: {  	[tilespmem:v1+s23+$0x0] =	vst.idx.add.f32.msk $0xffff, v0  }
0x98: {  	v1 =	vld [tilespmem:s12+$0x0];
	_ =	sdelay $0x7  }
0x99: {  	[tilespmem:v1+s23+$0x0] =	vst.idx.add.f32.msk $0xffff, v0  }
0x9a: {  	v1 =	vld [tilespmem:s12+$0x10];
	_ =	sdelay $0x1  }
0x9b: {  	s11 =	sadd.s32 $0x4, s11  }
0x9c: {  	p0 =	slt.u32 s11, $0x78  }
.Ltmp3:
0x9d: {  	_ = 	snop;
	(pc) =	sbr.rel @p0 .LBB2_8-.Ltmp3, $2  }
0x9e: {  	_ =	sdelay $0x2  }
0x9f: {  	s12 =	sadd.s32 $0x40, s12;
	[tilespmem:v1+s23+$0x0] =	vst.idx.add.f32.msk $0xffff, v0  }
0xa0: {  	v1 =	vld [tilespmem:$0x7C0];
	_ =	sdelay $0x7  }
0xa1: {  	[tilespmem:v1+s23+$0x0] =	vst.idx.add.f32.msk $0xffff, v0  }
0xa2: {  	_ =	swait.ge [sflag:s5], $0x7D00  }
0xa3: {  	[sflag:s5] =	ssyncset.done $0x0  }
0xa4: {  	s11 =	simm.s32 $0xFFFFFFFC;
	s12 =	simm.s32 $0x800;
	[sflag:s5] =	ssyncadd.s32 $0xFFFF8300  }
0xa5: {  	[spmem:s2] =	stream.indirect.scatter.add.f32 [tilespmem:s28], [sflag:$0x5], $0x10, s26, s25, $0xb8;
	[tilespmem:$0x1F5E0] =	vst v63  }
.LBB2_10:
0xa6: {  	v1 =	vld [tilespmem:s12+$0xFFFFFFD0];
	_ =	sdelay $0x7  }
0xa7: {  	[tilespmem:v1+s23+$0x0] =	vst.idx.add.f32.msk $0xffff, v0  }
0xa8: {  	v1 =	vld [tilespmem:s12+$0xFFFFFFE0];
	_ =	sdelay $0x7  }
0xa9: {  	[tilespmem:v1+s23+$0x0] =	vst.idx.add.f32.msk $0xffff, v0  }
0xaa: {  	v1 =	vld [tilespmem:s12+$0xFFFFFFF0];
	_ =	sdelay $0x7  }
0xab: {  	[tilespmem:v1+s23+$0x0] =	vst.idx.add.f32.msk $0xffff, v0  }
0xac: {  	v1 =	vld [tilespmem:s12+$0x0];
	_ =	sdelay $0x1  }
0xad: {  	s11 =	sadd.s32 $0x4, s11  }
0xae: {  	p0 =	slt.u32 s11, $0x78  }
.Ltmp4:
0xaf: {  	_ = 	snop;
	(pc) =	sbr.rel @p0 .LBB2_10-.Ltmp4, $2  }
0xb0: {  	_ =	sdelay $0x2  }
0xb1: {  	s12 =	sadd.s32 $0x40, s12;
	[tilespmem:v1+s23+$0x0] =	vst.idx.add.f32.msk $0xffff, v0  }
0xb2: {  	v1 =	vld [tilespmem:$0xF90];
	_ =	sdelay $0x7  }
0xb3: {  	[tilespmem:v1+s23+$0x0] =	vst.idx.add.f32.msk $0xffff, v0  }
0xb4: {  	_ =	swait.ge [sflag:s9], $0x7D00  }
0xb5: {  	[sflag:s9] =	ssyncset.done $0x0  }
0xb6: {  	[sflag:s9] =	ssyncadd.s32 $0xFFFF8300  }
0xb7: {  	_ =	swait.ge [sflag:s0], $0x7D00  }
0xb8: {  	[sflag:s0] =	ssyncset.done $0x0  }
0xb9: {  	[sflag:s0] =	ssyncadd.s32 $0xFFFF8300  }
0xba: {  	_ =	swait.ge [sflag:s6], $0x7D00  }
0xbb: {  	[sflag:s6] =	ssyncset.done $0x0  }
0xbc: {  	[sflag:s6] =	ssyncadd.s32 $0xFFFF8300  }
0xbd: {  	s11 =	stileid.u32;
	[bflag:$0x0] =	sbarrier.arrive $0xFFFF  }
0xbe: {  	[hbm4b:s18+s3] =	stream.linear.scatter [tilespmem:s23], [sflag:$0x7], $0x2800, $0x38;
	[tilespmem:$0x1F5E0] =	vst v63  }
0xbf: {  	s12 =	sshrl.u32 s7, $0x3;
	s10 =	sadd.s32 $0x1, s10;
	_ =	swait.ge [sflag:s22], $0x2800  }
0xc0: {  	s11 =	sshll.u32 s11, $0x6;
	p0 =	sne.s32 s10, s20;
	[sflag:s22] =	ssyncset.done $0x0  }
.Ltmp5:
0xc1: {  	s11 =	sor.u32 $0x1C07, s11;
	[sflag:s22] =	ssyncadd.s32 $0xFFFFD800;
	(pc) =	sbr.rel @p0 .LBB2_1-.Ltmp5, $4  }
0xc2: {  	[hbm:s19], [sflag:s11] =	dma.local [spmem:s12], $0x500  }
0xc3: {  	_ =	swait.ge [sflag:s22], $0x500  }
0xc4: {  	[sflag:s22] =	ssyncset.done $0x0  }
0xc5: {  	[sflag:s22] =	ssyncadd.s32 $0xFFFFFB00  }
0xc6: {  	_ =	sfence.sel $0x180000  }
0xc7: {  	[bflag:$0x0] =	sbarrier.arrive $0xFFFF  }
0xc8: {  	_ =	strace $0x90000047  }
0xc9: {  	s0 =	stileid.u32;
	[bflag:$0x2] =	sbarrier.arrive $0xFFFF  }
0xca: {  	p0 =	sne.s32 s0, $0x0;
	s0 =	rddreg [dreg:$0x2]  }
0xcb: {  	s0 =	sadd.s32 @!p0 $0x100000, s0  }
0xcc: {  	[sflag:s0] =	ssyncadd.tile.s32 @!p0 $0x1;
	_ =	shalt  }
.Lfunc_end2:
_tile_overlayer_lowered:
.L_overlay_start_2:
0xcd: {  	(tag) =	ssettag $0x2  }
0xce: {  	s0 =	rddreg [dreg:$0x0];
	s2 =	stileid.u32  }
0xcf: {  	s1 =	rddreg [dreg:$0x1];
	p0 =	sne.s32 s2, $0x0  }
0xd0: {  	s3 =	rddreg [dreg:$0x2];
	[bflag:$0x3] =	sbarrier.arrive $0xFFFF;
	s2 =	simm.s32 @!p0 $0x1C07  }
0xd1: {  	[timem:s3], [sflag:s2] =	dma.local @!p0 [hbm:s0], s1  }
0xd2: {  	s0 =	simm.s32 @!p0 $0x7  }
0xd3: {  	_ =	swait.ge @!p0 [sflag:s0], s1  }
0xd4: {  	s1 =	ssub.s32 @!p0 $0x0, s1;
	[sflag:s0] =	ssyncset.done @!p0 $0x0  }
0xd5: {  	[sflag:s0] =	ssyncadd.s32 @!p0 s1  }
0xd6: {  	[bflag:$0x3] =	sbarrier.arrive $0xFFFF  }
0xd7: {  	_ =	shalt  }

// kernel: kernel.9.cloned.1.call-start
scs
__scs_entry_jumppad:
0x0: {  	(pc) =	sbr.rel $0x88, $3  }
0x1: {  	(tag) =	ssettag $0x0;
	lr =	simm.s32 $0x1  }
0x2: {  	[smem:$0x3F99] =	sst lr;
	_ =	strace $0xD0000000  }
0x3: {  	_ = 	snop  }
0x4: {  	_ = 	snop  }
0x5: {  	_ = 	snop  }
0x6: {  	_ = 	snop  }
0x7: {  	_ = 	snop  }
__scs_overlays_trampoline_lowered:
0x8: {  	[smem:$0x3FA8] =	sst s0  }
0x9: {  	[smem:$0x3FA9] =	sst s1  }
0xa: {  	[smem:$0x3FAA] =	sst s2  }
0xb: {  	[smem:$0x3FAB] =	sst s3  }
0xc: {  	[smem:$0x3FAC] =	sst s4  }
0xd: {  	[smem:$0x3FAD] =	sst s5  }
0xe: {  	[smem:$0x3FAE] =	sst s6  }
0xf: {  	[smem:$0x3FAF] =	sst s7  }
0x10: {  	[smem:$0x3FB0] =	sst s8  }
0x11: {  	[smem:$0x3FB1] =	sst s9;
	s0 =	simm.s32 @!p0 $0x0  }
0x12: {  	s1 =	sld [smem:$0x3F97];
	s0 =	simm.s32 @p0 $0x1  }
0x13: {  	[smem:$0x3FB2] =	sst s0;
	s0 =	simm.s32 @!p1 $0x0  }
0x14: {  	s2 =	sld [smem:$0x3F96];
	s0 =	simm.s32 @p1 $0x1  }
0x15: {  	[smem:$0x3FB3] =	sst s0;
	s0 =	simm.s32 @!p2 $0x0  }
0x16: {  	s3 =	sld [smem:$0x3FDB];
	s0 =	simm.s32 @p2 $0x1  }
0x17: {  	s4 =	simm.s32 $0x1BF5;
	[smem:$0x3FB5] =	sst s0  }
0x18: {  	s0 =	sld [smem:$0x3F98];
	_ =	swait.ge [sflag:s4], $0x0  }
0x19: {  	s7 =	sld [smem:$0x3F99]  }
0x1a: {  	s8 =	sadd.s32 $0xFFFFE003, lr  }
0x1b: {  	s9 =	sadd.s32 $0xFFFFFEF7, lr;
	s5 =	simm.s32 $0xFFFFFFFF;
	p2 =	slt.u32 s8, $0xFFFFF086  }
0x1c: {  	p1 =	slt.u32 s9, $0xF7A;
	s5 =	simm.s32 @!p2 $0x0  }
0x1d: {  	s5 =	simm.s32 @p1 $0x1;
	p0 =	seq.s32 s7, s2  }
0x1e: {  	s7 =	smul.u32 @!p0 $0xF7A, s2;
	p2 =	seq.s32 @!p0 s5, $0x0  }
0x1f: {  	s9 =	smul.u32 $0xF7A, s1;
	s8 =	simm.s32 @!p0 $0x1BF5;
	p2 =	por !p2, p0  }
0x20: {  	[sflag:s8] =	ssyncset.s32 @!p0 $0xFFFFF086;
	s6 =	sadd.s32 @!p0 s3, s7;
	s7 =	simm.s32 @!p0 $0x108  }
0x21: {  	s3 =	sadd.s32 s3, s9;
	s6 =	sadd.s32 @!p0 $0x88, s6;
	s7 =	simm.s32 @p2 $0x1082  }
0x22: {  	[simem:s7], [sflag:s8] =	dma.local @!p0 [hbm:s6], $0xF7A  }
0x23: {  	s9 =	sor.u32 $0xD0000000, s2;
	s6 =	simm.s32 $0x108;
	_ =	swait.ge @!p0 [sflag:s8], $0x0  }
0x24: {  	s3 =	sadd.s32 $0x88, s3;
	s6 =	simm.s32 @!p1 $0x1082;
	[sflag:s4] =	ssyncset.s32 $0xFFFFF086  }
0x25: {  	[simem:s6], [sflag:s4] =	dma.local [hbm:s3], $0xF7A  }
0x26: {  	[smem:$0x3F99] =	sst s1;
	(tag) =	ssettag s2;
	_ =	strace s9  }
0x27: {  	s1 =	sld [smem:$0x3FA9]  }
0x28: {  	s2 =	sld [smem:$0x3FAA]  }
0x29: {  	s4 =	sld [smem:$0x3FAC]  }
0x2a: {  	p0 =	seq.s32 s5, $0x0;
	s5 =	sld [smem:$0x3FAD]  }
0x2b: {  	s6 =	sld [smem:$0x3FAE]  }
0x2c: {  	s7 =	sld [smem:$0x3FAF]  }
0x2d: {  	s3 =	simm.s32 $0x108;
	s8 =	sld [smem:$0x3FB0]  }
0x2e: {  	s3 =	simm.s32 @!p0 $0x1082;
	s9 =	sld [smem:$0x3FB1]  }
0x2f: {  	lr =	sadd.s32 s0, s3;
	s0 =	sld [smem:$0x3FA8]  }
0x30: {  	s3 =	sld [smem:$0x3FAB]  }
0x31: {  	[smem:$0x3FB4] =	sst s10  }
0x32: {  	s10 =	sld [smem:$0x3FB2];
	_ =	sdelay $0x3  }
0x33: {  	p0 =	seq.s32 s10, $0x1;
	s10 =	sld [smem:$0x3FB4];
	_ =	sdelay $0x3  }
0x34: {  	[smem:$0x3FB4] =	sst s10  }
0x35: {  	s10 =	sld [smem:$0x3FB3];
	_ =	sdelay $0x3  }
0x36: {  	p1 =	seq.s32 s10, $0x1;
	s10 =	sld [smem:$0x3FB4];
	_ =	sdelay $0x3  }
0x37: {  	[smem:$0x3FB4] =	sst s10  }
0x38: {  	s10 =	sld [smem:$0x3FB5]  }
0x39: {  	_ = 	snop;
	(pc) =	sbr.ind lr, $3  }
0x3a: {  	_ = 	snop  }
0x3b: {  	_ = 	snop  }
0x3c: {  	p2 =	seq.s32 s10, $0x1;
	s10 =	sld [smem:$0x3FB4]  }
0x3d: {  	_ =	shalt  }
0x3e: {  	_ =	shalt  }
0x3f: {  	_ =	shalt  }
0x40: {  	_ =	shalt  }
0x41: {  	_ =	shalt  }
0x42: {  	_ =	shalt  }
0x43: {  	_ =	shalt  }
0x44: {  	_ =	shalt  }
0x45: {  	_ =	shalt  }
0x46: {  	_ =	shalt  }
0x47: {  	_ =	shalt  }
0x48: {  	_ =	shalt  }
0x49: {  	_ =	shalt  }
0x4a: {  	_ =	shalt  }
0x4b: {  	_ =	shalt  }
0x4c: {  	_ =	shalt  }
0x4d: {  	_ =	shalt  }
0x4e: {  	_ =	shalt  }
0x4f: {  	_ =	shalt  }
0x50: {  	_ =	shalt  }
0x51: {  	_ =	shalt  }
0x52: {  	_ =	shalt  }
0x53: {  	_ =	shalt  }
0x54: {  	_ =	shalt  }
0x55: {  	_ =	shalt  }
0x56: {  	_ =	shalt  }
0x57: {  	_ =	shalt  }
0x58: {  	_ =	shalt  }
0x59: {  	_ =	shalt  }
0x5a: {  	_ =	shalt  }
0x5b: {  	_ =	shalt  }
0x5c: {  	_ =	shalt  }
0x5d: {  	_ =	shalt  }
0x5e: {  	_ =	shalt  }
0x5f: {  	_ =	shalt  }
0x60: {  	_ =	shalt  }
0x61: {  	_ =	shalt  }
0x62: {  	_ =	shalt  }
0x63: {  	_ =	shalt  }
0x64: {  	_ =	shalt  }
0x65: {  	_ =	shalt  }
0x66: {  	_ =	shalt  }
0x67: {  	_ =	shalt  }
0x68: {  	_ =	shalt  }
0x69: {  	_ =	shalt  }
0x6a: {  	_ =	shalt  }
0x6b: {  	_ =	shalt  }
0x6c: {  	_ =	shalt  }
0x6d: {  	_ =	shalt  }
0x6e: {  	_ =	shalt  }
0x6f: {  	_ =	shalt  }
0x70: {  	_ =	shalt  }
0x71: {  	_ =	shalt  }
0x72: {  	_ =	shalt  }
0x73: {  	_ =	shalt  }
0x74: {  	_ =	shalt  }
0x75: {  	_ =	shalt  }
0x76: {  	_ =	shalt  }
0x77: {  	_ =	shalt  }
0x78: {  	_ =	shalt  }
0x79: {  	_ =	shalt  }
0x7a: {  	_ =	shalt  }
0x7b: {  	_ =	shalt  }
0x7c: {  	_ =	shalt  }
0x7d: {  	_ =	shalt  }
0x7e: {  	_ =	shalt  }
0x7f: {  	_ =	shalt  }
0x80: {  	_ =	shalt  }
0x81: {  	_ =	shalt  }
0x82: {  	_ =	shalt  }
0x83: {  	_ =	shalt  }
0x84: {  	_ =	shalt  }
0x85: {  	_ =	shalt  }
0x86: {  	_ =	shalt  }
0x87: {  	_ =	shalt  }
.Lfunc_end0:
.L_simem_size_0:
called_computation.1_lowered:
.L_overlay_start_0:
0x88: {  	s2 =	sld [smem:$0x3FD9]  }
0x89: {  	s3 =	sld [smem:$0x3FFE];
	_ =	sdelay $0x1  }
0x8a: {  	s1 =	srdreg.scid  }
0x8b: {  	s0 =	sand.u32 $0x1, s1  }
0x8c: {  	s17 =	sshll.u32 s0, $0xA;
	s2 =	sadd.s32 s3, s2  }
0x8d: {  	s2 =	sadd.s32 s2, s17  }
0x8e: {  	[smem:$0x3FC0] =	sst s2  }
0x8f: {  	_ = 	snop  }
0x90: {  	s2 =	sld [smem:$0x3FC6]  }
0x91: {  	s18 =	sld [smem:$0x3FD0];
	(tm) =	ssettm $0x1  }
0x92: {  	s4 =	sld [smem:$0x3FFB];
	_ =	sdelay $0x3  }
0x93: {  	_ =	strace s4  }
0x94: {  	s4 =	sld [smem:$0x3FFC];
	_ =	sdelay $0x3  }
0x95: {  	_ =	strace s4  }
0x96: {  	s4 =	sld [smem:$0x3FFD];
	_ =	sdelay $0x3  }
0x97: {  	_ =	strace s4  }
0x98: {  	_ =	strace $0x8FFFFFFF  }
0x99: {  	s19 =	sld [smem:$0x3FDB];
	_ =	sdelay $0x1  }
0x9a: {  	s5 =	simm.s32 $_scs_section_size  }
0x9b: {  	s6 =	simm.s32 $_size__tile_overlayer_lowered;
	s7 =	simm.s32 $_tile_overlayer_lowered  }
0x9c: {  	s22 =	simm.s32 $0x1BFF;
	s21 =	sshll.u32 s7, $0x1;
	s4 =	sadd.s32 s5, s19  }
0x9d: {  	s8 =	simm.s32 $0x0;
	s20 =	sshll.u32 s6, $0x1;
	s6 =	sadd.s32 s21, s4  }
0x9e: {  	[timem:s8], [sflag:s22] =	dma.local [hbm:s6], s20  }
0x9f: {  	_ =	swait.ge [sflag:s22], s20  }
0xa0: {  	s5 =	ssub.s32 $0x0, s20;
	[sflag:s22] =	ssyncset.done $0x0  }
0xa1: {  	[sflag:s22] =	ssyncadd.s32 s5;
	_ =	sdelay $0x1  }
0xa2: {  	s23 =	simm.s32 $0x1B8B  }
0xa3: {  	_ =	swait.ge [sflag:s23], $0x1  }
0xa4: {  	[sflag:s23] =	ssyncset.done $0x0  }
0xa5: {  	s25 =	simm.s32 $0x1B8E;
	s24 =	sld [smem:$0x3FFE];
	[sflag:s23] =	ssyncadd.s32 $0xFFFFFFFF  }
0xa6: {  	s26 =	simm.s32 $execute0_lowered;
	[smem:$0x3FD2] =	sst s25  }
0xa7: {  	s6 =	sshll.u32 s26, $0x1;
	_ =	strace $0x80000049;
	[dreg:$0x1] =	wrdreg $0xFFFFFFFF  }
0xa8: {  	s28 =	simm.s32 $_size_execute0_lowered;
	s4 =	sadd.s32 s4, s6;
	[dreg:$0x0] =	wrdreg $0x0  }
0xa9: {  	s6 =	sshll.u32 s28, $0x1;
	[dreg:$0x2] =	wrdreg s4  }
0xaa: {  	[dreg:$0x3] =	wrdreg s6  }
0xab: {  	[dreg:$0x4] =	wrdreg $0xC0  }
0xac: {  	_ =	task [dreg:s8], $0x5FFFF  }
0xad: {  	[dreg:$0x1] =	wrdreg $0xFFFFFFFF  }
0xae: {  	[dreg:$0x0] =	wrdreg $0x60  }
0xaf: {  	[dreg:$0x2] =	wrdreg s24  }
0xb0: {  	[dreg:$0x3] =	wrdreg s2  }
0xb1: {  	[dreg:$0x4] =	wrdreg s18  }
0xb2: {  	[dreg:$0x5] =	wrdreg $0x50200  }
0xb3: {  	[dreg:$0x6] =	wrdreg $0x9  }
0xb4: {  	_ =	task.clear_ibuf [dreg:s8], $0x7FFFF;
	_ =	strace $0x90000049  }
0xb5: {  	s29 =	simm.s32 $0x9;
	_ =	strace $0x8000004B  }
0xb6: {  	_ =	swait.ge [sflag:s29], $0x1  }
0xb7: {  	[sflag:s29] =	ssyncadd.s32 $0xFFFFFFFF  }
0xb8: {  	_ =	strace $0x9000004B  }
0xb9: {  	_ =	sfence  }
0xba: {  	s30 =	sld [smem:$0x0];
	_ =	sdelay $0x2  }
0xbb: {  	s31 =	sshll.u32 s1, $0xD;
	s1 =	sshrl.u32 s1, $0x2  }
0xbc: {  	s3 =	sand.u32 $0x4000, s31;
	s1 =	sadd.s32 s1, s30  }
0xbd: {  	s0 =	sor.u32 s3, s0;
	s1 =	sshll.u32 s1, $0x11  }
0xbe: {  	s0 =	sor.u32 s1, s0  }
0xbf: {  	s0 =	sadd.s32 $0x8F2B, s0  }
0xc0: {  	[sflag:s0] =	ssyncadd.remote.s32 $0x1  }
0xc1: {  	_ =	sfence.sel $0xFFFF  }
0xc2: {  	[dreg:$0x0] =	wrdreg $0xFFFFFFFF;
	(pc) =	sbr.abs _section_cstart, $3  }
0xc3: {  	[dreg:$0x1] =	wrdreg $0xFFFFFFFF  }
0xc4: {  	_ =	task.clear_ibuf [dreg:s8], $0x2FFFF;
	_ =	strace $0x9FFFFFFF  }
0xc5: {  	(tm) =	ssettm $0x7FFFFFFF  }
tec
execute0_lowered:
.L_overlay_start_1:
0x0: {  	(tag) =	ssettag $0x1  }
0x1: {  	s0 =	rddreg [dreg:$0x0]  }
0x2: {  	s1 =	rddreg [dreg:$0x2]  }
0x3: {  	s2 =	srdreg.scid;
	s10 =	rddreg [dreg:$0x3]  }
0x4: {  	s8 =	stileid.u32;
	s3 =	simm.s32 $0x0;
	s2 =	sand.u32 $0x1, s2  }
0x5: {  	s5 =	smul.u32 $0x140, s8;
	[smem:$0x7FF] =	sst s3;
	p0 =	sne.s32 s8, $0x0  }
0x6: {  	s17 =	sadd.s32 $0x20, s10;
	s4 =	smul.u32 $0x1400, s2;
	_ =	strace $0x8000004A  }
0x7: {  	s16 =	sshll.u32 s2, $0x1;
	[dreg:$0x15] =	wrdreg s17;
	s17 =	sadd.s32 $0x80, s10  }
0x8: {  	[dreg:$0x1b] =	wrdreg s17;
	s17 =	sadd.s32 $0xE0, s10;
	s4 =	sadd.s32 s5, s4  }
0x9: {  	[smem:$0x7FC] =	sst s17;
	s5 =	sshll.u32 s4, $0x1;
	s4 =	sshrl.u32 s4, $0x3  }
0xa: {  	s5 =	sadd.s32 s5, s0;
	s7 =	sadd.s32 s4, s0;
	s0 =	sadd.s32 s1, s16  }
0xb: {  	s8 =	sshll.u32 s8, $0x4;
	s16 =	sadd.s32 $0x70, s10;
	[dreg:$0x13] =	wrdreg s0  }
0xc: {  	s6 =	ssub.s32 $0x2, s2;
	s21 =	sadd.s32 $0x1AE00, s5;
	[dreg:$0x1a] =	wrdreg s16  }
0xd: {  	s8 =	sadd.s32 s8, s10;
	s22 =	sadd.s32 $0x1FE00, s5;
	[dreg:$0x5] =	wrdreg s21  }
0xe: {  	s20 =	sshrl.u32 s6, $0x1;
	s23 =	sadd.s32 $0x24E00, s7;
	[dreg:$0x6] =	wrdreg s22  }
0xf: {  	s9 =	ssub.s32 s6, s20;
	s24 =	sadd.s32 $0x25300, s7;
	[dreg:$0x7] =	wrdreg s23  }
0x10: {  	s9 =	smax.u32 s9, $0x1;
	s25 =	sadd.s32 $0x25800, s7;
	[dreg:$0x8] =	wrdreg s24  }
0x11: {  	s26 =	sadd.s32 $0x25D00, s7;
	s4 =	sadd.s32 $0x26200, s7;
	[dreg:$0x9] =	wrdreg s25  }
0x12: {  	s5 =	sadd.s32 $0x26700, s7;
	s6 =	sadd.s32 $0x26C00, s7;
	[dreg:$0xa] =	wrdreg s26  }
0x13: {  	s11 =	sadd.s32 $0x27100, s7;
	s12 =	sadd.s32 $0x27600, s7;
	[dreg:$0xb] =	wrdreg s4  }
0x14: {  	s13 =	sadd.s32 $0x27B00, s7;
	s14 =	sadd.s32 $0x28000, s7;
	[dreg:$0xc] =	wrdreg s5  }
0x15: {  	s15 =	sadd.s32 $0x28500, s7;
	s18 =	sadd.s32 $0x28A00, s7;
	[dreg:$0xd] =	wrdreg s6  }
0x16: {  	s19 =	sadd.s32 $0x28F00, s7;
	s20 =	sadd.s32 $0x29400, s7;
	[dreg:$0xe] =	wrdreg s11  }
0x17: {  	s28 =	sadd.s32 $0x2B200, s7;
	s29 =	sadd.s32 $0x2B700, s7;
	[dreg:$0xf] =	wrdreg s12  }
0x18: {  	s30 =	sadd.s32 $0x2BC00, s7;
	s31 =	sadd.s32 $0x2C100, s7;
	[dreg:$0x10] =	wrdreg s13  }
0x19: {  	s1 =	sadd.s32 $0x2C600, s7;
	s2 =	sadd.s32 $0x2D000, s7;
	[dreg:$0x11] =	wrdreg s14  }
0x1a: {  	s0 =	sadd.s32 $0x2D500, s7;
	s16 =	sadd.s32 $0xD0, s10;
	[dreg:$0x12] =	wrdreg s15  }
0x1b: {  	s22 =	sadd.s32 $0x29900, s7;
	s11 =	sadd.s32 $0x10, s10;
	[smem:$0x7FB] =	sst s16  }
0x1c: {  	s23 =	sadd.s32 $0x29E00, s7;
	s12 =	sadd.s32 $0x30, s10;
	[dreg:$0x14] =	wrdreg s11  }
0x1d: {  	s24 =	sadd.s32 $0x2A300, s7;
	s13 =	sadd.s32 $0x40, s10;
	[dreg:$0x16] =	wrdreg s12  }
0x1e: {  	s25 =	sadd.s32 $0x2A800, s7;
	s14 =	sadd.s32 $0x50, s10;
	[dreg:$0x17] =	wrdreg s13  }
0x1f: {  	s26 =	sadd.s32 $0x2AD00, s7;
	s15 =	sadd.s32 $0x60, s10;
	[dreg:$0x18] =	wrdreg s14  }
0x20: {  	s21 =	sadd.s32 $0x2CB00, s7;
	[dreg:$0x19] =	wrdreg s15;
	s12 =	sadd.s32 $0x90, s10  }
0x21: {  	s4 =	sadd.s32 $0x2DA00, s7;
	s13 =	sadd.s32 $0xA0, s10;
	[dreg:$0x1c] =	wrdreg s12  }
.Ltmp0:
0x22: {  	s14 =	sadd.s32 $0xB0, s10;
	[dreg:$0x1d] =	wrdreg s13;
	(pc) =	sbr.rel .LBB2_1-.Ltmp0, $4  }
0x23: {  	s5 =	sadd.s32 $0x2DF00, s7;
	s15 =	sadd.s32 $0xC0, s10;
	[dreg:$0x1e] =	wrdreg s14  }
0x24: {  	s6 =	sadd.s32 $0x2E400, s7;
	s10 =	sadd.s32 $0xF0, s10;
	[dreg:$0x1f] =	wrdreg s15  }
0x25: {  	s7 =	sadd.s32 $0x2E900, s7;
	s11 =	simm.s32 $0x5010;
	[smem:$0x7FD] =	sst s10  }
0x26: {  	s10 =	simm.s32 $0x1;
	s12 =	simm.s32 $0x2;
	s13 =	simm.s32 $0x0  }
.LBB2_5:
0x27: {  	s13 =	sadd.s32 $0x1, s13  }
0x28: {  	p1 =	sne.s32 s13, s9  }
.Ltmp1:
0x29: {  	_ = 	snop;
	(pc) =	sbr.rel @!p1 .LBB2_6-.Ltmp1, $1  }
0x2a: {  	_ =	sdelay $0x3  }
.LBB2_1:
0x2b: {  	s14 =	rddreg [dreg:$0x1];
	s15 =	simm.s32 $0x5000  }
0x2c: {  	[tilespmem:s15], [sflag:$0x1] =	stream.linear.gather [hbm4b:s14+s3], $0x10, $0x38;
	[tilespmem:$0x5030] =	vst v63  }
0x2d: {  	s15 =	rddreg [dreg:$0x5]  }
0x2e: {  	[tilespmem:s3], [sflag:$0x1] =	stream.linear.gather [hbm4b:s15+s3], $0x1400, $0x38;
	[tilespmem:$0x5030] =	vst v63  }
0x2f: {  	s16 =	rddreg [dreg:$0x6];
	s17 =	simm.s32 $0x1400  }
0x30: {  	[tilespmem:s17], [sflag:$0x1] =	stream.linear.gather [hbm4b:s16+s3], $0x1400, $0x38;
	[tilespmem:$0x5030] =	vst v63  }
0x31: {  	s16 =	rddreg [dreg:$0x7];
	s17 =	simm.s32 $0x2800  }
0x32: {  	[tilespmem:s17], [sflag:$0x1] =	stream.linear.gather [hbm4b:s16+s3], $0x140, $0x38;
	[tilespmem:$0x5030] =	vst v63  }
0x33: {  	s16 =	rddreg [dreg:$0x8];
	s17 =	simm.s32 $0x2940  }
0x34: {  	[tilespmem:s17], [sflag:$0x1] =	stream.linear.gather [hbm4b:s16+s3], $0x140, $0x38;
	[tilespmem:$0x5030] =	vst v63  }
0x35: {  	s16 =	rddreg [dreg:$0x9];
	s17 =	simm.s32 $0x2A80  }
0x36: {  	[tilespmem:s17], [sflag:$0x1] =	stream.linear.gather [hbm4b:s16+s3], $0x140, $0x38;
	[tilespmem:$0x5030] =	vst v63  }
0x37: {  	s16 =	rddreg [dreg:$0xa];
	s17 =	simm.s32 $0x2BC0  }
0x38: {  	[tilespmem:s17], [sflag:$0x1] =	stream.linear.gather [hbm4b:s16+s3], $0x140, $0x38;
	[tilespmem:$0x5030] =	vst v63  }
0x39: {  	s16 =	rddreg [dreg:$0xb];
	s17 =	simm.s32 $0x2D00  }
0x3a: {  	[tilespmem:s17], [sflag:$0x1] =	stream.linear.gather [hbm4b:s16+s3], $0x140, $0x38;
	[tilespmem:$0x5030] =	vst v63  }
0x3b: {  	s16 =	rddreg [dreg:$0xc];
	s17 =	simm.s32 $0x2E40  }
0x3c: {  	[tilespmem:s17], [sflag:$0x1] =	stream.linear.gather [hbm4b:s16+s3], $0x140, $0x38;
	[tilespmem:$0x5030] =	vst v63  }
0x3d: {  	s16 =	rddreg [dreg:$0xd];
	s17 =	simm.s32 $0x2F80  }
0x3e: {  	[tilespmem:s17], [sflag:$0x1] =	stream.linear.gather [hbm4b:s16+s3], $0x140, $0x38;
	[tilespmem:$0x5030] =	vst v63  }
0x3f: {  	s16 =	rddreg [dreg:$0xe];
	s17 =	simm.s32 $0x30C0  }
0x40: {  	[tilespmem:s17], [sflag:$0x1] =	stream.linear.gather [hbm4b:s16+s3], $0x140, $0x38;
	[tilespmem:$0x5030] =	vst v63  }
0x41: {  	s16 =	rddreg [dreg:$0xf];
	s17 =	simm.s32 $0x3200  }
0x42: {  	[tilespmem:s17], [sflag:$0x1] =	stream.linear.gather [hbm4b:s16+s3], $0x140, $0x38;
	[tilespmem:$0x5030] =	vst v63  }
0x43: {  	s16 =	rddreg [dreg:$0x10];
	s17 =	simm.s32 $0x3340  }
0x44: {  	[tilespmem:s17], [sflag:$0x1] =	stream.linear.gather [hbm4b:s16+s3], $0x140, $0x38;
	[tilespmem:$0x5030] =	vst v63  }
0x45: {  	s16 =	rddreg [dreg:$0x11];
	s17 =	simm.s32 $0x3480  }
0x46: {  	[tilespmem:s17], [sflag:$0x1] =	stream.linear.gather [hbm4b:s16+s3], $0x140, $0x38;
	[tilespmem:$0x5030] =	vst v63  }
0x47: {  	s16 =	rddreg [dreg:$0x12];
	s17 =	simm.s32 $0x35C0  }
0x48: {  	[tilespmem:s17], [sflag:$0x1] =	stream.linear.gather [hbm4b:s16+s3], $0x140, $0x38;
	[tilespmem:$0x5030] =	vst v63  }
0x49: {  	s16 =	simm.s32 $0x3700  }
0x4a: {  	[tilespmem:s16], [sflag:$0x1] =	stream.linear.gather [hbm4b:s18+s3], $0x140, $0x38;
	[tilespmem:$0x5030] =	vst v63  }
0x4b: {  	s17 =	simm.s32 $0x3840  }
0x4c: {  	[tilespmem:s17], [sflag:$0x1] =	stream.linear.gather [hbm4b:s19+s3], $0x140, $0x38;
	[tilespmem:$0x5030] =	vst v63  }
0x4d: {  	s15 =	simm.s32 $0x3980  }
0x4e: {  	[tilespmem:s15], [sflag:$0x1] =	stream.linear.gather [hbm4b:s20+s3], $0x140, $0x38;
	[tilespmem:$0x5030] =	vst v63  }
0x4f: {  	s16 =	simm.s32 $0x3AC0  }
0x50: {  	[tilespmem:s16], [sflag:$0x1] =	stream.linear.gather [hbm4b:s22+s3], $0x140, $0x38;
	[tilespmem:$0x5030] =	vst v63  }
0x51: {  	s14 =	simm.s32 $0x3C00  }
0x52: {  	[tilespmem:s14], [sflag:$0x1] =	stream.linear.gather [hbm4b:s23+s3], $0x140, $0x38;
	[tilespmem:$0x5030] =	vst v63  }
0x53: {  	s17 =	simm.s32 $0x3D40  }
0x54: {  	[tilespmem:s17], [sflag:$0x1] =	stream.linear.gather [hbm4b:s24+s3], $0x140, $0x38;
	[tilespmem:$0x5030] =	vst v63  }
0x55: {  	s16 =	simm.s32 $0x3E80  }
0x56: {  	[tilespmem:s16], [sflag:$0x1] =	stream.linear.gather [hbm4b:s25+s3], $0x140, $0x38;
	[tilespmem:$0x5030] =	vst v63  }
0x57: {  	s17 =	simm.s32 $0x3FC0  }
0x58: {  	[tilespmem:s17], [sflag:$0x1] =	stream.linear.gather [hbm4b:s26+s3], $0x140, $0x38;
	[tilespmem:$0x5030] =	vst v63  }
0x59: {  	s16 =	simm.s32 $0x4100  }
0x5a: {  	[tilespmem:s16], [sflag:$0x1] =	stream.linear.gather [hbm4b:s28+s3], $0x140, $0x38;
	[tilespmem:$0x5030] =	vst v63  }
0x5b: {  	s17 =	simm.s32 $0x4240  }
0x5c: {  	[tilespmem:s17], [sflag:$0x1] =	stream.linear.gather [hbm4b:s29+s3], $0x140, $0x38;
	[tilespmem:$0x5030] =	vst v63  }
0x5d: {  	s16 =	simm.s32 $0x4380  }
0x5e: {  	[tilespmem:s16], [sflag:$0x1] =	stream.linear.gather [hbm4b:s30+s3], $0x140, $0x38;
	[tilespmem:$0x5030] =	vst v63  }
0x5f: {  	s17 =	simm.s32 $0x44C0  }
0x60: {  	[tilespmem:s17], [sflag:$0x1] =	stream.linear.gather [hbm4b:s31+s3], $0x140, $0x38;
	[tilespmem:$0x5030] =	vst v63  }
0x61: {  	s16 =	simm.s32 $0x4600  }
0x62: {  	[tilespmem:s16], [sflag:$0x1] =	stream.linear.gather [hbm4b:s1+s3], $0x140, $0x38;
	[tilespmem:$0x5030] =	vst v63  }
0x63: {  	s17 =	simm.s32 $0x4740  }
0x64: {  	[tilespmem:s17], [sflag:$0x1] =	stream.linear.gather [hbm4b:s21+s3], $0x140, $0x38;
	[tilespmem:$0x5030] =	vst v63  }
0x65: {  	s16 =	simm.s32 $0x4880  }
0x66: {  	[tilespmem:s16], [sflag:$0x1] =	stream.linear.gather [hbm4b:s2+s3], $0x140, $0x38;
	[tilespmem:$0x5030] =	vst v63  }
0x67: {  	s17 =	simm.s32 $0x49C0  }
0x68: {  	[tilespmem:s17], [sflag:$0x1] =	stream.linear.gather [hbm4b:s0+s3], $0x140, $0x38;
	[tilespmem:$0x5030] =	vst v63  }
0x69: {  	s16 =	simm.s32 $0x4B00  }
0x6a: {  	[tilespmem:s16], [sflag:$0x1] =	stream.linear.gather [hbm4b:s4+s3], $0x140, $0x38;
	[tilespmem:$0x5030] =	vst v63  }
0x6b: {  	s17 =	simm.s32 $0x4C40  }
0x6c: {  	[tilespmem:s17], [sflag:$0x1] =	stream.linear.gather [hbm4b:s5+s3], $0x140, $0x38;
	[tilespmem:$0x5030] =	vst v63  }
0x6d: {  	s16 =	simm.s32 $0x4D80  }
0x6e: {  	[tilespmem:s16], [sflag:$0x1] =	stream.linear.gather [hbm4b:s6+s3], $0x140, $0x38;
	[tilespmem:$0x5030] =	vst v63  }
0x6f: {  	s17 =	simm.s32 $0x4EC0  }
0x70: {  	[tilespmem:s17], [sflag:$0x1] =	stream.linear.gather [hbm4b:s7+s3], $0x140, $0x38;
	[tilespmem:$0x5030] =	vst v63  }
0x71: {  	_ =	swait.ge [sflag:s10], $0x10  }
0x72: {  	[sflag:s10] =	ssyncset.done $0x0  }
0x73: {  	[sflag:s10] =	ssyncadd.s32 $0xFFFFFFF0  }
0x74: {  	_ =	swait.ge [sflag:s10], $0x1400  }
0x75: {  	[sflag:s10] =	ssyncset.done $0x0  }
0x76: {  	[sflag:s10] =	ssyncadd.s32 $0xFFFFEC00  }
0x77: {  	_ =	swait.ge [sflag:s10], $0x1400  }
0x78: {  	[sflag:s10] =	ssyncset.done $0x0  }
0x79: {  	[sflag:s10] =	ssyncadd.s32 $0xFFFFEC00  }
0x7a: {  	_ =	swait.ge [sflag:s10], $0x140  }
0x7b: {  	[sflag:s10] =	ssyncset.done $0x0  }
0x7c: {  	[sflag:s10] =	ssyncadd.s32 $0xFFFFFEC0  }
0x7d: {  	_ =	swait.ge [sflag:s10], $0x140  }
0x7e: {  	[sflag:s10] =	ssyncset.done $0x0  }
0x7f: {  	[sflag:s10] =	ssyncadd.s32 $0xFFFFFEC0  }
0x80: {  	_ =	swait.ge [sflag:s10], $0x140  }
0x81: {  	[sflag:s10] =	ssyncset.done $0x0  }
0x82: {  	[sflag:s10] =	ssyncadd.s32 $0xFFFFFEC0  }
0x83: {  	_ =	swait.ge [sflag:s10], $0x140  }
0x84: {  	[sflag:s10] =	ssyncset.done $0x0  }
0x85: {  	[sflag:s10] =	ssyncadd.s32 $0xFFFFFEC0  }
0x86: {  	_ =	swait.ge [sflag:s10], $0x140  }
0x87: {  	[sflag:s10] =	ssyncset.done $0x0  }
0x88: {  	[sflag:s10] =	ssyncadd.s32 $0xFFFFFEC0  }
0x89: {  	_ =	swait.ge [sflag:s10], $0x140  }
0x8a: {  	[sflag:s10] =	ssyncset.done $0x0  }
0x8b: {  	[sflag:s10] =	ssyncadd.s32 $0xFFFFFEC0  }
0x8c: {  	_ =	swait.ge [sflag:s10], $0x140  }
0x8d: {  	[sflag:s10] =	ssyncset.done $0x0  }
0x8e: {  	[sflag:s10] =	ssyncadd.s32 $0xFFFFFEC0  }
0x8f: {  	_ =	swait.ge [sflag:s10], $0x140  }
0x90: {  	[sflag:s10] =	ssyncset.done $0x0  }
0x91: {  	[sflag:s10] =	ssyncadd.s32 $0xFFFFFEC0  }
0x92: {  	_ =	swait.ge [sflag:s10], $0x140  }
0x93: {  	[sflag:s10] =	ssyncset.done $0x0  }
0x94: {  	[sflag:s10] =	ssyncadd.s32 $0xFFFFFEC0  }
0x95: {  	_ =	swait.ge [sflag:s10], $0x140  }
0x96: {  	[sflag:s10] =	ssyncset.done $0x0  }
0x97: {  	[sflag:s10] =	ssyncadd.s32 $0xFFFFFEC0  }
0x98: {  	_ =	swait.ge [sflag:s10], $0x140  }
0x99: {  	[sflag:s10] =	ssyncset.done $0x0  }
0x9a: {  	[sflag:s10] =	ssyncadd.s32 $0xFFFFFEC0  }
0x9b: {  	_ =	swait.ge [sflag:s10], $0x140  }
0x9c: {  	[sflag:s10] =	ssyncset.done $0x0  }
0x9d: {  	[sflag:s10] =	ssyncadd.s32 $0xFFFFFEC0  }
0x9e: {  	_ =	swait.ge [sflag:s10], $0x140  }
0x9f: {  	[sflag:s10] =	ssyncset.done $0x0  }
0xa0: {  	[sflag:s10] =	ssyncadd.s32 $0xFFFFFEC0  }
0xa1: {  	_ =	swait.ge [sflag:s10], $0x140  }
0xa2: {  	[sflag:s10] =	ssyncset.done $0x0  }
0xa3: {  	[sflag:s10] =	ssyncadd.s32 $0xFFFFFEC0  }
0xa4: {  	_ =	swait.ge [sflag:s10], $0x140  }
0xa5: {  	[sflag:s10] =	ssyncset.done $0x0  }
0xa6: {  	[sflag:s10] =	ssyncadd.s32 $0xFFFFFEC0  }
0xa7: {  	_ =	swait.ge [sflag:s10], $0x140  }
0xa8: {  	[sflag:s10] =	ssyncset.done $0x0  }
0xa9: {  	[sflag:s10] =	ssyncadd.s32 $0xFFFFFEC0  }
0xaa: {  	_ =	swait.ge [sflag:s10], $0x140  }
0xab: {  	[sflag:s10] =	ssyncset.done $0x0  }
0xac: {  	[sflag:s10] =	ssyncadd.s32 $0xFFFFFEC0  }
0xad: {  	_ =	swait.ge [sflag:s10], $0x140  }
0xae: {  	[sflag:s10] =	ssyncset.done $0x0  }
0xaf: {  	[sflag:s10] =	ssyncadd.s32 $0xFFFFFEC0  }
0xb0: {  	_ =	swait.ge [sflag:s10], $0x140  }
0xb1: {  	[sflag:s10] =	ssyncset.done $0x0  }
0xb2: {  	[sflag:s10] =	ssyncadd.s32 $0xFFFFFEC0  }
0xb3: {  	_ =	swait.ge [sflag:s10], $0x140  }
0xb4: {  	[sflag:s10] =	ssyncset.done $0x0  }
0xb5: {  	[sflag:s10] =	ssyncadd.s32 $0xFFFFFEC0  }
0xb6: {  	_ =	swait.ge [sflag:s10], $0x140  }
0xb7: {  	[sflag:s10] =	ssyncset.done $0x0  }
0xb8: {  	[sflag:s10] =	ssyncadd.s32 $0xFFFFFEC0  }
0xb9: {  	_ =	swait.ge [sflag:s10], $0x140  }
0xba: {  	[sflag:s10] =	ssyncset.done $0x0  }
0xbb: {  	[sflag:s10] =	ssyncadd.s32 $0xFFFFFEC0  }
0xbc: {  	_ =	swait.ge [sflag:s10], $0x140  }
0xbd: {  	[sflag:s10] =	ssyncset.done $0x0  }
0xbe: {  	[sflag:s10] =	ssyncadd.s32 $0xFFFFFEC0  }
0xbf: {  	_ =	swait.ge [sflag:s10], $0x140  }
0xc0: {  	[sflag:s10] =	ssyncset.done $0x0  }
0xc1: {  	[sflag:s10] =	ssyncadd.s32 $0xFFFFFEC0  }
0xc2: {  	_ =	swait.ge [sflag:s10], $0x140  }
0xc3: {  	[sflag:s10] =	ssyncset.done $0x0  }
0xc4: {  	[sflag:s10] =	ssyncadd.s32 $0xFFFFFEC0  }
0xc5: {  	_ =	swait.ge [sflag:s10], $0x140  }
0xc6: {  	[sflag:s10] =	ssyncset.done $0x0  }
0xc7: {  	[sflag:s10] =	ssyncadd.s32 $0xFFFFFEC0  }
0xc8: {  	_ =	swait.ge [sflag:s10], $0x140  }
0xc9: {  	[sflag:s10] =	ssyncset.done $0x0  }
0xca: {  	[sflag:s10] =	ssyncadd.s32 $0xFFFFFEC0  }
0xcb: {  	_ =	swait.ge [sflag:s10], $0x140  }
0xcc: {  	[sflag:s10] =	ssyncset.done $0x0  }
0xcd: {  	[sflag:s10] =	ssyncadd.s32 $0xFFFFFEC0  }
0xce: {  	_ =	swait.ge [sflag:s10], $0x140  }
0xcf: {  	[sflag:s10] =	ssyncset.done $0x0  }
0xd0: {  	[sflag:s10] =	ssyncadd.s32 $0xFFFFFEC0  }
0xd1: {  	_ =	swait.ge [sflag:s10], $0x140  }
0xd2: {  	[sflag:s10] =	ssyncset.done $0x0  }
0xd3: {  	[sflag:s10] =	ssyncadd.s32 $0xFFFFFEC0  }
0xd4: {  	_ =	swait.ge [sflag:s10], $0x140  }
0xd5: {  	[sflag:s10] =	ssyncset.done $0x0  }
0xd6: {  	[sflag:s10] =	ssyncadd.s32 $0xFFFFFEC0  }
0xd7: {  	_ =	swait.ge [sflag:s10], $0x140  }
0xd8: {  	[sflag:s10] =	ssyncset.done $0x0  }
0xd9: {  	[sflag:s10] =	ssyncadd.s32 $0xFFFFFEC0  }
0xda: {  	v0 =	vld [tilespmem:$0x5000]  }
0xdb: {  	v1 =	vld [tilespmem:s14+$0xFFFFEC00]  }
0xdc: {  	v2 =	vld [tilespmem:s14+$0xFFFFED40]  }
0xdd: {  	s16 =	simm.s32 $0x0;
	v3 =	vld [tilespmem:s14+$0xFFFFEE80]  }
0xde: {  	v4 =	vld [tilespmem:s16+$0xF0]  }
0xdf: {  	v5 =	vld [tilespmem:s14+$0xFFFFEFC0]  }
0xe0: {  	v6 =	vld [tilespmem:s16+$0x14F0]  }
0xe1: {  	v7 =	vld [tilespmem:s16+$0xE0];
	v1 =	vadd.f32 v2, v1  }
0xe2: {  	v2 =	vld [tilespmem:s14+$0xFFFFF100]  }
0xe3: {  	v8 =	vld [tilespmem:s16+$0x14E0];
	v1 =	vadd.f32 v3, v1  }
0xe4: {  	v3 =	vld [tilespmem:s14+$0xFFFFF240]  }
0xe5: {  	v9 =	vld [tilespmem:s16+$0xD0];
	v1 =	vadd.f32 v5, v1  }
0xe6: {  	v5 =	vld [tilespmem:s14+$0xFFFFF380]  }
0xe7: {  	v10 =	vld [tilespmem:s16+$0x14D0];
	v1 =	vadd.f32 v2, v1  }
0xe8: {  	v2 =	vld [tilespmem:s14+$0xFFFFF4C0]  }
0xe9: {  	v11 =	vld [tilespmem:s16+$0xC0];
	v1 =	vadd.f32 v3, v1  }
0xea: {  	v3 =	vld [tilespmem:s14+$0xFFFFF600]  }
0xeb: {  	v12 =	vld [tilespmem:s16+$0x14C0];
	v1 =	vadd.f32 v5, v1  }
0xec: {  	v5 =	vld [tilespmem:s14+$0xFFFFF740]  }
0xed: {  	v13 =	vld [tilespmem:s16+$0xB0];
	v1 =	vadd.f32 v2, v1  }
0xee: {  	v2 =	vld [tilespmem:s14+$0xFFFFF880]  }
0xef: {  	v14 =	vld [tilespmem:s16+$0x14B0];
	v1 =	vadd.f32 v3, v1  }
0xf0: {  	v3 =	vld [tilespmem:s14+$0xFFFFF9C0]  }
0xf1: {  	v15 =	vld [tilespmem:s16+$0xA0];
	v1 =	vadd.f32 v5, v1  }
0xf2: {  	v5 =	vld [tilespmem:s14+$0xFFFFFB00]  }
0xf3: {  	v16 =	vld [tilespmem:s16+$0x14A0];
	v1 =	vadd.f32 v2, v1  }
0xf4: {  	v2 =	vld [tilespmem:s14+$0xFFFFFC40]  }
0xf5: {  	v17 =	vld [tilespmem:s16+$0x90];
	v1 =	vadd.f32 v3, v1  }
0xf6: {  	v3 =	vld [tilespmem:s14+$0xFFFFFD80]  }
0xf7: {  	v18 =	vld [tilespmem:s16+$0x1490];
	v1 =	vadd.f32 v5, v1  }
0xf8: {  	v5 =	vld [tilespmem:s14+$0xFFFFFEC0]  }
0xf9: {  	v27 =	vld [tilespmem:s16+$0x80];
	v1 =	vadd.f32 v2, v1  }
0xfa: {  	v2 =	vld [tilespmem:s14+$0x0]  }
0xfb: {  	v28 =	vld [tilespmem:s16+$0x1480];
	v1 =	vadd.f32 v3, v1  }
0xfc: {  	v3 =	vld [tilespmem:s14+$0x140]  }
0xfd: {  	v29 =	vld [tilespmem:s16+$0x70];
	v1 =	vadd.f32 v5, v1  }
0xfe: {  	v5 =	vld [tilespmem:s14+$0x280]  }
0xff: {  	v30 =	vld [tilespmem:s16+$0x1470];
	v1 =	vadd.f32 v2, v1  }
0x100: {  	v2 =	vld [tilespmem:s14+$0x3C0]  }
0x101: {  	v31 =	vld [tilespmem:s16+$0x60];
	v1 =	vadd.f32 v3, v1  }
0x102: {  	v3 =	vld [tilespmem:s14+$0x500]  }
0x103: {  	v32 =	vld [tilespmem:s16+$0x1460];
	v1 =	vadd.f32 v5, v1  }
0x104: {  	v5 =	vld [tilespmem:s14+$0x640]  }
0x105: {  	v22 =	vld [tilespmem:s16+$0x50];
	v1 =	vadd.f32 v2, v1  }
0x106: {  	v2 =	vld [tilespmem:s14+$0x780]  }
0x107: {  	v24 =	vld [tilespmem:s16+$0x1450];
	v1 =	vadd.f32 v3, v1  }
0x108: {  	v3 =	vld [tilespmem:s14+$0x8C0]  }
0x109: {  	v21 =	vld [tilespmem:s16+$0x40];
	v1 =	vadd.f32 v5, v1  }
0x10a: {  	v5 =	vld [tilespmem:s14+$0xA00]  }
0x10b: {  	v23 =	vld [tilespmem:s16+$0x1440];
	v1 =	vadd.f32 v2, v1  }
0x10c: {  	v2 =	vld [tilespmem:s14+$0xB40]  }
0x10d: {  	v19 =	vld [tilespmem:s16+$0x30];
	v1 =	vadd.f32 v3, v1  }
0x10e: {  	v3 =	vld [tilespmem:s14+$0xC80]  }
0x10f: {  	v25 =	vld [tilespmem:s16+$0x20];
	v1 =	vadd.f32 v5, v1  }
0x110: {  	v5 =	vld [tilespmem:s14+$0xDC0]  }
0x111: {  	v26 =	vld [tilespmem:s16+$0x1420];
	v1 =	vadd.f32 v2, v1  }
0x112: {  	v33 =	vld [tilespmem:s14+$0xF00]  }
0x113: {  	v34 =	vld [tilespmem:s14+$0x1040];
	v1 =	vadd.f32 v3, v1  }
0x114: {  	v36 =	vld [tilespmem:s16+$0x0]  }
0x115: {  	v63 =	vld [tilespmem:s16+$0x1400];
	v3 =	vadd.f32 v5, v1  }
0x116: {  	v35 =	vld [tilespmem:s14+$0x1180];
	v2 =	vadd.f32 v8, v7;
	v8 =	vadd.f32 v18, v17  }
0x117: {  	v20 =	vld [tilespmem:s14+$0x12C0];
	v1 =	vadd.f32 v6, v4;
	v6 =	vadd.f32 v33, v3  }
0x118: {  	v18 =	vadd.f32 v32, v31;
	v4 =	vadd.f32 v12, v11;
	v12 =	vld [tilespmem:s16+$0x1410]  }
0x119: {  	s14 =	simm.s32 $0x3C10;
	v3 =	vadd.f32 v10, v9;
	v9 =	vld [tilespmem:s16+$0x10];
	v7 =	vadd.f32 v34, v6  }
0x11a: {  	v5 =	vadd.f32 v14, v13;
	v14 =	vld [tilespmem:s14+$0xFFFFEC00];
	v13 =	vadd.f32 v63, v36  }
0x11b: {  	v6 =	vadd.f32 v16, v15;
	v16 =	vld [tilespmem:s14+$0xFFFFED40];
	v7 =	vadd.f32 v35, v7  }
0x11c: {  	s15 =	simm.s32 $0x400;
	v17 =	vimm.f32 $0.0e+00;
	v11 =	vld [tilespmem:s16+$0x1430];
	v10 =	vadd.f32 v28, v27;
	s16 =	simm.s32 $0x800;
	v15 =	vadd.f32 v30, v29  }
.LBB2_2:
0x11d: {  	p1 =	sne.s32 s16, $0x4C00;
	v27 =	vld [tilespmem:s14+$0xFFFFEE80];
	s17 =	sshra.s32 s15, $0x2;
	v20 =	vadd.f32 v20, v7;
	v22 =	vadd.f32 v24, v22;
	s15 =	smov.u32 s16  }
0x11e: {  	v7 =	vld [tilespmem:s17+$0xF0];
	v13 =	vadd.f32 v13, v0;
	v12 =	vadd.f32 v12, v9  }
0x11f: {  	v25 =	vadd.f32 v26, v25;
	v21 =	vadd.f32 v23, v21;
	v24 =	vld [tilespmem:s14+$0xFFFFEFC0];
	v28 =	vbroadcast v20, $0x0  }
0x120: {  	v14 =	vadd.f32 v16, v14;
	v9 =	vld [tilespmem:s17+$0x14F0];
	v13 =	vmax.f32 v13, $0.0e+00;
	v12 =	vadd.f32 v12, v0  }
0x121: {  	v23 =	vbroadcast v20, $0x1;
	v16 =	vld [tilespmem:s14+$0xFFFFF100];
	v13 =	vmul.f32 v13, v28;
	v19 =	vadd.f32 v11, v19  }
0x122: {  	v25 =	vadd.f32 v25, v0;
	v14 =	vadd.f32 v27, v14;
	v11 =	vld [tilespmem:s17+$0xE0];
	v12 =	vmax.f32 v12, $0.0e+00  }
0x123: {  	v26 =	vld [tilespmem:s14+$0xFFFFF240];
	v13 =	vadd.f32 v13, v17;
	v17 =	vmul.f32 v12, v23;
	v23 =	vbroadcast v20, $0x2  }
0x124: {  	v19 =	vadd.f32 v19, v0;
	v14 =	vadd.f32 v24, v14;
	v12 =	vld [tilespmem:s17+$0x14E0];
	v24 =	vmax.f32 v25, $0.0e+00  }
0x125: {  	v25 =	vld [tilespmem:s14+$0xFFFFF380];
	v17 =	vadd.f32 v17, v13;
	v23 =	vmul.f32 v24, v23;
	v24 =	vbroadcast v20, $0x3  }
0x126: {  	v14 =	vadd.f32 v16, v14;
	v13 =	vld [tilespmem:s17+$0xD0];
	v16 =	vmax.f32 v19, $0.0e+00;
	v19 =	vadd.f32 v21, v0  }
0x127: {  	v21 =	vld [tilespmem:s14+$0xFFFFF4C0];
	v17 =	vadd.f32 v23, v17;
	v16 =	vmul.f32 v16, v24;
	v23 =	vbroadcast v20, $0x4  }
0x128: {  	v22 =	vadd.f32 v22, v0;
	v24 =	vadd.f32 v26, v14;
	v14 =	vld [tilespmem:s17+$0x14D0];
	v19 =	vmax.f32 v19, $0.0e+00  }
0x129: {  	v26 =	vld [tilespmem:s14+$0xFFFFF600];
	v17 =	vadd.f32 v16, v17;
	v19 =	vmul.f32 v19, v23;
	v23 =	vbroadcast v20, $0x5  }
0x12a: {  	v22 =	vmax.f32 v22, $0.0e+00;
	v24 =	vadd.f32 v25, v24;
	v16 =	vld [tilespmem:s17+$0xC0];
	v25 =	vadd.f32 v18, v0  }
0x12b: {  	v27 =	vld [tilespmem:s14+$0xFFFFF740];
	v17 =	vadd.f32 v19, v17;
	v19 =	vmul.f32 v22, v23;
	v22 =	vbroadcast v20, $0x6  }
0x12c: {  	v21 =	vadd.f32 v21, v24;
	v18 =	vld [tilespmem:s17+$0x14C0];
	v23 =	vmax.f32 v25, $0.0e+00;
	v24 =	vadd.f32 v15, v0  }
0x12d: {  	v25 =	vld [tilespmem:s14+$0xFFFFF880];
	v17 =	vadd.f32 v19, v17;
	v19 =	vmul.f32 v23, v22;
	v22 =	vbroadcast v20, $0x7  }
0x12e: {  	v21 =	vadd.f32 v26, v21;
	v15 =	vld [tilespmem:s17+$0xB0];
	v23 =	vmax.f32 v24, $0.0e+00;
	v24 =	vadd.f32 v10, v0  }
0x12f: {  	v26 =	vld [tilespmem:s14+$0xFFFFF9C0];
	v17 =	vadd.f32 v19, v17;
	v19 =	vmul.f32 v23, v22;
	v22 =	vbroadcast v20, $0x8  }
0x130: {  	v21 =	vadd.f32 v27, v21;
	v10 =	vld [tilespmem:s17+$0x14B0];
	v23 =	vmax.f32 v24, $0.0e+00;
	v24 =	vadd.f32 v8, v0  }
0x131: {  	v27 =	vld [tilespmem:s14+$0xFFFFFB00];
	v17 =	vadd.f32 v19, v17;
	v19 =	vmul.f32 v23, v22;
	v22 =	vbroadcast v20, $0x9  }
0x132: {  	v6 =	vadd.f32 v6, v0;
	v21 =	vadd.f32 v25, v21;
	v8 =	vld [tilespmem:s17+$0xA0];
	v23 =	vmax.f32 v24, $0.0e+00  }
0x133: {  	v24 =	vld [tilespmem:s14+$0xFFFFFC40];
	v17 =	vadd.f32 v19, v17;
	v19 =	vmul.f32 v23, v22;
	v22 =	vbroadcast v20, $0xA  }
0x134: {  	v5 =	vadd.f32 v5, v0;
	v6 =	vmax.f32 v6, $0.0e+00;
	v21 =	vadd.f32 v26, v21;
	v28 =	vld [tilespmem:s17+$0x14A0]  }
0x135: {  	v23 =	vld [tilespmem:s14+$0xFFFFFD80];
	v17 =	vadd.f32 v19, v17;
	v6 =	vmul.f32 v6, v22;
	v19 =	vbroadcast v20, $0xB  }
0x136: {  	v4 =	vadd.f32 v4, v0;
	v5 =	vmax.f32 v5, $0.0e+00;
	v21 =	vadd.f32 v27, v21;
	v27 =	vld [tilespmem:s17+$0x90]  }
0x137: {  	v22 =	vld [tilespmem:s14+$0xFFFFFEC0];
	v6 =	vadd.f32 v6, v17;
	v5 =	vmul.f32 v5, v19;
	v17 =	vbroadcast v20, $0xC  }
0x138: {  	v3 =	vadd.f32 v3, v0;
	v4 =	vmax.f32 v4, $0.0e+00;
	v19 =	vadd.f32 v24, v21;
	v29 =	vld [tilespmem:s17+$0x1490]  }
0x139: {  	v30 =	vld [tilespmem:s17+$0x80];
	v5 =	vadd.f32 v5, v6;
	v4 =	vmul.f32 v4, v17;
	v6 =	vbroadcast v20, $0xD  }
0x13a: {  	v2 =	vadd.f32 v2, v0;
	v3 =	vmax.f32 v3, $0.0e+00;
	v17 =	vadd.f32 v23, v19;
	v19 =	vld [tilespmem:s14+$0x0]  }
0x13b: {  	v31 =	vld [tilespmem:s17+$0x1480];
	v4 =	vadd.f32 v4, v5;
	v3 =	vmul.f32 v3, v6;
	v5 =	vbroadcast v20, $0xE  }
0x13c: {  	v1 =	vadd.f32 v1, v0;
	v2 =	vmax.f32 v2, $0.0e+00;
	v6 =	vadd.f32 v22, v17;
	v17 =	vld [tilespmem:s14+$0x140]  }
0x13d: {  	v32 =	vld [tilespmem:s17+$0x70];
	v3 =	vadd.f32 v3, v4;
	v2 =	vmul.f32 v2, v5;
	v4 =	vbroadcast v20, $0xF  }
0x13e: {  	v1 =	vmax.f32 v1, $0.0e+00;
	v5 =	vld [tilespmem:s14+$0x280]  }
0x13f: {  	v6 =	vadd.f32 v19, v6;
	v33 =	vld [tilespmem:s17+$0x1470];
	v2 =	vadd.f32 v2, v3;
	v1 =	vmul.f32 v1, v4  }
0x140: {  	v3 =	vld [tilespmem:s14+$0x3C0]  }
0x141: {  	v4 =	vadd.f32 v17, v6;
	v34 =	vld [tilespmem:s17+$0x60];
	v17 =	vadd.f32 v1, v2  }
0x142: {  	v1 =	vld [tilespmem:s14+$0x500]  }
0x143: {  	v2 =	vadd.f32 v5, v4;
	v35 =	vld [tilespmem:s17+$0x1460]  }
0x144: {  	v4 =	vld [tilespmem:s14+$0x640]  }
0x145: {  	v2 =	vadd.f32 v3, v2;
	v22 =	vld [tilespmem:s17+$0x50]  }
0x146: {  	v3 =	vld [tilespmem:s14+$0x780]  }
0x147: {  	v1 =	vadd.f32 v1, v2;
	v24 =	vld [tilespmem:s17+$0x1450]  }
0x148: {  	v2 =	vld [tilespmem:s14+$0x8C0]  }
0x149: {  	v1 =	vadd.f32 v4, v1;
	v21 =	vld [tilespmem:s17+$0x40]  }
0x14a: {  	v4 =	vld [tilespmem:s14+$0xA00]  }
0x14b: {  	v1 =	vadd.f32 v3, v1;
	v23 =	vld [tilespmem:s17+$0x1440]  }
0x14c: {  	v3 =	vld [tilespmem:s14+$0xB40]  }
0x14d: {  	v1 =	vadd.f32 v2, v1;
	v19 =	vld [tilespmem:s17+$0x30]  }
0x14e: {  	v2 =	vld [tilespmem:s14+$0xC80]  }
0x14f: {  	v1 =	vadd.f32 v4, v1;
	v25 =	vld [tilespmem:s17+$0x20]  }
0x150: {  	v4 =	vld [tilespmem:s14+$0xDC0]  }
0x151: {  	v1 =	vadd.f32 v3, v1;
	v26 =	vld [tilespmem:s17+$0x1420]  }
0x152: {  	v3 =	vld [tilespmem:s14+$0xF00]  }
0x153: {  	v1 =	vadd.f32 v2, v1;
	v20 =	vld [tilespmem:s14+$0x12C0]  }
0x154: {  	v6 =	vld [tilespmem:s14+$0x1040]  }
0x155: {  	v4 =	vadd.f32 v4, v1;
	v36 =	vld [tilespmem:s14+$0x1180]  }
0x156: {  	v2 =	vadd.f32 v12, v11;
	v1 =	vadd.f32 v9, v7;
	v37 =	vld [tilespmem:s17+$0x0]  }
0x157: {  	v7 =	vadd.f32 v3, v4;
	v11 =	vld [tilespmem:s17+$0x1400];
	v3 =	vadd.f32 v14, v13  }
.Ltmp2:
0x158: {  	v5 =	vadd.f32 v10, v15;
	v4 =	vadd.f32 v18, v16;
	v9 =	vld [tilespmem:s17+$0x10];
	(pc) =	sbr.rel @p1 .LBB2_2-.Ltmp2, $4  }
0x159: {  	s14 =	sadd.s32 $0x10, s14;
	v7 =	vadd.f32 v6, v7;
	v12 =	vld [tilespmem:s17+$0x1410];
	v6 =	vadd.f32 v28, v8  }
0x15a: {  	v10 =	vadd.f32 v31, v30;
	v8 =	vadd.f32 v29, v27;
	v14 =	vld [tilespmem:s14+$0xFFFFEC00]  }
0x15b: {  	v15 =	vadd.f32 v33, v32;
	v16 =	vld [tilespmem:s14+$0xFFFFED40];
	v7 =	vadd.f32 v36, v7  }
0x15c: {  	s16 =	sadd.s32 $0x400, s16;
	v18 =	vadd.f32 v35, v34;
	v13 =	vadd.f32 v11, v37;
	v11 =	vld [tilespmem:s17+$0x1430]  }
0x15d: {  	v27 =	vld [tilespmem:s14+$0xFFFFEE80];
	_ =	sdelay $0x1  }
0x15e: {  	v28 =	vld [tilespmem:s14+$0xFFFFEFC0]  }
0x15f: {  	v14 =	vadd.f32 v16, v14  }
0x160: {  	v34 =	vld [tilespmem:s14+$0xFFFFF100]  }
0x161: {  	v14 =	vadd.f32 v27, v14  }
0x162: {  	v35 =	vld [tilespmem:s14+$0xFFFFF240]  }
0x163: {  	v14 =	vadd.f32 v28, v14  }
0x164: {  	v36 =	vld [tilespmem:s14+$0xFFFFF380]  }
0x165: {  	v14 =	vadd.f32 v34, v14  }
0x166: {  	v37 =	vld [tilespmem:s14+$0xFFFFF4C0]  }
0x167: {  	v14 =	vadd.f32 v35, v14  }
0x168: {  	v38 =	vld [tilespmem:s14+$0xFFFFF600]  }
0x169: {  	v14 =	vadd.f32 v36, v14  }
0x16a: {  	v39 =	vld [tilespmem:s14+$0xFFFFF740]  }
0x16b: {  	v14 =	vadd.f32 v37, v14  }
0x16c: {  	v40 =	vld [tilespmem:s14+$0xFFFFF880]  }
0x16d: {  	v14 =	vadd.f32 v38, v14  }
0x16e: {  	v41 =	vld [tilespmem:s14+$0xFFFFF9C0]  }
0x16f: {  	v14 =	vadd.f32 v39, v14  }
0x170: {  	v42 =	vld [tilespmem:s14+$0xFFFFFB00]  }
0x171: {  	v14 =	vadd.f32 v40, v14  }
0x172: {  	v43 =	vld [tilespmem:s14+$0xFFFFFC40]  }
0x173: {  	v14 =	vadd.f32 v41, v14  }
0x174: {  	v44 =	vld [tilespmem:s14+$0xFFFFFD80]  }
0x175: {  	v14 =	vadd.f32 v42, v14  }
0x176: {  	v45 =	vld [tilespmem:s14+$0xFFFFFEC0]  }
0x177: {  	v14 =	vadd.f32 v43, v14  }
0x178: {  	v46 =	vld [tilespmem:s14+$0x0]  }
0x179: {  	v7 =	vadd.f32 v20, v7;
	v14 =	vadd.f32 v44, v14  }
0x17a: {  	v47 =	vadd.f32 v24, v22;
	v48 =	vld [tilespmem:s14+$0x140];
	v13 =	vadd.f32 v13, v0  }
0x17b: {  	v9 =	vadd.f32 v12, v9;
	v49 =	vadd.f32 v45, v14  }
0x17c: {  	v51 =	vadd.f32 v26, v25;
	v21 =	vadd.f32 v23, v21;
	v52 =	vld [tilespmem:s14+$0x280];
	v50 =	vbroadcast v7, $0x0  }
0x17d: {  	v13 =	vmax.f32 v13, $0.0e+00;
	v9 =	vadd.f32 v9, v0;
	v12 =	vadd.f32 v46, v49  }
0x17e: {  	v54 =	vld [tilespmem:s14+$0x3C0];
	v53 =	vbroadcast v7, $0x1;
	v55 =	vadd.f32 v51, v0;
	v13 =	vmul.f32 v13, v50  }
0x17f: {  	v11 =	vadd.f32 v11, v19;
	v9 =	vmax.f32 v9, $0.0e+00;
	v12 =	vadd.f32 v48, v12  }
0x180: {  	v57 =	vld [tilespmem:s14+$0x500];
	v56 =	vbroadcast v7, $0x2;
	v13 =	vadd.f32 v13, v17;
	v9 =	vmul.f32 v9, v53  }
0x181: {  	v19 =	vmax.f32 v55, $0.0e+00;
	v11 =	vadd.f32 v11, v0;
	v12 =	vadd.f32 v52, v12  }
0x182: {  	v60 =	vld [tilespmem:s14+$0x640];
	v59 =	vbroadcast v7, $0x3;
	v58 =	vmul.f32 v19, v56;
	v9 =	vadd.f32 v9, v13  }
0x183: {  	v21 =	vadd.f32 v21, v0;
	v11 =	vmax.f32 v11, $0.0e+00;
	v12 =	vadd.f32 v54, v12  }
0x184: {  	v62 =	vld [tilespmem:s14+$0x780];
	v61 =	vbroadcast v7, $0x4;
	v11 =	vmul.f32 v11, v59;
	v9 =	vadd.f32 v58, v9  }
0x185: {  	v20 =	vadd.f32 v47, v0;
	v63 =	vmax.f32 v21, $0.0e+00;
	v12 =	vadd.f32 v57, v12  }
0x186: {  	v26 =	vld [tilespmem:s14+$0x8C0];
	v25 =	vbroadcast v7, $0x5;
	v24 =	vmul.f32 v63, v61;
	v9 =	vadd.f32 v11, v9  }
0x187: {  	v18 =	vadd.f32 v18, v0;
	v27 =	vmax.f32 v20, $0.0e+00;
	v12 =	vadd.f32 v60, v12  }
0x188: {  	v30 =	vld [tilespmem:s14+$0xA00];
	v29 =	vbroadcast v7, $0x6;
	v28 =	vmul.f32 v27, v25;
	v9 =	vadd.f32 v24, v9  }
0x189: {  	v15 =	vadd.f32 v15, v0;
	v18 =	vmax.f32 v18, $0.0e+00;
	v12 =	vadd.f32 v62, v12  }
0x18a: {  	v33 =	vld [tilespmem:s14+$0xB40];
	v32 =	vbroadcast v7, $0x7;
	v31 =	vmul.f32 v18, v29;
	v9 =	vadd.f32 v28, v9  }
0x18b: {  	v10 =	vadd.f32 v10, v0;
	v15 =	vmax.f32 v15, $0.0e+00;
	v12 =	vadd.f32 v26, v12  }
0x18c: {  	v34 =	vmul.f32 v15, v32;
	v35 =	vbroadcast v7, $0x8;
	v36 =	vld [tilespmem:s14+$0xC80];
	v9 =	vadd.f32 v31, v9  }
0x18d: {  	v8 =	vadd.f32 v8, v0;
	v10 =	vmax.f32 v10, $0.0e+00;
	v12 =	vadd.f32 v30, v12  }
0x18e: {  	v10 =	vmul.f32 v10, v35;
	v37 =	vbroadcast v7, $0x9;
	v38 =	vld [tilespmem:s14+$0xDC0];
	v9 =	vadd.f32 v34, v9  }
0x18f: {  	v6 =	vadd.f32 v6, v0;
	v8 =	vmax.f32 v8, $0.0e+00;
	v12 =	vadd.f32 v33, v12  }
0x190: {  	s15 =	sshra.s32 s15, $0x2;
	v8 =	vmul.f32 v8, v37;
	v39 =	vbroadcast v7, $0xA;
	v40 =	vld [tilespmem:s14+$0xF00];
	v9 =	vadd.f32 v10, v9  }
0x191: {  	v5 =	vadd.f32 v5, v0;
	v6 =	vmax.f32 v6, $0.0e+00;
	v47 =	vld [tilespmem:s15+$0x1400];
	v12 =	vadd.f32 v36, v12  }
0x192: {  	v6 =	vmul.f32 v6, v39;
	v8 =	vadd.f32 v8, v9;
	v42 =	vbroadcast v7, $0xB;
	v43 =	vld [tilespmem:s14+$0x1040]  }
0x193: {  	v4 =	vadd.f32 v4, v0;
	v5 =	vmax.f32 v5, $0.0e+00;
	v50 =	vld [tilespmem:s15+$0x1410];
	v12 =	vadd.f32 v38, v12  }
0x194: {  	v6 =	vadd.f32 v6, v8;
	v5 =	vmul.f32 v5, v42;
	v44 =	vld [tilespmem:s14+$0x1180];
	v45 =	vbroadcast v7, $0xC  }
0x195: {  	v4 =	vmax.f32 v4, $0.0e+00;
	v46 =	vld [tilespmem:s15+$0x0];
	v11 =	vadd.f32 v40, v12  }
0x196: {  	v3 =	vadd.f32 v3, v0;
	v41 =	vld [tilespmem:s14+$0x12C0];
	v5 =	vadd.f32 v5, v6;
	v4 =	vmul.f32 v4, v45  }
0x197: {  	v2 =	vadd.f32 v2, v0;
	v49 =	vld [tilespmem:s15+$0x10];
	v48 =	vbroadcast v7, $0xD;
	v10 =	vadd.f32 v43, v11  }
0x198: {  	v1 =	vadd.f32 v1, v0;
	v3 =	vmax.f32 v3, $0.0e+00;
	v51 =	vld [tilespmem:s15+$0x20];
	v4 =	vadd.f32 v4, v5  }
0x199: {  	v53 =	vld [tilespmem:s15+$0x1420];
	v3 =	vmul.f32 v3, v48;
	v52 =	vbroadcast v7, $0xE;
	v10 =	vadd.f32 v44, v10  }
0x19a: {  	v2 =	vmax.f32 v2, $0.0e+00;
	v55 =	vbroadcast v7, $0xF;
	v56 =	vld [tilespmem:s15+$0x1430];
	v9 =	vadd.f32 v47, v46  }
0x19b: {  	v3 =	vadd.f32 v3, v4;
	v54 =	vld [tilespmem:s15+$0x30];
	v2 =	vmul.f32 v2, v52;
	v10 =	vadd.f32 v41, v10  }
0x19c: {  	v1 =	vmax.f32 v1, $0.0e+00;
	v58 =	vld [tilespmem:s15+$0x1440];
	v8 =	vadd.f32 v50, v49;
	v9 =	vadd.f32 v9, v0  }
0x19d: {  	v1 =	vmul.f32 v1, v55;
	v57 =	vld [tilespmem:s15+$0x40];
	v2 =	vadd.f32 v2, v3;
	v59 =	vbroadcast v10, $0x0  }
0x19e: {  	v61 =	vld [tilespmem:s15+$0x1450];
	v5 =	vadd.f32 v53, v51;
	v8 =	vadd.f32 v8, v0;
	v9 =	vmax.f32 v9, $0.0e+00  }
0x19f: {  	v60 =	vld [tilespmem:s15+$0x50];
	v1 =	vadd.f32 v1, v2;
	v62 =	vbroadcast v10, $0x1;
	v6 =	vmul.f32 v9, v59  }
0x1a0: {  	v63 =	vld [tilespmem:s15+$0x60];
	v5 =	vadd.f32 v5, v0;
	v16 =	vmax.f32 v8, $0.0e+00;
	v4 =	vadd.f32 v56, v54  }
0x1a1: {  	v17 =	vld [tilespmem:s15+$0x1460];
	v19 =	vbroadcast v10, $0x2;
	v18 =	vmul.f32 v16, v62;
	v1 =	vadd.f32 v6, v1  }
0x1a2: {  	v21 =	vld [tilespmem:s15+$0x1470];
	v5 =	vmax.f32 v5, $0.0e+00;
	v3 =	vadd.f32 v58, v57;
	v4 =	vadd.f32 v4, v0  }
0x1a3: {  	v20 =	vld [tilespmem:s15+$0x70];
	v22 =	vbroadcast v10, $0x3;
	v5 =	vmul.f32 v5, v19;
	v1 =	vadd.f32 v18, v1  }
0x1a4: {  	v23 =	vld [tilespmem:s15+$0x80];
	v2 =	vadd.f32 v61, v60;
	v4 =	vmax.f32 v4, $0.0e+00;
	v3 =	vadd.f32 v3, v0  }
0x1a5: {  	v24 =	vld [tilespmem:s15+$0x1480];
	v25 =	vbroadcast v10, $0x4;
	v4 =	vmul.f32 v4, v22;
	v1 =	vadd.f32 v5, v1  }
0x1a6: {  	v27 =	vld [tilespmem:s15+$0x1490];
	v8 =	vadd.f32 v17, v63;
	v3 =	vmax.f32 v3, $0.0e+00;
	v2 =	vadd.f32 v2, v0  }
0x1a7: {  	v26 =	vld [tilespmem:s15+$0x90];
	v28 =	vbroadcast v10, $0x5;
	v3 =	vmul.f32 v3, v25;
	v1 =	vadd.f32 v4, v1  }
0x1a8: {  	v29 =	vld [tilespmem:s15+$0xA0];
	v8 =	vadd.f32 v8, v0;
	v2 =	vmax.f32 v2, $0.0e+00;
	v9 =	vadd.f32 v21, v20  }
0x1a9: {  	v30 =	vld [tilespmem:s15+$0x14A0];
	v31 =	vbroadcast v10, $0x6;
	v2 =	vmul.f32 v2, v28;
	v1 =	vadd.f32 v3, v1  }
0x1aa: {  	v32 =	vld [tilespmem:s15+$0xB0];
	v7 =	vadd.f32 v24, v23;
	v8 =	vmax.f32 v8, $0.0e+00;
	v9 =	vadd.f32 v9, v0  }
0x1ab: {  	v33 =	vld [tilespmem:s15+$0x14B0];
	v35 =	vbroadcast v10, $0x7;
	v34 =	vmul.f32 v8, v31;
	v1 =	vadd.f32 v2, v1  }
0x1ac: {  	v37 =	vld [tilespmem:s15+$0x14C0];
	v7 =	vadd.f32 v7, v0;
	v6 =	vadd.f32 v27, v26;
	v9 =	vmax.f32 v9, $0.0e+00  }
0x1ad: {  	v36 =	vld [tilespmem:s15+$0xC0];
	v39 =	vbroadcast v10, $0x8;
	v38 =	vmul.f32 v9, v35;
	v1 =	vadd.f32 v34, v1  }
0x1ae: {  	v7 =	vmax.f32 v7, $0.0e+00;
	v40 =	vld [tilespmem:s15+$0xD0];
	v6 =	vadd.f32 v6, v0;
	v5 =	vadd.f32 v30, v29  }
0x1af: {  	v41 =	vld [tilespmem:s15+$0x14D0];
	v43 =	vbroadcast v10, $0x9;
	v42 =	vmul.f32 v7, v39;
	v1 =	vadd.f32 v38, v1  }
0x1b0: {  	v45 =	vld [tilespmem:s15+$0x14E0];
	v6 =	vmax.f32 v6, $0.0e+00;
	v4 =	vadd.f32 v33, v32;
	v5 =	vadd.f32 v5, v0  }
0x1b1: {  	v44 =	vld [tilespmem:s15+$0xE0];
	v47 =	vbroadcast v10, $0xA;
	v46 =	vmul.f32 v6, v43;
	v1 =	vadd.f32 v42, v1  }
0x1b2: {  	v48 =	vld [tilespmem:s15+$0xF0];
	v8 =	vadd.f32 v37, v36;
	v5 =	vmax.f32 v5, $0.0e+00;
	v4 =	vadd.f32 v4, v0  }
0x1b3: {  	v49 =	vld [tilespmem:s15+$0x14F0];
	v51 =	vbroadcast v10, $0xB;
	v50 =	vmul.f32 v5, v47;
	v1 =	vadd.f32 v46, v1  }
0x1b4: {  	v52 =	vadd.f32 v41, v40;
	v8 =	vadd.f32 v8, v0;
	v4 =	vmax.f32 v4, $0.0e+00  }
0x1b5: {  	v54 =	vbroadcast v10, $0xC;
	v53 =	vmul.f32 v4, v51;
	v1 =	vadd.f32 v50, v1  }
0x1b6: {  	v55 =	vadd.f32 v45, v44;
	v56 =	vmax.f32 v8, $0.0e+00;
	v5 =	vadd.f32 v52, v0  }
0x1b7: {  	v58 =	vbroadcast v10, $0xD;
	v57 =	vmul.f32 v56, v54;
	v1 =	vadd.f32 v53, v1  }
0x1b8: {  	v6 =	vadd.f32 v49, v48;
	v5 =	vmax.f32 v5, $0.0e+00;
	v4 =	vadd.f32 v55, v0  }
0x1b9: {  	v60 =	vbroadcast v10, $0xE;
	v59 =	vmul.f32 v5, v58;
	v1 =	vadd.f32 v57, v1  }
0x1ba: {  	v61 =	vadd.f32 v6, v0;
	v4 =	vmax.f32 v4, $0.0e+00  }
0x1bb: {  	v63 =	vbroadcast v10, $0xF;
	v62 =	vmul.f32 v4, v60;
	v1 =	vadd.f32 v59, v1  }
0x1bc: {  	v0 =	vmax.f32 v61, $0.0e+00  }
0x1bd: {  	v0 =	vmul.f32 v0, v63;
	v1 =	vadd.f32 v62, v1;
	_ =	sdelay $0x1  }
0x1be: {  	v0 =	vadd.f32 v0, v1;
	_ =	sdelay $0x1  }
0x1bf: {  	[tilespmem:$0x5010] =	vst v0  }
0x1c0: {  	[spmem:s8] =	stream.linear.scatter [tilespmem:s11], [sflag:$0x2], $0x10, $0x38;
	[tilespmem:$0x5030] =	vst v63  }
.Ltmp3:
0x1c1: {  	_ =	swait.ge [sflag:s12], $0x10;
	(pc) =	sbr.rel @p0 .LBB2_5-.Ltmp3, $3  }
0x1c2: {  	[sflag:s12] =	ssyncset.done $0x0  }
0x1c3: {  	[sflag:s12] =	ssyncadd.s32 $0xFFFFFFF0  }
0x1c4: {  	[bflag:$0x0] =	sbarrier.arrive $0xFFFF;
	_ =	sdelay $0x1  }
0x1c5: {  	s14 =	rddreg [dreg:$0x3]  }
0x1c6: {  	[tilespmem:s11], [sflag:$0x2] =	stream.linear.gather [spmem:s14], $0x10, $0x38;
	[tilespmem:$0x5030] =	vst v63  }
0x1c7: {  	_ =	swait.ge [sflag:s12], $0x10  }
0x1c8: {  	[sflag:s12] =	ssyncset.done $0x0  }
0x1c9: {  	s17 =	rddreg [dreg:$0x14];
	[sflag:s12] =	ssyncadd.s32 $0xFFFFFFF0  }
0x1ca: {  	v0 =	vld [tilespmem:$0x5010];
	[tilespmem:s11], [sflag:$0x2] =	stream.linear.gather [spmem:s17], $0x10, $0x38  }
0x1cb: {  	_ =	swait.ge [sflag:s12], $0x10  }
0x1cc: {  	[sflag:s12] =	ssyncset.done $0x0  }
0x1cd: {  	s15 =	rddreg [dreg:$0x15];
	[sflag:s12] =	ssyncadd.s32 $0xFFFFFFF0  }
0x1ce: {  	v1 =	vld [tilespmem:$0x5010];
	[tilespmem:s11], [sflag:$0x2] =	stream.linear.gather [spmem:s15], $0x10, $0x38  }
0x1cf: {  	_ =	swait.ge [sflag:s12], $0x10  }
0x1d0: {  	[sflag:s12] =	ssyncset.done $0x0  }
0x1d1: {  	s16 =	rddreg [dreg:$0x16];
	[sflag:s12] =	ssyncadd.s32 $0xFFFFFFF0  }
0x1d2: {  	v2 =	vld [tilespmem:$0x5010];
	[tilespmem:s11], [sflag:$0x2] =	stream.linear.gather [spmem:s16], $0x10, $0x38  }
0x1d3: {  	_ =	swait.ge [sflag:s12], $0x10  }
0x1d4: {  	[sflag:s12] =	ssyncset.done $0x0  }
0x1d5: {  	s17 =	rddreg [dreg:$0x17];
	[sflag:s12] =	ssyncadd.s32 $0xFFFFFFF0  }
0x1d6: {  	v3 =	vld [tilespmem:$0x5010];
	[tilespmem:s11], [sflag:$0x2] =	stream.linear.gather [spmem:s17], $0x10, $0x38  }
0x1d7: {  	_ =	swait.ge [sflag:s12], $0x10  }
0x1d8: {  	[sflag:s12] =	ssyncset.done $0x0  }
0x1d9: {  	s15 =	rddreg [dreg:$0x18];
	[sflag:s12] =	ssyncadd.s32 $0xFFFFFFF0  }
0x1da: {  	v4 =	vld [tilespmem:$0x5010];
	[tilespmem:s11], [sflag:$0x2] =	stream.linear.gather [spmem:s15], $0x10, $0x38  }
0x1db: {  	_ =	swait.ge [sflag:s12], $0x10  }
0x1dc: {  	[sflag:s12] =	ssyncset.done $0x0  }
0x1dd: {  	s16 =	rddreg [dreg:$0x19];
	[sflag:s12] =	ssyncadd.s32 $0xFFFFFFF0  }
0x1de: {  	v5 =	vld [tilespmem:$0x5010];
	[tilespmem:s11], [sflag:$0x2] =	stream.linear.gather [spmem:s16], $0x10, $0x38  }
0x1df: {  	_ =	swait.ge [sflag:s12], $0x10  }
0x1e0: {  	[sflag:s12] =	ssyncset.done $0x0  }
0x1e1: {  	s17 =	rddreg [dreg:$0x1a];
	[sflag:s12] =	ssyncadd.s32 $0xFFFFFFF0  }
0x1e2: {  	v6 =	vld [tilespmem:$0x5010];
	[tilespmem:s11], [sflag:$0x2] =	stream.linear.gather [spmem:s17], $0x10, $0x38  }
0x1e3: {  	_ =	swait.ge [sflag:s12], $0x10  }
0x1e4: {  	[sflag:s12] =	ssyncset.done $0x0  }
0x1e5: {  	s15 =	rddreg [dreg:$0x1b];
	[sflag:s12] =	ssyncadd.s32 $0xFFFFFFF0  }
0x1e6: {  	v7 =	vld [tilespmem:$0x5010];
	[tilespmem:s11], [sflag:$0x2] =	stream.linear.gather [spmem:s15], $0x10, $0x38  }
0x1e7: {  	_ =	swait.ge [sflag:s12], $0x10  }
0x1e8: {  	[sflag:s12] =	ssyncset.done $0x0  }
0x1e9: {  	s16 =	rddreg [dreg:$0x1c];
	[sflag:s12] =	ssyncadd.s32 $0xFFFFFFF0  }
0x1ea: {  	v8 =	vld [tilespmem:$0x5010];
	[tilespmem:s11], [sflag:$0x2] =	stream.linear.gather [spmem:s16], $0x10, $0x38  }
0x1eb: {  	_ =	swait.ge [sflag:s12], $0x10  }
0x1ec: {  	[sflag:s12] =	ssyncset.done $0x0  }
0x1ed: {  	s17 =	rddreg [dreg:$0x1d];
	[sflag:s12] =	ssyncadd.s32 $0xFFFFFFF0  }
0x1ee: {  	v9 =	vld [tilespmem:$0x5010];
	[tilespmem:s11], [sflag:$0x2] =	stream.linear.gather [spmem:s17], $0x10, $0x38  }
0x1ef: {  	_ =	swait.ge [sflag:s12], $0x10  }
0x1f0: {  	v0 =	vadd.f32 $0.0e+00, v0;
	[sflag:s12] =	ssyncset.done $0x0  }
0x1f1: {  	s15 =	rddreg [dreg:$0x1e];
	[sflag:s12] =	ssyncadd.s32 $0xFFFFFFF0  }
0x1f2: {  	v0 =	vadd.f32 v1, v0;
	v10 =	vld [tilespmem:$0x5010];
	[tilespmem:s11], [sflag:$0x2] =	stream.linear.gather [spmem:s15], $0x10, $0x38  }
0x1f3: {  	_ =	swait.ge [sflag:s12], $0x10  }
0x1f4: {  	v0 =	vadd.f32 v2, v0;
	[sflag:s12] =	ssyncset.done $0x0  }
0x1f5: {  	s16 =	rddreg [dreg:$0x1f];
	[sflag:s12] =	ssyncadd.s32 $0xFFFFFFF0  }
0x1f6: {  	v0 =	vadd.f32 v3, v0;
	v59 =	vld [tilespmem:$0x5010];
	[tilespmem:s11], [sflag:$0x2] =	stream.linear.gather [spmem:s16], $0x10, $0x38  }
0x1f7: {  	_ =	swait.ge [sflag:s12], $0x10  }
0x1f8: {  	v0 =	vadd.f32 v4, v0;
	s17 =	sld [smem:$0x7FB]  }
0x1f9: {  	[sflag:s12] =	ssyncset.done $0x0  }
0x1fa: {  	v0 =	vadd.f32 v5, v0;
	[sflag:s12] =	ssyncadd.s32 $0xFFFFFFF0  }
0x1fb: {  	v60 =	vld [tilespmem:$0x5010];
	[tilespmem:s11], [sflag:$0x2] =	stream.linear.gather [spmem:s17], $0x10, $0x38  }
0x1fc: {  	v0 =	vadd.f32 v6, v0;
	_ =	swait.ge [sflag:s12], $0x10  }
0x1fd: {  	s15 =	sld [smem:$0x7FC]  }
0x1fe: {  	v0 =	vadd.f32 v7, v0;
	[sflag:s12] =	ssyncset.done $0x0  }
0x1ff: {  	[sflag:s12] =	ssyncadd.s32 $0xFFFFFFF0  }
0x200: {  	v0 =	vadd.f32 v8, v0;
	v61 =	vld [tilespmem:$0x5010];
	[tilespmem:s11], [sflag:$0x2] =	stream.linear.gather [spmem:s15], $0x10, $0x38  }
0x201: {  	_ =	swait.ge [sflag:s12], $0x10  }
0x202: {  	v0 =	vadd.f32 v9, v0;
	s16 =	sld [smem:$0x7FD]  }
0x203: {  	[sflag:s12] =	ssyncset.done $0x0  }
0x204: {  	v0 =	vadd.f32 v10, v0;
	[sflag:s12] =	ssyncadd.s32 $0xFFFFFFF0  }
0x205: {  	v62 =	vld [tilespmem:$0x5010];
	[tilespmem:s11], [sflag:$0x2] =	stream.linear.gather [spmem:s16], $0x10, $0x38  }
0x206: {  	v0 =	vadd.f32 v59, v0;
	_ =	swait.ge [sflag:s12], $0x10  }
0x207: {  	[sflag:s12] =	ssyncset.done $0x0  }
0x208: {  	v0 =	vadd.f32 v60, v0;
	[sflag:s12] =	ssyncadd.s32 $0xFFFFFFF0  }
0x209: {  	v63 =	vld [tilespmem:$0x5010]  }
0x20a: {  	v0 =	vadd.f32 v61, v0;
	_ =	sdelay $0x1  }
0x20b: {  	v0 =	vadd.f32 v62, v0;
	_ =	sdelay $0x1  }
0x20c: {  	v0 =	vadd.f32 v63, v0;
	_ =	sdelay $0x1  }
.Ltmp4:
0x20d: {  	s17 =	rddreg [dreg:$0x13];
	[tilespmem:$0x5010] =	vst v0;
	(pc) =	sbr.rel .LBB2_5-.Ltmp4, $4  }
0x20e: {  	[hbm4b:s17+s3] =	stream.linear.scatter [tilespmem:s11], [sflag:$0x2], $0x10, $0x38;
	[tilespmem:$0x5030] =	vst v63  }
0x20f: {  	_ =	swait.ge [sflag:s12], $0x10  }
0x210: {  	[sflag:s12] =	ssyncset.done $0x0  }
0x211: {  	[sflag:s12] =	ssyncadd.s32 $0xFFFFFFF0  }
.LBB2_6:
0x212: {  	_ =	sfence.sel $0x180000  }
0x213: {  	[bflag:$0x0] =	sbarrier.arrive $0xFFFF  }
0x214: {  	_ =	strace $0x9000004A  }
0x215: {  	[bflag:$0x2] =	sbarrier.arrive $0xFFFF  }
0x216: {  	s0 =	rddreg [dreg:$0x4]  }
0x217: {  	s0 =	sadd.s32 @!p0 $0x100000, s0  }
0x218: {  	[sflag:s0] =	ssyncadd.tile.s32 @!p0 $0x1;
	_ =	shalt  }
.Lfunc_end2:
_tile_overlayer_lowered:
.L_overlay_start_2:
0x219: {  	(tag) =	ssettag $0x2  }
0x21a: {  	s0 =	rddreg [dreg:$0x0];
	s2 =	stileid.u32  }
0x21b: {  	s1 =	rddreg [dreg:$0x1];
	p0 =	sne.s32 s2, $0x0  }
0x21c: {  	s3 =	rddreg [dreg:$0x2];
	[bflag:$0x3] =	sbarrier.arrive $0xFFFF;
	s2 =	simm.s32 @!p0 $0x1C02  }
0x21d: {  	[timem:s3], [sflag:s2] =	dma.local @!p0 [hbm:s0], s1  }
0x21e: {  	s0 =	simm.s32 @!p0 $0x2  }
0x21f: {  	_ =	swait.ge @!p0 [sflag:s0], s1  }
0x220: {  	s1 =	ssub.s32 @!p0 $0x0, s1;
	[sflag:s0] =	ssyncset.done @!p0 $0x0  }
0x221: {  	[sflag:s0] =	ssyncadd.s32 @!p0 s1  }
0x222: {  	[bflag:$0x3] =	sbarrier.arrive $0xFFFF  }
0x223: {  	_ =	shalt  }

</sc_bundles>
